<compile_context>
chip_gen: v7x
topology: tpu7x:2x2x1
jax: 0.10.2.dev20260603
libtpu: 0.0.44.dev20260713+nightly
codegen_flags: <defaults>
</compile_context>

<pallas_src>
import functools

import jax
import jax.numpy as jnp
from jax import lax
from jax.experimental import pallas as pl
from jax.experimental.pallas import tpu as pltpu
from jax.experimental.pallas import tpu_sc as plsc

_VOCAB = 1000000
_D = 32
_B = 16384
_NC = 2
_NS = 16
_NW = _NC * _NS
_QPW = _B // _NW
_L = 16

_CW = 1024
_RANGE = 31744
_NCHUNK = 31
_W31_LO = 31 * _RANGE
_W31_SIZE = _VOCAB - _W31_LO
_HCAP = 2560
_CCAP = 256


def _phase1(src_hbm, dst_hbm, tableT_hbm, tail_hbm, vecs_hbm,
            bufa, bufb, tailbuf, idsbuf, hq, hx, cq, cx, stage,
            sema, semb, semi, sems):
    wid = lax.axis_index("s") * _NC + lax.axis_index("c")
    is31 = wid == _NW - 1
    lo = wid * _RANGE
    size_w = jnp.where(is31, _W31_SIZE, _RANGE)
    lanes = lax.iota(jnp.int32, _L)

    def fire(c, sem, buf):
        off = lo + c * _CW
        is_tail = jnp.logical_and(is31, c == 15)

        @pl.when(jnp.logical_or(jnp.logical_not(is31), c < 15))
        def _():
            pltpu.async_copy(tableT_hbm.at[:, pl.ds(off, _CW)], buf, sem)

        @pl.when(is_tail)
        def _():
            pltpu.async_copy(tableT_hbm.at[:, pl.ds(999424, 512)],
                             buf.at[:, pl.ds(0, 512)], sem)

    def wait(c, sem, buf):
        is_tail = jnp.logical_and(is31, c == 15)

        @pl.when(jnp.logical_or(jnp.logical_not(is31), c < 15))
        def _():
            pltpu.make_async_copy(tableT_hbm.at[:, pl.ds(0, _CW)], buf, sem).wait()

        @pl.when(is_tail)
        def _():
            pltpu.make_async_copy(tableT_hbm.at[:, pl.ds(0, 512)],
                                  buf.at[:, pl.ds(0, 512)], sem).wait()

    fire(0, sema, bufa)
    fire(1, semb, bufb)
    pltpu.async_copy(src_hbm, idsbuf.at[pl.ds(0, _B)], semi)
    pltpu.async_copy(dst_hbm, idsbuf.at[pl.ds(_B, _B)], semi)
    pltpu.async_copy(tail_hbm, tailbuf, semi)
    pltpu.make_async_copy(src_hbm, idsbuf.at[pl.ds(0, _B)], semi).wait()
    pltpu.make_async_copy(src_hbm, idsbuf.at[pl.ds(_B, _B)], semi).wait()
    pltpu.make_async_copy(tail_hbm, tailbuf, semi).wait()

    def scan(v, nh):
        ids = idsbuf[pl.ds(v * _L, _L)]
        x = ids - lo
        m = jnp.logical_and(ids >= lo, x < size_w)
        tag = v * _L + lanes
        plsc.store_compressed(hq.at[pl.ds(nh, _L)], tag, mask=m)
        plsc.store_compressed(hx.at[pl.ds(nh, _L)], x, mask=m)
        nh = nh + jnp.max(plsc.all_reduce_population_count(m))
        return jnp.minimum(nh, _HCAP - _L)

    nh = lax.fori_loop(0, 2 * _B // _L, scan, jnp.int32(0))

    def do_chunk(c, sem, buf):
        wait(c, sem, buf)
        clo = c * _CW
        is_tail_chunk = jnp.logical_and(is31, c == 15)
        def match(v, nc):
            xs = hx[pl.ds(v * _L, _L)]
            qs = hq[pl.ds(v * _L, _L)]
            xl = xs - clo
            valid = v * _L + lanes < nh
            m = jnp.logical_and(jnp.logical_and(xl >= 0, xl < _CW), valid)
            plsc.store_compressed(cq.at[pl.ds(nc, _L)], qs, mask=m)
            plsc.store_compressed(cx.at[pl.ds(nc, _L)], xl, mask=m)
            nc = nc + jnp.max(plsc.all_reduce_population_count(m))
            return jnp.minimum(nc, _CCAP - _L)

        nc = lax.fori_loop(0, (nh + _L - 1) // _L, match, jnp.int32(0))

        def gather_group(v, carry):
            xv = cx[pl.ds(v * _L, _L)]
            slots = v * _L + lanes
            xc = jnp.minimum(xv, _CW - 1)
            xt = jnp.clip(xv - 512, 0, 63)
            from_tail = jnp.logical_and(is_tail_chunk, xv >= 512)
            for dd in range(_D):
                ddv = jnp.full((_L,), dd, jnp.int32)
                vals = plsc.load_gather(buf, [ddv, xc])
                tvals = plsc.load_gather(tailbuf, [xt, ddv])
                vals = jnp.where(from_tail, tvals, vals)
                plsc.store_scatter(stage, [slots * _D + dd], vals)
            return carry

        lax.fori_loop(0, (nc + _L - 1) // _L, gather_group, 0)

        def drain_one():
            pltpu.make_async_copy(vecs_hbm.at[pl.ds(0, _D)],
                                  stage.at[pl.ds(0, _D)], sems).wait()

        def emit(h, carry):
            qv = cq[pl.ds((h // _L) * _L, _L)]
            e = jnp.max(jnp.where(lanes == (h - (h // _L) * _L), qv, 0))
            pltpu.async_copy(stage.at[pl.ds(h * _D, _D)],
                             vecs_hbm.at[pl.ds(e * _D, _D)], sems)
            @pl.when(h >= _L)
            def _():
                drain_one()
            return carry

        lax.fori_loop(0, nc, emit, 0)

        def drain(h, carry):
            drain_one()
            return carry

        lax.fori_loop(0, jnp.minimum(nc, _L), drain, 0)

    def chunk_step(c, carry):
        cur = lax.rem(c, 2)

        @pl.when(cur == 0)
        def _():
            do_chunk(c, sema, bufa)
            @pl.when(c + 2 < _NCHUNK)
            def _():
                fire(c + 2, sema, bufa)

        @pl.when(cur == 1)
        def _():
            do_chunk(c, semb, bufb)
            @pl.when(c + 2 < _NCHUNK)
            def _():
                fire(c + 2, semb, bufb)

        return carry

    lax.fori_loop(0, _NCHUNK, chunk_step, 0)


def _phase2(vecs_hbm, out_hbm, sbuf, dbuf, outv, sem):
    wid = lax.axis_index("s") * _NC + lax.axis_index("c")
    base = wid * _QPW * _D
    pltpu.async_copy(vecs_hbm.at[pl.ds(base, _QPW * _D)], sbuf, sem)
    pltpu.async_copy(vecs_hbm.at[pl.ds(_B * _D + base, _QPW * _D)], dbuf, sem)
    pltpu.make_async_copy(vecs_hbm.at[pl.ds(0, _QPW * _D)], sbuf, sem).wait()
    pltpu.make_async_copy(vecs_hbm.at[pl.ds(0, _QPW * _D)], dbuf, sem).wait()

    lanes = lax.iota(jnp.int32, _L)

    def body(g, carry):
        rows = (g * _L + lanes) * _D
        acc = jnp.zeros((_L,), jnp.float32)
        for dd in range(_D):
            sv = plsc.load_gather(sbuf, [rows + dd])
            dv = plsc.load_gather(dbuf, [rows + dd])
            acc = acc + sv * dv
        outv[pl.ds(g * _L, _L)] = 1.0 / (1.0 + jnp.exp(-acc))
        return carry

    lax.fori_loop(0, _QPW // _L, body, 0)
    pltpu.sync_copy(outv, out_hbm.at[pl.ds(wid * _QPW, _QPW)])


@jax.jit
def kernel(src_ids, dst_ids, table):
    mesh = plsc.VectorSubcoreMesh(core_axis_name="c", subcore_axis_name="s")
    k1 = functools.partial(
        pl.kernel,
        mesh=mesh,
        compiler_params=pltpu.CompilerParams(needs_layout_passes=False),
        out_type=jax.ShapeDtypeStruct((2 * _B * _D,), jnp.float32),
        scratch_types=[
            pltpu.VMEM((_D, _CW), jnp.float32),
            pltpu.VMEM((_D, _CW), jnp.float32),
            pltpu.VMEM((64, _D), jnp.float32),
            pltpu.VMEM((2 * _B,), jnp.int32),
            pltpu.VMEM((_HCAP,), jnp.int32),
            pltpu.VMEM((_HCAP,), jnp.int32),
            pltpu.VMEM((_CCAP,), jnp.int32),
            pltpu.VMEM((_CCAP,), jnp.int32),
            pltpu.VMEM((_CCAP * _D,), jnp.float32),
            pltpu.SemaphoreType.DMA,
            pltpu.SemaphoreType.DMA,
            pltpu.SemaphoreType.DMA,
            pltpu.SemaphoreType.DMA,
        ],
    )(_phase1)
    k2 = functools.partial(
        pl.kernel,
        mesh=mesh,
        compiler_params=pltpu.CompilerParams(needs_layout_passes=False),
        out_type=jax.ShapeDtypeStruct((_B,), jnp.float32),
        scratch_types=[
            pltpu.VMEM((_QPW * _D,), jnp.float32),
            pltpu.VMEM((_QPW * _D,), jnp.float32),
            pltpu.VMEM((_QPW,), jnp.float32),
            pltpu.SemaphoreType.DMA,
        ],
    )(_phase2)
    vecs = k1(src_ids, dst_ids, table.T, table[_VOCAB - 64:, :])
    return k2(vecs)

# --- scband reference (transcript-rebuilt; emitter-appended) ---
"""Pipeline reference for scband-link-prediction-60129542341 (READ-ONLY COPY).

The authoritative reference and input builder live on the scoring server;
editing this copy changes nothing except your own understanding.
"""

import jax, jax.numpy as jnp
import numpy as np

VOCAB = 1000000
EMBED_DIM = 32
BATCH = 16384


def setup_inputs(seed: int = 0) -> dict:
    key = jax.random.key(seed)
    k1, k2, k3 = jax.random.split(key, 3)
    src_ids = jax.random.randint(k1, (BATCH,), 0, VOCAB, dtype=jnp.int32)
    dst_ids = jax.random.randint(k2, (BATCH,), 0, VOCAB, dtype=jnp.int32)
    # pretrained_node_embeddings table (learned / pretrained parameter)
    table = jax.random.normal(k3, (VOCAB, EMBED_DIM), dtype=jnp.float32) * 0.02
    return {"src_ids": src_ids, "dst_ids": dst_ids, "table": table}


def reference(src_ids, dst_ids, table):
    # Batched translation of __predict_via_dot_product:
    # ent2id is treated as the identity mapping (ids are already integer node ids).
    # For each edge (src, dst): score = sigmoid(dot(emb[src], emb[dst]))
    src_vec = jnp.take(table, src_ids, axis=0)  # [B, D] gather
    dst_vec = jnp.take(table, dst_ids, axis=0)  # [B, D] gather
    # bmm of [1,1,D] x [1,D,1] == per-row dot product
    score = jnp.sum(src_vec * dst_vec, axis=-1)  # [B]
    return jax.nn.sigmoid(score)

if __name__ == "__main__":
    import jax
    _d = setup_inputs()
    print(jax.jit(kernel)(*tuple(_d.values())))

</pallas_src>

<mosaic_0001>
#map = affine_map<(d0, d1) -> (0)>
#map1 = affine_map<(d0, d1) -> (0, 0)>
module attributes {stable_mosaic.version = 14 : i64} {
  func.func @_phase1(%arg0: i32, %arg1: i32, %arg2: memref<16384xi32, #tpu.memory_space<hbm>>, %arg3: memref<16384xi32, #tpu.memory_space<hbm>>, %arg4: memref<32x1000000xf32, #tpu.memory_space<hbm>>, %arg5: memref<64x32xf32, #tpu.memory_space<hbm>>, %arg6: memref<1048576xf32, #tpu.memory_space<hbm>>, %arg7: memref<32x1024xf32, #tpu.memory_space<vmem>>, %arg8: memref<32x1024xf32, #tpu.memory_space<vmem>>, %arg9: memref<64x32xf32, #tpu.memory_space<vmem>>, %arg10: memref<32768xi32, #tpu.memory_space<vmem>>, %arg11: memref<2560xi32, #tpu.memory_space<vmem>>, %arg12: memref<2560xi32, #tpu.memory_space<vmem>>, %arg13: memref<256xi32, #tpu.memory_space<vmem>>, %arg14: memref<256xi32, #tpu.memory_space<vmem>>, %arg15: memref<8192xf32, #tpu.memory_space<vmem>>, %arg16: memref<!tpu.dma_semaphore, #tpu.memory_space<semaphore_mem>>, %arg17: memref<!tpu.dma_semaphore, #tpu.memory_space<semaphore_mem>>, %arg18: memref<!tpu.dma_semaphore, #tpu.memory_space<semaphore_mem>>, %arg19: memref<!tpu.dma_semaphore, #tpu.memory_space<semaphore_mem>>) attributes {dimension_semantics = [#tpu.dimension_semantics<core_parallel>, #tpu.dimension_semantics<subcore_parallel>], iteration_bounds = array<i64: 2, 16>, scalar_prefetch = 0 : i64, scratch_operands = 13 : i64, tpu.core_type = #tpu.core_type<sc_vector_subcore>, window_params = [{transform_indices = #map}, {transform_indices = #map}, {transform_indices = #map1}, {transform_indices = #map1}, {transform_indices = #map}]} {
    %mul3A = arith.constant 2 : i32
    %mul3A_0 = arith.muli %arg1, %mul3A : i32
    %add3A = arith.addi %mul3A_0, %arg0 : i32
    %eq3A = arith.constant 31 : i32
    %eq3A_1 = arith.cmpi eq, %add3A, %eq3A : i32
    %mul3A_2 = arith.constant 31744 : i32
    %mul3A_3 = arith.muli %add3A, %mul3A_2 : i32
    %jit3A = arith.constant 15936 : i32
    %jit3A_4 = arith.constant 31744 : i32
    %select_n3A = arith.select %eq3A_1, %jit3A, %jit3A_4 : i32
    %iota3A = tpu.iota {dimensions = array<i32: 0>} : vector<16xi32>
    %add3A_5 = arith.constant 0 : i32
    %add3A_6 = arith.addi %mul3A_3, %add3A_5 : i32
    %and3A = arith.constant false
    %and3A_7 = arith.andi %eq3A_1, %and3A : i1
    %not3A = arith.constant true
    %not3A_8 = arith.xori %eq3A_1, %not3A : i1
    %or3A = arith.constant true
    %or3A_9 = arith.ori %not3A_8, %or3A : i1
    %convert_element_type3A = arith.extui %or3A_9 : i1 to i32
    %cond3A = arith.constant 0 : i32
    %cond3A_10 = arith.cmpi ne, %convert_element_type3A, %cond3A : i32
    scf.if %cond3A_10 {
      %dma_start3A_54 = arith.constant 0 : i32
      %dma_start3A_55 = tpu.memref_slice %arg4[%dma_start3A_54, %add3A_6] : memref<32x1000000xf32, #tpu.memory_space<hbm>> -> memref<32x1024xf32, #tpu.memory_space<hbm>>
      %dma_start3A_56 = arith.constant 0 : i32
      %dma_start3A_57 = tpu.memref_slice %arg4[%dma_start3A_56, %add3A_6] : memref<32x1000000xf32, #tpu.memory_space<hbm>> -> memref<32x1024xf32, #tpu.memory_space<hbm>>
      tpu.enqueue_dma source(%dma_start3A_57 : memref<32x1024xf32, #tpu.memory_space<hbm>>) target(%arg7 : memref<32x1024xf32, #tpu.memory_space<vmem>>) target_semaphore(%arg16 : memref<!tpu.dma_semaphore, #tpu.memory_space<semaphore_mem>>)
    } else {
    }
    %convert_element_type3A_11 = arith.extui %and3A_7 : i1 to i32
    %cond3A_12 = arith.constant 0 : i32
    %cond3A_13 = arith.cmpi ne, %convert_element_type3A_11, %cond3A_12 : i32
    scf.if %cond3A_13 {
      %dma_start3A_54 = arith.constant 0 : i32
      %dma_start3A_55 = arith.constant 0 : i32
      %dma_start3A_56 = tpu.memref_slice %arg7[%dma_start3A_54, %dma_start3A_55] : memref<32x1024xf32, #tpu.memory_space<vmem>> -> memref<32x512xf32, #tpu.memory_space<vmem>>
      %dma_start3A_57 = arith.constant 0 : i32
      %dma_start3A_58 = arith.constant 999424 : i32
      %dma_start3A_59 = tpu.memref_slice %arg4[%dma_start3A_57, %dma_start3A_58] : memref<32x1000000xf32, #tpu.memory_space<hbm>> -> memref<32x512xf32, #tpu.memory_space<hbm>>
      %dma_start3A_60 = arith.constant 0 : i32
      %dma_start3A_61 = arith.constant 0 : i32
      %dma_start3A_62 = tpu.memref_slice %arg7[%dma_start3A_60, %dma_start3A_61] : memref<32x1024xf32, #tpu.memory_space<vmem>> -> memref<32x512xf32, #tpu.memory_space<vmem>>
      %dma_start3A_63 = arith.constant 0 : i32
      %dma_start3A_64 = arith.constant 999424 : i32
      %dma_start3A_65 = tpu.memref_slice %arg4[%dma_start3A_63, %dma_start3A_64] : memref<32x1000000xf32, #tpu.memory_space<hbm>> -> memref<32x512xf32, #tpu.memory_space<hbm>>
      tpu.enqueue_dma source(%dma_start3A_65 : memref<32x512xf32, #tpu.memory_space<hbm>>) target(%dma_start3A_62 : memref<32x512xf32, #tpu.memory_space<vmem>>) target_semaphore(%arg16 : memref<!tpu.dma_semaphore, #tpu.memory_space<semaphore_mem>>)
    } else {
    }
    %add3A_14 = arith.constant 1024 : i32
    %add3A_15 = arith.addi %mul3A_3, %add3A_14 : i32
    %and3A_16 = arith.constant false
    %and3A_17 = arith.andi %eq3A_1, %and3A_16 : i1
    %not3A_18 = arith.constant true
    %not3A_19 = arith.xori %eq3A_1, %not3A_18 : i1
    %or3A_20 = arith.constant true
    %or3A_21 = arith.ori %not3A_19, %or3A_20 : i1
    %convert_element_type3A_22 = arith.extui %or3A_21 : i1 to i32
    %cond3A_23 = arith.constant 0 : i32
    %cond3A_24 = arith.cmpi ne, %convert_element_type3A_22, %cond3A_23 : i32
    scf.if %cond3A_24 {
      %dma_start3A_54 = arith.constant 0 : i32
      %dma_start3A_55 = tpu.memref_slice %arg4[%dma_start3A_54, %add3A_15] : memref<32x1000000xf32, #tpu.memory_space<hbm>> -> memref<32x1024xf32, #tpu.memory_space<hbm>>
      %dma_start3A_56 = arith.constant 0 : i32
      %dma_start3A_57 = tpu.memref_slice %arg4[%dma_start3A_56, %add3A_15] : memref<32x1000000xf32, #tpu.memory_space<hbm>> -> memref<32x1024xf32, #tpu.memory_space<hbm>>
      tpu.enqueue_dma source(%dma_start3A_57 : memref<32x1024xf32, #tpu.memory_space<hbm>>) target(%arg8 : memref<32x1024xf32, #tpu.memory_space<vmem>>) target_semaphore(%arg17 : memref<!tpu.dma_semaphore, #tpu.memory_space<semaphore_mem>>)
    } else {
    }
    %convert_element_type3A_25 = arith.extui %and3A_17 : i1 to i32
    %cond3A_26 = arith.constant 0 : i32
    %cond3A_27 = arith.cmpi ne, %convert_element_type3A_25, %cond3A_26 : i32
    scf.if %cond3A_27 {
      %dma_start3A_54 = arith.constant 0 : i32
      %dma_start3A_55 = arith.constant 0 : i32
      %dma_start3A_56 = tpu.memref_slice %arg8[%dma_start3A_54, %dma_start3A_55] : memref<32x1024xf32, #tpu.memory_space<vmem>> -> memref<32x512xf32, #tpu.memory_space<vmem>>
      %dma_start3A_57 = arith.constant 0 : i32
      %dma_start3A_58 = arith.constant 999424 : i32
      %dma_start3A_59 = tpu.memref_slice %arg4[%dma_start3A_57, %dma_start3A_58] : memref<32x1000000xf32, #tpu.memory_space<hbm>> -> memref<32x512xf32, #tpu.memory_space<hbm>>
      %dma_start3A_60 = arith.constant 0 : i32
      %dma_start3A_61 = arith.constant 0 : i32
      %dma_start3A_62 = tpu.memref_slice %arg8[%dma_start3A_60, %dma_start3A_61] : memref<32x1024xf32, #tpu.memory_space<vmem>> -> memref<32x512xf32, #tpu.memory_space<vmem>>
      %dma_start3A_63 = arith.constant 0 : i32
      %dma_start3A_64 = arith.constant 999424 : i32
      %dma_start3A_65 = tpu.memref_slice %arg4[%dma_start3A_63, %dma_start3A_64] : memref<32x1000000xf32, #tpu.memory_space<hbm>> -> memref<32x512xf32, #tpu.memory_space<hbm>>
      tpu.enqueue_dma source(%dma_start3A_65 : memref<32x512xf32, #tpu.memory_space<hbm>>) target(%dma_start3A_62 : memref<32x512xf32, #tpu.memory_space<vmem>>) target_semaphore(%arg17 : memref<!tpu.dma_semaphore, #tpu.memory_space<semaphore_mem>>)
    } else {
    }
    %dma_start3A = arith.constant 0 : i32
    %dma_start3A_28 = tpu.memref_slice %arg10[%dma_start3A] : memref<32768xi32, #tpu.memory_space<vmem>> -> memref<16384xi32, #tpu.memory_space<vmem>>
    %dma_start3A_29 = arith.constant 0 : i32
    %dma_start3A_30 = tpu.memref_slice %arg10[%dma_start3A_29] : memref<32768xi32, #tpu.memory_space<vmem>> -> memref<16384xi32, #tpu.memory_space<vmem>>
    tpu.enqueue_dma source(%arg2 : memref<16384xi32, #tpu.memory_space<hbm>>) target(%dma_start3A_30 : memref<16384xi32, #tpu.memory_space<vmem>>) target_semaphore(%arg18 : memref<!tpu.dma_semaphore, #tpu.memory_space<semaphore_mem>>)
    %dma_start3A_31 = arith.constant 16384 : i32
    %dma_start3A_32 = tpu.memref_slice %arg10[%dma_start3A_31] : memref<32768xi32, #tpu.memory_space<vmem>> -> memref<16384xi32, #tpu.memory_space<vmem>>
    %dma_start3A_33 = arith.constant 16384 : i32
    %dma_start3A_34 = tpu.memref_slice %arg10[%dma_start3A_33] : memref<32768xi32, #tpu.memory_space<vmem>> -> memref<16384xi32, #tpu.memory_space<vmem>>
    tpu.enqueue_dma source(%arg3 : memref<16384xi32, #tpu.memory_space<hbm>>) target(%dma_start3A_34 : memref<16384xi32, #tpu.memory_space<vmem>>) target_semaphore(%arg18 : memref<!tpu.dma_semaphore, #tpu.memory_space<semaphore_mem>>)
    tpu.enqueue_dma source(%arg5 : memref<64x32xf32, #tpu.memory_space<hbm>>) target(%arg9 : memref<64x32xf32, #tpu.memory_space<vmem>>) target_semaphore(%arg18 : memref<!tpu.dma_semaphore, #tpu.memory_space<semaphore_mem>>)
    %dma_wait3A = arith.constant 0 : i32
    %dma_wait3A_35 = tpu.memref_slice %arg10[%dma_wait3A] : memref<32768xi32, #tpu.memory_space<vmem>> -> memref<16384xi32, #tpu.memory_space<vmem>>
    %dma_wait3A_36 = arith.constant 0 : i32
    %dma_wait3A_37 = tpu.memref_slice %arg10[%dma_wait3A_36] : memref<32768xi32, #tpu.memory_space<vmem>> -> memref<16384xi32, #tpu.memory_space<vmem>>
    tpu.wait_dma2 semaphore(%arg18 : memref<!tpu.dma_semaphore, #tpu.memory_space<semaphore_mem>>) src(%arg2 : memref<16384xi32, #tpu.memory_space<hbm>>) dst(%dma_wait3A_37 : memref<16384xi32, #tpu.memory_space<vmem>>)
    %dma_wait3A_38 = arith.constant 16384 : i32
    %dma_wait3A_39 = tpu.memref_slice %arg10[%dma_wait3A_38] : memref<32768xi32, #tpu.memory_space<vmem>> -> memref<16384xi32, #tpu.memory_space<vmem>>
    %dma_wait3A_40 = arith.constant 16384 : i32
    %dma_wait3A_41 = tpu.memref_slice %arg10[%dma_wait3A_40] : memref<32768xi32, #tpu.memory_space<vmem>> -> memref<16384xi32, #tpu.memory_space<vmem>>
    tpu.wait_dma2 semaphore(%arg18 : memref<!tpu.dma_semaphore, #tpu.memory_space<semaphore_mem>>) src(%arg2 : memref<16384xi32, #tpu.memory_space<hbm>>) dst(%dma_wait3A_41 : memref<16384xi32, #tpu.memory_space<vmem>>)
    tpu.wait_dma2 semaphore(%arg18 : memref<!tpu.dma_semaphore, #tpu.memory_space<semaphore_mem>>) src(%arg5 : memref<64x32xf32, #tpu.memory_space<hbm>>) dst(%arg9 : memref<64x32xf32, #tpu.memory_space<vmem>>)
    %scan3A = arith.constant 0 : i32
    %scan3A_42 = arith.constant 0 : i32
    %scan3A_43 = arith.constant 2048 : i32
    %scan3A_44 = arith.addi %scan3A_42, %scan3A_43 : i32
    %scan3A_45 = arith.constant 1 : i32
    %scan3A_46 = scf.for %scan3A_54 = %scan3A_42 to %scan3A_44 step %scan3A_45 iter_args(%scan3A_55 = %scan3A) -> (i32)  : i32 {
      %mul3A_56 = arith.constant 16 : i32
      %mul3A_57 = arith.muli %scan3A_54, %mul3A_56 : i32
      %get3A = arith.index_cast %mul3A_57 : i32 to index
      %get3A_58 = tpu.vector_load %arg10[%get3A] {strides = array<i32>} : memref<32768xi32, #tpu.memory_space<vmem>>, vector<16xi32>,
      %sub3A = vector.broadcast %mul3A_3 : i32 to vector<16xi32>
      %sub3A_59 = arith.subi %get3A_58, %sub3A : vector<16xi32>
      %ge3A = vector.broadcast %mul3A_3 : i32 to vector<16xi32>
      %ge3A_60 = arith.cmpi sge, %get3A_58, %ge3A : vector<16xi32>
      %lt3A = vector.broadcast %select_n3A : i32 to vector<16xi32>
      %lt3A_61 = arith.cmpi slt, %sub3A_59, %lt3A : vector<16xi32>
      %and3A_62 = arith.andi %ge3A_60, %lt3A_61 : vector<16xi1>
      %mul3A_63 = arith.constant 16 : i32
      %mul3A_64 = arith.muli %scan3A_54, %mul3A_63 : i32
      %add3A_65 = vector.broadcast %mul3A_64 : i32 to vector<16xi32>
      %add3A_66 = arith.addi %add3A_65, %iota3A : vector<16xi32>
      %swap3A = arith.index_cast %scan3A_55 : i32 to index
      %swap3A_67 = tpu.vector_load %arg11[%swap3A] masked %and3A_62 {strides = array<i32>} : memref<2560xi32, #tpu.memory_space<vmem>>, vector<16xi32>, vector<16xi1>
      tpu.vector_store %arg11[%swap3A], %add3A_66 masked %and3A_62 {strides = array<i32>} : memref<2560xi32, #tpu.memory_space<vmem>>, vector<16xi32>, vector<16xi1>
      %swap3A_68 = arith.index_cast %scan3A_55 : i32 to index
      %swap3A_69 = tpu.vector_load %arg12[%swap3A_68] masked %and3A_62 {strides = array<i32>} : memref<2560xi32, #tpu.memory_space<vmem>>, vector<16xi32>, vector<16xi1>
      tpu.vector_store %arg12[%swap3A_68], %sub3A_59 masked %and3A_62 {strides = array<i32>} : memref<2560xi32, #tpu.memory_space<vmem>>, vector<16xi32>, vector<16xi1>
      %all_reduce_population_count3A = tpu.all_reduce %and3A_62 {dim = 0 : i64, kind = #tpu.reduction_kind<sum>} : vector<16xi1> -> vector<16xi32>
      %reduce_max3A = arith.constant true
      %reduce_max3A_70 = vector.broadcast %reduce_max3A : i1 to vector<16xi1>
      %reduce_max3A_71 = arith.constant -2147483648 : i32
      %reduce_max3A_72 = vector.broadcast %reduce_max3A_71 : i32 to vector<16xi32>
      %reduce_max3A_73 = arith.xori %all_reduce_population_count3A, %reduce_max3A_72 : vector<16xi32>
      %reduce_max3A_74 = tpu.scan <max>, %reduce_max3A_73 masked %reduce_max3A_70 : vector<16xi32>, vector<16xi1> -> vector<16xi32>
      %reduce_max3A_75 = arith.xori %reduce_max3A_74, %reduce_max3A_72 : vector<16xi32>
      %reduce_max3A_76 = vector.extract %reduce_max3A_75[15] : i32 from vector<16xi32>
      %add3A_77 = arith.addi %scan3A_55, %reduce_max3A_76 : i32
      %min3A = arith.constant 2544 : i32
      %min3A_78 = arith.minsi %add3A_77, %min3A : i32
      scf.yield %min3A_78 : i32
    }
    %scan3A_47 = arith.constant 2048 : i32
    %scan3A_48 = arith.constant 0 : i32
    %scan3A_49 = arith.constant 0 : i32
    %scan3A_50 = arith.constant 31 : i32
    %scan3A_51 = arith.addi %scan3A_49, %scan3A_50 : i32
    %scan3A_52 = arith.constant 1 : i32
    scf.for %scan3A_54 = %scan3A_49 to %scan3A_51 step %scan3A_52  : i32 {
      %rem3A = arith.constant 2 : i32
      %rem3A_55 = arith.remsi %scan3A_54, %rem3A : i32
      %eq3A_56 = arith.constant 0 : i32
      %eq3A_57 = arith.cmpi eq, %rem3A_55, %eq3A_56 : i32
      %convert_element_type3A_58 = arith.extui %eq3A_57 : i1 to i32
      %cond3A_59 = arith.constant 0 : i32
      %cond3A_60 = arith.cmpi ne, %convert_element_type3A_58, %cond3A_59 : i32
      scf.if %cond3A_60 {
        %eq3A_66 = arith.constant 15 : i32
        %eq3A_67 = arith.cmpi eq, %scan3A_54, %eq3A_66 : i32
        %and3A_68 = arith.andi %eq3A_1, %eq3A_67 : i1
        %not3A_69 = arith.constant true
        %not3A_70 = arith.xori %eq3A_1, %not3A_69 : i1
        %lt3A = arith.constant 15 : i32
        %lt3A_71 = arith.cmpi slt, %scan3A_54, %lt3A : i32
        %or3A_72 = arith.ori %not3A_70, %lt3A_71 : i1
        %convert_element_type3A_73 = arith.extui %or3A_72 : i1 to i32
        %cond3A_74 = arith.constant 0 : i32
        %cond3A_75 = arith.cmpi ne, %convert_element_type3A_73, %cond3A_74 : i32
        scf.if %cond3A_75 {
          %dma_wait3A_185 = arith.constant 0 : i32
          %dma_wait3A_186 = arith.constant 0 : i32
          %dma_wait3A_187 = tpu.memref_slice %arg4[%dma_wait3A_185, %dma_wait3A_186] : memref<32x1000000xf32, #tpu.memory_space<hbm>> -> memref<32x1024xf32, #tpu.memory_space<hbm>>
          %dma_wait3A_188 = arith.constant 0 : i32
          %dma_wait3A_189 = arith.constant 0 : i32
          %dma_wait3A_190 = tpu.memref_slice %arg4[%dma_wait3A_188, %dma_wait3A_189] : memref<32x1000000xf32, #tpu.memory_space<hbm>> -> memref<32x1024xf32, #tpu.memory_space<hbm>>
          tpu.wait_dma2 semaphore(%arg16 : memref<!tpu.dma_semaphore, #tpu.memory_space<semaphore_mem>>) src(%dma_wait3A_190 : memref<32x1024xf32, #tpu.memory_space<hbm>>) dst(%arg7 : memref<32x1024xf32, #tpu.memory_space<vmem>>)
        } else {
        }
        %convert_element_type3A_76 = arith.extui %and3A_68 : i1 to i32
        %cond3A_77 = arith.constant 0 : i32
        %cond3A_78 = arith.cmpi ne, %convert_element_type3A_76, %cond3A_77 : i32
        scf.if %cond3A_78 {
          %dma_wait3A_185 = arith.constant 0 : i32
          %dma_wait3A_186 = arith.constant 0 : i32
          %dma_wait3A_187 = tpu.memref_slice %arg7[%dma_wait3A_185, %dma_wait3A_186] : memref<32x1024xf32, #tpu.memory_space<vmem>> -> memref<32x512xf32, #tpu.memory_space<vmem>>
          %dma_wait3A_188 = arith.constant 0 : i32
          %dma_wait3A_189 = arith.constant 0 : i32
          %dma_wait3A_190 = tpu.memref_slice %arg4[%dma_wait3A_188, %dma_wait3A_189] : memref<32x1000000xf32, #tpu.memory_space<hbm>> -> memref<32x512xf32, #tpu.memory_space<hbm>>
          %dma_wait3A_191 = arith.constant 0 : i32
          %dma_wait3A_192 = arith.constant 0 : i32
          %dma_wait3A_193 = tpu.memref_slice %arg7[%dma_wait3A_191, %dma_wait3A_192] : memref<32x1024xf32, #tpu.memory_space<vmem>> -> memref<32x512xf32, #tpu.memory_space<vmem>>
          %dma_wait3A_194 = arith.constant 0 : i32
          %dma_wait3A_195 = arith.constant 0 : i32
          %dma_wait3A_196 = tpu.memref_slice %arg4[%dma_wait3A_194, %dma_wait3A_195] : memref<32x1000000xf32, #tpu.memory_space<hbm>> -> memref<32x512xf32, #tpu.memory_space<hbm>>
          tpu.wait_dma2 semaphore(%arg16 : memref<!tpu.dma_semaphore, #tpu.memory_space<semaphore_mem>>) src(%dma_wait3A_196 : memref<32x512xf32, #tpu.memory_space<hbm>>) dst(%dma_wait3A_193 : memref<32x512xf32, #tpu.memory_space<vmem>>)
        } else {
        }
        %mul3A_79 = arith.constant 1024 : i32
        %mul3A_80 = arith.muli %scan3A_54, %mul3A_79 : i32
        %eq3A_81 = arith.constant 15 : i32
        %eq3A_82 = arith.cmpi eq, %scan3A_54, %eq3A_81 : i32
        %and3A_83 = arith.andi %eq3A_1, %eq3A_82 : i1
        %add3A_84 = arith.constant 16 : i32
        %add3A_85 = arith.addi %scan3A_46, %add3A_84 : i32
        %sub3A = arith.constant 1 : i32
        %sub3A_86 = arith.subi %add3A_85, %sub3A : i32
        %jit3A_87 = arith.constant 16 : i32
        %div3A = arith.divsi %sub3A_86, %jit3A_87 : i32
        %sign3A = arith.constant 0 : i32
        %sign3A_88 = arith.cmpi sgt, %sub3A_86, %sign3A : i32
        %sign3A_89 = arith.extui %sign3A_88 : i1 to i32
        %sign3A_90 = arith.constant 0 : i32
        %sign3A_91 = arith.cmpi slt, %sub3A_86, %sign3A_90 : i32
        %sign3A_92 = arith.extui %sign3A_91 : i1 to i32
        %sign3A_93 = arith.subi %sign3A_89, %sign3A_92 : i32
        %sign3A_94 = arith.constant 0 : i32
        %sign3A_95 = arith.cmpi sgt, %jit3A_87, %sign3A_94 : i32
        %sign3A_96 = arith.extui %sign3A_95 : i1 to i32
        %sign3A_97 = arith.constant 0 : i32
        %sign3A_98 = arith.cmpi slt, %jit3A_87, %sign3A_97 : i32
        %sign3A_99 = arith.extui %sign3A_98 : i1 to i32
        %sign3A_100 = arith.subi %sign3A_96, %sign3A_99 : i32
        %ne3A = arith.cmpi ne, %sign3A_93, %sign3A_100 : i32
        %rem3A_101 = arith.remsi %sub3A_86, %jit3A_87 : i32
        %ne3A_102 = arith.constant 0 : i32
        %ne3A_103 = arith.cmpi ne, %rem3A_101, %ne3A_102 : i32
        %and3A_104 = arith.andi %ne3A, %ne3A_103 : i1
        %sub3A_105 = arith.constant 1 : i32
        %sub3A_106 = arith.subi %div3A, %sub3A_105 : i32
        %select_n3A_107 = arith.select %and3A_104, %sub3A_106, %div3A : i32
        %while3A = arith.constant 0 : i32
        %while3A_108 = arith.constant 0 : i32
        %while3A_109 = arith.subi %select_n3A_107, %while3A : i32
        %while3A_110 = arith.addi %while3A, %while3A_109 : i32
        %while3A_111 = arith.constant 1 : i32
        %while3A_112 = arith.divsi %while3A_109, %while3A_111 : i32
        %while3A_113 = arith.muli %while3A_112, %while3A_111 : i32
        %while3A_114 = arith.addi %while3A, %while3A_113 : i32
        %while3A_115 = arith.constant 1 : i32
        %while3A_116 = scf.for %while3A_185 = %while3A to %while3A_114 step %while3A_115 iter_args(%while3A_186 = %while3A_108) -> (i32)  : i32 {
          %mul3A_187 = arith.constant 16 : i32
          %mul3A_188 = arith.muli %while3A_185, %mul3A_187 : i32
          %get3A = arith.index_cast %mul3A_188 : i32 to index
          %get3A_189 = tpu.vector_load %arg12[%get3A] {strides = array<i32>} : memref<2560xi32, #tpu.memory_space<vmem>>, vector<16xi32>,
          %mul3A_190 = arith.constant 16 : i32
          %mul3A_191 = arith.muli %while3A_185, %mul3A_190 : i32
          %get3A_192 = arith.index_cast %mul3A_191 : i32 to index
          %get3A_193 = tpu.vector_load %arg11[%get3A_192] {strides = array<i32>} : memref<2560xi32, #tpu.memory_space<vmem>>, vector<16xi32>,
          %sub3A_194 = vector.broadcast %mul3A_80 : i32 to vector<16xi32>
          %sub3A_195 = arith.subi %get3A_189, %sub3A_194 : vector<16xi32>
          %mul3A_196 = arith.constant 16 : i32
          %mul3A_197 = arith.muli %while3A_185, %mul3A_196 : i32
          %add3A_198 = vector.broadcast %mul3A_197 : i32 to vector<16xi32>
          %add3A_199 = arith.addi %add3A_198, %iota3A : vector<16xi32>
          %lt3A_200 = vector.broadcast %scan3A_46 : i32 to vector<16xi32>
          %lt3A_201 = arith.cmpi slt, %add3A_199, %lt3A_200 : vector<16xi32>
          %ge3A = arith.constant 0 : i32
          %ge3A_202 = vector.broadcast %ge3A : i32 to vector<16xi32>
          %ge3A_203 = arith.cmpi sge, %sub3A_195, %ge3A_202 : vector<16xi32>
          %lt3A_204 = arith.constant 1024 : i32
          %lt3A_205 = vector.broadcast %lt3A_204 : i32 to vector<16xi32>
          %lt3A_206 = arith.cmpi slt, %sub3A_195, %lt3A_205 : vector<16xi32>
          %and3A_207 = arith.andi %ge3A_203, %lt3A_206 : vector<16xi1>
          %and3A_208 = arith.andi %and3A_207, %lt3A_201 : vector<16xi1>
          %swap3A = arith.index_cast %while3A_186 : i32 to index
          %swap3A_209 = tpu.vector_load %arg13[%swap3A] masked %and3A_208 {strides = array<i32>} : memref<256xi32, #tpu.memory_space<vmem>>, vector<16xi32>, vector<16xi1>
          tpu.vector_store %arg13[%swap3A], %get3A_193 masked %and3A_208 {strides = array<i32>} : memref<256xi32, #tpu.memory_space<vmem>>, vector<16xi32>, vector<16xi1>
          %swap3A_210 = arith.index_cast %while3A_186 : i32 to index
          %swap3A_211 = tpu.vector_load %arg14[%swap3A_210] masked %and3A_208 {strides = array<i32>} : memref<256xi32, #tpu.memory_space<vmem>>, vector<16xi32>, vector<16xi1>
          tpu.vector_store %arg14[%swap3A_210], %sub3A_195 masked %and3A_208 {strides = array<i32>} : memref<256xi32, #tpu.memory_space<vmem>>, vector<16xi32>, vector<16xi1>
          %all_reduce_population_count3A = tpu.all_reduce %and3A_208 {dim = 0 : i64, kind = #tpu.reduction_kind<sum>} : vector<16xi1> -> vector<16xi32>
          %reduce_max3A = arith.constant true
          %reduce_max3A_212 = vector.broadcast %reduce_max3A : i1 to vector<16xi1>
          %reduce_max3A_213 = arith.constant -2147483648 : i32
          %reduce_max3A_214 = vector.broadcast %reduce_max3A_213 : i32 to vector<16xi32>
          %reduce_max3A_215 = arith.xori %all_reduce_population_count3A, %reduce_max3A_214 : vector<16xi32>
          %reduce_max3A_216 = tpu.scan <max>, %reduce_max3A_215 masked %reduce_max3A_212 : vector<16xi32>, vector<16xi1> -> vector<16xi32>
          %reduce_max3A_217 = arith.xori %reduce_max3A_216, %reduce_max3A_214 : vector<16xi32>
          %reduce_max3A_218 = vector.extract %reduce_max3A_217[15] : i32 from vector<16xi32>
          %add3A_219 = arith.addi %while3A_186, %reduce_max3A_218 : i32
          %min3A_220 = arith.constant 240 : i32
          %min3A_221 = arith.minsi %add3A_219, %min3A_220 : i32
          scf.yield %min3A_221 : i32
        }
        %while3A_117 = arith.constant 1 : i32
        %while3A_118 = scf.for %while3A_185 = %while3A_114 to %while3A_110 step %while3A_117 iter_args(%while3A_186 = %while3A_116) -> (i32)  : i32 {
          %mul3A_187 = arith.constant 16 : i32
          %mul3A_188 = arith.muli %while3A_185, %mul3A_187 : i32
          %get3A = arith.index_cast %mul3A_188 : i32 to index
          %get3A_189 = tpu.vector_load %arg12[%get3A] {strides = array<i32>} : memref<2560xi32, #tpu.memory_space<vmem>>, vector<16xi32>,
          %mul3A_190 = arith.constant 16 : i32
          %mul3A_191 = arith.muli %while3A_185, %mul3A_190 : i32
          %get3A_192 = arith.index_cast %mul3A_191 : i32 to index
          %get3A_193 = tpu.vector_load %arg11[%get3A_192] {strides = array<i32>} : memref<2560xi32, #tpu.memory_space<vmem>>, vector<16xi32>,
          %sub3A_194 = vector.broadcast %mul3A_80 : i32 to vector<16xi32>
          %sub3A_195 = arith.subi %get3A_189, %sub3A_194 : vector<16xi32>
          %mul3A_196 = arith.constant 16 : i32
          %mul3A_197 = arith.muli %while3A_185, %mul3A_196 : i32
          %add3A_198 = vector.broadcast %mul3A_197 : i32 to vector<16xi32>
          %add3A_199 = arith.addi %add3A_198, %iota3A : vector<16xi32>
          %lt3A_200 = vector.broadcast %scan3A_46 : i32 to vector<16xi32>
          %lt3A_201 = arith.cmpi slt, %add3A_199, %lt3A_200 : vector<16xi32>
          %ge3A = arith.constant 0 : i32
          %ge3A_202 = vector.broadcast %ge3A : i32 to vector<16xi32>
          %ge3A_203 = arith.cmpi sge, %sub3A_195, %ge3A_202 : vector<16xi32>
          %lt3A_204 = arith.constant 1024 : i32
          %lt3A_205 = vector.broadcast %lt3A_204 : i32 to vector<16xi32>
          %lt3A_206 = arith.cmpi slt, %sub3A_195, %lt3A_205 : vector<16xi32>
          %and3A_207 = arith.andi %ge3A_203, %lt3A_206 : vector<16xi1>
          %and3A_208 = arith.andi %and3A_207, %lt3A_201 : vector<16xi1>
          %swap3A = arith.index_cast %while3A_186 : i32 to index
          %swap3A_209 = tpu.vector_load %arg13[%swap3A] masked %and3A_208 {strides = array<i32>} : memref<256xi32, #tpu.memory_space<vmem>>, vector<16xi32>, vector<16xi1>
          tpu.vector_store %arg13[%swap3A], %get3A_193 masked %and3A_208 {strides = array<i32>} : memref<256xi32, #tpu.memory_space<vmem>>, vector<16xi32>, vector<16xi1>
          %swap3A_210 = arith.index_cast %while3A_186 : i32 to index
          %swap3A_211 = tpu.vector_load %arg14[%swap3A_210] masked %and3A_208 {strides = array<i32>} : memref<256xi32, #tpu.memory_space<vmem>>, vector<16xi32>, vector<16xi1>
          tpu.vector_store %arg14[%swap3A_210], %sub3A_195 masked %and3A_208 {strides = array<i32>} : memref<256xi32, #tpu.memory_space<vmem>>, vector<16xi32>, vector<16xi1>
          %all_reduce_population_count3A = tpu.all_reduce %and3A_208 {dim = 0 : i64, kind = #tpu.reduction_kind<sum>} : vector<16xi1> -> vector<16xi32>
          %reduce_max3A = arith.constant true
          %reduce_max3A_212 = vector.broadcast %reduce_max3A : i1 to vector<16xi1>
          %reduce_max3A_213 = arith.constant -2147483648 : i32
          %reduce_max3A_214 = vector.broadcast %reduce_max3A_213 : i32 to vector<16xi32>
          %reduce_max3A_215 = arith.xori %all_reduce_population_count3A, %reduce_max3A_214 : vector<16xi32>
          %reduce_max3A_216 = tpu.scan <max>, %reduce_max3A_215 masked %reduce_max3A_212 : vector<16xi32>, vector<16xi1> -> vector<16xi32>
          %reduce_max3A_217 = arith.xori %reduce_max3A_216, %reduce_max3A_214 : vector<16xi32>
          %reduce_max3A_218 = vector.extract %reduce_max3A_217[15] : i32 from vector<16xi32>
          %add3A_219 = arith.addi %while3A_186, %reduce_max3A_218 : i32
          %min3A_220 = arith.constant 240 : i32
          %min3A_221 = arith.minsi %add3A_219, %min3A_220 : i32
          scf.yield %min3A_221 : i32
        }
        %add3A_119 = arith.constant 16 : i32
        %add3A_120 = arith.addi %while3A_118, %add3A_119 : i32
        %sub3A_121 = arith.constant 1 : i32
        %sub3A_122 = arith.subi %add3A_120, %sub3A_121 : i32
        %jit3A_123 = arith.constant 16 : i32
        %div3A_124 = arith.divsi %sub3A_122, %jit3A_123 : i32
        %sign3A_125 = arith.constant 0 : i32
        %sign3A_126 = arith.cmpi sgt, %sub3A_122, %sign3A_125 : i32
        %sign3A_127 = arith.extui %sign3A_126 : i1 to i32
        %sign3A_128 = arith.constant 0 : i32
        %sign3A_129 = arith.cmpi slt, %sub3A_122, %sign3A_128 : i32
        %sign3A_130 = arith.extui %sign3A_129 : i1 to i32
        %sign3A_131 = arith.subi %sign3A_127, %sign3A_130 : i32
        %sign3A_132 = arith.constant 0 : i32
        %sign3A_133 = arith.cmpi sgt, %jit3A_123, %sign3A_132 : i32
        %sign3A_134 = arith.extui %sign3A_133 : i1 to i32
        %sign3A_135 = arith.constant 0 : i32
        %sign3A_136 = arith.cmpi slt, %jit3A_123, %sign3A_135 : i32
        %sign3A_137 = arith.extui %sign3A_136 : i1 to i32
        %sign3A_138 = arith.subi %sign3A_134, %sign3A_137 : i32
        %ne3A_139 = arith.cmpi ne, %sign3A_131, %sign3A_138 : i32
        %rem3A_140 = arith.remsi %sub3A_122, %jit3A_123 : i32
        %ne3A_141 = arith.constant 0 : i32
        %ne3A_142 = arith.cmpi ne, %rem3A_140, %ne3A_141 : i32
        %and3A_143 = arith.andi %ne3A_139, %ne3A_142 : i1
        %sub3A_144 = arith.constant 1 : i32
        %sub3A_145 = arith.subi %div3A_124, %sub3A_144 : i32
        %select_n3A_146 = arith.select %and3A_143, %sub3A_145, %div3A_124 : i32
        %while3A_147 = arith.constant 0 : i32
        %while3A_148 = arith.constant 0 : i32
        %while3A_149 = arith.subi %select_n3A_146, %while3A_148 : i32
        %while3A_150 = arith.addi %while3A_148, %while3A_149 : i32
        %while3A_151 = arith.constant 1 : i32
        %while3A_152 = arith.divsi %while3A_149, %while3A_151 : i32
        %while3A_153 = arith.muli %while3A_152, %while3A_151 : i32
        %while3A_154 = arith.addi %while3A_148, %while3A_153 : i32
        %while3A_155 = arith.constant 1 : i32
        scf.for %while3A_185 = %while3A_148 to %while3A_154 step %while3A_155  : i32 {
          %mul3A_186 = arith.constant 16 : i32
          %mul3A_187 = arith.muli %while3A_185, %mul3A_186 : i32
          %get3A = arith.index_cast %mul3A_187 : i32 to index
          %get3A_188 = tpu.vector_load %arg14[%get3A] {strides = array<i32>} : memref<256xi32, #tpu.memory_space<vmem>>, vector<16xi32>,
          %mul3A_189 = arith.constant 16 : i32
          %mul3A_190 = arith.muli %while3A_185, %mul3A_189 : i32
          %add3A_191 = vector.broadcast %mul3A_190 : i32 to vector<16xi32>
          %add3A_192 = arith.addi %add3A_191, %iota3A : vector<16xi32>
          %min3A_193 = arith.constant 1023 : i32
          %min3A_194 = vector.broadcast %min3A_193 : i32 to vector<16xi32>
          %min3A_195 = arith.minsi %get3A_188, %min3A_194 : vector<16xi32>
          %sub3A_196 = arith.constant 512 : i32
          %sub3A_197 = vector.broadcast %sub3A_196 : i32 to vector<16xi32>
          %sub3A_198 = arith.subi %get3A_188, %sub3A_197 : vector<16xi32>
          %jit3A_199 = arith.constant 0 : i32
          %jit3A_200 = arith.constant 63 : i32
          %max3A = vector.broadcast %jit3A_199 : i32 to vector<16xi32>
          %max3A_201 = arith.maxsi %max3A, %sub3A_198 : vector<16xi32>
          %min3A_202 = vector.broadcast %jit3A_200 : i32 to vector<16xi32>
          %min3A_203 = arith.minsi %min3A_202, %max3A_201 : vector<16xi32>
          %ge3A = arith.constant 512 : i32
          %ge3A_204 = vector.broadcast %ge3A : i32 to vector<16xi32>
          %ge3A_205 = arith.cmpi sge, %get3A_188, %ge3A_204 : vector<16xi32>
          %and3A_206 = vector.broadcast %and3A_83 : i1 to vector<16xi1>
          %and3A_207 = arith.andi %and3A_206, %ge3A_205 : vector<16xi1>
          %broadcast_in_dim3A = arith.constant 0 : i32
          %broadcast_in_dim3A_208 = vector.broadcast %broadcast_in_dim3A : i32 to vector<16xi32>
          %gather3A = tpu.vector_load_idx %arg7[%broadcast_in_dim3A_208, %min3A_195] : memref<32x1024xf32, #tpu.memory_space<vmem>>[vector<16xi32>, vector<16xi32>], vector<16xf32>,
          %gather3A_209 = tpu.vector_load_idx %arg9[%min3A_203, %broadcast_in_dim3A_208] : memref<64x32xf32, #tpu.memory_space<vmem>>[vector<16xi32>, vector<16xi32>], vector<16xf32>,
          %select_n3A_210 = arith.select %and3A_207, %gather3A_209, %gather3A : vector<16xi1>, vector<16xf32>
          %mul3A_211 = arith.constant 32 : i32
          %mul3A_212 = vector.broadcast %mul3A_211 : i32 to vector<16xi32>
          %mul3A_213 = arith.muli %add3A_192, %mul3A_212 : vector<16xi32>
          %add3A_214 = arith.constant 0 : i32
          %add3A_215 = vector.broadcast %add3A_214 : i32 to vector<16xi32>
          %add3A_216 = arith.addi %mul3A_213, %add3A_215 : vector<16xi32>
          tpu.vector_store_idx %arg15[%add3A_216], %select_n3A_210 : memref<8192xf32, #tpu.memory_space<vmem>>[vector<16xi32>], vector<16xf32>,
          %broadcast_in_dim3A_217 = arith.constant 1 : i32
          %broadcast_in_dim3A_218 = vector.broadcast %broadcast_in_dim3A_217 : i32 to vector<16xi32>
          %gather3A_219 = tpu.vector_load_idx %arg7[%broadcast_in_dim3A_218, %min3A_195] : memref<32x1024xf32, #tpu.memory_space<vmem>>[vector<16xi32>, vector<16xi32>], vector<16xf32>,
          %gather3A_220 = tpu.vector_load_idx %arg9[%min3A_203, %broadcast_in_dim3A_218] : memref<64x32xf32, #tpu.memory_space<vmem>>[vector<16xi32>, vector<16xi32>], vector<16xf32>,
          %select_n3A_221 = arith.select %and3A_207, %gather3A_220, %gather3A_219 : vector<16xi1>, vector<16xf32>
          %mul3A_222 = arith.constant 32 : i32
          %mul3A_223 = vector.broadcast %mul3A_222 : i32 to vector<16xi32>
          %mul3A_224 = arith.muli %add3A_192, %mul3A_223 : vector<16xi32>
          %add3A_225 = arith.constant 1 : i32
          %add3A_226 = vector.broadcast %add3A_225 : i32 to vector<16xi32>
          %add3A_227 = arith.addi %mul3A_224, %add3A_226 : vector<16xi32>
          tpu.vector_store_idx %arg15[%add3A_227], %select_n3A_221 : memref<8192xf32, #tpu.memory_space<vmem>>[vector<16xi32>], vector<16xf32>,
          %broadcast_in_dim3A_228 = arith.constant 2 : i32
          %broadcast_in_dim3A_229 = vector.broadcast %broadcast_in_dim3A_228 : i32 to vector<16xi32>
          %gather3A_230 = tpu.vector_load_idx %arg7[%broadcast_in_dim3A_229, %min3A_195] : memref<32x1024xf32, #tpu.memory_space<vmem>>[vector<16xi32>, vector<16xi32>], vector<16xf32>,
          %gather3A_231 = tpu.vector_load_idx %arg9[%min3A_203, %broadcast_in_dim3A_229] : memref<64x32xf32, #tpu.memory_space<vmem>>[vector<16xi32>, vector<16xi32>], vector<16xf32>,
          %select_n3A_232 = arith.select %and3A_207, %gather3A_231, %gather3A_230 : vector<16xi1>, vector<16xf32>
          %mul3A_233 = arith.constant 32 : i32
          %mul3A_234 = vector.broadcast %mul3A_233 : i32 to vector<16xi32>
          %mul3A_235 = arith.muli %add3A_192, %mul3A_234 : vector<16xi32>
          %add3A_236 = arith.constant 2 : i32
          %add3A_237 = vector.broadcast %add3A_236 : i32 to vector<16xi32>
          %add3A_238 = arith.addi %mul3A_235, %add3A_237 : vector<16xi32>
          tpu.vector_store_idx %arg15[%add3A_238], %select_n3A_232 : memref<8192xf32, #tpu.memory_space<vmem>>[vector<16xi32>], vector<16xf32>,
          %broadcast_in_dim3A_239 = arith.constant 3 : i32
          %broadcast_in_dim3A_240 = vector.broadcast %broadcast_in_dim3A_239 : i32 to vector<16xi32>
          %gather3A_241 = tpu.vector_load_idx %arg7[%broadcast_in_dim3A_240, %min3A_195] : memref<32x1024xf32, #tpu.memory_space<vmem>>[vector<16xi32>, vector<16xi32>], vector<16xf32>,
          %gather3A_242 = tpu.vector_load_idx %arg9[%min3A_203, %broadcast_in_dim3A_240] : memref<64x32xf32, #tpu.memory_space<vmem>>[vector<16xi32>, vector<16xi32>], vector<16xf32>,
          %select_n3A_243 = arith.select %and3A_207, %gather3A_242, %gather3A_241 : vector<16xi1>, vector<16xf32>
          %mul3A_244 = arith.constant 32 : i32
          %mul3A_245 = vector.broadcast %mul3A_244 : i32 to vector<16xi32>
          %mul3A_246 = arith.muli %add3A_192, %mul3A_245 : vector<16xi32>
          %add3A_247 = arith.constant 3 : i32
          %add3A_248 = vector.broadcast %add3A_247 : i32 to vector<16xi32>
          %add3A_249 = arith.addi %mul3A_246, %add3A_248 : vector<16xi32>
          tpu.vector_store_idx %arg15[%add3A_249], %select_n3A_243 : memref<8192xf32, #tpu.memory_space<vmem>>[vector<16xi32>], vector<16xf32>,
          %broadcast_in_dim3A_250 = arith.constant 4 : i32
          %broadcast_in_dim3A_251 = vector.broadcast %broadcast_in_dim3A_250 : i32 to vector<16xi32>
          %gather3A_252 = tpu.vector_load_idx %arg7[%broadcast_in_dim3A_251, %min3A_195] : memref<32x1024xf32, #tpu.memory_space<vmem>>[vector<16xi32>, vector<16xi32>], vector<16xf32>,
          %gather3A_253 = tpu.vector_load_idx %arg9[%min3A_203, %broadcast_in_dim3A_251] : memref<64x32xf32, #tpu.memory_space<vmem>>[vector<16xi32>, vector<16xi32>], vector<16xf32>,
          %select_n3A_254 = arith.select %and3A_207, %gather3A_253, %gather3A_252 : vector<16xi1>, vector<16xf32>
          %mul3A_255 = arith.constant 32 : i32
          %mul3A_256 = vector.broadcast %mul3A_255 : i32 to vector<16xi32>
          %mul3A_257 = arith.muli %add3A_192, %mul3A_256 : vector<16xi32>
          %add3A_258 = arith.constant 4 : i32
          %add3A_259 = vector.broadcast %add3A_258 : i32 to vector<16xi32>
          %add3A_260 = arith.addi %mul3A_257, %add3A_259 : vector<16xi32>
          tpu.vector_store_idx %arg15[%add3A_260], %select_n3A_254 : memref<8192xf32, #tpu.memory_space<vmem>>[vector<16xi32>], vector<16xf32>,
          %broadcast_in_dim3A_261 = arith.constant 5 : i32
          %broadcast_in_dim3A_262 = vector.broadcast %broadcast_in_dim3A_261 : i32 to vector<16xi32>
          %gather3A_263 = tpu.vector_load_idx %arg7[%broadcast_in_dim3A_262, %min3A_195] : memref<32x1024xf32, #tpu.memory_space<vmem>>[vector<16xi32>, vector<16xi32>], vector<16xf32>,
          %gather3A_264 = tpu.vector_load_idx %arg9[%min3A_203, %broadcast_in_dim3A_262] : memref<64x32xf32, #tpu.memory_space<vmem>>[vector<16xi32>, vector<16xi32>], vector<16xf32>,
          %select_n3A_265 = arith.select %and3A_207, %gather3A_264, %gather3A_263 : vector<16xi1>, vector<16xf32>
          %mul3A_266 = arith.constant 32 : i32
          %mul3A_267 = vector.broadcast %mul3A_266 : i32 to vector<16xi32>
          %mul3A_268 = arith.muli %add3A_192, %mul3A_267 : vector<16xi32>
          %add3A_269 = arith.constant 5 : i32
          %add3A_270 = vector.broadcast %add3A_269 : i32 to vector<16xi32>
          %add3A_271 = arith.addi %mul3A_268, %add3A_270 : vector<16xi32>
          tpu.vector_store_idx %arg15[%add3A_271], %select_n3A_265 : memref<8192xf32, #tpu.memory_space<vmem>>[vector<16xi32>], vector<16xf32>,
          %broadcast_in_dim3A_272 = arith.constant 6 : i32
          %broadcast_in_dim3A_273 = vector.broadcast %broadcast_in_dim3A_272 : i32 to vector<16xi32>
          %gather3A_274 = tpu.vector_load_idx %arg7[%broadcast_in_dim3A_273, %min3A_195] : memref<32x1024xf32, #tpu.memory_space<vmem>>[vector<16xi32>, vector<16xi32>], vector<16xf32>,
          %gather3A_275 = tpu.vector_load_idx %arg9[%min3A_203, %broadcast_in_dim3A_273] : memref<64x32xf32, #tpu.memory_space<vmem>>[vector<16xi32>, vector<16xi32>], vector<16xf32>,
          %select_n3A_276 = arith.select %and3A_207, %gather3A_275, %gather3A_274 : vector<16xi1>, vector<16xf32>
          %mul3A_277 = arith.constant 32 : i32
          %mul3A_278 = vector.broadcast %mul3A_277 : i32 to vector<16xi32>
          %mul3A_279 = arith.muli %add3A_192, %mul3A_278 : vector<16xi32>
          %add3A_280 = arith.constant 6 : i32
          %add3A_281 = vector.broadcast %add3A_280 : i32 to vector<16xi32>
          %add3A_282 = arith.addi %mul3A_279, %add3A_281 : vector<16xi32>
          tpu.vector_store_idx %arg15[%add3A_282], %select_n3A_276 : memref<8192xf32, #tpu.memory_space<vmem>>[vector<16xi32>], vector<16xf32>,
          %broadcast_in_dim3A_283 = arith.constant 7 : i32
          %broadcast_in_dim3A_284 = vector.broadcast %broadcast_in_dim3A_283 : i32 to vector<16xi32>
          %gather3A_285 = tpu.vector_load_idx %arg7[%broadcast_in_dim3A_284, %min3A_195] : memref<32x1024xf32, #tpu.memory_space<vmem>>[vector<16xi32>, vector<16xi32>], vector<16xf32>,
          %gather3A_286 = tpu.vector_load_idx %arg9[%min3A_203, %broadcast_in_dim3A_284] : memref<64x32xf32, #tpu.memory_space<vmem>>[vector<16xi32>, vector<16xi32>], vector<16xf32>,
          %select_n3A_287 = arith.select %and3A_207, %gather3A_286, %gather3A_285 : vector<16xi1>, vector<16xf32>
          %mul3A_288 = arith.constant 32 : i32
          %mul3A_289 = vector.broadcast %mul3A_288 : i32 to vector<16xi32>
          %mul3A_290 = arith.muli %add3A_192, %mul3A_289 : vector<16xi32>
          %add3A_291 = arith.constant 7 : i32
          %add3A_292 = vector.broadcast %add3A_291 : i32 to vector<16xi32>
          %add3A_293 = arith.addi %mul3A_290, %add3A_292 : vector<16xi32>
          tpu.vector_store_idx %arg15[%add3A_293], %select_n3A_287 : memref<8192xf32, #tpu.memory_space<vmem>>[vector<16xi32>], vector<16xf32>,
          %broadcast_in_dim3A_294 = arith.constant 8 : i32
          %broadcast_in_dim3A_295 = vector.broadcast %broadcast_in_dim3A_294 : i32 to vector<16xi32>
          %gather3A_296 = tpu.vector_load_idx %arg7[%broadcast_in_dim3A_295, %min3A_195] : memref<32x1024xf32, #tpu.memory_space<vmem>>[vector<16xi32>, vector<16xi32>], vector<16xf32>,
          %gather3A_297 = tpu.vector_load_idx %arg9[%min3A_203, %broadcast_in_dim3A_295] : memref<64x32xf32, #tpu.memory_space<vmem>>[vector<16xi32>, vector<16xi32>], vector<16xf32>,
          %select_n3A_298 = arith.select %and3A_207, %gather3A_297, %gather3A_296 : vector<16xi1>, vector<16xf32>
          %mul3A_299 = arith.constant 32 : i32
          %mul3A_300 = vector.broadcast %mul3A_299 : i32 to vector<16xi32>
          %mul3A_301 = arith.muli %add3A_192, %mul3A_300 : vector<16xi32>
          %add3A_302 = arith.constant 8 : i32
          %add3A_303 = vector.broadcast %add3A_302 : i32 to vector<16xi32>
          %add3A_304 = arith.addi %mul3A_301, %add3A_303 : vector<16xi32>
          tpu.vector_store_idx %arg15[%add3A_304], %select_n3A_298 : memref<8192xf32, #tpu.memory_space<vmem>>[vector<16xi32>], vector<16xf32>,
          %broadcast_in_dim3A_305 = arith.constant 9 : i32
          %broadcast_in_dim3A_306 = vector.broadcast %broadcast_in_dim3A_305 : i32 to vector<16xi32>
          %gather3A_307 = tpu.vector_load_idx %arg7[%broadcast_in_dim3A_306, %min3A_195] : memref<32x1024xf32, #tpu.memory_space<vmem>>[vector<16xi32>, vector<16xi32>], vector<16xf32>,
          %gather3A_308 = tpu.vector_load_idx %arg9[%min3A_203, %broadcast_in_dim3A_306] : memref<64x32xf32, #tpu.memory_space<vmem>>[vector<16xi32>, vector<16xi32>], vector<16xf32>,
          %select_n3A_309 = arith.select %and3A_207, %gather3A_308, %gather3A_307 : vector<16xi1>, vector<16xf32>
          %mul3A_310 = arith.constant 32 : i32
          %mul3A_311 = vector.broadcast %mul3A_310 : i32 to vector<16xi32>
          %mul3A_312 = arith.muli %add3A_192, %mul3A_311 : vector<16xi32>
          %add3A_313 = arith.constant 9 : i32
          %add3A_314 = vector.broadcast %add3A_313 : i32 to vector<16xi32>
          %add3A_315 = arith.addi %mul3A_312, %add3A_314 : vector<16xi32>
          tpu.vector_store_idx %arg15[%add3A_315], %select_n3A_309 : memref<8192xf32, #tpu.memory_space<vmem>>[vector<16xi32>], vector<16xf32>,
          %broadcast_in_dim3A_316 = arith.constant 10 : i32
          %broadcast_in_dim3A_317 = vector.broadcast %broadcast_in_dim3A_316 : i32 to vector<16xi32>
          %gather3A_318 = tpu.vector_load_idx %arg7[%broadcast_in_dim3A_317, %min3A_195] : memref<32x1024xf32, #tpu.memory_space<vmem>>[vector<16xi32>, vector<16xi32>], vector<16xf32>,
          %gather3A_319 = tpu.vector_load_idx %arg9[%min3A_203, %broadcast_in_dim3A_317] : memref<64x32xf32, #tpu.memory_space<vmem>>[vector<16xi32>, vector<16xi32>], vector<16xf32>,
          %select_n3A_320 = arith.select %and3A_207, %gather3A_319, %gather3A_318 : vector<16xi1>, vector<16xf32>
          %mul3A_321 = arith.constant 32 : i32
          %mul3A_322 = vector.broadcast %mul3A_321 : i32 to vector<16xi32>
          %mul3A_323 = arith.muli %add3A_192, %mul3A_322 : vector<16xi32>
          %add3A_324 = arith.constant 10 : i32
          %add3A_325 = vector.broadcast %add3A_324 : i32 to vector<16xi32>
          %add3A_326 = arith.addi %mul3A_323, %add3A_325 : vector<16xi32>
          tpu.vector_store_idx %arg15[%add3A_326], %select_n3A_320 : memref<8192xf32, #tpu.memory_space<vmem>>[vector<16xi32>], vector<16xf32>,
          %broadcast_in_dim3A_327 = arith.constant 11 : i32
          %broadcast_in_dim3A_328 = vector.broadcast %broadcast_in_dim3A_327 : i32 to vector<16xi32>
          %gather3A_329 = tpu.vector_load_idx %arg7[%broadcast_in_dim3A_328, %min3A_195] : memref<32x1024xf32, #tpu.memory_space<vmem>>[vector<16xi32>, vector<16xi32>], vector<16xf32>,
          %gather3A_330 = tpu.vector_load_idx %arg9[%min3A_203, %broadcast_in_dim3A_328] : memref<64x32xf32, #tpu.memory_space<vmem>>[vector<16xi32>, vector<16xi32>], vector<16xf32>,
          %select_n3A_331 = arith.select %and3A_207, %gather3A_330, %gather3A_329 : vector<16xi1>, vector<16xf32>
          %mul3A_332 = arith.constant 32 : i32
          %mul3A_333 = vector.broadcast %mul3A_332 : i32 to vector<16xi32>
          %mul3A_334 = arith.muli %add3A_192, %mul3A_333 : vector<16xi32>
          %add3A_335 = arith.constant 11 : i32
          %add3A_336 = vector.broadcast %add3A_335 : i32 to vector<16xi32>
          %add3A_337 = arith.addi %mul3A_334, %add3A_336 : vector<16xi32>
          tpu.vector_store_idx %arg15[%add3A_337], %select_n3A_331 : memref<8192xf32, #tpu.memory_space<vmem>>[vector<16xi32>], vector<16xf32>,
          %broadcast_in_dim3A_338 = arith.constant 12 : i32
          %broadcast_in_dim3A_339 = vector.broadcast %broadcast_in_dim3A_338 : i32 to vector<16xi32>
          %gather3A_340 = tpu.vector_load_idx %arg7[%broadcast_in_dim3A_339, %min3A_195] : memref<32x1024xf32, #tpu.memory_space<vmem>>[vector<16xi32>, vector<16xi32>], vector<16xf32>,
          %gather3A_341 = tpu.vector_load_idx %arg9[%min3A_203, %broadcast_in_dim3A_339] : memref<64x32xf32, #tpu.memory_space<vmem>>[vector<16xi32>, vector<16xi32>], vector<16xf32>,
          %select_n3A_342 = arith.select %and3A_207, %gather3A_341, %gather3A_340 : vector<16xi1>, vector<16xf32>
          %mul3A_343 = arith.constant 32 : i32
          %mul3A_344 = vector.broadcast %mul3A_343 : i32 to vector<16xi32>
          %mul3A_345 = arith.muli %add3A_192, %mul3A_344 : vector<16xi32>
          %add3A_346 = arith.constant 12 : i32
          %add3A_347 = vector.broadcast %add3A_346 : i32 to vector<16xi32>
          %add3A_348 = arith.addi %mul3A_345, %add3A_347 : vector<16xi32>
          tpu.vector_store_idx %arg15[%add3A_348], %select_n3A_342 : memref<8192xf32, #tpu.memory_space<vmem>>[vector<16xi32>], vector<16xf32>,
          %broadcast_in_dim3A_349 = arith.constant 13 : i32
          %broadcast_in_dim3A_350 = vector.broadcast %broadcast_in_dim3A_349 : i32 to vector<16xi32>
          %gather3A_351 = tpu.vector_load_idx %arg7[%broadcast_in_dim3A_350, %min3A_195] : memref<32x1024xf32, #tpu.memory_space<vmem>>[vector<16xi32>, vector<16xi32>], vector<16xf32>,
          %gather3A_352 = tpu.vector_load_idx %arg9[%min3A_203, %broadcast_in_dim3A_350] : memref<64x32xf32, #tpu.memory_space<vmem>>[vector<16xi32>, vector<16xi32>], vector<16xf32>,
          %select_n3A_353 = arith.select %and3A_207, %gather3A_352, %gather3A_351 : vector<16xi1>, vector<16xf32>
          %mul3A_354 = arith.constant 32 : i32
          %mul3A_355 = vector.broadcast %mul3A_354 : i32 to vector<16xi32>
          %mul3A_356 = arith.muli %add3A_192, %mul3A_355 : vector<16xi32>
          %add3A_357 = arith.constant 13 : i32
          %add3A_358 = vector.broadcast %add3A_357 : i32 to vector<16xi32>
          %add3A_359 = arith.addi %mul3A_356, %add3A_358 : vector<16xi32>
          tpu.vector_store_idx %arg15[%add3A_359], %select_n3A_353 : memref<8192xf32, #tpu.memory_space<vmem>>[vector<16xi32>], vector<16xf32>,
          %broadcast_in_dim3A_360 = arith.constant 14 : i32
          %broadcast_in_dim3A_361 = vector.broadcast %broadcast_in_dim3A_360 : i32 to vector<16xi32>
          %gather3A_362 = tpu.vector_load_idx %arg7[%broadcast_in_dim3A_361, %min3A_195] : memref<32x1024xf32, #tpu.memory_space<vmem>>[vector<16xi32>, vector<16xi32>], vector<16xf32>,
          %gather3A_363 = tpu.vector_load_idx %arg9[%min3A_203, %broadcast_in_dim3A_361] : memref<64x32xf32, #tpu.memory_space<vmem>>[vector<16xi32>, vector<16xi32>], vector<16xf32>,
          %select_n3A_364 = arith.select %and3A_207, %gather3A_363, %gather3A_362 : vector<16xi1>, vector<16xf32>
          %mul3A_365 = arith.constant 32 : i32
          %mul3A_366 = vector.broadcast %mul3A_365 : i32 to vector<16xi32>
          %mul3A_367 = arith.muli %add3A_192, %mul3A_366 : vector<16xi32>
          %add3A_368 = arith.constant 14 : i32
          %add3A_369 = vector.broadcast %add3A_368 : i32 to vector<16xi32>
          %add3A_370 = arith.addi %mul3A_367, %add3A_369 : vector<16xi32>
          tpu.vector_store_idx %arg15[%add3A_370], %select_n3A_364 : memref<8192xf32, #tpu.memory_space<vmem>>[vector<16xi32>], vector<16xf32>,
          %broadcast_in_dim3A_371 = arith.constant 15 : i32
          %broadcast_in_dim3A_372 = vector.broadcast %broadcast_in_dim3A_371 : i32 to vector<16xi32>
          %gather3A_373 = tpu.vector_load_idx %arg7[%broadcast_in_dim3A_372, %min3A_195] : memref<32x1024xf32, #tpu.memory_space<vmem>>[vector<16xi32>, vector<16xi32>], vector<16xf32>,
          %gather3A_374 = tpu.vector_load_idx %arg9[%min3A_203, %broadcast_in_dim3A_372] : memref<64x32xf32, #tpu.memory_space<vmem>>[vector<16xi32>, vector<16xi32>], vector<16xf32>,
          %select_n3A_375 = arith.select %and3A_207, %gather3A_374, %gather3A_373 : vector<16xi1>, vector<16xf32>
          %mul3A_376 = arith.constant 32 : i32
          %mul3A_377 = vector.broadcast %mul3A_376 : i32 to vector<16xi32>
          %mul3A_378 = arith.muli %add3A_192, %mul3A_377 : vector<16xi32>
          %add3A_379 = arith.constant 15 : i32
          %add3A_380 = vector.broadcast %add3A_379 : i32 to vector<16xi32>
          %add3A_381 = arith.addi %mul3A_378, %add3A_380 : vector<16xi32>
          tpu.vector_store_idx %arg15[%add3A_381], %select_n3A_375 : memref<8192xf32, #tpu.memory_space<vmem>>[vector<16xi32>], vector<16xf32>,
          %broadcast_in_dim3A_382 = arith.constant 16 : i32
          %broadcast_in_dim3A_383 = vector.broadcast %broadcast_in_dim3A_382 : i32 to vector<16xi32>
          %gather3A_384 = tpu.vector_load_idx %arg7[%broadcast_in_dim3A_383, %min3A_195] : memref<32x1024xf32, #tpu.memory_space<vmem>>[vector<16xi32>, vector<16xi32>], vector<16xf32>,
          %gather3A_385 = tpu.vector_load_idx %arg9[%min3A_203, %broadcast_in_dim3A_383] : memref<64x32xf32, #tpu.memory_space<vmem>>[vector<16xi32>, vector<16xi32>], vector<16xf32>,
          %select_n3A_386 = arith.select %and3A_207, %gather3A_385, %gather3A_384 : vector<16xi1>, vector<16xf32>
          %mul3A_387 = arith.constant 32 : i32
          %mul3A_388 = vector.broadcast %mul3A_387 : i32 to vector<16xi32>
          %mul3A_389 = arith.muli %add3A_192, %mul3A_388 : vector<16xi32>
          %add3A_390 = arith.constant 16 : i32
          %add3A_391 = vector.broadcast %add3A_390 : i32 to vector<16xi32>
          %add3A_392 = arith.addi %mul3A_389, %add3A_391 : vector<16xi32>
          tpu.vector_store_idx %arg15[%add3A_392], %select_n3A_386 : memref<8192xf32, #tpu.memory_space<vmem>>[vector<16xi32>], vector<16xf32>,
          %broadcast_in_dim3A_393 = arith.constant 17 : i32
          %broadcast_in_dim3A_394 = vector.broadcast %broadcast_in_dim3A_393 : i32 to vector<16xi32>
          %gather3A_395 = tpu.vector_load_idx %arg7[%broadcast_in_dim3A_394, %min3A_195] : memref<32x1024xf32, #tpu.memory_space<vmem>>[vector<16xi32>, vector<16xi32>], vector<16xf32>,
          %gather3A_396 = tpu.vector_load_idx %arg9[%min3A_203, %broadcast_in_dim3A_394] : memref<64x32xf32, #tpu.memory_space<vmem>>[vector<16xi32>, vector<16xi32>], vector<16xf32>,
          %select_n3A_397 = arith.select %and3A_207, %gather3A_396, %gather3A_395 : vector<16xi1>, vector<16xf32>
          %mul3A_398 = arith.constant 32 : i32
          %mul3A_399 = vector.broadcast %mul3A_398 : i32 to vector<16xi32>
          %mul3A_400 = arith.muli %add3A_192, %mul3A_399 : vector<16xi32>
          %add3A_401 = arith.constant 17 : i32
          %add3A_402 = vector.broadcast %add3A_401 : i32 to vector<16xi32>
          %add3A_403 = arith.addi %mul3A_400, %add3A_402 : vector<16xi32>
          tpu.vector_store_idx %arg15[%add3A_403], %select_n3A_397 : memref<8192xf32, #tpu.memory_space<vmem>>[vector<16xi32>], vector<16xf32>,
          %broadcast_in_dim3A_404 = arith.constant 18 : i32
          %broadcast_in_dim3A_405 = vector.broadcast %broadcast_in_dim3A_404 : i32 to vector<16xi32>
          %gather3A_406 = tpu.vector_load_idx %arg7[%broadcast_in_dim3A_405, %min3A_195] : memref<32x1024xf32, #tpu.memory_space<vmem>>[vector<16xi32>, vector<16xi32>], vector<16xf32>,
          %gather3A_407 = tpu.vector_load_idx %arg9[%min3A_203, %broadcast_in_dim3A_405] : memref<64x32xf32, #tpu.memory_space<vmem>>[vector<16xi32>, vector<16xi32>], vector<16xf32>,
          %select_n3A_408 = arith.select %and3A_207, %gather3A_407, %gather3A_406 : vector<16xi1>, vector<16xf32>
          %mul3A_409 = arith.constant 32 : i32
          %mul3A_410 = vector.broadcast %mul3A_409 : i32 to vector<16xi32>
          %mul3A_411 = arith.muli %add3A_192, %mul3A_410 : vector<16xi32>
          %add3A_412 = arith.constant 18 : i32
          %add3A_413 = vector.broadcast %add3A_412 : i32 to vector<16xi32>
          %add3A_414 = arith.addi %mul3A_411, %add3A_413 : vector<16xi32>
          tpu.vector_store_idx %arg15[%add3A_414], %select_n3A_408 : memref<8192xf32, #tpu.memory_space<vmem>>[vector<16xi32>], vector<16xf32>,
          %broadcast_in_dim3A_415 = arith.constant 19 : i32
          %broadcast_in_dim3A_416 = vector.broadcast %broadcast_in_dim3A_415 : i32 to vector<16xi32>
          %gather3A_417 = tpu.vector_load_idx %arg7[%broadcast_in_dim3A_416, %min3A_195] : memref<32x1024xf32, #tpu.memory_space<vmem>>[vector<16xi32>, vector<16xi32>], vector<16xf32>,
          %gather3A_418 = tpu.vector_load_idx %arg9[%min3A_203, %broadcast_in_dim3A_416] : memref<64x32xf32, #tpu.memory_space<vmem>>[vector<16xi32>, vector<16xi32>], vector<16xf32>,
          %select_n3A_419 = arith.select %and3A_207, %gather3A_418, %gather3A_417 : vector<16xi1>, vector<16xf32>
          %mul3A_420 = arith.constant 32 : i32
          %mul3A_421 = vector.broadcast %mul3A_420 : i32 to vector<16xi32>
          %mul3A_422 = arith.muli %add3A_192, %mul3A_421 : vector<16xi32>
          %add3A_423 = arith.constant 19 : i32
          %add3A_424 = vector.broadcast %add3A_423 : i32 to vector<16xi32>
          %add3A_425 = arith.addi %mul3A_422, %add3A_424 : vector<16xi32>
          tpu.vector_store_idx %arg15[%add3A_425], %select_n3A_419 : memref<8192xf32, #tpu.memory_space<vmem>>[vector<16xi32>], vector<16xf32>,
          %broadcast_in_dim3A_426 = arith.constant 20 : i32
          %broadcast_in_dim3A_427 = vector.broadcast %broadcast_in_dim3A_426 : i32 to vector<16xi32>
          %gather3A_428 = tpu.vector_load_idx %arg7[%broadcast_in_dim3A_427, %min3A_195] : memref<32x1024xf32, #tpu.memory_space<vmem>>[vector<16xi32>, vector<16xi32>], vector<16xf32>,
          %gather3A_429 = tpu.vector_load_idx %arg9[%min3A_203, %broadcast_in_dim3A_427] : memref<64x32xf32, #tpu.memory_space<vmem>>[vector<16xi32>, vector<16xi32>], vector<16xf32>,
          %select_n3A_430 = arith.select %and3A_207, %gather3A_429, %gather3A_428 : vector<16xi1>, vector<16xf32>
          %mul3A_431 = arith.constant 32 : i32
          %mul3A_432 = vector.broadcast %mul3A_431 : i32 to vector<16xi32>
          %mul3A_433 = arith.muli %add3A_192, %mul3A_432 : vector<16xi32>
          %add3A_434 = arith.constant 20 : i32
          %add3A_435 = vector.broadcast %add3A_434 : i32 to vector<16xi32>
          %add3A_436 = arith.addi %mul3A_433, %add3A_435 : vector<16xi32>
          tpu.vector_store_idx %arg15[%add3A_436], %select_n3A_430 : memref<8192xf32, #tpu.memory_space<vmem>>[vector<16xi32>], vector<16xf32>,
          %broadcast_in_dim3A_437 = arith.constant 21 : i32
          %broadcast_in_dim3A_438 = vector.broadcast %broadcast_in_dim3A_437 : i32 to vector<16xi32>
          %gather3A_439 = tpu.vector_load_idx %arg7[%broadcast_in_dim3A_438, %min3A_195] : memref<32x1024xf32, #tpu.memory_space<vmem>>[vector<16xi32>, vector<16xi32>], vector<16xf32>,
          %gather3A_440 = tpu.vector_load_idx %arg9[%min3A_203, %broadcast_in_dim3A_438] : memref<64x32xf32, #tpu.memory_space<vmem>>[vector<16xi32>, vector<16xi32>], vector<16xf32>,
          %select_n3A_441 = arith.select %and3A_207, %gather3A_440, %gather3A_439 : vector<16xi1>, vector<16xf32>
          %mul3A_442 = arith.constant 32 : i32
          %mul3A_443 = vector.broadcast %mul3A_442 : i32 to vector<16xi32>
          %mul3A_444 = arith.muli %add3A_192, %mul3A_443 : vector<16xi32>
          %add3A_445 = arith.constant 21 : i32
          %add3A_446 = vector.broadcast %add3A_445 : i32 to vector<16xi32>
          %add3A_447 = arith.addi %mul3A_444, %add3A_446 : vector<16xi32>
          tpu.vector_store_idx %arg15[%add3A_447], %select_n3A_441 : memref<8192xf32, #tpu.memory_space<vmem>>[vector<16xi32>], vector<16xf32>,
          %broadcast_in_dim3A_448 = arith.constant 22 : i32
          %broadcast_in_dim3A_449 = vector.broadcast %broadcast_in_dim3A_448 : i32 to vector<16xi32>
          %gather3A_450 = tpu.vector_load_idx %arg7[%broadcast_in_dim3A_449, %min3A_195] : memref<32x1024xf32, #tpu.memory_space<vmem>>[vector<16xi32>, vector<16xi32>], vector<16xf32>,
          %gather3A_451 = tpu.vector_load_idx %arg9[%min3A_203, %broadcast_in_dim3A_449] : memref<64x32xf32, #tpu.memory_space<vmem>>[vector<16xi32>, vector<16xi32>], vector<16xf32>,
          %select_n3A_452 = arith.select %and3A_207, %gather3A_451, %gather3A_450 : vector<16xi1>, vector<16xf32>
          %mul3A_453 = arith.constant 32 : i32
          %mul3A_454 = vector.broadcast %mul3A_453 : i32 to vector<16xi32>
          %mul3A_455 = arith.muli %add3A_192, %mul3A_454 : vector<16xi32>
          %add3A_456 = arith.constant 22 : i32
          %add3A_457 = vector.broadcast %add3A_456 : i32 to vector<16xi32>
          %add3A_458 = arith.addi %mul3A_455, %add3A_457 : vector<16xi32>
          tpu.vector_store_idx %arg15[%add3A_458], %select_n3A_452 : memref<8192xf32, #tpu.memory_space<vmem>>[vector<16xi32>], vector<16xf32>,
          %broadcast_in_dim3A_459 = arith.constant 23 : i32
          %broadcast_in_dim3A_460 = vector.broadcast %broadcast_in_dim3A_459 : i32 to vector<16xi32>
          %gather3A_461 = tpu.vector_load_idx %arg7[%broadcast_in_dim3A_460, %min3A_195] : memref<32x1024xf32, #tpu.memory_space<vmem>>[vector<16xi32>, vector<16xi32>], vector<16xf32>,
          %gather3A_462 = tpu.vector_load_idx %arg9[%min3A_203, %broadcast_in_dim3A_460] : memref<64x32xf32, #tpu.memory_space<vmem>>[vector<16xi32>, vector<16xi32>], vector<16xf32>,
          %select_n3A_463 = arith.select %and3A_207, %gather3A_462, %gather3A_461 : vector<16xi1>, vector<16xf32>
          %mul3A_464 = arith.constant 32 : i32
          %mul3A_465 = vector.broadcast %mul3A_464 : i32 to vector<16xi32>
          %mul3A_466 = arith.muli %add3A_192, %mul3A_465 : vector<16xi32>
          %add3A_467 = arith.constant 23 : i32
          %add3A_468 = vector.broadcast %add3A_467 : i32 to vector<16xi32>
          %add3A_469 = arith.addi %mul3A_466, %add3A_468 : vector<16xi32>
          tpu.vector_store_idx %arg15[%add3A_469], %select_n3A_463 : memref<8192xf32, #tpu.memory_space<vmem>>[vector<16xi32>], vector<16xf32>,
          %broadcast_in_dim3A_470 = arith.constant 24 : i32
          %broadcast_in_dim3A_471 = vector.broadcast %broadcast_in_dim3A_470 : i32 to vector<16xi32>
          %gather3A_472 = tpu.vector_load_idx %arg7[%broadcast_in_dim3A_471, %min3A_195] : memref<32x1024xf32, #tpu.memory_space<vmem>>[vector<16xi32>, vector<16xi32>], vector<16xf32>,
          %gather3A_473 = tpu.vector_load_idx %arg9[%min3A_203, %broadcast_in_dim3A_471] : memref<64x32xf32, #tpu.memory_space<vmem>>[vector<16xi32>, vector<16xi32>], vector<16xf32>,
          %select_n3A_474 = arith.select %and3A_207, %gather3A_473, %gather3A_472 : vector<16xi1>, vector<16xf32>
          %mul3A_475 = arith.constant 32 : i32
          %mul3A_476 = vector.broadcast %mul3A_475 : i32 to vector<16xi32>
          %mul3A_477 = arith.muli %add3A_192, %mul3A_476 : vector<16xi32>
          %add3A_478 = arith.constant 24 : i32
          %add3A_479 = vector.broadcast %add3A_478 : i32 to vector<16xi32>
          %add3A_480 = arith.addi %mul3A_477, %add3A_479 : vector<16xi32>
          tpu.vector_store_idx %arg15[%add3A_480], %select_n3A_474 : memref<8192xf32, #tpu.memory_space<vmem>>[vector<16xi32>], vector<16xf32>,
          %broadcast_in_dim3A_481 = arith.constant 25 : i32
          %broadcast_in_dim3A_482 = vector.broadcast %broadcast_in_dim3A_481 : i32 to vector<16xi32>
          %gather3A_483 = tpu.vector_load_idx %arg7[%broadcast_in_dim3A_482, %min3A_195] : memref<32x1024xf32, #tpu.memory_space<vmem>>[vector<16xi32>, vector<16xi32>], vector<16xf32>,
          %gather3A_484 = tpu.vector_load_idx %arg9[%min3A_203, %broadcast_in_dim3A_482] : memref<64x32xf32, #tpu.memory_space<vmem>>[vector<16xi32>, vector<16xi32>], vector<16xf32>,
          %select_n3A_485 = arith.select %and3A_207, %gather3A_484, %gather3A_483 : vector<16xi1>, vector<16xf32>
          %mul3A_486 = arith.constant 32 : i32
          %mul3A_487 = vector.broadcast %mul3A_486 : i32 to vector<16xi32>
          %mul3A_488 = arith.muli %add3A_192, %mul3A_487 : vector<16xi32>
          %add3A_489 = arith.constant 25 : i32
          %add3A_490 = vector.broadcast %add3A_489 : i32 to vector<16xi32>
          %add3A_491 = arith.addi %mul3A_488, %add3A_490 : vector<16xi32>
          tpu.vector_store_idx %arg15[%add3A_491], %select_n3A_485 : memref<8192xf32, #tpu.memory_space<vmem>>[vector<16xi32>], vector<16xf32>,
          %broadcast_in_dim3A_492 = arith.constant 26 : i32
          %broadcast_in_dim3A_493 = vector.broadcast %broadcast_in_dim3A_492 : i32 to vector<16xi32>
          %gather3A_494 = tpu.vector_load_idx %arg7[%broadcast_in_dim3A_493, %min3A_195] : memref<32x1024xf32, #tpu.memory_space<vmem>>[vector<16xi32>, vector<16xi32>], vector<16xf32>,
          %gather3A_495 = tpu.vector_load_idx %arg9[%min3A_203, %broadcast_in_dim3A_493] : memref<64x32xf32, #tpu.memory_space<vmem>>[vector<16xi32>, vector<16xi32>], vector<16xf32>,
          %select_n3A_496 = arith.select %and3A_207, %gather3A_495, %gather3A_494 : vector<16xi1>, vector<16xf32>
          %mul3A_497 = arith.constant 32 : i32
          %mul3A_498 = vector.broadcast %mul3A_497 : i32 to vector<16xi32>
          %mul3A_499 = arith.muli %add3A_192, %mul3A_498 : vector<16xi32>
          %add3A_500 = arith.constant 26 : i32
          %add3A_501 = vector.broadcast %add3A_500 : i32 to vector<16xi32>
          %add3A_502 = arith.addi %mul3A_499, %add3A_501 : vector<16xi32>
          tpu.vector_store_idx %arg15[%add3A_502], %select_n3A_496 : memref<8192xf32, #tpu.memory_space<vmem>>[vector<16xi32>], vector<16xf32>,
          %broadcast_in_dim3A_503 = arith.constant 27 : i32
          %broadcast_in_dim3A_504 = vector.broadcast %broadcast_in_dim3A_503 : i32 to vector<16xi32>
          %gather3A_505 = tpu.vector_load_idx %arg7[%broadcast_in_dim3A_504, %min3A_195] : memref<32x1024xf32, #tpu.memory_space<vmem>>[vector<16xi32>, vector<16xi32>], vector<16xf32>,
          %gather3A_506 = tpu.vector_load_idx %arg9[%min3A_203, %broadcast_in_dim3A_504] : memref<64x32xf32, #tpu.memory_space<vmem>>[vector<16xi32>, vector<16xi32>], vector<16xf32>,
          %select_n3A_507 = arith.select %and3A_207, %gather3A_506, %gather3A_505 : vector<16xi1>, vector<16xf32>
          %mul3A_508 = arith.constant 32 : i32
          %mul3A_509 = vector.broadcast %mul3A_508 : i32 to vector<16xi32>
          %mul3A_510 = arith.muli %add3A_192, %mul3A_509 : vector<16xi32>
          %add3A_511 = arith.constant 27 : i32
          %add3A_512 = vector.broadcast %add3A_511 : i32 to vector<16xi32>
          %add3A_513 = arith.addi %mul3A_510, %add3A_512 : vector<16xi32>
          tpu.vector_store_idx %arg15[%add3A_513], %select_n3A_507 : memref<8192xf32, #tpu.memory_space<vmem>>[vector<16xi32>], vector<16xf32>,
          %broadcast_in_dim3A_514 = arith.constant 28 : i32
          %broadcast_in_dim3A_515 = vector.broadcast %broadcast_in_dim3A_514 : i32 to vector<16xi32>
          %gather3A_516 = tpu.vector_load_idx %arg7[%broadcast_in_dim3A_515, %min3A_195] : memref<32x1024xf32, #tpu.memory_space<vmem>>[vector<16xi32>, vector<16xi32>], vector<16xf32>,
          %gather3A_517 = tpu.vector_load_idx %arg9[%min3A_203, %broadcast_in_dim3A_515] : memref<64x32xf32, #tpu.memory_space<vmem>>[vector<16xi32>, vector<16xi32>], vector<16xf32>,
          %select_n3A_518 = arith.select %and3A_207, %gather3A_517, %gather3A_516 : vector<16xi1>, vector<16xf32>
          %mul3A_519 = arith.constant 32 : i32
          %mul3A_520 = vector.broadcast %mul3A_519 : i32 to vector<16xi32>
          %mul3A_521 = arith.muli %add3A_192, %mul3A_520 : vector<16xi32>
          %add3A_522 = arith.constant 28 : i32
          %add3A_523 = vector.broadcast %add3A_522 : i32 to vector<16xi32>
          %add3A_524 = arith.addi %mul3A_521, %add3A_523 : vector<16xi32>
          tpu.vector_store_idx %arg15[%add3A_524], %select_n3A_518 : memref<8192xf32, #tpu.memory_space<vmem>>[vector<16xi32>], vector<16xf32>,
          %broadcast_in_dim3A_525 = arith.constant 29 : i32
          %broadcast_in_dim3A_526 = vector.broadcast %broadcast_in_dim3A_525 : i32 to vector<16xi32>
          %gather3A_527 = tpu.vector_load_idx %arg7[%broadcast_in_dim3A_526, %min3A_195] : memref<32x1024xf32, #tpu.memory_space<vmem>>[vector<16xi32>, vector<16xi32>], vector<16xf32>,
          %gather3A_528 = tpu.vector_load_idx %arg9[%min3A_203, %broadcast_in_dim3A_526] : memref<64x32xf32, #tpu.memory_space<vmem>>[vector<16xi32>, vector<16xi32>], vector<16xf32>,
          %select_n3A_529 = arith.select %and3A_207, %gather3A_528, %gather3A_527 : vector<16xi1>, vector<16xf32>
          %mul3A_530 = arith.constant 32 : i32
          %mul3A_531 = vector.broadcast %mul3A_530 : i32 to vector<16xi32>
          %mul3A_532 = arith.muli %add3A_192, %mul3A_531 : vector<16xi32>
          %add3A_533 = arith.constant 29 : i32
          %add3A_534 = vector.broadcast %add3A_533 : i32 to vector<16xi32>
          %add3A_535 = arith.addi %mul3A_532, %add3A_534 : vector<16xi32>
          tpu.vector_store_idx %arg15[%add3A_535], %select_n3A_529 : memref<8192xf32, #tpu.memory_space<vmem>>[vector<16xi32>], vector<16xf32>,
          %broadcast_in_dim3A_536 = arith.constant 30 : i32
          %broadcast_in_dim3A_537 = vector.broadcast %broadcast_in_dim3A_536 : i32 to vector<16xi32>
          %gather3A_538 = tpu.vector_load_idx %arg7[%broadcast_in_dim3A_537, %min3A_195] : memref<32x1024xf32, #tpu.memory_space<vmem>>[vector<16xi32>, vector<16xi32>], vector<16xf32>,
          %gather3A_539 = tpu.vector_load_idx %arg9[%min3A_203, %broadcast_in_dim3A_537] : memref<64x32xf32, #tpu.memory_space<vmem>>[vector<16xi32>, vector<16xi32>], vector<16xf32>,
          %select_n3A_540 = arith.select %and3A_207, %gather3A_539, %gather3A_538 : vector<16xi1>, vector<16xf32>
          %mul3A_541 = arith.constant 32 : i32
          %mul3A_542 = vector.broadcast %mul3A_541 : i32 to vector<16xi32>
          %mul3A_543 = arith.muli %add3A_192, %mul3A_542 : vector<16xi32>
          %add3A_544 = arith.constant 30 : i32
          %add3A_545 = vector.broadcast %add3A_544 : i32 to vector<16xi32>
          %add3A_546 = arith.addi %mul3A_543, %add3A_545 : vector<16xi32>
          tpu.vector_store_idx %arg15[%add3A_546], %select_n3A_540 : memref<8192xf32, #tpu.memory_space<vmem>>[vector<16xi32>], vector<16xf32>,
          %broadcast_in_dim3A_547 = arith.constant 31 : i32
          %broadcast_in_dim3A_548 = vector.broadcast %broadcast_in_dim3A_547 : i32 to vector<16xi32>
          %gather3A_549 = tpu.vector_load_idx %arg7[%broadcast_in_dim3A_548, %min3A_195] : memref<32x1024xf32, #tpu.memory_space<vmem>>[vector<16xi32>, vector<16xi32>], vector<16xf32>,
          %gather3A_550 = tpu.vector_load_idx %arg9[%min3A_203, %broadcast_in_dim3A_548] : memref<64x32xf32, #tpu.memory_space<vmem>>[vector<16xi32>, vector<16xi32>], vector<16xf32>,
          %select_n3A_551 = arith.select %and3A_207, %gather3A_550, %gather3A_549 : vector<16xi1>, vector<16xf32>
          %mul3A_552 = arith.constant 32 : i32
          %mul3A_553 = vector.broadcast %mul3A_552 : i32 to vector<16xi32>
          %mul3A_554 = arith.muli %add3A_192, %mul3A_553 : vector<16xi32>
          %add3A_555 = arith.constant 31 : i32
          %add3A_556 = vector.broadcast %add3A_555 : i32 to vector<16xi32>
          %add3A_557 = arith.addi %mul3A_554, %add3A_556 : vector<16xi32>
          tpu.vector_store_idx %arg15[%add3A_557], %select_n3A_551 : memref<8192xf32, #tpu.memory_space<vmem>>[vector<16xi32>], vector<16xf32>,
        }
        %while3A_156 = arith.constant 1 : i32
        scf.for %while3A_185 = %while3A_154 to %while3A_150 step %while3A_156  : i32 {
          %mul3A_186 = arith.constant 16 : i32
          %mul3A_187 = arith.muli %while3A_185, %mul3A_186 : i32
          %get3A = arith.index_cast %mul3A_187 : i32 to index
          %get3A_188 = tpu.vector_load %arg14[%get3A] {strides = array<i32>} : memref<256xi32, #tpu.memory_space<vmem>>, vector<16xi32>,
          %mul3A_189 = arith.constant 16 : i32
          %mul3A_190 = arith.muli %while3A_185, %mul3A_189 : i32
          %add3A_191 = vector.broadcast %mul3A_190 : i32 to vector<16xi32>
          %add3A_192 = arith.addi %add3A_191, %iota3A : vector<16xi32>
          %min3A_193 = arith.constant 1023 : i32
          %min3A_194 = vector.broadcast %min3A_193 : i32 to vector<16xi32>
          %min3A_195 = arith.minsi %get3A_188, %min3A_194 : vector<16xi32>
          %sub3A_196 = arith.constant 512 : i32
          %sub3A_197 = vector.broadcast %sub3A_196 : i32 to vector<16xi32>
          %sub3A_198 = arith.subi %get3A_188, %sub3A_197 : vector<16xi32>
          %jit3A_199 = arith.constant 0 : i32
          %jit3A_200 = arith.constant 63 : i32
          %max3A = vector.broadcast %jit3A_199 : i32 to vector<16xi32>
          %max3A_201 = arith.maxsi %max3A, %sub3A_198 : vector<16xi32>
          %min3A_202 = vector.broadcast %jit3A_200 : i32 to vector<16xi32>
          %min3A_203 = arith.minsi %min3A_202, %max3A_201 : vector<16xi32>
          %ge3A = arith.constant 512 : i32
          %ge3A_204 = vector.broadcast %ge3A : i32 to vector<16xi32>
          %ge3A_205 = arith.cmpi sge, %get3A_188, %ge3A_204 : vector<16xi32>
          %and3A_206 = vector.broadcast %and3A_83 : i1 to vector<16xi1>
          %and3A_207 = arith.andi %and3A_206, %ge3A_205 : vector<16xi1>
          %broadcast_in_dim3A = arith.constant 0 : i32
          %broadcast_in_dim3A_208 = vector.broadcast %broadcast_in_dim3A : i32 to vector<16xi32>
          %gather3A = tpu.vector_load_idx %arg7[%broadcast_in_dim3A_208, %min3A_195] : memref<32x1024xf32, #tpu.memory_space<vmem>>[vector<16xi32>, vector<16xi32>], vector<16xf32>,
          %gather3A_209 = tpu.vector_load_idx %arg9[%min3A_203, %broadcast_in_dim3A_208] : memref<64x32xf32, #tpu.memory_space<vmem>>[vector<16xi32>, vector<16xi32>], vector<16xf32>,
          %select_n3A_210 = arith.select %and3A_207, %gather3A_209, %gather3A : vector<16xi1>, vector<16xf32>
          %mul3A_211 = arith.constant 32 : i32
          %mul3A_212 = vector.broadcast %mul3A_211 : i32 to vector<16xi32>
          %mul3A_213 = arith.muli %add3A_192, %mul3A_212 : vector<16xi32>
          %add3A_214 = arith.constant 0 : i32
          %add3A_215 = vector.broadcast %add3A_214 : i32 to vector<16xi32>
          %add3A_216 = arith.addi %mul3A_213, %add3A_215 : vector<16xi32>
          tpu.vector_store_idx %arg15[%add3A_216], %select_n3A_210 : memref<8192xf32, #tpu.memory_space<vmem>>[vector<16xi32>], vector<16xf32>,
          %broadcast_in_dim3A_217 = arith.constant 1 : i32
          %broadcast_in_dim3A_218 = vector.broadcast %broadcast_in_dim3A_217 : i32 to vector<16xi32>
          %gather3A_219 = tpu.vector_load_idx %arg7[%broadcast_in_dim3A_218, %min3A_195] : memref<32x1024xf32, #tpu.memory_space<vmem>>[vector<16xi32>, vector<16xi32>], vector<16xf32>,
          %gather3A_220 = tpu.vector_load_idx %arg9[%min3A_203, %broadcast_in_dim3A_218] : memref<64x32xf32, #tpu.memory_space<vmem>>[vector<16xi32>, vector<16xi32>], vector<16xf32>,
          %select_n3A_221 = arith.select %and3A_207, %gather3A_220, %gather3A_219 : vector<16xi1>, vector<16xf32>
          %mul3A_222 = arith.constant 32 : i32
          %mul3A_223 = vector.broadcast %mul3A_222 : i32 to vector<16xi32>
          %mul3A_224 = arith.muli %add3A_192, %mul3A_223 : vector<16xi32>
          %add3A_225 = arith.constant 1 : i32
          %add3A_226 = vector.broadcast %add3A_225 : i32 to vector<16xi32>
          %add3A_227 = arith.addi %mul3A_224, %add3A_226 : vector<16xi32>
          tpu.vector_store_idx %arg15[%add3A_227], %select_n3A_221 : memref<8192xf32, #tpu.memory_space<vmem>>[vector<16xi32>], vector<16xf32>,
          %broadcast_in_dim3A_228 = arith.constant 2 : i32
          %broadcast_in_dim3A_229 = vector.broadcast %broadcast_in_dim3A_228 : i32 to vector<16xi32>
          %gather3A_230 = tpu.vector_load_idx %arg7[%broadcast_in_dim3A_229, %min3A_195] : memref<32x1024xf32, #tpu.memory_space<vmem>>[vector<16xi32>, vector<16xi32>], vector<16xf32>,
          %gather3A_231 = tpu.vector_load_idx %arg9[%min3A_203, %broadcast_in_dim3A_229] : memref<64x32xf32, #tpu.memory_space<vmem>>[vector<16xi32>, vector<16xi32>], vector<16xf32>,
          %select_n3A_232 = arith.select %and3A_207, %gather3A_231, %gather3A_230 : vector<16xi1>, vector<16xf32>
          %mul3A_233 = arith.constant 32 : i32
          %mul3A_234 = vector.broadcast %mul3A_233 : i32 to vector<16xi32>
          %mul3A_235 = arith.muli %add3A_192, %mul3A_234 : vector<16xi32>
          %add3A_236 = arith.constant 2 : i32
          %add3A_237 = vector.broadcast %add3A_236 : i32 to vector<16xi32>
          %add3A_238 = arith.addi %mul3A_235, %add3A_237 : vector<16xi32>
          tpu.vector_store_idx %arg15[%add3A_238], %select_n3A_232 : memref<8192xf32, #tpu.memory_space<vmem>>[vector<16xi32>], vector<16xf32>,
          %broadcast_in_dim3A_239 = arith.constant 3 : i32
          %broadcast_in_dim3A_240 = vector.broadcast %broadcast_in_dim3A_239 : i32 to vector<16xi32>
          %gather3A_241 = tpu.vector_load_idx %arg7[%broadcast_in_dim3A_240, %min3A_195] : memref<32x1024xf32, #tpu.memory_space<vmem>>[vector<16xi32>, vector<16xi32>], vector<16xf32>,
          %gather3A_242 = tpu.vector_load_idx %arg9[%min3A_203, %broadcast_in_dim3A_240] : memref<64x32xf32, #tpu.memory_space<vmem>>[vector<16xi32>, vector<16xi32>], vector<16xf32>,
          %select_n3A_243 = arith.select %and3A_207, %gather3A_242, %gather3A_241 : vector<16xi1>, vector<16xf32>
          %mul3A_244 = arith.constant 32 : i32
          %mul3A_245 = vector.broadcast %mul3A_244 : i32 to vector<16xi32>
          %mul3A_246 = arith.muli %add3A_192, %mul3A_245 : vector<16xi32>
          %add3A_247 = arith.constant 3 : i32
          %add3A_248 = vector.broadcast %add3A_247 : i32 to vector<16xi32>
          %add3A_249 = arith.addi %mul3A_246, %add3A_248 : vector<16xi32>
          tpu.vector_store_idx %arg15[%add3A_249], %select_n3A_243 : memref<8192xf32, #tpu.memory_space<vmem>>[vector<16xi32>], vector<16xf32>,
          %broadcast_in_dim3A_250 = arith.constant 4 : i32
          %broadcast_in_dim3A_251 = vector.broadcast %broadcast_in_dim3A_250 : i32 to vector<16xi32>
          %gather3A_252 = tpu.vector_load_idx %arg7[%broadcast_in_dim3A_251, %min3A_195] : memref<32x1024xf32, #tpu.memory_space<vmem>>[vector<16xi32>, vector<16xi32>], vector<16xf32>,
          %gather3A_253 = tpu.vector_load_idx %arg9[%min3A_203, %broadcast_in_dim3A_251] : memref<64x32xf32, #tpu.memory_space<vmem>>[vector<16xi32>, vector<16xi32>], vector<16xf32>,
          %select_n3A_254 = arith.select %and3A_207, %gather3A_253, %gather3A_252 : vector<16xi1>, vector<16xf32>
          %mul3A_255 = arith.constant 32 : i32
          %mul3A_256 = vector.broadcast %mul3A_255 : i32 to vector<16xi32>
          %mul3A_257 = arith.muli %add3A_192, %mul3A_256 : vector<16xi32>
          %add3A_258 = arith.constant 4 : i32
          %add3A_259 = vector.broadcast %add3A_258 : i32 to vector<16xi32>
          %add3A_260 = arith.addi %mul3A_257, %add3A_259 : vector<16xi32>
          tpu.vector_store_idx %arg15[%add3A_260], %select_n3A_254 : memref<8192xf32, #tpu.memory_space<vmem>>[vector<16xi32>], vector<16xf32>,
          %broadcast_in_dim3A_261 = arith.constant 5 : i32
          %broadcast_in_dim3A_262 = vector.broadcast %broadcast_in_dim3A_261 : i32 to vector<16xi32>
          %gather3A_263 = tpu.vector_load_idx %arg7[%broadcast_in_dim3A_262, %min3A_195] : memref<32x1024xf32, #tpu.memory_space<vmem>>[vector<16xi32>, vector<16xi32>], vector<16xf32>,
          %gather3A_264 = tpu.vector_load_idx %arg9[%min3A_203, %broadcast_in_dim3A_262] : memref<64x32xf32, #tpu.memory_space<vmem>>[vector<16xi32>, vector<16xi32>], vector<16xf32>,
          %select_n3A_265 = arith.select %and3A_207, %gather3A_264, %gather3A_263 : vector<16xi1>, vector<16xf32>
          %mul3A_266 = arith.constant 32 : i32
          %mul3A_267 = vector.broadcast %mul3A_266 : i32 to vector<16xi32>
          %mul3A_268 = arith.muli %add3A_192, %mul3A_267 : vector<16xi32>
          %add3A_269 = arith.constant 5 : i32
          %add3A_270 = vector.broadcast %add3A_269 : i32 to vector<16xi32>
          %add3A_271 = arith.addi %mul3A_268, %add3A_270 : vector<16xi32>
          tpu.vector_store_idx %arg15[%add3A_271], %select_n3A_265 : memref<8192xf32, #tpu.memory_space<vmem>>[vector<16xi32>], vector<16xf32>,
          %broadcast_in_dim3A_272 = arith.constant 6 : i32
          %broadcast_in_dim3A_273 = vector.broadcast %broadcast_in_dim3A_272 : i32 to vector<16xi32>
          %gather3A_274 = tpu.vector_load_idx %arg7[%broadcast_in_dim3A_273, %min3A_195] : memref<32x1024xf32, #tpu.memory_space<vmem>>[vector<16xi32>, vector<16xi32>], vector<16xf32>,
          %gather3A_275 = tpu.vector_load_idx %arg9[%min3A_203, %broadcast_in_dim3A_273] : memref<64x32xf32, #tpu.memory_space<vmem>>[vector<16xi32>, vector<16xi32>], vector<16xf32>,
          %select_n3A_276 = arith.select %and3A_207, %gather3A_275, %gather3A_274 : vector<16xi1>, vector<16xf32>
          %mul3A_277 = arith.constant 32 : i32
          %mul3A_278 = vector.broadcast %mul3A_277 : i32 to vector<16xi32>
          %mul3A_279 = arith.muli %add3A_192, %mul3A_278 : vector<16xi32>
          %add3A_280 = arith.constant 6 : i32
          %add3A_281 = vector.broadcast %add3A_280 : i32 to vector<16xi32>
          %add3A_282 = arith.addi %mul3A_279, %add3A_281 : vector<16xi32>
          tpu.vector_store_idx %arg15[%add3A_282], %select_n3A_276 : memref<8192xf32, #tpu.memory_space<vmem>>[vector<16xi32>], vector<16xf32>,
          %broadcast_in_dim3A_283 = arith.constant 7 : i32
          %broadcast_in_dim3A_284 = vector.broadcast %broadcast_in_dim3A_283 : i32 to vector<16xi32>
          %gather3A_285 = tpu.vector_load_idx %arg7[%broadcast_in_dim3A_284, %min3A_195] : memref<32x1024xf32, #tpu.memory_space<vmem>>[vector<16xi32>, vector<16xi32>], vector<16xf32>,
          %gather3A_286 = tpu.vector_load_idx %arg9[%min3A_203, %broadcast_in_dim3A_284] : memref<64x32xf32, #tpu.memory_space<vmem>>[vector<16xi32>, vector<16xi32>], vector<16xf32>,
          %select_n3A_287 = arith.select %and3A_207, %gather3A_286, %gather3A_285 : vector<16xi1>, vector<16xf32>
          %mul3A_288 = arith.constant 32 : i32
          %mul3A_289 = vector.broadcast %mul3A_288 : i32 to vector<16xi32>
          %mul3A_290 = arith.muli %add3A_192, %mul3A_289 : vector<16xi32>
          %add3A_291 = arith.constant 7 : i32
          %add3A_292 = vector.broadcast %add3A_291 : i32 to vector<16xi32>
          %add3A_293 = arith.addi %mul3A_290, %add3A_292 : vector<16xi32>
          tpu.vector_store_idx %arg15[%add3A_293], %select_n3A_287 : memref<8192xf32, #tpu.memory_space<vmem>>[vector<16xi32>], vector<16xf32>,
          %broadcast_in_dim3A_294 = arith.constant 8 : i32
          %broadcast_in_dim3A_295 = vector.broadcast %broadcast_in_dim3A_294 : i32 to vector<16xi32>
          %gather3A_296 = tpu.vector_load_idx %arg7[%broadcast_in_dim3A_295, %min3A_195] : memref<32x1024xf32, #tpu.memory_space<vmem>>[vector<16xi32>, vector<16xi32>], vector<16xf32>,
          %gather3A_297 = tpu.vector_load_idx %arg9[%min3A_203, %broadcast_in_dim3A_295] : memref<64x32xf32, #tpu.memory_space<vmem>>[vector<16xi32>, vector<16xi32>], vector<16xf32>,
          %select_n3A_298 = arith.select %and3A_207, %gather3A_297, %gather3A_296 : vector<16xi1>, vector<16xf32>
          %mul3A_299 = arith.constant 32 : i32
          %mul3A_300 = vector.broadcast %mul3A_299 : i32 to vector<16xi32>
          %mul3A_301 = arith.muli %add3A_192, %mul3A_300 : vector<16xi32>
          %add3A_302 = arith.constant 8 : i32
          %add3A_303 = vector.broadcast %add3A_302 : i32 to vector<16xi32>
          %add3A_304 = arith.addi %mul3A_301, %add3A_303 : vector<16xi32>
          tpu.vector_store_idx %arg15[%add3A_304], %select_n3A_298 : memref<8192xf32, #tpu.memory_space<vmem>>[vector<16xi32>], vector<16xf32>,
          %broadcast_in_dim3A_305 = arith.constant 9 : i32
          %broadcast_in_dim3A_306 = vector.broadcast %broadcast_in_dim3A_305 : i32 to vector<16xi32>
          %gather3A_307 = tpu.vector_load_idx %arg7[%broadcast_in_dim3A_306, %min3A_195] : memref<32x1024xf32, #tpu.memory_space<vmem>>[vector<16xi32>, vector<16xi32>], vector<16xf32>,
          %gather3A_308 = tpu.vector_load_idx %arg9[%min3A_203, %broadcast_in_dim3A_306] : memref<64x32xf32, #tpu.memory_space<vmem>>[vector<16xi32>, vector<16xi32>], vector<16xf32>,
          %select_n3A_309 = arith.select %and3A_207, %gather3A_308, %gather3A_307 : vector<16xi1>, vector<16xf32>
          %mul3A_310 = arith.constant 32 : i32
          %mul3A_311 = vector.broadcast %mul3A_310 : i32 to vector<16xi32>
          %mul3A_312 = arith.muli %add3A_192, %mul3A_311 : vector<16xi32>
          %add3A_313 = arith.constant 9 : i32
          %add3A_314 = vector.broadcast %add3A_313 : i32 to vector<16xi32>
          %add3A_315 = arith.addi %mul3A_312, %add3A_314 : vector<16xi32>
          tpu.vector_store_idx %arg15[%add3A_315], %select_n3A_309 : memref<8192xf32, #tpu.memory_space<vmem>>[vector<16xi32>], vector<16xf32>,
          %broadcast_in_dim3A_316 = arith.constant 10 : i32
          %broadcast_in_dim3A_317 = vector.broadcast %broadcast_in_dim3A_316 : i32 to vector<16xi32>
          %gather3A_318 = tpu.vector_load_idx %arg7[%broadcast_in_dim3A_317, %min3A_195] : memref<32x1024xf32, #tpu.memory_space<vmem>>[vector<16xi32>, vector<16xi32>], vector<16xf32>,
          %gather3A_319 = tpu.vector_load_idx %arg9[%min3A_203, %broadcast_in_dim3A_317] : memref<64x32xf32, #tpu.memory_space<vmem>>[vector<16xi32>, vector<16xi32>], vector<16xf32>,
          %select_n3A_320 = arith.select %and3A_207, %gather3A_319, %gather3A_318 : vector<16xi1>, vector<16xf32>
          %mul3A_321 = arith.constant 32 : i32
          %mul3A_322 = vector.broadcast %mul3A_321 : i32 to vector<16xi32>
          %mul3A_323 = arith.muli %add3A_192, %mul3A_322 : vector<16xi32>
          %add3A_324 = arith.constant 10 : i32
          %add3A_325 = vector.broadcast %add3A_324 : i32 to vector<16xi32>
          %add3A_326 = arith.addi %mul3A_323, %add3A_325 : vector<16xi32>
          tpu.vector_store_idx %arg15[%add3A_326], %select_n3A_320 : memref<8192xf32, #tpu.memory_space<vmem>>[vector<16xi32>], vector<16xf32>,
          %broadcast_in_dim3A_327 = arith.constant 11 : i32
          %broadcast_in_dim3A_328 = vector.broadcast %broadcast_in_dim3A_327 : i32 to vector<16xi32>
          %gather3A_329 = tpu.vector_load_idx %arg7[%broadcast_in_dim3A_328, %min3A_195] : memref<32x1024xf32, #tpu.memory_space<vmem>>[vector<16xi32>, vector<16xi32>], vector<16xf32>,
          %gather3A_330 = tpu.vector_load_idx %arg9[%min3A_203, %broadcast_in_dim3A_328] : memref<64x32xf32, #tpu.memory_space<vmem>>[vector<16xi32>, vector<16xi32>], vector<16xf32>,
          %select_n3A_331 = arith.select %and3A_207, %gather3A_330, %gather3A_329 : vector<16xi1>, vector<16xf32>
          %mul3A_332 = arith.constant 32 : i32
          %mul3A_333 = vector.broadcast %mul3A_332 : i32 to vector<16xi32>
          %mul3A_334 = arith.muli %add3A_192, %mul3A_333 : vector<16xi32>
          %add3A_335 = arith.constant 11 : i32
          %add3A_336 = vector.broadcast %add3A_335 : i32 to vector<16xi32>
          %add3A_337 = arith.addi %mul3A_334, %add3A_336 : vector<16xi32>
          tpu.vector_store_idx %arg15[%add3A_337], %select_n3A_331 : memref<8192xf32, #tpu.memory_space<vmem>>[vector<16xi32>], vector<16xf32>,
          %broadcast_in_dim3A_338 = arith.constant 12 : i32
          %broadcast_in_dim3A_339 = vector.broadcast %broadcast_in_dim3A_338 : i32 to vector<16xi32>
          %gather3A_340 = tpu.vector_load_idx %arg7[%broadcast_in_dim3A_339, %min3A_195] : memref<32x1024xf32, #tpu.memory_space<vmem>>[vector<16xi32>, vector<16xi32>], vector<16xf32>,
          %gather3A_341 = tpu.vector_load_idx %arg9[%min3A_203, %broadcast_in_dim3A_339] : memref<64x32xf32, #tpu.memory_space<vmem>>[vector<16xi32>, vector<16xi32>], vector<16xf32>,
          %select_n3A_342 = arith.select %and3A_207, %gather3A_341, %gather3A_340 : vector<16xi1>, vector<16xf32>
          %mul3A_343 = arith.constant 32 : i32
          %mul3A_344 = vector.broadcast %mul3A_343 : i32 to vector<16xi32>
          %mul3A_345 = arith.muli %add3A_192, %mul3A_344 : vector<16xi32>
          %add3A_346 = arith.constant 12 : i32
          %add3A_347 = vector.broadcast %add3A_346 : i32 to vector<16xi32>
          %add3A_348 = arith.addi %mul3A_345, %add3A_347 : vector<16xi32>
          tpu.vector_store_idx %arg15[%add3A_348], %select_n3A_342 : memref<8192xf32, #tpu.memory_space<vmem>>[vector<16xi32>], vector<16xf32>,
          %broadcast_in_dim3A_349 = arith.constant 13 : i32
          %broadcast_in_dim3A_350 = vector.broadcast %broadcast_in_dim3A_349 : i32 to vector<16xi32>
          %gather3A_351 = tpu.vector_load_idx %arg7[%broadcast_in_dim3A_350, %min3A_195] : memref<32x1024xf32, #tpu.memory_space<vmem>>[vector<16xi32>, vector<16xi32>], vector<16xf32>,
          %gather3A_352 = tpu.vector_load_idx %arg9[%min3A_203, %broadcast_in_dim3A_350] : memref<64x32xf32, #tpu.memory_space<vmem>>[vector<16xi32>, vector<16xi32>], vector<16xf32>,
          %select_n3A_353 = arith.select %and3A_207, %gather3A_352, %gather3A_351 : vector<16xi1>, vector<16xf32>
          %mul3A_354 = arith.constant 32 : i32
          %mul3A_355 = vector.broadcast %mul3A_354 : i32 to vector<16xi32>
          %mul3A_356 = arith.muli %add3A_192, %mul3A_355 : vector<16xi32>
          %add3A_357 = arith.constant 13 : i32
          %add3A_358 = vector.broadcast %add3A_357 : i32 to vector<16xi32>
          %add3A_359 = arith.addi %mul3A_356, %add3A_358 : vector<16xi32>
          tpu.vector_store_idx %arg15[%add3A_359], %select_n3A_353 : memref<8192xf32, #tpu.memory_space<vmem>>[vector<16xi32>], vector<16xf32>,
          %broadcast_in_dim3A_360 = arith.constant 14 : i32
          %broadcast_in_dim3A_361 = vector.broadcast %broadcast_in_dim3A_360 : i32 to vector<16xi32>
          %gather3A_362 = tpu.vector_load_idx %arg7[%broadcast_in_dim3A_361, %min3A_195] : memref<32x1024xf32, #tpu.memory_space<vmem>>[vector<16xi32>, vector<16xi32>], vector<16xf32>,
          %gather3A_363 = tpu.vector_load_idx %arg9[%min3A_203, %broadcast_in_dim3A_361] : memref<64x32xf32, #tpu.memory_space<vmem>>[vector<16xi32>, vector<16xi32>], vector<16xf32>,
          %select_n3A_364 = arith.select %and3A_207, %gather3A_363, %gather3A_362 : vector<16xi1>, vector<16xf32>
          %mul3A_365 = arith.constant 32 : i32
          %mul3A_366 = vector.broadcast %mul3A_365 : i32 to vector<16xi32>
          %mul3A_367 = arith.muli %add3A_192, %mul3A_366 : vector<16xi32>
          %add3A_368 = arith.constant 14 : i32
          %add3A_369 = vector.broadcast %add3A_368 : i32 to vector<16xi32>
          %add3A_370 = arith.addi %mul3A_367, %add3A_369 : vector<16xi32>
          tpu.vector_store_idx %arg15[%add3A_370], %select_n3A_364 : memref<8192xf32, #tpu.memory_space<vmem>>[vector<16xi32>], vector<16xf32>,
          %broadcast_in_dim3A_371 = arith.constant 15 : i32
          %broadcast_in_dim3A_372 = vector.broadcast %broadcast_in_dim3A_371 : i32 to vector<16xi32>
          %gather3A_373 = tpu.vector_load_idx %arg7[%broadcast_in_dim3A_372, %min3A_195] : memref<32x1024xf32, #tpu.memory_space<vmem>>[vector<16xi32>, vector<16xi32>], vector<16xf32>,
          %gather3A_374 = tpu.vector_load_idx %arg9[%min3A_203, %broadcast_in_dim3A_372] : memref<64x32xf32, #tpu.memory_space<vmem>>[vector<16xi32>, vector<16xi32>], vector<16xf32>,
          %select_n3A_375 = arith.select %and3A_207, %gather3A_374, %gather3A_373 : vector<16xi1>, vector<16xf32>
          %mul3A_376 = arith.constant 32 : i32
          %mul3A_377 = vector.broadcast %mul3A_376 : i32 to vector<16xi32>
          %mul3A_378 = arith.muli %add3A_192, %mul3A_377 : vector<16xi32>
          %add3A_379 = arith.constant 15 : i32
          %add3A_380 = vector.broadcast %add3A_379 : i32 to vector<16xi32>
          %add3A_381 = arith.addi %mul3A_378, %add3A_380 : vector<16xi32>
          tpu.vector_store_idx %arg15[%add3A_381], %select_n3A_375 : memref<8192xf32, #tpu.memory_space<vmem>>[vector<16xi32>], vector<16xf32>,
          %broadcast_in_dim3A_382 = arith.constant 16 : i32
          %broadcast_in_dim3A_383 = vector.broadcast %broadcast_in_dim3A_382 : i32 to vector<16xi32>
          %gather3A_384 = tpu.vector_load_idx %arg7[%broadcast_in_dim3A_383, %min3A_195] : memref<32x1024xf32, #tpu.memory_space<vmem>>[vector<16xi32>, vector<16xi32>], vector<16xf32>,
          %gather3A_385 = tpu.vector_load_idx %arg9[%min3A_203, %broadcast_in_dim3A_383] : memref<64x32xf32, #tpu.memory_space<vmem>>[vector<16xi32>, vector<16xi32>], vector<16xf32>,
          %select_n3A_386 = arith.select %and3A_207, %gather3A_385, %gather3A_384 : vector<16xi1>, vector<16xf32>
          %mul3A_387 = arith.constant 32 : i32
          %mul3A_388 = vector.broadcast %mul3A_387 : i32 to vector<16xi32>
          %mul3A_389 = arith.muli %add3A_192, %mul3A_388 : vector<16xi32>
          %add3A_390 = arith.constant 16 : i32
          %add3A_391 = vector.broadcast %add3A_390 : i32 to vector<16xi32>
          %add3A_392 = arith.addi %mul3A_389, %add3A_391 : vector<16xi32>
          tpu.vector_store_idx %arg15[%add3A_392], %select_n3A_386 : memref<8192xf32, #tpu.memory_space<vmem>>[vector<16xi32>], vector<16xf32>,
          %broadcast_in_dim3A_393 = arith.constant 17 : i32
          %broadcast_in_dim3A_394 = vector.broadcast %broadcast_in_dim3A_393 : i32 to vector<16xi32>
          %gather3A_395 = tpu.vector_load_idx %arg7[%broadcast_in_dim3A_394, %min3A_195] : memref<32x1024xf32, #tpu.memory_space<vmem>>[vector<16xi32>, vector<16xi32>], vector<16xf32>,
          %gather3A_396 = tpu.vector_load_idx %arg9[%min3A_203, %broadcast_in_dim3A_394] : memref<64x32xf32, #tpu.memory_space<vmem>>[vector<16xi32>, vector<16xi32>], vector<16xf32>,
          %select_n3A_397 = arith.select %and3A_207, %gather3A_396, %gather3A_395 : vector<16xi1>, vector<16xf32>
          %mul3A_398 = arith.constant 32 : i32
          %mul3A_399 = vector.broadcast %mul3A_398 : i32 to vector<16xi32>
          %mul3A_400 = arith.muli %add3A_192, %mul3A_399 : vector<16xi32>
          %add3A_401 = arith.constant 17 : i32
          %add3A_402 = vector.broadcast %add3A_401 : i32 to vector<16xi32>
          %add3A_403 = arith.addi %mul3A_400, %add3A_402 : vector<16xi32>
          tpu.vector_store_idx %arg15[%add3A_403], %select_n3A_397 : memref<8192xf32, #tpu.memory_space<vmem>>[vector<16xi32>], vector<16xf32>,
          %broadcast_in_dim3A_404 = arith.constant 18 : i32
          %broadcast_in_dim3A_405 = vector.broadcast %broadcast_in_dim3A_404 : i32 to vector<16xi32>
          %gather3A_406 = tpu.vector_load_idx %arg7[%broadcast_in_dim3A_405, %min3A_195] : memref<32x1024xf32, #tpu.memory_space<vmem>>[vector<16xi32>, vector<16xi32>], vector<16xf32>,
          %gather3A_407 = tpu.vector_load_idx %arg9[%min3A_203, %broadcast_in_dim3A_405] : memref<64x32xf32, #tpu.memory_space<vmem>>[vector<16xi32>, vector<16xi32>], vector<16xf32>,
          %select_n3A_408 = arith.select %and3A_207, %gather3A_407, %gather3A_406 : vector<16xi1>, vector<16xf32>
          %mul3A_409 = arith.constant 32 : i32
          %mul3A_410 = vector.broadcast %mul3A_409 : i32 to vector<16xi32>
          %mul3A_411 = arith.muli %add3A_192, %mul3A_410 : vector<16xi32>
          %add3A_412 = arith.constant 18 : i32
          %add3A_413 = vector.broadcast %add3A_412 : i32 to vector<16xi32>
          %add3A_414 = arith.addi %mul3A_411, %add3A_413 : vector<16xi32>
          tpu.vector_store_idx %arg15[%add3A_414], %select_n3A_408 : memref<8192xf32, #tpu.memory_space<vmem>>[vector<16xi32>], vector<16xf32>,
          %broadcast_in_dim3A_415 = arith.constant 19 : i32
          %broadcast_in_dim3A_416 = vector.broadcast %broadcast_in_dim3A_415 : i32 to vector<16xi32>
          %gather3A_417 = tpu.vector_load_idx %arg7[%broadcast_in_dim3A_416, %min3A_195] : memref<32x1024xf32, #tpu.memory_space<vmem>>[vector<16xi32>, vector<16xi32>], vector<16xf32>,
          %gather3A_418 = tpu.vector_load_idx %arg9[%min3A_203, %broadcast_in_dim3A_416] : memref<64x32xf32, #tpu.memory_space<vmem>>[vector<16xi32>, vector<16xi32>], vector<16xf32>,
          %select_n3A_419 = arith.select %and3A_207, %gather3A_418, %gather3A_417 : vector<16xi1>, vector<16xf32>
          %mul3A_420 = arith.constant 32 : i32
          %mul3A_421 = vector.broadcast %mul3A_420 : i32 to vector<16xi32>
          %mul3A_422 = arith.muli %add3A_192, %mul3A_421 : vector<16xi32>
          %add3A_423 = arith.constant 19 : i32
          %add3A_424 = vector.broadcast %add3A_423 : i32 to vector<16xi32>
          %add3A_425 = arith.addi %mul3A_422, %add3A_424 : vector<16xi32>
          tpu.vector_store_idx %arg15[%add3A_425], %select_n3A_419 : memref<8192xf32, #tpu.memory_space<vmem>>[vector<16xi32>], vector<16xf32>,
          %broadcast_in_dim3A_426 = arith.constant 20 : i32
          %broadcast_in_dim3A_427 = vector.broadcast %broadcast_in_dim3A_426 : i32 to vector<16xi32>
          %gather3A_428 = tpu.vector_load_idx %arg7[%broadcast_in_dim3A_427, %min3A_195] : memref<32x1024xf32, #tpu.memory_space<vmem>>[vector<16xi32>, vector<16xi32>], vector<16xf32>,
          %gather3A_429 = tpu.vector_load_idx %arg9[%min3A_203, %broadcast_in_dim3A_427] : memref<64x32xf32, #tpu.memory_space<vmem>>[vector<16xi32>, vector<16xi32>], vector<16xf32>,
          %select_n3A_430 = arith.select %and3A_207, %gather3A_429, %gather3A_428 : vector<16xi1>, vector<16xf32>
          %mul3A_431 = arith.constant 32 : i32
          %mul3A_432 = vector.broadcast %mul3A_431 : i32 to vector<16xi32>
          %mul3A_433 = arith.muli %add3A_192, %mul3A_432 : vector<16xi32>
          %add3A_434 = arith.constant 20 : i32
          %add3A_435 = vector.broadcast %add3A_434 : i32 to vector<16xi32>
          %add3A_436 = arith.addi %mul3A_433, %add3A_435 : vector<16xi32>
          tpu.vector_store_idx %arg15[%add3A_436], %select_n3A_430 : memref<8192xf32, #tpu.memory_space<vmem>>[vector<16xi32>], vector<16xf32>,
          %broadcast_in_dim3A_437 = arith.constant 21 : i32
          %broadcast_in_dim3A_438 = vector.broadcast %broadcast_in_dim3A_437 : i32 to vector<16xi32>
          %gather3A_439 = tpu.vector_load_idx %arg7[%broadcast_in_dim3A_438, %min3A_195] : memref<32x1024xf32, #tpu.memory_space<vmem>>[vector<16xi32>, vector<16xi32>], vector<16xf32>,
          %gather3A_440 = tpu.vector_load_idx %arg9[%min3A_203, %broadcast_in_dim3A_438] : memref<64x32xf32, #tpu.memory_space<vmem>>[vector<16xi32>, vector<16xi32>], vector<16xf32>,
          %select_n3A_441 = arith.select %and3A_207, %gather3A_440, %gather3A_439 : vector<16xi1>, vector<16xf32>
          %mul3A_442 = arith.constant 32 : i32
          %mul3A_443 = vector.broadcast %mul3A_442 : i32 to vector<16xi32>
          %mul3A_444 = arith.muli %add3A_192, %mul3A_443 : vector<16xi32>
          %add3A_445 = arith.constant 21 : i32
          %add3A_446 = vector.broadcast %add3A_445 : i32 to vector<16xi32>
          %add3A_447 = arith.addi %mul3A_444, %add3A_446 : vector<16xi32>
          tpu.vector_store_idx %arg15[%add3A_447], %select_n3A_441 : memref<8192xf32, #tpu.memory_space<vmem>>[vector<16xi32>], vector<16xf32>,
          %broadcast_in_dim3A_448 = arith.constant 22 : i32
          %broadcast_in_dim3A_449 = vector.broadcast %broadcast_in_dim3A_448 : i32 to vector<16xi32>
          %gather3A_450 = tpu.vector_load_idx %arg7[%broadcast_in_dim3A_449, %min3A_195] : memref<32x1024xf32, #tpu.memory_space<vmem>>[vector<16xi32>, vector<16xi32>], vector<16xf32>,
          %gather3A_451 = tpu.vector_load_idx %arg9[%min3A_203, %broadcast_in_dim3A_449] : memref<64x32xf32, #tpu.memory_space<vmem>>[vector<16xi32>, vector<16xi32>], vector<16xf32>,
          %select_n3A_452 = arith.select %and3A_207, %gather3A_451, %gather3A_450 : vector<16xi1>, vector<16xf32>
          %mul3A_453 = arith.constant 32 : i32
          %mul3A_454 = vector.broadcast %mul3A_453 : i32 to vector<16xi32>
          %mul3A_455 = arith.muli %add3A_192, %mul3A_454 : vector<16xi32>
          %add3A_456 = arith.constant 22 : i32
          %add3A_457 = vector.broadcast %add3A_456 : i32 to vector<16xi32>
          %add3A_458 = arith.addi %mul3A_455, %add3A_457 : vector<16xi32>
          tpu.vector_store_idx %arg15[%add3A_458], %select_n3A_452 : memref<8192xf32, #tpu.memory_space<vmem>>[vector<16xi32>], vector<16xf32>,
          %broadcast_in_dim3A_459 = arith.constant 23 : i32
          %broadcast_in_dim3A_460 = vector.broadcast %broadcast_in_dim3A_459 : i32 to vector<16xi32>
          %gather3A_461 = tpu.vector_load_idx %arg7[%broadcast_in_dim3A_460, %min3A_195] : memref<32x1024xf32, #tpu.memory_space<vmem>>[vector<16xi32>, vector<16xi32>], vector<16xf32>,
          %gather3A_462 = tpu.vector_load_idx %arg9[%min3A_203, %broadcast_in_dim3A_460] : memref<64x32xf32, #tpu.memory_space<vmem>>[vector<16xi32>, vector<16xi32>], vector<16xf32>,
          %select_n3A_463 = arith.select %and3A_207, %gather3A_462, %gather3A_461 : vector<16xi1>, vector<16xf32>
          %mul3A_464 = arith.constant 32 : i32
          %mul3A_465 = vector.broadcast %mul3A_464 : i32 to vector<16xi32>
          %mul3A_466 = arith.muli %add3A_192, %mul3A_465 : vector<16xi32>
          %add3A_467 = arith.constant 23 : i32
          %add3A_468 = vector.broadcast %add3A_467 : i32 to vector<16xi32>
          %add3A_469 = arith.addi %mul3A_466, %add3A_468 : vector<16xi32>
          tpu.vector_store_idx %arg15[%add3A_469], %select_n3A_463 : memref<8192xf32, #tpu.memory_space<vmem>>[vector<16xi32>], vector<16xf32>,
          %broadcast_in_dim3A_470 = arith.constant 24 : i32
          %broadcast_in_dim3A_471 = vector.broadcast %broadcast_in_dim3A_470 : i32 to vector<16xi32>
          %gather3A_472 = tpu.vector_load_idx %arg7[%broadcast_in_dim3A_471, %min3A_195] : memref<32x1024xf32, #tpu.memory_space<vmem>>[vector<16xi32>, vector<16xi32>], vector<16xf32>,
          %gather3A_473 = tpu.vector_load_idx %arg9[%min3A_203, %broadcast_in_dim3A_471] : memref<64x32xf32, #tpu.memory_space<vmem>>[vector<16xi32>, vector<16xi32>], vector<16xf32>,
          %select_n3A_474 = arith.select %and3A_207, %gather3A_473, %gather3A_472 : vector<16xi1>, vector<16xf32>
          %mul3A_475 = arith.constant 32 : i32
          %mul3A_476 = vector.broadcast %mul3A_475 : i32 to vector<16xi32>
          %mul3A_477 = arith.muli %add3A_192, %mul3A_476 : vector<16xi32>
          %add3A_478 = arith.constant 24 : i32
          %add3A_479 = vector.broadcast %add3A_478 : i32 to vector<16xi32>
          %add3A_480 = arith.addi %mul3A_477, %add3A_479 : vector<16xi32>
          tpu.vector_store_idx %arg15[%add3A_480], %select_n3A_474 : memref<8192xf32, #tpu.memory_space<vmem>>[vector<16xi32>], vector<16xf32>,
          %broadcast_in_dim3A_481 = arith.constant 25 : i32
          %broadcast_in_dim3A_482 = vector.broadcast %broadcast_in_dim3A_481 : i32 to vector<16xi32>
          %gather3A_483 = tpu.vector_load_idx %arg7[%broadcast_in_dim3A_482, %min3A_195] : memref<32x1024xf32, #tpu.memory_space<vmem>>[vector<16xi32>, vector<16xi32>], vector<16xf32>,
          %gather3A_484 = tpu.vector_load_idx %arg9[%min3A_203, %broadcast_in_dim3A_482] : memref<64x32xf32, #tpu.memory_space<vmem>>[vector<16xi32>, vector<16xi32>], vector<16xf32>,
          %select_n3A_485 = arith.select %and3A_207, %gather3A_484, %gather3A_483 : vector<16xi1>, vector<16xf32>
          %mul3A_486 = arith.constant 32 : i32
          %mul3A_487 = vector.broadcast %mul3A_486 : i32 to vector<16xi32>
          %mul3A_488 = arith.muli %add3A_192, %mul3A_487 : vector<16xi32>
          %add3A_489 = arith.constant 25 : i32
          %add3A_490 = vector.broadcast %add3A_489 : i32 to vector<16xi32>
          %add3A_491 = arith.addi %mul3A_488, %add3A_490 : vector<16xi32>
          tpu.vector_store_idx %arg15[%add3A_491], %select_n3A_485 : memref<8192xf32, #tpu.memory_space<vmem>>[vector<16xi32>], vector<16xf32>,
          %broadcast_in_dim3A_492 = arith.constant 26 : i32
          %broadcast_in_dim3A_493 = vector.broadcast %broadcast_in_dim3A_492 : i32 to vector<16xi32>
          %gather3A_494 = tpu.vector_load_idx %arg7[%broadcast_in_dim3A_493, %min3A_195] : memref<32x1024xf32, #tpu.memory_space<vmem>>[vector<16xi32>, vector<16xi32>], vector<16xf32>,
          %gather3A_495 = tpu.vector_load_idx %arg9[%min3A_203, %broadcast_in_dim3A_493] : memref<64x32xf32, #tpu.memory_space<vmem>>[vector<16xi32>, vector<16xi32>], vector<16xf32>,
          %select_n3A_496 = arith.select %and3A_207, %gather3A_495, %gather3A_494 : vector<16xi1>, vector<16xf32>
          %mul3A_497 = arith.constant 32 : i32
          %mul3A_498 = vector.broadcast %mul3A_497 : i32 to vector<16xi32>
          %mul3A_499 = arith.muli %add3A_192, %mul3A_498 : vector<16xi32>
          %add3A_500 = arith.constant 26 : i32
          %add3A_501 = vector.broadcast %add3A_500 : i32 to vector<16xi32>
          %add3A_502 = arith.addi %mul3A_499, %add3A_501 : vector<16xi32>
          tpu.vector_store_idx %arg15[%add3A_502], %select_n3A_496 : memref<8192xf32, #tpu.memory_space<vmem>>[vector<16xi32>], vector<16xf32>,
          %broadcast_in_dim3A_503 = arith.constant 27 : i32
          %broadcast_in_dim3A_504 = vector.broadcast %broadcast_in_dim3A_503 : i32 to vector<16xi32>
          %gather3A_505 = tpu.vector_load_idx %arg7[%broadcast_in_dim3A_504, %min3A_195] : memref<32x1024xf32, #tpu.memory_space<vmem>>[vector<16xi32>, vector<16xi32>], vector<16xf32>,
          %gather3A_506 = tpu.vector_load_idx %arg9[%min3A_203, %broadcast_in_dim3A_504] : memref<64x32xf32, #tpu.memory_space<vmem>>[vector<16xi32>, vector<16xi32>], vector<16xf32>,
          %select_n3A_507 = arith.select %and3A_207, %gather3A_506, %gather3A_505 : vector<16xi1>, vector<16xf32>
          %mul3A_508 = arith.constant 32 : i32
          %mul3A_509 = vector.broadcast %mul3A_508 : i32 to vector<16xi32>
          %mul3A_510 = arith.muli %add3A_192, %mul3A_509 : vector<16xi32>
          %add3A_511 = arith.constant 27 : i32
          %add3A_512 = vector.broadcast %add3A_511 : i32 to vector<16xi32>
          %add3A_513 = arith.addi %mul3A_510, %add3A_512 : vector<16xi32>
          tpu.vector_store_idx %arg15[%add3A_513], %select_n3A_507 : memref<8192xf32, #tpu.memory_space<vmem>>[vector<16xi32>], vector<16xf32>,
          %broadcast_in_dim3A_514 = arith.constant 28 : i32
          %broadcast_in_dim3A_515 = vector.broadcast %broadcast_in_dim3A_514 : i32 to vector<16xi32>
          %gather3A_516 = tpu.vector_load_idx %arg7[%broadcast_in_dim3A_515, %min3A_195] : memref<32x1024xf32, #tpu.memory_space<vmem>>[vector<16xi32>, vector<16xi32>], vector<16xf32>,
          %gather3A_517 = tpu.vector_load_idx %arg9[%min3A_203, %broadcast_in_dim3A_515] : memref<64x32xf32, #tpu.memory_space<vmem>>[vector<16xi32>, vector<16xi32>], vector<16xf32>,
          %select_n3A_518 = arith.select %and3A_207, %gather3A_517, %gather3A_516 : vector<16xi1>, vector<16xf32>
          %mul3A_519 = arith.constant 32 : i32
          %mul3A_520 = vector.broadcast %mul3A_519 : i32 to vector<16xi32>
          %mul3A_521 = arith.muli %add3A_192, %mul3A_520 : vector<16xi32>
          %add3A_522 = arith.constant 28 : i32
          %add3A_523 = vector.broadcast %add3A_522 : i32 to vector<16xi32>
          %add3A_524 = arith.addi %mul3A_521, %add3A_523 : vector<16xi32>
          tpu.vector_store_idx %arg15[%add3A_524], %select_n3A_518 : memref<8192xf32, #tpu.memory_space<vmem>>[vector<16xi32>], vector<16xf32>,
          %broadcast_in_dim3A_525 = arith.constant 29 : i32
          %broadcast_in_dim3A_526 = vector.broadcast %broadcast_in_dim3A_525 : i32 to vector<16xi32>
          %gather3A_527 = tpu.vector_load_idx %arg7[%broadcast_in_dim3A_526, %min3A_195] : memref<32x1024xf32, #tpu.memory_space<vmem>>[vector<16xi32>, vector<16xi32>], vector<16xf32>,
          %gather3A_528 = tpu.vector_load_idx %arg9[%min3A_203, %broadcast_in_dim3A_526] : memref<64x32xf32, #tpu.memory_space<vmem>>[vector<16xi32>, vector<16xi32>], vector<16xf32>,
          %select_n3A_529 = arith.select %and3A_207, %gather3A_528, %gather3A_527 : vector<16xi1>, vector<16xf32>
          %mul3A_530 = arith.constant 32 : i32
          %mul3A_531 = vector.broadcast %mul3A_530 : i32 to vector<16xi32>
          %mul3A_532 = arith.muli %add3A_192, %mul3A_531 : vector<16xi32>
          %add3A_533 = arith.constant 29 : i32
          %add3A_534 = vector.broadcast %add3A_533 : i32 to vector<16xi32>
          %add3A_535 = arith.addi %mul3A_532, %add3A_534 : vector<16xi32>
          tpu.vector_store_idx %arg15[%add3A_535], %select_n3A_529 : memref<8192xf32, #tpu.memory_space<vmem>>[vector<16xi32>], vector<16xf32>,
          %broadcast_in_dim3A_536 = arith.constant 30 : i32
          %broadcast_in_dim3A_537 = vector.broadcast %broadcast_in_dim3A_536 : i32 to vector<16xi32>
          %gather3A_538 = tpu.vector_load_idx %arg7[%broadcast_in_dim3A_537, %min3A_195] : memref<32x1024xf32, #tpu.memory_space<vmem>>[vector<16xi32>, vector<16xi32>], vector<16xf32>,
          %gather3A_539 = tpu.vector_load_idx %arg9[%min3A_203, %broadcast_in_dim3A_537] : memref<64x32xf32, #tpu.memory_space<vmem>>[vector<16xi32>, vector<16xi32>], vector<16xf32>,
          %select_n3A_540 = arith.select %and3A_207, %gather3A_539, %gather3A_538 : vector<16xi1>, vector<16xf32>
          %mul3A_541 = arith.constant 32 : i32
          %mul3A_542 = vector.broadcast %mul3A_541 : i32 to vector<16xi32>
          %mul3A_543 = arith.muli %add3A_192, %mul3A_542 : vector<16xi32>
          %add3A_544 = arith.constant 30 : i32
          %add3A_545 = vector.broadcast %add3A_544 : i32 to vector<16xi32>
          %add3A_546 = arith.addi %mul3A_543, %add3A_545 : vector<16xi32>
          tpu.vector_store_idx %arg15[%add3A_546], %select_n3A_540 : memref<8192xf32, #tpu.memory_space<vmem>>[vector<16xi32>], vector<16xf32>,
          %broadcast_in_dim3A_547 = arith.constant 31 : i32
          %broadcast_in_dim3A_548 = vector.broadcast %broadcast_in_dim3A_547 : i32 to vector<16xi32>
          %gather3A_549 = tpu.vector_load_idx %arg7[%broadcast_in_dim3A_548, %min3A_195] : memref<32x1024xf32, #tpu.memory_space<vmem>>[vector<16xi32>, vector<16xi32>], vector<16xf32>,
          %gather3A_550 = tpu.vector_load_idx %arg9[%min3A_203, %broadcast_in_dim3A_548] : memref<64x32xf32, #tpu.memory_space<vmem>>[vector<16xi32>, vector<16xi32>], vector<16xf32>,
          %select_n3A_551 = arith.select %and3A_207, %gather3A_550, %gather3A_549 : vector<16xi1>, vector<16xf32>
          %mul3A_552 = arith.constant 32 : i32
          %mul3A_553 = vector.broadcast %mul3A_552 : i32 to vector<16xi32>
          %mul3A_554 = arith.muli %add3A_192, %mul3A_553 : vector<16xi32>
          %add3A_555 = arith.constant 31 : i32
          %add3A_556 = vector.broadcast %add3A_555 : i32 to vector<16xi32>
          %add3A_557 = arith.addi %mul3A_554, %add3A_556 : vector<16xi32>
          tpu.vector_store_idx %arg15[%add3A_557], %select_n3A_551 : memref<8192xf32, #tpu.memory_space<vmem>>[vector<16xi32>], vector<16xf32>,
        }
        %while3A_157 = arith.constant 0 : i32
        %while3A_158 = arith.constant 0 : i32
        %while3A_159 = arith.subi %while3A_118, %while3A_158 : i32
        %while3A_160 = arith.addi %while3A_158, %while3A_159 : i32
        %while3A_161 = arith.constant 1 : i32
        %while3A_162 = arith.divsi %while3A_159, %while3A_161 : i32
        %while3A_163 = arith.muli %while3A_162, %while3A_161 : i32
        %while3A_164 = arith.addi %while3A_158, %while3A_163 : i32
        %while3A_165 = arith.constant 1 : i32
        scf.for %while3A_185 = %while3A_158 to %while3A_164 step %while3A_165  : i32 {
          %jit3A_186 = arith.constant 16 : i32
          %div3A_187 = arith.divsi %while3A_185, %jit3A_186 : i32
          %sign3A_188 = arith.constant 0 : i32
          %sign3A_189 = arith.cmpi sgt, %while3A_185, %sign3A_188 : i32
          %sign3A_190 = arith.extui %sign3A_189 : i1 to i32
          %sign3A_191 = arith.constant 0 : i32
          %sign3A_192 = arith.cmpi slt, %while3A_185, %sign3A_191 : i32
          %sign3A_193 = arith.extui %sign3A_192 : i1 to i32
          %sign3A_194 = arith.subi %sign3A_190, %sign3A_193 : i32
          %sign3A_195 = arith.constant 0 : i32
          %sign3A_196 = arith.cmpi sgt, %jit3A_186, %sign3A_195 : i32
          %sign3A_197 = arith.extui %sign3A_196 : i1 to i32
          %sign3A_198 = arith.constant 0 : i32
          %sign3A_199 = arith.cmpi slt, %jit3A_186, %sign3A_198 : i32
          %sign3A_200 = arith.extui %sign3A_199 : i1 to i32
          %sign3A_201 = arith.subi %sign3A_197, %sign3A_200 : i32
          %ne3A_202 = arith.cmpi ne, %sign3A_194, %sign3A_201 : i32
          %rem3A_203 = arith.remsi %while3A_185, %jit3A_186 : i32
          %ne3A_204 = arith.constant 0 : i32
          %ne3A_205 = arith.cmpi ne, %rem3A_203, %ne3A_204 : i32
          %and3A_206 = arith.andi %ne3A_202, %ne3A_205 : i1
          %sub3A_207 = arith.constant 1 : i32
          %sub3A_208 = arith.subi %div3A_187, %sub3A_207 : i32
          %select_n3A_209 = arith.select %and3A_206, %sub3A_208, %div3A_187 : i32
          %mul3A_210 = arith.constant 16 : i32
          %mul3A_211 = arith.muli %select_n3A_209, %mul3A_210 : i32
          %get3A = arith.index_cast %mul3A_211 : i32 to index
          %get3A_212 = tpu.vector_load %arg13[%get3A] {strides = array<i32>} : memref<256xi32, #tpu.memory_space<vmem>>, vector<16xi32>,
          %jit3A_213 = arith.constant 16 : i32
          %div3A_214 = arith.divsi %while3A_185, %jit3A_213 : i32
          %sign3A_215 = arith.constant 0 : i32
          %sign3A_216 = arith.cmpi sgt, %while3A_185, %sign3A_215 : i32
          %sign3A_217 = arith.extui %sign3A_216 : i1 to i32
          %sign3A_218 = arith.constant 0 : i32
          %sign3A_219 = arith.cmpi slt, %while3A_185, %sign3A_218 : i32
          %sign3A_220 = arith.extui %sign3A_219 : i1 to i32
          %sign3A_221 = arith.subi %sign3A_217, %sign3A_220 : i32
          %sign3A_222 = arith.constant 0 : i32
          %sign3A_223 = arith.cmpi sgt, %jit3A_213, %sign3A_222 : i32
          %sign3A_224 = arith.extui %sign3A_223 : i1 to i32
          %sign3A_225 = arith.constant 0 : i32
          %sign3A_226 = arith.cmpi slt, %jit3A_213, %sign3A_225 : i32
          %sign3A_227 = arith.extui %sign3A_226 : i1 to i32
          %sign3A_228 = arith.subi %sign3A_224, %sign3A_227 : i32
          %ne3A_229 = arith.cmpi ne, %sign3A_221, %sign3A_228 : i32
          %rem3A_230 = arith.remsi %while3A_185, %jit3A_213 : i32
          %ne3A_231 = arith.constant 0 : i32
          %ne3A_232 = arith.cmpi ne, %rem3A_230, %ne3A_231 : i32
          %and3A_233 = arith.andi %ne3A_229, %ne3A_232 : i1
          %sub3A_234 = arith.constant 1 : i32
          %sub3A_235 = arith.subi %div3A_214, %sub3A_234 : i32
          %select_n3A_236 = arith.select %and3A_233, %sub3A_235, %div3A_214 : i32
          %mul3A_237 = arith.constant 16 : i32
          %mul3A_238 = arith.muli %select_n3A_236, %mul3A_237 : i32
          %sub3A_239 = arith.subi %while3A_185, %mul3A_238 : i32
          %eq3A_240 = vector.broadcast %sub3A_239 : i32 to vector<16xi32>
          %eq3A_241 = arith.cmpi eq, %iota3A, %eq3A_240 : vector<16xi32>
          %jit3A_242 = arith.constant 0 : i32
          %broadcast_in_dim3A = vector.broadcast %jit3A_242 : i32 to vector<16xi32>
          %select_n3A_243 = arith.select %eq3A_241, %get3A_212, %broadcast_in_dim3A : vector<16xi1>, vector<16xi32>
          %reduce_max3A = arith.constant true
          %reduce_max3A_244 = vector.broadcast %reduce_max3A : i1 to vector<16xi1>
          %reduce_max3A_245 = arith.constant -2147483648 : i32
          %reduce_max3A_246 = vector.broadcast %reduce_max3A_245 : i32 to vector<16xi32>
          %reduce_max3A_247 = arith.xori %select_n3A_243, %reduce_max3A_246 : vector<16xi32>
          %reduce_max3A_248 = tpu.scan <max>, %reduce_max3A_247 masked %reduce_max3A_244 : vector<16xi32>, vector<16xi1> -> vector<16xi32>
          %reduce_max3A_249 = arith.xori %reduce_max3A_248, %reduce_max3A_246 : vector<16xi32>
          %reduce_max3A_250 = vector.extract %reduce_max3A_249[15] : i32 from vector<16xi32>
          %mul3A_251 = arith.constant 32 : i32
          %mul3A_252 = arith.muli %while3A_185, %mul3A_251 : i32
          %mul3A_253 = arith.constant 32 : i32
          %mul3A_254 = arith.muli %reduce_max3A_250, %mul3A_253 : i32
          %dma_start3A_255 = tpu.memref_slice %arg15[%mul3A_252] : memref<8192xf32, #tpu.memory_space<vmem>> -> memref<32xf32, #tpu.memory_space<vmem>>
          %dma_start3A_256 = tpu.memref_slice %arg6[%mul3A_254] : memref<1048576xf32, #tpu.memory_space<hbm>> -> memref<32xf32, #tpu.memory_space<hbm>>
          %dma_start3A_257 = tpu.memref_slice %arg6[%mul3A_254] : memref<1048576xf32, #tpu.memory_space<hbm>> -> memref<32xf32, #tpu.memory_space<hbm>>
          %dma_start3A_258 = tpu.memref_slice %arg15[%mul3A_252] : memref<8192xf32, #tpu.memory_space<vmem>> -> memref<32xf32, #tpu.memory_space<vmem>>
          tpu.enqueue_dma source(%dma_start3A_258 : memref<32xf32, #tpu.memory_space<vmem>>) target(%dma_start3A_257 : memref<32xf32, #tpu.memory_space<hbm>>) target_semaphore(%arg19 : memref<!tpu.dma_semaphore, #tpu.memory_space<semaphore_mem>>)
          %ge3A = arith.constant 16 : i32
          %ge3A_259 = arith.cmpi sge, %while3A_185, %ge3A : i32
          %convert_element_type3A_260 = arith.extui %ge3A_259 : i1 to i32
          %cond3A_261 = arith.constant 0 : i32
          %cond3A_262 = arith.cmpi ne, %convert_element_type3A_260, %cond3A_261 : i32
          scf.if %cond3A_262 {
            %dma_wait3A_263 = arith.constant 0 : i32
            %dma_wait3A_264 = tpu.memref_slice %arg15[%dma_wait3A_263] : memref<8192xf32, #tpu.memory_space<vmem>> -> memref<32xf32, #tpu.memory_space<vmem>>
            %dma_wait3A_265 = arith.constant 0 : i32
            %dma_wait3A_266 = tpu.memref_slice %arg6[%dma_wait3A_265] : memref<1048576xf32, #tpu.memory_space<hbm>> -> memref<32xf32, #tpu.memory_space<hbm>>
            %dma_wait3A_267 = arith.constant 0 : i32
            %dma_wait3A_268 = tpu.memref_slice %arg15[%dma_wait3A_267] : memref<8192xf32, #tpu.memory_space<vmem>> -> memref<32xf32, #tpu.memory_space<vmem>>
            %dma_wait3A_269 = arith.constant 0 : i32
            %dma_wait3A_270 = tpu.memref_slice %arg6[%dma_wait3A_269] : memref<1048576xf32, #tpu.memory_space<hbm>> -> memref<32xf32, #tpu.memory_space<hbm>>
            tpu.wait_dma2 semaphore(%arg19 : memref<!tpu.dma_semaphore, #tpu.memory_space<semaphore_mem>>) src(%dma_wait3A_270 : memref<32xf32, #tpu.memory_space<hbm>>) dst(%dma_wait3A_268 : memref<32xf32, #tpu.memory_space<vmem>>)
          } else {
          }
        }
        %while3A_166 = arith.constant 1 : i32
        scf.for %while3A_185 = %while3A_164 to %while3A_160 step %while3A_166  : i32 {
          %jit3A_186 = arith.constant 16 : i32
          %div3A_187 = arith.divsi %while3A_185, %jit3A_186 : i32
          %sign3A_188 = arith.constant 0 : i32
          %sign3A_189 = arith.cmpi sgt, %while3A_185, %sign3A_188 : i32
          %sign3A_190 = arith.extui %sign3A_189 : i1 to i32
          %sign3A_191 = arith.constant 0 : i32
          %sign3A_192 = arith.cmpi slt, %while3A_185, %sign3A_191 : i32
          %sign3A_193 = arith.extui %sign3A_192 : i1 to i32
          %sign3A_194 = arith.subi %sign3A_190, %sign3A_193 : i32
          %sign3A_195 = arith.constant 0 : i32
          %sign3A_196 = arith.cmpi sgt, %jit3A_186, %sign3A_195 : i32
          %sign3A_197 = arith.extui %sign3A_196 : i1 to i32
          %sign3A_198 = arith.constant 0 : i32
          %sign3A_199 = arith.cmpi slt, %jit3A_186, %sign3A_198 : i32
          %sign3A_200 = arith.extui %sign3A_199 : i1 to i32
          %sign3A_201 = arith.subi %sign3A_197, %sign3A_200 : i32
          %ne3A_202 = arith.cmpi ne, %sign3A_194, %sign3A_201 : i32
          %rem3A_203 = arith.remsi %while3A_185, %jit3A_186 : i32
          %ne3A_204 = arith.constant 0 : i32
          %ne3A_205 = arith.cmpi ne, %rem3A_203, %ne3A_204 : i32
          %and3A_206 = arith.andi %ne3A_202, %ne3A_205 : i1
          %sub3A_207 = arith.constant 1 : i32
          %sub3A_208 = arith.subi %div3A_187, %sub3A_207 : i32
          %select_n3A_209 = arith.select %and3A_206, %sub3A_208, %div3A_187 : i32
          %mul3A_210 = arith.constant 16 : i32
          %mul3A_211 = arith.muli %select_n3A_209, %mul3A_210 : i32
          %get3A = arith.index_cast %mul3A_211 : i32 to index
          %get3A_212 = tpu.vector_load %arg13[%get3A] {strides = array<i32>} : memref<256xi32, #tpu.memory_space<vmem>>, vector<16xi32>,
          %jit3A_213 = arith.constant 16 : i32
          %div3A_214 = arith.divsi %while3A_185, %jit3A_213 : i32
          %sign3A_215 = arith.constant 0 : i32
          %sign3A_216 = arith.cmpi sgt, %while3A_185, %sign3A_215 : i32
          %sign3A_217 = arith.extui %sign3A_216 : i1 to i32
          %sign3A_218 = arith.constant 0 : i32
          %sign3A_219 = arith.cmpi slt, %while3A_185, %sign3A_218 : i32
          %sign3A_220 = arith.extui %sign3A_219 : i1 to i32
          %sign3A_221 = arith.subi %sign3A_217, %sign3A_220 : i32
          %sign3A_222 = arith.constant 0 : i32
          %sign3A_223 = arith.cmpi sgt, %jit3A_213, %sign3A_222 : i32
          %sign3A_224 = arith.extui %sign3A_223 : i1 to i32
          %sign3A_225 = arith.constant 0 : i32
          %sign3A_226 = arith.cmpi slt, %jit3A_213, %sign3A_225 : i32
          %sign3A_227 = arith.extui %sign3A_226 : i1 to i32
          %sign3A_228 = arith.subi %sign3A_224, %sign3A_227 : i32
          %ne3A_229 = arith.cmpi ne, %sign3A_221, %sign3A_228 : i32
          %rem3A_230 = arith.remsi %while3A_185, %jit3A_213 : i32
          %ne3A_231 = arith.constant 0 : i32
          %ne3A_232 = arith.cmpi ne, %rem3A_230, %ne3A_231 : i32
          %and3A_233 = arith.andi %ne3A_229, %ne3A_232 : i1
          %sub3A_234 = arith.constant 1 : i32
          %sub3A_235 = arith.subi %div3A_214, %sub3A_234 : i32
          %select_n3A_236 = arith.select %and3A_233, %sub3A_235, %div3A_214 : i32
          %mul3A_237 = arith.constant 16 : i32
          %mul3A_238 = arith.muli %select_n3A_236, %mul3A_237 : i32
          %sub3A_239 = arith.subi %while3A_185, %mul3A_238 : i32
          %eq3A_240 = vector.broadcast %sub3A_239 : i32 to vector<16xi32>
          %eq3A_241 = arith.cmpi eq, %iota3A, %eq3A_240 : vector<16xi32>
          %jit3A_242 = arith.constant 0 : i32
          %broadcast_in_dim3A = vector.broadcast %jit3A_242 : i32 to vector<16xi32>
          %select_n3A_243 = arith.select %eq3A_241, %get3A_212, %broadcast_in_dim3A : vector<16xi1>, vector<16xi32>
          %reduce_max3A = arith.constant true
          %reduce_max3A_244 = vector.broadcast %reduce_max3A : i1 to vector<16xi1>
          %reduce_max3A_245 = arith.constant -2147483648 : i32
          %reduce_max3A_246 = vector.broadcast %reduce_max3A_245 : i32 to vector<16xi32>
          %reduce_max3A_247 = arith.xori %select_n3A_243, %reduce_max3A_246 : vector<16xi32>
          %reduce_max3A_248 = tpu.scan <max>, %reduce_max3A_247 masked %reduce_max3A_244 : vector<16xi32>, vector<16xi1> -> vector<16xi32>
          %reduce_max3A_249 = arith.xori %reduce_max3A_248, %reduce_max3A_246 : vector<16xi32>
          %reduce_max3A_250 = vector.extract %reduce_max3A_249[15] : i32 from vector<16xi32>
          %mul3A_251 = arith.constant 32 : i32
          %mul3A_252 = arith.muli %while3A_185, %mul3A_251 : i32
          %mul3A_253 = arith.constant 32 : i32
          %mul3A_254 = arith.muli %reduce_max3A_250, %mul3A_253 : i32
          %dma_start3A_255 = tpu.memref_slice %arg15[%mul3A_252] : memref<8192xf32, #tpu.memory_space<vmem>> -> memref<32xf32, #tpu.memory_space<vmem>>
          %dma_start3A_256 = tpu.memref_slice %arg6[%mul3A_254] : memref<1048576xf32, #tpu.memory_space<hbm>> -> memref<32xf32, #tpu.memory_space<hbm>>
          %dma_start3A_257 = tpu.memref_slice %arg6[%mul3A_254] : memref<1048576xf32, #tpu.memory_space<hbm>> -> memref<32xf32, #tpu.memory_space<hbm>>
          %dma_start3A_258 = tpu.memref_slice %arg15[%mul3A_252] : memref<8192xf32, #tpu.memory_space<vmem>> -> memref<32xf32, #tpu.memory_space<vmem>>
          tpu.enqueue_dma source(%dma_start3A_258 : memref<32xf32, #tpu.memory_space<vmem>>) target(%dma_start3A_257 : memref<32xf32, #tpu.memory_space<hbm>>) target_semaphore(%arg19 : memref<!tpu.dma_semaphore, #tpu.memory_space<semaphore_mem>>)
          %ge3A = arith.constant 16 : i32
          %ge3A_259 = arith.cmpi sge, %while3A_185, %ge3A : i32
          %convert_element_type3A_260 = arith.extui %ge3A_259 : i1 to i32
          %cond3A_261 = arith.constant 0 : i32
          %cond3A_262 = arith.cmpi ne, %convert_element_type3A_260, %cond3A_261 : i32
          scf.if %cond3A_262 {
            %dma_wait3A_263 = arith.constant 0 : i32
            %dma_wait3A_264 = tpu.memref_slice %arg15[%dma_wait3A_263] : memref<8192xf32, #tpu.memory_space<vmem>> -> memref<32xf32, #tpu.memory_space<vmem>>
            %dma_wait3A_265 = arith.constant 0 : i32
            %dma_wait3A_266 = tpu.memref_slice %arg6[%dma_wait3A_265] : memref<1048576xf32, #tpu.memory_space<hbm>> -> memref<32xf32, #tpu.memory_space<hbm>>
            %dma_wait3A_267 = arith.constant 0 : i32
            %dma_wait3A_268 = tpu.memref_slice %arg15[%dma_wait3A_267] : memref<8192xf32, #tpu.memory_space<vmem>> -> memref<32xf32, #tpu.memory_space<vmem>>
            %dma_wait3A_269 = arith.constant 0 : i32
            %dma_wait3A_270 = tpu.memref_slice %arg6[%dma_wait3A_269] : memref<1048576xf32, #tpu.memory_space<hbm>> -> memref<32xf32, #tpu.memory_space<hbm>>
            tpu.wait_dma2 semaphore(%arg19 : memref<!tpu.dma_semaphore, #tpu.memory_space<semaphore_mem>>) src(%dma_wait3A_270 : memref<32xf32, #tpu.memory_space<hbm>>) dst(%dma_wait3A_268 : memref<32xf32, #tpu.memory_space<vmem>>)
          } else {
          }
        }
        %min3A = arith.constant 16 : i32
        %min3A_167 = arith.minsi %while3A_118, %min3A : i32
        %while3A_168 = arith.constant 0 : i32
        %while3A_169 = arith.constant 0 : i32
        %while3A_170 = arith.subi %min3A_167, %while3A_169 : i32
        %while3A_171 = arith.addi %while3A_169, %while3A_170 : i32
        %while3A_172 = arith.constant 1 : i32
        %while3A_173 = arith.divsi %while3A_170, %while3A_172 : i32
        %while3A_174 = arith.muli %while3A_173, %while3A_172 : i32
        %while3A_175 = arith.addi %while3A_169, %while3A_174 : i32
        %while3A_176 = arith.constant 1 : i32
        scf.for %while3A_185 = %while3A_169 to %while3A_175 step %while3A_176  : i32 {
          %dma_wait3A_186 = arith.constant 0 : i32
          %dma_wait3A_187 = tpu.memref_slice %arg15[%dma_wait3A_186] : memref<8192xf32, #tpu.memory_space<vmem>> -> memref<32xf32, #tpu.memory_space<vmem>>
          %dma_wait3A_188 = arith.constant 0 : i32
          %dma_wait3A_189 = tpu.memref_slice %arg6[%dma_wait3A_188] : memref<1048576xf32, #tpu.memory_space<hbm>> -> memref<32xf32, #tpu.memory_space<hbm>>
          %dma_wait3A_190 = arith.constant 0 : i32
          %dma_wait3A_191 = tpu.memref_slice %arg15[%dma_wait3A_190] : memref<8192xf32, #tpu.memory_space<vmem>> -> memref<32xf32, #tpu.memory_space<vmem>>
          %dma_wait3A_192 = arith.constant 0 : i32
          %dma_wait3A_193 = tpu.memref_slice %arg6[%dma_wait3A_192] : memref<1048576xf32, #tpu.memory_space<hbm>> -> memref<32xf32, #tpu.memory_space<hbm>>
          tpu.wait_dma2 semaphore(%arg19 : memref<!tpu.dma_semaphore, #tpu.memory_space<semaphore_mem>>) src(%dma_wait3A_193 : memref<32xf32, #tpu.memory_space<hbm>>) dst(%dma_wait3A_191 : memref<32xf32, #tpu.memory_space<vmem>>)
        }
        %while3A_177 = arith.constant 1 : i32
        scf.for %while3A_185 = %while3A_175 to %while3A_171 step %while3A_177  : i32 {
          %dma_wait3A_186 = arith.constant 0 : i32
          %dma_wait3A_187 = tpu.memref_slice %arg15[%dma_wait3A_186] : memref<8192xf32, #tpu.memory_space<vmem>> -> memref<32xf32, #tpu.memory_space<vmem>>
          %dma_wait3A_188 = arith.constant 0 : i32
          %dma_wait3A_189 = tpu.memref_slice %arg6[%dma_wait3A_188] : memref<1048576xf32, #tpu.memory_space<hbm>> -> memref<32xf32, #tpu.memory_space<hbm>>
          %dma_wait3A_190 = arith.constant 0 : i32
          %dma_wait3A_191 = tpu.memref_slice %arg15[%dma_wait3A_190] : memref<8192xf32, #tpu.memory_space<vmem>> -> memref<32xf32, #tpu.memory_space<vmem>>
          %dma_wait3A_192 = arith.constant 0 : i32
          %dma_wait3A_193 = tpu.memref_slice %arg6[%dma_wait3A_192] : memref<1048576xf32, #tpu.memory_space<hbm>> -> memref<32xf32, #tpu.memory_space<hbm>>
          tpu.wait_dma2 semaphore(%arg19 : memref<!tpu.dma_semaphore, #tpu.memory_space<semaphore_mem>>) src(%dma_wait3A_193 : memref<32xf32, #tpu.memory_space<hbm>>) dst(%dma_wait3A_191 : memref<32xf32, #tpu.memory_space<vmem>>)
        }
        %add3A_178 = arith.constant 2 : i32
        %add3A_179 = arith.addi %scan3A_54, %add3A_178 : i32
        %lt3A_180 = arith.constant 31 : i32
        %lt3A_181 = arith.cmpi slt, %add3A_179, %lt3A_180 : i32
        %convert_element_type3A_182 = arith.extui %lt3A_181 : i1 to i32
        %cond3A_183 = arith.constant 0 : i32
        %cond3A_184 = arith.cmpi ne, %convert_element_type3A_182, %cond3A_183 : i32
        scf.if %cond3A_184 {
          %add3A_185 = arith.constant 2 : i32
          %add3A_186 = arith.addi %scan3A_54, %add3A_185 : i32
          %mul3A_187 = arith.constant 1024 : i32
          %mul3A_188 = arith.muli %add3A_186, %mul3A_187 : i32
          %add3A_189 = arith.addi %mul3A_3, %mul3A_188 : i32
          %eq3A_190 = arith.constant 15 : i32
          %eq3A_191 = arith.cmpi eq, %add3A_186, %eq3A_190 : i32
          %and3A_192 = arith.andi %eq3A_1, %eq3A_191 : i1
          %not3A_193 = arith.constant true
          %not3A_194 = arith.xori %eq3A_1, %not3A_193 : i1
          %lt3A_195 = arith.constant 15 : i32
          %lt3A_196 = arith.cmpi slt, %add3A_186, %lt3A_195 : i32
          %or3A_197 = arith.ori %not3A_194, %lt3A_196 : i1
          %convert_element_type3A_198 = arith.extui %or3A_197 : i1 to i32
          %cond3A_199 = arith.constant 0 : i32
          %cond3A_200 = arith.cmpi ne, %convert_element_type3A_198, %cond3A_199 : i32
          scf.if %cond3A_200 {
            %dma_start3A_204 = arith.constant 0 : i32
            %dma_start3A_205 = tpu.memref_slice %arg4[%dma_start3A_204, %add3A_189] : memref<32x1000000xf32, #tpu.memory_space<hbm>> -> memref<32x1024xf32, #tpu.memory_space<hbm>>
            %dma_start3A_206 = arith.constant 0 : i32
            %dma_start3A_207 = tpu.memref_slice %arg4[%dma_start3A_206, %add3A_189] : memref<32x1000000xf32, #tpu.memory_space<hbm>> -> memref<32x1024xf32, #tpu.memory_space<hbm>>
            tpu.enqueue_dma source(%dma_start3A_207 : memref<32x1024xf32, #tpu.memory_space<hbm>>) target(%arg7 : memref<32x1024xf32, #tpu.memory_space<vmem>>) target_semaphore(%arg16 : memref<!tpu.dma_semaphore, #tpu.memory_space<semaphore_mem>>)
          } else {
          }
          %convert_element_type3A_201 = arith.extui %and3A_192 : i1 to i32
          %cond3A_202 = arith.constant 0 : i32
          %cond3A_203 = arith.cmpi ne, %convert_element_type3A_201, %cond3A_202 : i32
          scf.if %cond3A_203 {
            %dma_start3A_204 = arith.constant 0 : i32
            %dma_start3A_205 = arith.constant 0 : i32
            %dma_start3A_206 = tpu.memref_slice %arg7[%dma_start3A_204, %dma_start3A_205] : memref<32x1024xf32, #tpu.memory_space<vmem>> -> memref<32x512xf32, #tpu.memory_space<vmem>>
            %dma_start3A_207 = arith.constant 0 : i32
            %dma_start3A_208 = arith.constant 999424 : i32
            %dma_start3A_209 = tpu.memref_slice %arg4[%dma_start3A_207, %dma_start3A_208] : memref<32x1000000xf32, #tpu.memory_space<hbm>> -> memref<32x512xf32, #tpu.memory_space<hbm>>
            %dma_start3A_210 = arith.constant 0 : i32
            %dma_start3A_211 = arith.constant 0 : i32
            %dma_start3A_212 = tpu.memref_slice %arg7[%dma_start3A_210, %dma_start3A_211] : memref<32x1024xf32, #tpu.memory_space<vmem>> -> memref<32x512xf32, #tpu.memory_space<vmem>>
            %dma_start3A_213 = arith.constant 0 : i32
            %dma_start3A_214 = arith.constant 999424 : i32
            %dma_start3A_215 = tpu.memref_slice %arg4[%dma_start3A_213, %dma_start3A_214] : memref<32x1000000xf32, #tpu.memory_space<hbm>> -> memref<32x512xf32, #tpu.memory_space<hbm>>
            tpu.enqueue_dma source(%dma_start3A_215 : memref<32x512xf32, #tpu.memory_space<hbm>>) target(%dma_start3A_212 : memref<32x512xf32, #tpu.memory_space<vmem>>) target_semaphore(%arg16 : memref<!tpu.dma_semaphore, #tpu.memory_space<semaphore_mem>>)
          } else {
          }
        } else {
        }
      } else {
      }
      %eq3A_61 = arith.constant 1 : i32
      %eq3A_62 = arith.cmpi eq, %rem3A_55, %eq3A_61 : i32
      %convert_element_type3A_63 = arith.extui %eq3A_62 : i1 to i32
      %cond3A_64 = arith.constant 0 : i32
      %cond3A_65 = arith.cmpi ne, %convert_element_type3A_63, %cond3A_64 : i32
      scf.if %cond3A_65 {
        %eq3A_66 = arith.constant 15 : i32
        %eq3A_67 = arith.cmpi eq, %scan3A_54, %eq3A_66 : i32
        %and3A_68 = arith.andi %eq3A_1, %eq3A_67 : i1
        %not3A_69 = arith.constant true
        %not3A_70 = arith.xori %eq3A_1, %not3A_69 : i1
        %lt3A = arith.constant 15 : i32
        %lt3A_71 = arith.cmpi slt, %scan3A_54, %lt3A : i32
        %or3A_72 = arith.ori %not3A_70, %lt3A_71 : i1
        %convert_element_type3A_73 = arith.extui %or3A_72 : i1 to i32
        %cond3A_74 = arith.constant 0 : i32
        %cond3A_75 = arith.cmpi ne, %convert_element_type3A_73, %cond3A_74 : i32
        scf.if %cond3A_75 {
          %dma_wait3A_185 = arith.constant 0 : i32
          %dma_wait3A_186 = arith.constant 0 : i32
          %dma_wait3A_187 = tpu.memref_slice %arg4[%dma_wait3A_185, %dma_wait3A_186] : memref<32x1000000xf32, #tpu.memory_space<hbm>> -> memref<32x1024xf32, #tpu.memory_space<hbm>>
          %dma_wait3A_188 = arith.constant 0 : i32
          %dma_wait3A_189 = arith.constant 0 : i32
          %dma_wait3A_190 = tpu.memref_slice %arg4[%dma_wait3A_188, %dma_wait3A_189] : memref<32x1000000xf32, #tpu.memory_space<hbm>> -> memref<32x1024xf32, #tpu.memory_space<hbm>>
          tpu.wait_dma2 semaphore(%arg17 : memref<!tpu.dma_semaphore, #tpu.memory_space<semaphore_mem>>) src(%dma_wait3A_190 : memref<32x1024xf32, #tpu.memory_space<hbm>>) dst(%arg8 : memref<32x1024xf32, #tpu.memory_space<vmem>>)
        } else {
        }
        %convert_element_type3A_76 = arith.extui %and3A_68 : i1 to i32
        %cond3A_77 = arith.constant 0 : i32
        %cond3A_78 = arith.cmpi ne, %convert_element_type3A_76, %cond3A_77 : i32
        scf.if %cond3A_78 {
          %dma_wait3A_185 = arith.constant 0 : i32
          %dma_wait3A_186 = arith.constant 0 : i32
          %dma_wait3A_187 = tpu.memref_slice %arg8[%dma_wait3A_185, %dma_wait3A_186] : memref<32x1024xf32, #tpu.memory_space<vmem>> -> memref<32x512xf32, #tpu.memory_space<vmem>>
          %dma_wait3A_188 = arith.constant 0 : i32
          %dma_wait3A_189 = arith.constant 0 : i32
          %dma_wait3A_190 = tpu.memref_slice %arg4[%dma_wait3A_188, %dma_wait3A_189] : memref<32x1000000xf32, #tpu.memory_space<hbm>> -> memref<32x512xf32, #tpu.memory_space<hbm>>
          %dma_wait3A_191 = arith.constant 0 : i32
          %dma_wait3A_192 = arith.constant 0 : i32
          %dma_wait3A_193 = tpu.memref_slice %arg8[%dma_wait3A_191, %dma_wait3A_192] : memref<32x1024xf32, #tpu.memory_space<vmem>> -> memref<32x512xf32, #tpu.memory_space<vmem>>
          %dma_wait3A_194 = arith.constant 0 : i32
          %dma_wait3A_195 = arith.constant 0 : i32
          %dma_wait3A_196 = tpu.memref_slice %arg4[%dma_wait3A_194, %dma_wait3A_195] : memref<32x1000000xf32, #tpu.memory_space<hbm>> -> memref<32x512xf32, #tpu.memory_space<hbm>>
          tpu.wait_dma2 semaphore(%arg17 : memref<!tpu.dma_semaphore, #tpu.memory_space<semaphore_mem>>) src(%dma_wait3A_196 : memref<32x512xf32, #tpu.memory_space<hbm>>) dst(%dma_wait3A_193 : memref<32x512xf32, #tpu.memory_space<vmem>>)
        } else {
        }
        %mul3A_79 = arith.constant 1024 : i32
        %mul3A_80 = arith.muli %scan3A_54, %mul3A_79 : i32
        %eq3A_81 = arith.constant 15 : i32
        %eq3A_82 = arith.cmpi eq, %scan3A_54, %eq3A_81 : i32
        %and3A_83 = arith.andi %eq3A_1, %eq3A_82 : i1
        %add3A_84 = arith.constant 16 : i32
        %add3A_85 = arith.addi %scan3A_46, %add3A_84 : i32
        %sub3A = arith.constant 1 : i32
        %sub3A_86 = arith.subi %add3A_85, %sub3A : i32
        %jit3A_87 = arith.constant 16 : i32
        %div3A = arith.divsi %sub3A_86, %jit3A_87 : i32
        %sign3A = arith.constant 0 : i32
        %sign3A_88 = arith.cmpi sgt, %sub3A_86, %sign3A : i32
        %sign3A_89 = arith.extui %sign3A_88 : i1 to i32
        %sign3A_90 = arith.constant 0 : i32
        %sign3A_91 = arith.cmpi slt, %sub3A_86, %sign3A_90 : i32
        %sign3A_92 = arith.extui %sign3A_91 : i1 to i32
        %sign3A_93 = arith.subi %sign3A_89, %sign3A_92 : i32
        %sign3A_94 = arith.constant 0 : i32
        %sign3A_95 = arith.cmpi sgt, %jit3A_87, %sign3A_94 : i32
        %sign3A_96 = arith.extui %sign3A_95 : i1 to i32
        %sign3A_97 = arith.constant 0 : i32
        %sign3A_98 = arith.cmpi slt, %jit3A_87, %sign3A_97 : i32
        %sign3A_99 = arith.extui %sign3A_98 : i1 to i32
        %sign3A_100 = arith.subi %sign3A_96, %sign3A_99 : i32
        %ne3A = arith.cmpi ne, %sign3A_93, %sign3A_100 : i32
        %rem3A_101 = arith.remsi %sub3A_86, %jit3A_87 : i32
        %ne3A_102 = arith.constant 0 : i32
        %ne3A_103 = arith.cmpi ne, %rem3A_101, %ne3A_102 : i32
        %and3A_104 = arith.andi %ne3A, %ne3A_103 : i1
        %sub3A_105 = arith.constant 1 : i32
        %sub3A_106 = arith.subi %div3A, %sub3A_105 : i32
        %select_n3A_107 = arith.select %and3A_104, %sub3A_106, %div3A : i32
        %while3A = arith.constant 0 : i32
        %while3A_108 = arith.constant 0 : i32
        %while3A_109 = arith.subi %select_n3A_107, %while3A : i32
        %while3A_110 = arith.addi %while3A, %while3A_109 : i32
        %while3A_111 = arith.constant 1 : i32
        %while3A_112 = arith.divsi %while3A_109, %while3A_111 : i32
        %while3A_113 = arith.muli %while3A_112, %while3A_111 : i32
        %while3A_114 = arith.addi %while3A, %while3A_113 : i32
        %while3A_115 = arith.constant 1 : i32
        %while3A_116 = scf.for %while3A_185 = %while3A to %while3A_114 step %while3A_115 iter_args(%while3A_186 = %while3A_108) -> (i32)  : i32 {
          %mul3A_187 = arith.constant 16 : i32
          %mul3A_188 = arith.muli %while3A_185, %mul3A_187 : i32
          %get3A = arith.index_cast %mul3A_188 : i32 to index
          %get3A_189 = tpu.vector_load %arg12[%get3A] {strides = array<i32>} : memref<2560xi32, #tpu.memory_space<vmem>>, vector<16xi32>,
          %mul3A_190 = arith.constant 16 : i32
          %mul3A_191 = arith.muli %while3A_185, %mul3A_190 : i32
          %get3A_192 = arith.index_cast %mul3A_191 : i32 to index
          %get3A_193 = tpu.vector_load %arg11[%get3A_192] {strides = array<i32>} : memref<2560xi32, #tpu.memory_space<vmem>>, vector<16xi32>,
          %sub3A_194 = vector.broadcast %mul3A_80 : i32 to vector<16xi32>
          %sub3A_195 = arith.subi %get3A_189, %sub3A_194 : vector<16xi32>
          %mul3A_196 = arith.constant 16 : i32
          %mul3A_197 = arith.muli %while3A_185, %mul3A_196 : i32
          %add3A_198 = vector.broadcast %mul3A_197 : i32 to vector<16xi32>
          %add3A_199 = arith.addi %add3A_198, %iota3A : vector<16xi32>
          %lt3A_200 = vector.broadcast %scan3A_46 : i32 to vector<16xi32>
          %lt3A_201 = arith.cmpi slt, %add3A_199, %lt3A_200 : vector<16xi32>
          %ge3A = arith.constant 0 : i32
          %ge3A_202 = vector.broadcast %ge3A : i32 to vector<16xi32>
          %ge3A_203 = arith.cmpi sge, %sub3A_195, %ge3A_202 : vector<16xi32>
          %lt3A_204 = arith.constant 1024 : i32
          %lt3A_205 = vector.broadcast %lt3A_204 : i32 to vector<16xi32>
          %lt3A_206 = arith.cmpi slt, %sub3A_195, %lt3A_205 : vector<16xi32>
          %and3A_207 = arith.andi %ge3A_203, %lt3A_206 : vector<16xi1>
          %and3A_208 = arith.andi %and3A_207, %lt3A_201 : vector<16xi1>
          %swap3A = arith.index_cast %while3A_186 : i32 to index
          %swap3A_209 = tpu.vector_load %arg13[%swap3A] masked %and3A_208 {strides = array<i32>} : memref<256xi32, #tpu.memory_space<vmem>>, vector<16xi32>, vector<16xi1>
          tpu.vector_store %arg13[%swap3A], %get3A_193 masked %and3A_208 {strides = array<i32>} : memref<256xi32, #tpu.memory_space<vmem>>, vector<16xi32>, vector<16xi1>
          %swap3A_210 = arith.index_cast %while3A_186 : i32 to index
          %swap3A_211 = tpu.vector_load %arg14[%swap3A_210] masked %and3A_208 {strides = array<i32>} : memref<256xi32, #tpu.memory_space<vmem>>, vector<16xi32>, vector<16xi1>
          tpu.vector_store %arg14[%swap3A_210], %sub3A_195 masked %and3A_208 {strides = array<i32>} : memref<256xi32, #tpu.memory_space<vmem>>, vector<16xi32>, vector<16xi1>
          %all_reduce_population_count3A = tpu.all_reduce %and3A_208 {dim = 0 : i64, kind = #tpu.reduction_kind<sum>} : vector<16xi1> -> vector<16xi32>
          %reduce_max3A = arith.constant true
          %reduce_max3A_212 = vector.broadcast %reduce_max3A : i1 to vector<16xi1>
          %reduce_max3A_213 = arith.constant -2147483648 : i32
          %reduce_max3A_214 = vector.broadcast %reduce_max3A_213 : i32 to vector<16xi32>
          %reduce_max3A_215 = arith.xori %all_reduce_population_count3A, %reduce_max3A_214 : vector<16xi32>
          %reduce_max3A_216 = tpu.scan <max>, %reduce_max3A_215 masked %reduce_max3A_212 : vector<16xi32>, vector<16xi1> -> vector<16xi32>
          %reduce_max3A_217 = arith.xori %reduce_max3A_216, %reduce_max3A_214 : vector<16xi32>
          %reduce_max3A_218 = vector.extract %reduce_max3A_217[15] : i32 from vector<16xi32>
          %add3A_219 = arith.addi %while3A_186, %reduce_max3A_218 : i32
          %min3A_220 = arith.constant 240 : i32
          %min3A_221 = arith.minsi %add3A_219, %min3A_220 : i32
          scf.yield %min3A_221 : i32
        }
        %while3A_117 = arith.constant 1 : i32
        %while3A_118 = scf.for %while3A_185 = %while3A_114 to %while3A_110 step %while3A_117 iter_args(%while3A_186 = %while3A_116) -> (i32)  : i32 {
          %mul3A_187 = arith.constant 16 : i32
          %mul3A_188 = arith.muli %while3A_185, %mul3A_187 : i32
          %get3A = arith.index_cast %mul3A_188 : i32 to index
          %get3A_189 = tpu.vector_load %arg12[%get3A] {strides = array<i32>} : memref<2560xi32, #tpu.memory_space<vmem>>, vector<16xi32>,
          %mul3A_190 = arith.constant 16 : i32
          %mul3A_191 = arith.muli %while3A_185, %mul3A_190 : i32
          %get3A_192 = arith.index_cast %mul3A_191 : i32 to index
          %get3A_193 = tpu.vector_load %arg11[%get3A_192] {strides = array<i32>} : memref<2560xi32, #tpu.memory_space<vmem>>, vector<16xi32>,
          %sub3A_194 = vector.broadcast %mul3A_80 : i32 to vector<16xi32>
          %sub3A_195 = arith.subi %get3A_189, %sub3A_194 : vector<16xi32>
          %mul3A_196 = arith.constant 16 : i32
          %mul3A_197 = arith.muli %while3A_185, %mul3A_196 : i32
          %add3A_198 = vector.broadcast %mul3A_197 : i32 to vector<16xi32>
          %add3A_199 = arith.addi %add3A_198, %iota3A : vector<16xi32>
          %lt3A_200 = vector.broadcast %scan3A_46 : i32 to vector<16xi32>
          %lt3A_201 = arith.cmpi slt, %add3A_199, %lt3A_200 : vector<16xi32>
          %ge3A = arith.constant 0 : i32
          %ge3A_202 = vector.broadcast %ge3A : i32 to vector<16xi32>
          %ge3A_203 = arith.cmpi sge, %sub3A_195, %ge3A_202 : vector<16xi32>
          %lt3A_204 = arith.constant 1024 : i32
          %lt3A_205 = vector.broadcast %lt3A_204 : i32 to vector<16xi32>
          %lt3A_206 = arith.cmpi slt, %sub3A_195, %lt3A_205 : vector<16xi32>
          %and3A_207 = arith.andi %ge3A_203, %lt3A_206 : vector<16xi1>
          %and3A_208 = arith.andi %and3A_207, %lt3A_201 : vector<16xi1>
          %swap3A = arith.index_cast %while3A_186 : i32 to index
          %swap3A_209 = tpu.vector_load %arg13[%swap3A] masked %and3A_208 {strides = array<i32>} : memref<256xi32, #tpu.memory_space<vmem>>, vector<16xi32>, vector<16xi1>
          tpu.vector_store %arg13[%swap3A], %get3A_193 masked %and3A_208 {strides = array<i32>} : memref<256xi32, #tpu.memory_space<vmem>>, vector<16xi32>, vector<16xi1>
          %swap3A_210 = arith.index_cast %while3A_186 : i32 to index
          %swap3A_211 = tpu.vector_load %arg14[%swap3A_210] masked %and3A_208 {strides = array<i32>} : memref<256xi32, #tpu.memory_space<vmem>>, vector<16xi32>, vector<16xi1>
          tpu.vector_store %arg14[%swap3A_210], %sub3A_195 masked %and3A_208 {strides = array<i32>} : memref<256xi32, #tpu.memory_space<vmem>>, vector<16xi32>, vector<16xi1>
          %all_reduce_population_count3A = tpu.all_reduce %and3A_208 {dim = 0 : i64, kind = #tpu.reduction_kind<sum>} : vector<16xi1> -> vector<16xi32>
          %reduce_max3A = arith.constant true
          %reduce_max3A_212 = vector.broadcast %reduce_max3A : i1 to vector<16xi1>
          %reduce_max3A_213 = arith.constant -2147483648 : i32
          %reduce_max3A_214 = vector.broadcast %reduce_max3A_213 : i32 to vector<16xi32>
          %reduce_max3A_215 = arith.xori %all_reduce_population_count3A, %reduce_max3A_214 : vector<16xi32>
          %reduce_max3A_216 = tpu.scan <max>, %reduce_max3A_215 masked %reduce_max3A_212 : vector<16xi32>, vector<16xi1> -> vector<16xi32>
          %reduce_max3A_217 = arith.xori %reduce_max3A_216, %reduce_max3A_214 : vector<16xi32>
          %reduce_max3A_218 = vector.extract %reduce_max3A_217[15] : i32 from vector<16xi32>
          %add3A_219 = arith.addi %while3A_186, %reduce_max3A_218 : i32
          %min3A_220 = arith.constant 240 : i32
          %min3A_221 = arith.minsi %add3A_219, %min3A_220 : i32
          scf.yield %min3A_221 : i32
        }
        %add3A_119 = arith.constant 16 : i32
        %add3A_120 = arith.addi %while3A_118, %add3A_119 : i32
        %sub3A_121 = arith.constant 1 : i32
        %sub3A_122 = arith.subi %add3A_120, %sub3A_121 : i32
        %jit3A_123 = arith.constant 16 : i32
        %div3A_124 = arith.divsi %sub3A_122, %jit3A_123 : i32
        %sign3A_125 = arith.constant 0 : i32
        %sign3A_126 = arith.cmpi sgt, %sub3A_122, %sign3A_125 : i32
        %sign3A_127 = arith.extui %sign3A_126 : i1 to i32
        %sign3A_128 = arith.constant 0 : i32
        %sign3A_129 = arith.cmpi slt, %sub3A_122, %sign3A_128 : i32
        %sign3A_130 = arith.extui %sign3A_129 : i1 to i32
        %sign3A_131 = arith.subi %sign3A_127, %sign3A_130 : i32
        %sign3A_132 = arith.constant 0 : i32
        %sign3A_133 = arith.cmpi sgt, %jit3A_123, %sign3A_132 : i32
        %sign3A_134 = arith.extui %sign3A_133 : i1 to i32
        %sign3A_135 = arith.constant 0 : i32
        %sign3A_136 = arith.cmpi slt, %jit3A_123, %sign3A_135 : i32
        %sign3A_137 = arith.extui %sign3A_136 : i1 to i32
        %sign3A_138 = arith.subi %sign3A_134, %sign3A_137 : i32
        %ne3A_139 = arith.cmpi ne, %sign3A_131, %sign3A_138 : i32
        %rem3A_140 = arith.remsi %sub3A_122, %jit3A_123 : i32
        %ne3A_141 = arith.constant 0 : i32
        %ne3A_142 = arith.cmpi ne, %rem3A_140, %ne3A_141 : i32
        %and3A_143 = arith.andi %ne3A_139, %ne3A_142 : i1
        %sub3A_144 = arith.constant 1 : i32
        %sub3A_145 = arith.subi %div3A_124, %sub3A_144 : i32
        %select_n3A_146 = arith.select %and3A_143, %sub3A_145, %div3A_124 : i32
        %while3A_147 = arith.constant 0 : i32
        %while3A_148 = arith.constant 0 : i32
        %while3A_149 = arith.subi %select_n3A_146, %while3A_148 : i32
        %while3A_150 = arith.addi %while3A_148, %while3A_149 : i32
        %while3A_151 = arith.constant 1 : i32
        %while3A_152 = arith.divsi %while3A_149, %while3A_151 : i32
        %while3A_153 = arith.muli %while3A_152, %while3A_151 : i32
        %while3A_154 = arith.addi %while3A_148, %while3A_153 : i32
        %while3A_155 = arith.constant 1 : i32
        scf.for %while3A_185 = %while3A_148 to %while3A_154 step %while3A_155  : i32 {
          %mul3A_186 = arith.constant 16 : i32
          %mul3A_187 = arith.muli %while3A_185, %mul3A_186 : i32
          %get3A = arith.index_cast %mul3A_187 : i32 to index
          %get3A_188 = tpu.vector_load %arg14[%get3A] {strides = array<i32>} : memref<256xi32, #tpu.memory_space<vmem>>, vector<16xi32>,
          %mul3A_189 = arith.constant 16 : i32
          %mul3A_190 = arith.muli %while3A_185, %mul3A_189 : i32
          %add3A_191 = vector.broadcast %mul3A_190 : i32 to vector<16xi32>
          %add3A_192 = arith.addi %add3A_191, %iota3A : vector<16xi32>
          %min3A_193 = arith.constant 1023 : i32
          %min3A_194 = vector.broadcast %min3A_193 : i32 to vector<16xi32>
          %min3A_195 = arith.minsi %get3A_188, %min3A_194 : vector<16xi32>
          %sub3A_196 = arith.constant 512 : i32
          %sub3A_197 = vector.broadcast %sub3A_196 : i32 to vector<16xi32>
          %sub3A_198 = arith.subi %get3A_188, %sub3A_197 : vector<16xi32>
          %jit3A_199 = arith.constant 0 : i32
          %jit3A_200 = arith.constant 63 : i32
          %max3A = vector.broadcast %jit3A_199 : i32 to vector<16xi32>
          %max3A_201 = arith.maxsi %max3A, %sub3A_198 : vector<16xi32>
          %min3A_202 = vector.broadcast %jit3A_200 : i32 to vector<16xi32>
          %min3A_203 = arith.minsi %min3A_202, %max3A_201 : vector<16xi32>
          %ge3A = arith.constant 512 : i32
          %ge3A_204 = vector.broadcast %ge3A : i32 to vector<16xi32>
          %ge3A_205 = arith.cmpi sge, %get3A_188, %ge3A_204 : vector<16xi32>
          %and3A_206 = vector.broadcast %and3A_83 : i1 to vector<16xi1>
          %and3A_207 = arith.andi %and3A_206, %ge3A_205 : vector<16xi1>
          %broadcast_in_dim3A = arith.constant 0 : i32
          %broadcast_in_dim3A_208 = vector.broadcast %broadcast_in_dim3A : i32 to vector<16xi32>
          %gather3A = tpu.vector_load_idx %arg8[%broadcast_in_dim3A_208, %min3A_195] : memref<32x1024xf32, #tpu.memory_space<vmem>>[vector<16xi32>, vector<16xi32>], vector<16xf32>,
          %gather3A_209 = tpu.vector_load_idx %arg9[%min3A_203, %broadcast_in_dim3A_208] : memref<64x32xf32, #tpu.memory_space<vmem>>[vector<16xi32>, vector<16xi32>], vector<16xf32>,
          %select_n3A_210 = arith.select %and3A_207, %gather3A_209, %gather3A : vector<16xi1>, vector<16xf32>
          %mul3A_211 = arith.constant 32 : i32
          %mul3A_212 = vector.broadcast %mul3A_211 : i32 to vector<16xi32>
          %mul3A_213 = arith.muli %add3A_192, %mul3A_212 : vector<16xi32>
          %add3A_214 = arith.constant 0 : i32
          %add3A_215 = vector.broadcast %add3A_214 : i32 to vector<16xi32>
          %add3A_216 = arith.addi %mul3A_213, %add3A_215 : vector<16xi32>
          tpu.vector_store_idx %arg15[%add3A_216], %select_n3A_210 : memref<8192xf32, #tpu.memory_space<vmem>>[vector<16xi32>], vector<16xf32>,
          %broadcast_in_dim3A_217 = arith.constant 1 : i32
          %broadcast_in_dim3A_218 = vector.broadcast %broadcast_in_dim3A_217 : i32 to vector<16xi32>
          %gather3A_219 = tpu.vector_load_idx %arg8[%broadcast_in_dim3A_218, %min3A_195] : memref<32x1024xf32, #tpu.memory_space<vmem>>[vector<16xi32>, vector<16xi32>], vector<16xf32>,
          %gather3A_220 = tpu.vector_load_idx %arg9[%min3A_203, %broadcast_in_dim3A_218] : memref<64x32xf32, #tpu.memory_space<vmem>>[vector<16xi32>, vector<16xi32>], vector<16xf32>,
          %select_n3A_221 = arith.select %and3A_207, %gather3A_220, %gather3A_219 : vector<16xi1>, vector<16xf32>
          %mul3A_222 = arith.constant 32 : i32
          %mul3A_223 = vector.broadcast %mul3A_222 : i32 to vector<16xi32>
          %mul3A_224 = arith.muli %add3A_192, %mul3A_223 : vector<16xi32>
          %add3A_225 = arith.constant 1 : i32
          %add3A_226 = vector.broadcast %add3A_225 : i32 to vector<16xi32>
          %add3A_227 = arith.addi %mul3A_224, %add3A_226 : vector<16xi32>
          tpu.vector_store_idx %arg15[%add3A_227], %select_n3A_221 : memref<8192xf32, #tpu.memory_space<vmem>>[vector<16xi32>], vector<16xf32>,
          %broadcast_in_dim3A_228 = arith.constant 2 : i32
          %broadcast_in_dim3A_229 = vector.broadcast %broadcast_in_dim3A_228 : i32 to vector<16xi32>
          %gather3A_230 = tpu.vector_load_idx %arg8[%broadcast_in_dim3A_229, %min3A_195] : memref<32x1024xf32, #tpu.memory_space<vmem>>[vector<16xi32>, vector<16xi32>], vector<16xf32>,
          %gather3A_231 = tpu.vector_load_idx %arg9[%min3A_203, %broadcast_in_dim3A_229] : memref<64x32xf32, #tpu.memory_space<vmem>>[vector<16xi32>, vector<16xi32>], vector<16xf32>,
          %select_n3A_232 = arith.select %and3A_207, %gather3A_231, %gather3A_230 : vector<16xi1>, vector<16xf32>
          %mul3A_233 = arith.constant 32 : i32
          %mul3A_234 = vector.broadcast %mul3A_233 : i32 to vector<16xi32>
          %mul3A_235 = arith.muli %add3A_192, %mul3A_234 : vector<16xi32>
          %add3A_236 = arith.constant 2 : i32
          %add3A_237 = vector.broadcast %add3A_236 : i32 to vector<16xi32>
          %add3A_238 = arith.addi %mul3A_235, %add3A_237 : vector<16xi32>
          tpu.vector_store_idx %arg15[%add3A_238], %select_n3A_232 : memref<8192xf32, #tpu.memory_space<vmem>>[vector<16xi32>], vector<16xf32>,
          %broadcast_in_dim3A_239 = arith.constant 3 : i32
          %broadcast_in_dim3A_240 = vector.broadcast %broadcast_in_dim3A_239 : i32 to vector<16xi32>
          %gather3A_241 = tpu.vector_load_idx %arg8[%broadcast_in_dim3A_240, %min3A_195] : memref<32x1024xf32, #tpu.memory_space<vmem>>[vector<16xi32>, vector<16xi32>], vector<16xf32>,
          %gather3A_242 = tpu.vector_load_idx %arg9[%min3A_203, %broadcast_in_dim3A_240] : memref<64x32xf32, #tpu.memory_space<vmem>>[vector<16xi32>, vector<16xi32>], vector<16xf32>,
          %select_n3A_243 = arith.select %and3A_207, %gather3A_242, %gather3A_241 : vector<16xi1>, vector<16xf32>
          %mul3A_244 = arith.constant 32 : i32
          %mul3A_245 = vector.broadcast %mul3A_244 : i32 to vector<16xi32>
          %mul3A_246 = arith.muli %add3A_192, %mul3A_245 : vector<16xi32>
          %add3A_247 = arith.constant 3 : i32
          %add3A_248 = vector.broadcast %add3A_247 : i32 to vector<16xi32>
          %add3A_249 = arith.addi %mul3A_246, %add3A_248 : vector<16xi32>
          tpu.vector_store_idx %arg15[%add3A_249], %select_n3A_243 : memref<8192xf32, #tpu.memory_space<vmem>>[vector<16xi32>], vector<16xf32>,
          %broadcast_in_dim3A_250 = arith.constant 4 : i32
          %broadcast_in_dim3A_251 = vector.broadcast %broadcast_in_dim3A_250 : i32 to vector<16xi32>
          %gather3A_252 = tpu.vector_load_idx %arg8[%broadcast_in_dim3A_251, %min3A_195] : memref<32x1024xf32, #tpu.memory_space<vmem>>[vector<16xi32>, vector<16xi32>], vector<16xf32>,
          %gather3A_253 = tpu.vector_load_idx %arg9[%min3A_203, %broadcast_in_dim3A_251] : memref<64x32xf32, #tpu.memory_space<vmem>>[vector<16xi32>, vector<16xi32>], vector<16xf32>,
          %select_n3A_254 = arith.select %and3A_207, %gather3A_253, %gather3A_252 : vector<16xi1>, vector<16xf32>
          %mul3A_255 = arith.constant 32 : i32
          %mul3A_256 = vector.broadcast %mul3A_255 : i32 to vector<16xi32>
          %mul3A_257 = arith.muli %add3A_192, %mul3A_256 : vector<16xi32>
          %add3A_258 = arith.constant 4 : i32
          %add3A_259 = vector.broadcast %add3A_258 : i32 to vector<16xi32>
          %add3A_260 = arith.addi %mul3A_257, %add3A_259 : vector<16xi32>
          tpu.vector_store_idx %arg15[%add3A_260], %select_n3A_254 : memref<8192xf32, #tpu.memory_space<vmem>>[vector<16xi32>], vector<16xf32>,
          %broadcast_in_dim3A_261 = arith.constant 5 : i32
          %broadcast_in_dim3A_262 = vector.broadcast %broadcast_in_dim3A_261 : i32 to vector<16xi32>
          %gather3A_263 = tpu.vector_load_idx %arg8[%broadcast_in_dim3A_262, %min3A_195] : memref<32x1024xf32, #tpu.memory_space<vmem>>[vector<16xi32>, vector<16xi32>], vector<16xf32>,
          %gather3A_264 = tpu.vector_load_idx %arg9[%min3A_203, %broadcast_in_dim3A_262] : memref<64x32xf32, #tpu.memory_space<vmem>>[vector<16xi32>, vector<16xi32>], vector<16xf32>,
          %select_n3A_265 = arith.select %and3A_207, %gather3A_264, %gather3A_263 : vector<16xi1>, vector<16xf32>
          %mul3A_266 = arith.constant 32 : i32
          %mul3A_267 = vector.broadcast %mul3A_266 : i32 to vector<16xi32>
          %mul3A_268 = arith.muli %add3A_192, %mul3A_267 : vector<16xi32>
          %add3A_269 = arith.constant 5 : i32
          %add3A_270 = vector.broadcast %add3A_269 : i32 to vector<16xi32>
          %add3A_271 = arith.addi %mul3A_268, %add3A_270 : vector<16xi32>
          tpu.vector_store_idx %arg15[%add3A_271], %select_n3A_265 : memref<8192xf32, #tpu.memory_space<vmem>>[vector<16xi32>], vector<16xf32>,
          %broadcast_in_dim3A_272 = arith.constant 6 : i32
          %broadcast_in_dim3A_273 = vector.broadcast %broadcast_in_dim3A_272 : i32 to vector<16xi32>
          %gather3A_274 = tpu.vector_load_idx %arg8[%broadcast_in_dim3A_273, %min3A_195] : memref<32x1024xf32, #tpu.memory_space<vmem>>[vector<16xi32>, vector<16xi32>], vector<16xf32>,
          %gather3A_275 = tpu.vector_load_idx %arg9[%min3A_203, %broadcast_in_dim3A_273] : memref<64x32xf32, #tpu.memory_space<vmem>>[vector<16xi32>, vector<16xi32>], vector<16xf32>,
          %select_n3A_276 = arith.select %and3A_207, %gather3A_275, %gather3A_274 : vector<16xi1>, vector<16xf32>
          %mul3A_277 = arith.constant 32 : i32
          %mul3A_278 = vector.broadcast %mul3A_277 : i32 to vector<16xi32>
          %mul3A_279 = arith.muli %add3A_192, %mul3A_278 : vector<16xi32>
          %add3A_280 = arith.constant 6 : i32
          %add3A_281 = vector.broadcast %add3A_280 : i32 to vector<16xi32>
          %add3A_282 = arith.addi %mul3A_279, %add3A_281 : vector<16xi32>
          tpu.vector_store_idx %arg15[%add3A_282], %select_n3A_276 : memref<8192xf32, #tpu.memory_space<vmem>>[vector<16xi32>], vector<16xf32>,
          %broadcast_in_dim3A_283 = arith.constant 7 : i32
          %broadcast_in_dim3A_284 = vector.broadcast %broadcast_in_dim3A_283 : i32 to vector<16xi32>
          %gather3A_285 = tpu.vector_load_idx %arg8[%broadcast_in_dim3A_284, %min3A_195] : memref<32x1024xf32, #tpu.memory_space<vmem>>[vector<16xi32>, vector<16xi32>], vector<16xf32>,
          %gather3A_286 = tpu.vector_load_idx %arg9[%min3A_203, %broadcast_in_dim3A_284] : memref<64x32xf32, #tpu.memory_space<vmem>>[vector<16xi32>, vector<16xi32>], vector<16xf32>,
          %select_n3A_287 = arith.select %and3A_207, %gather3A_286, %gather3A_285 : vector<16xi1>, vector<16xf32>
          %mul3A_288 = arith.constant 32 : i32
          %mul3A_289 = vector.broadcast %mul3A_288 : i32 to vector<16xi32>
          %mul3A_290 = arith.muli %add3A_192, %mul3A_289 : vector<16xi32>
          %add3A_291 = arith.constant 7 : i32
          %add3A_292 = vector.broadcast %add3A_291 : i32 to vector<16xi32>
          %add3A_293 = arith.addi %mul3A_290, %add3A_292 : vector<16xi32>
          tpu.vector_store_idx %arg15[%add3A_293], %select_n3A_287 : memref<8192xf32, #tpu.memory_space<vmem>>[vector<16xi32>], vector<16xf32>,
          %broadcast_in_dim3A_294 = arith.constant 8 : i32
          %broadcast_in_dim3A_295 = vector.broadcast %broadcast_in_dim3A_294 : i32 to vector<16xi32>
          %gather3A_296 = tpu.vector_load_idx %arg8[%broadcast_in_dim3A_295, %min3A_195] : memref<32x1024xf32, #tpu.memory_space<vmem>>[vector<16xi32>, vector<16xi32>], vector<16xf32>,
          %gather3A_297 = tpu.vector_load_idx %arg9[%min3A_203, %broadcast_in_dim3A_295] : memref<64x32xf32, #tpu.memory_space<vmem>>[vector<16xi32>, vector<16xi32>], vector<16xf32>,
          %select_n3A_298 = arith.select %and3A_207, %gather3A_297, %gather3A_296 : vector<16xi1>, vector<16xf32>
          %mul3A_299 = arith.constant 32 : i32
          %mul3A_300 = vector.broadcast %mul3A_299 : i32 to vector<16xi32>
          %mul3A_301 = arith.muli %add3A_192, %mul3A_300 : vector<16xi32>
          %add3A_302 = arith.constant 8 : i32
          %add3A_303 = vector.broadcast %add3A_302 : i32 to vector<16xi32>
          %add3A_304 = arith.addi %mul3A_301, %add3A_303 : vector<16xi32>
          tpu.vector_store_idx %arg15[%add3A_304], %select_n3A_298 : memref<8192xf32, #tpu.memory_space<vmem>>[vector<16xi32>], vector<16xf32>,
          %broadcast_in_dim3A_305 = arith.constant 9 : i32
          %broadcast_in_dim3A_306 = vector.broadcast %broadcast_in_dim3A_305 : i32 to vector<16xi32>
          %gather3A_307 = tpu.vector_load_idx %arg8[%broadcast_in_dim3A_306, %min3A_195] : memref<32x1024xf32, #tpu.memory_space<vmem>>[vector<16xi32>, vector<16xi32>], vector<16xf32>,
          %gather3A_308 = tpu.vector_load_idx %arg9[%min3A_203, %broadcast_in_dim3A_306] : memref<64x32xf32, #tpu.memory_space<vmem>>[vector<16xi32>, vector<16xi32>], vector<16xf32>,
          %select_n3A_309 = arith.select %and3A_207, %gather3A_308, %gather3A_307 : vector<16xi1>, vector<16xf32>
          %mul3A_310 = arith.constant 32 : i32
          %mul3A_311 = vector.broadcast %mul3A_310 : i32 to vector<16xi32>
          %mul3A_312 = arith.muli %add3A_192, %mul3A_311 : vector<16xi32>
          %add3A_313 = arith.constant 9 : i32
          %add3A_314 = vector.broadcast %add3A_313 : i32 to vector<16xi32>
          %add3A_315 = arith.addi %mul3A_312, %add3A_314 : vector<16xi32>
          tpu.vector_store_idx %arg15[%add3A_315], %select_n3A_309 : memref<8192xf32, #tpu.memory_space<vmem>>[vector<16xi32>], vector<16xf32>,
          %broadcast_in_dim3A_316 = arith.constant 10 : i32
          %broadcast_in_dim3A_317 = vector.broadcast %broadcast_in_dim3A_316 : i32 to vector<16xi32>
          %gather3A_318 = tpu.vector_load_idx %arg8[%broadcast_in_dim3A_317, %min3A_195] : memref<32x1024xf32, #tpu.memory_space<vmem>>[vector<16xi32>, vector<16xi32>], vector<16xf32>,
          %gather3A_319 = tpu.vector_load_idx %arg9[%min3A_203, %broadcast_in_dim3A_317] : memref<64x32xf32, #tpu.memory_space<vmem>>[vector<16xi32>, vector<16xi32>], vector<16xf32>,
          %select_n3A_320 = arith.select %and3A_207, %gather3A_319, %gather3A_318 : vector<16xi1>, vector<16xf32>
          %mul3A_321 = arith.constant 32 : i32
          %mul3A_322 = vector.broadcast %mul3A_321 : i32 to vector<16xi32>
          %mul3A_323 = arith.muli %add3A_192, %mul3A_322 : vector<16xi32>
          %add3A_324 = arith.constant 10 : i32
          %add3A_325 = vector.broadcast %add3A_324 : i32 to vector<16xi32>
          %add3A_326 = arith.addi %mul3A_323, %add3A_325 : vector<16xi32>
          tpu.vector_store_idx %arg15[%add3A_326], %select_n3A_320 : memref<8192xf32, #tpu.memory_space<vmem>>[vector<16xi32>], vector<16xf32>,
          %broadcast_in_dim3A_327 = arith.constant 11 : i32
          %broadcast_in_dim3A_328 = vector.broadcast %broadcast_in_dim3A_327 : i32 to vector<16xi32>
          %gather3A_329 = tpu.vector_load_idx %arg8[%broadcast_in_dim3A_328, %min3A_195] : memref<32x1024xf32, #tpu.memory_space<vmem>>[vector<16xi32>, vector<16xi32>], vector<16xf32>,
          %gather3A_330 = tpu.vector_load_idx %arg9[%min3A_203, %broadcast_in_dim3A_328] : memref<64x32xf32, #tpu.memory_space<vmem>>[vector<16xi32>, vector<16xi32>], vector<16xf32>,
          %select_n3A_331 = arith.select %and3A_207, %gather3A_330, %gather3A_329 : vector<16xi1>, vector<16xf32>
          %mul3A_332 = arith.constant 32 : i32
          %mul3A_333 = vector.broadcast %mul3A_332 : i32 to vector<16xi32>
          %mul3A_334 = arith.muli %add3A_192, %mul3A_333 : vector<16xi32>
          %add3A_335 = arith.constant 11 : i32
          %add3A_336 = vector.broadcast %add3A_335 : i32 to vector<16xi32>
          %add3A_337 = arith.addi %mul3A_334, %add3A_336 : vector<16xi32>
          tpu.vector_store_idx %arg15[%add3A_337], %select_n3A_331 : memref<8192xf32, #tpu.memory_space<vmem>>[vector<16xi32>], vector<16xf32>,
          %broadcast_in_dim3A_338 = arith.constant 12 : i32
          %broadcast_in_dim3A_339 = vector.broadcast %broadcast_in_dim3A_338 : i32 to vector<16xi32>
          %gather3A_340 = tpu.vector_load_idx %arg8[%broadcast_in_dim3A_339, %min3A_195] : memref<32x1024xf32, #tpu.memory_space<vmem>>[vector<16xi32>, vector<16xi32>], vector<16xf32>,
          %gather3A_341 = tpu.vector_load_idx %arg9[%min3A_203, %broadcast_in_dim3A_339] : memref<64x32xf32, #tpu.memory_space<vmem>>[vector<16xi32>, vector<16xi32>], vector<16xf32>,
          %select_n3A_342 = arith.select %and3A_207, %gather3A_341, %gather3A_340 : vector<16xi1>, vector<16xf32>
          %mul3A_343 = arith.constant 32 : i32
          %mul3A_344 = vector.broadcast %mul3A_343 : i32 to vector<16xi32>
          %mul3A_345 = arith.muli %add3A_192, %mul3A_344 : vector<16xi32>
          %add3A_346 = arith.constant 12 : i32
          %add3A_347 = vector.broadcast %add3A_346 : i32 to vector<16xi32>
          %add3A_348 = arith.addi %mul3A_345, %add3A_347 : vector<16xi32>
          tpu.vector_store_idx %arg15[%add3A_348], %select_n3A_342 : memref<8192xf32, #tpu.memory_space<vmem>>[vector<16xi32>], vector<16xf32>,
          %broadcast_in_dim3A_349 = arith.constant 13 : i32
          %broadcast_in_dim3A_350 = vector.broadcast %broadcast_in_dim3A_349 : i32 to vector<16xi32>
          %gather3A_351 = tpu.vector_load_idx %arg8[%broadcast_in_dim3A_350, %min3A_195] : memref<32x1024xf32, #tpu.memory_space<vmem>>[vector<16xi32>, vector<16xi32>], vector<16xf32>,
          %gather3A_352 = tpu.vector_load_idx %arg9[%min3A_203, %broadcast_in_dim3A_350] : memref<64x32xf32, #tpu.memory_space<vmem>>[vector<16xi32>, vector<16xi32>], vector<16xf32>,
          %select_n3A_353 = arith.select %and3A_207, %gather3A_352, %gather3A_351 : vector<16xi1>, vector<16xf32>
          %mul3A_354 = arith.constant 32 : i32
          %mul3A_355 = vector.broadcast %mul3A_354 : i32 to vector<16xi32>
          %mul3A_356 = arith.muli %add3A_192, %mul3A_355 : vector<16xi32>
          %add3A_357 = arith.constant 13 : i32
          %add3A_358 = vector.broadcast %add3A_357 : i32 to vector<16xi32>
          %add3A_359 = arith.addi %mul3A_356, %add3A_358 : vector<16xi32>
          tpu.vector_store_idx %arg15[%add3A_359], %select_n3A_353 : memref<8192xf32, #tpu.memory_space<vmem>>[vector<16xi32>], vector<16xf32>,
          %broadcast_in_dim3A_360 = arith.constant 14 : i32
          %broadcast_in_dim3A_361 = vector.broadcast %broadcast_in_dim3A_360 : i32 to vector<16xi32>
          %gather3A_362 = tpu.vector_load_idx %arg8[%broadcast_in_dim3A_361, %min3A_195] : memref<32x1024xf32, #tpu.memory_space<vmem>>[vector<16xi32>, vector<16xi32>], vector<16xf32>,
          %gather3A_363 = tpu.vector_load_idx %arg9[%min3A_203, %broadcast_in_dim3A_361] : memref<64x32xf32, #tpu.memory_space<vmem>>[vector<16xi32>, vector<16xi32>], vector<16xf32>,
          %select_n3A_364 = arith.select %and3A_207, %gather3A_363, %gather3A_362 : vector<16xi1>, vector<16xf32>
          %mul3A_365 = arith.constant 32 : i32
          %mul3A_366 = vector.broadcast %mul3A_365 : i32 to vector<16xi32>
          %mul3A_367 = arith.muli %add3A_192, %mul3A_366 : vector<16xi32>
          %add3A_368 = arith.constant 14 : i32
          %add3A_369 = vector.broadcast %add3A_368 : i32 to vector<16xi32>
          %add3A_370 = arith.addi %mul3A_367, %add3A_369 : vector<16xi32>
          tpu.vector_store_idx %arg15[%add3A_370], %select_n3A_364 : memref<8192xf32, #tpu.memory_space<vmem>>[vector<16xi32>], vector<16xf32>,
          %broadcast_in_dim3A_371 = arith.constant 15 : i32
          %broadcast_in_dim3A_372 = vector.broadcast %broadcast_in_dim3A_371 : i32 to vector<16xi32>
          %gather3A_373 = tpu.vector_load_idx %arg8[%broadcast_in_dim3A_372, %min3A_195] : memref<32x1024xf32, #tpu.memory_space<vmem>>[vector<16xi32>, vector<16xi32>], vector<16xf32>,
          %gather3A_374 = tpu.vector_load_idx %arg9[%min3A_203, %broadcast_in_dim3A_372] : memref<64x32xf32, #tpu.memory_space<vmem>>[vector<16xi32>, vector<16xi32>], vector<16xf32>,
          %select_n3A_375 = arith.select %and3A_207, %gather3A_374, %gather3A_373 : vector<16xi1>, vector<16xf32>
          %mul3A_376 = arith.constant 32 : i32
          %mul3A_377 = vector.broadcast %mul3A_376 : i32 to vector<16xi32>
          %mul3A_378 = arith.muli %add3A_192, %mul3A_377 : vector<16xi32>
          %add3A_379 = arith.constant 15 : i32
          %add3A_380 = vector.broadcast %add3A_379 : i32 to vector<16xi32>
          %add3A_381 = arith.addi %mul3A_378, %add3A_380 : vector<16xi32>
          tpu.vector_store_idx %arg15[%add3A_381], %select_n3A_375 : memref<8192xf32, #tpu.memory_space<vmem>>[vector<16xi32>], vector<16xf32>,
          %broadcast_in_dim3A_382 = arith.constant 16 : i32
          %broadcast_in_dim3A_383 = vector.broadcast %broadcast_in_dim3A_382 : i32 to vector<16xi32>
          %gather3A_384 = tpu.vector_load_idx %arg8[%broadcast_in_dim3A_383, %min3A_195] : memref<32x1024xf32, #tpu.memory_space<vmem>>[vector<16xi32>, vector<16xi32>], vector<16xf32>,
          %gather3A_385 = tpu.vector_load_idx %arg9[%min3A_203, %broadcast_in_dim3A_383] : memref<64x32xf32, #tpu.memory_space<vmem>>[vector<16xi32>, vector<16xi32>], vector<16xf32>,
          %select_n3A_386 = arith.select %and3A_207, %gather3A_385, %gather3A_384 : vector<16xi1>, vector<16xf32>
          %mul3A_387 = arith.constant 32 : i32
          %mul3A_388 = vector.broadcast %mul3A_387 : i32 to vector<16xi32>
          %mul3A_389 = arith.muli %add3A_192, %mul3A_388 : vector<16xi32>
          %add3A_390 = arith.constant 16 : i32
          %add3A_391 = vector.broadcast %add3A_390 : i32 to vector<16xi32>
          %add3A_392 = arith.addi %mul3A_389, %add3A_391 : vector<16xi32>
          tpu.vector_store_idx %arg15[%add3A_392], %select_n3A_386 : memref<8192xf32, #tpu.memory_space<vmem>>[vector<16xi32>], vector<16xf32>,
          %broadcast_in_dim3A_393 = arith.constant 17 : i32
          %broadcast_in_dim3A_394 = vector.broadcast %broadcast_in_dim3A_393 : i32 to vector<16xi32>
          %gather3A_395 = tpu.vector_load_idx %arg8[%broadcast_in_dim3A_394, %min3A_195] : memref<32x1024xf32, #tpu.memory_space<vmem>>[vector<16xi32>, vector<16xi32>], vector<16xf32>,
          %gather3A_396 = tpu.vector_load_idx %arg9[%min3A_203, %broadcast_in_dim3A_394] : memref<64x32xf32, #tpu.memory_space<vmem>>[vector<16xi32>, vector<16xi32>], vector<16xf32>,
          %select_n3A_397 = arith.select %and3A_207, %gather3A_396, %gather3A_395 : vector<16xi1>, vector<16xf32>
          %mul3A_398 = arith.constant 32 : i32
          %mul3A_399 = vector.broadcast %mul3A_398 : i32 to vector<16xi32>
          %mul3A_400 = arith.muli %add3A_192, %mul3A_399 : vector<16xi32>
          %add3A_401 = arith.constant 17 : i32
          %add3A_402 = vector.broadcast %add3A_401 : i32 to vector<16xi32>
          %add3A_403 = arith.addi %mul3A_400, %add3A_402 : vector<16xi32>
          tpu.vector_store_idx %arg15[%add3A_403], %select_n3A_397 : memref<8192xf32, #tpu.memory_space<vmem>>[vector<16xi32>], vector<16xf32>,
          %broadcast_in_dim3A_404 = arith.constant 18 : i32
          %broadcast_in_dim3A_405 = vector.broadcast %broadcast_in_dim3A_404 : i32 to vector<16xi32>
          %gather3A_406 = tpu.vector_load_idx %arg8[%broadcast_in_dim3A_405, %min3A_195] : memref<32x1024xf32, #tpu.memory_space<vmem>>[vector<16xi32>, vector<16xi32>], vector<16xf32>,
          %gather3A_407 = tpu.vector_load_idx %arg9[%min3A_203, %broadcast_in_dim3A_405] : memref<64x32xf32, #tpu.memory_space<vmem>>[vector<16xi32>, vector<16xi32>], vector<16xf32>,
          %select_n3A_408 = arith.select %and3A_207, %gather3A_407, %gather3A_406 : vector<16xi1>, vector<16xf32>
          %mul3A_409 = arith.constant 32 : i32
          %mul3A_410 = vector.broadcast %mul3A_409 : i32 to vector<16xi32>
          %mul3A_411 = arith.muli %add3A_192, %mul3A_410 : vector<16xi32>
          %add3A_412 = arith.constant 18 : i32
          %add3A_413 = vector.broadcast %add3A_412 : i32 to vector<16xi32>
          %add3A_414 = arith.addi %mul3A_411, %add3A_413 : vector<16xi32>
          tpu.vector_store_idx %arg15[%add3A_414], %select_n3A_408 : memref<8192xf32, #tpu.memory_space<vmem>>[vector<16xi32>], vector<16xf32>,
          %broadcast_in_dim3A_415 = arith.constant 19 : i32
          %broadcast_in_dim3A_416 = vector.broadcast %broadcast_in_dim3A_415 : i32 to vector<16xi32>
          %gather3A_417 = tpu.vector_load_idx %arg8[%broadcast_in_dim3A_416, %min3A_195] : memref<32x1024xf32, #tpu.memory_space<vmem>>[vector<16xi32>, vector<16xi32>], vector<16xf32>,
          %gather3A_418 = tpu.vector_load_idx %arg9[%min3A_203, %broadcast_in_dim3A_416] : memref<64x32xf32, #tpu.memory_space<vmem>>[vector<16xi32>, vector<16xi32>], vector<16xf32>,
          %select_n3A_419 = arith.select %and3A_207, %gather3A_418, %gather3A_417 : vector<16xi1>, vector<16xf32>
          %mul3A_420 = arith.constant 32 : i32
          %mul3A_421 = vector.broadcast %mul3A_420 : i32 to vector<16xi32>
          %mul3A_422 = arith.muli %add3A_192, %mul3A_421 : vector<16xi32>
          %add3A_423 = arith.constant 19 : i32
          %add3A_424 = vector.broadcast %add3A_423 : i32 to vector<16xi32>
          %add3A_425 = arith.addi %mul3A_422, %add3A_424 : vector<16xi32>
          tpu.vector_store_idx %arg15[%add3A_425], %select_n3A_419 : memref<8192xf32, #tpu.memory_space<vmem>>[vector<16xi32>], vector<16xf32>,
          %broadcast_in_dim3A_426 = arith.constant 20 : i32
          %broadcast_in_dim3A_427 = vector.broadcast %broadcast_in_dim3A_426 : i32 to vector<16xi32>
          %gather3A_428 = tpu.vector_load_idx %arg8[%broadcast_in_dim3A_427, %min3A_195] : memref<32x1024xf32, #tpu.memory_space<vmem>>[vector<16xi32>, vector<16xi32>], vector<16xf32>,
          %gather3A_429 = tpu.vector_load_idx %arg9[%min3A_203, %broadcast_in_dim3A_427] : memref<64x32xf32, #tpu.memory_space<vmem>>[vector<16xi32>, vector<16xi32>], vector<16xf32>,
          %select_n3A_430 = arith.select %and3A_207, %gather3A_429, %gather3A_428 : vector<16xi1>, vector<16xf32>
          %mul3A_431 = arith.constant 32 : i32
          %mul3A_432 = vector.broadcast %mul3A_431 : i32 to vector<16xi32>
          %mul3A_433 = arith.muli %add3A_192, %mul3A_432 : vector<16xi32>
          %add3A_434 = arith.constant 20 : i32
          %add3A_435 = vector.broadcast %add3A_434 : i32 to vector<16xi32>
          %add3A_436 = arith.addi %mul3A_433, %add3A_435 : vector<16xi32>
          tpu.vector_store_idx %arg15[%add3A_436], %select_n3A_430 : memref<8192xf32, #tpu.memory_space<vmem>>[vector<16xi32>], vector<16xf32>,
          %broadcast_in_dim3A_437 = arith.constant 21 : i32
          %broadcast_in_dim3A_438 = vector.broadcast %broadcast_in_dim3A_437 : i32 to vector<16xi32>
          %gather3A_439 = tpu.vector_load_idx %arg8[%broadcast_in_dim3A_438, %min3A_195] : memref<32x1024xf32, #tpu.memory_space<vmem>>[vector<16xi32>, vector<16xi32>], vector<16xf32>,
          %gather3A_440 = tpu.vector_load_idx %arg9[%min3A_203, %broadcast_in_dim3A_438] : memref<64x32xf32, #tpu.memory_space<vmem>>[vector<16xi32>, vector<16xi32>], vector<16xf32>,
          %select_n3A_441 = arith.select %and3A_207, %gather3A_440, %gather3A_439 : vector<16xi1>, vector<16xf32>
          %mul3A_442 = arith.constant 32 : i32
          %mul3A_443 = vector.broadcast %mul3A_442 : i32 to vector<16xi32>
          %mul3A_444 = arith.muli %add3A_192, %mul3A_443 : vector<16xi32>
          %add3A_445 = arith.constant 21 : i32
          %add3A_446 = vector.broadcast %add3A_445 : i32 to vector<16xi32>
          %add3A_447 = arith.addi %mul3A_444, %add3A_446 : vector<16xi32>
          tpu.vector_store_idx %arg15[%add3A_447], %select_n3A_441 : memref<8192xf32, #tpu.memory_space<vmem>>[vector<16xi32>], vector<16xf32>,
          %broadcast_in_dim3A_448 = arith.constant 22 : i32
          %broadcast_in_dim3A_449 = vector.broadcast %broadcast_in_dim3A_448 : i32 to vector<16xi32>
          %gather3A_450 = tpu.vector_load_idx %arg8[%broadcast_in_dim3A_449, %min3A_195] : memref<32x1024xf32, #tpu.memory_space<vmem>>[vector<16xi32>, vector<16xi32>], vector<16xf32>,
          %gather3A_451 = tpu.vector_load_idx %arg9[%min3A_203, %broadcast_in_dim3A_449] : memref<64x32xf32, #tpu.memory_space<vmem>>[vector<16xi32>, vector<16xi32>], vector<16xf32>,
          %select_n3A_452 = arith.select %and3A_207, %gather3A_451, %gather3A_450 : vector<16xi1>, vector<16xf32>
          %mul3A_453 = arith.constant 32 : i32
          %mul3A_454 = vector.broadcast %mul3A_453 : i32 to vector<16xi32>
          %mul3A_455 = arith.muli %add3A_192, %mul3A_454 : vector<16xi32>
          %add3A_456 = arith.constant 22 : i32
          %add3A_457 = vector.broadcast %add3A_456 : i32 to vector<16xi32>
          %add3A_458 = arith.addi %mul3A_455, %add3A_457 : vector<16xi32>
          tpu.vector_store_idx %arg15[%add3A_458], %select_n3A_452 : memref<8192xf32, #tpu.memory_space<vmem>>[vector<16xi32>], vector<16xf32>,
          %broadcast_in_dim3A_459 = arith.constant 23 : i32
          %broadcast_in_dim3A_460 = vector.broadcast %broadcast_in_dim3A_459 : i32 to vector<16xi32>
          %gather3A_461 = tpu.vector_load_idx %arg8[%broadcast_in_dim3A_460, %min3A_195] : memref<32x1024xf32, #tpu.memory_space<vmem>>[vector<16xi32>, vector<16xi32>], vector<16xf32>,
          %gather3A_462 = tpu.vector_load_idx %arg9[%min3A_203, %broadcast_in_dim3A_460] : memref<64x32xf32, #tpu.memory_space<vmem>>[vector<16xi32>, vector<16xi32>], vector<16xf32>,
          %select_n3A_463 = arith.select %and3A_207, %gather3A_462, %gather3A_461 : vector<16xi1>, vector<16xf32>
          %mul3A_464 = arith.constant 32 : i32
          %mul3A_465 = vector.broadcast %mul3A_464 : i32 to vector<16xi32>
          %mul3A_466 = arith.muli %add3A_192, %mul3A_465 : vector<16xi32>
          %add3A_467 = arith.constant 23 : i32
          %add3A_468 = vector.broadcast %add3A_467 : i32 to vector<16xi32>
          %add3A_469 = arith.addi %mul3A_466, %add3A_468 : vector<16xi32>
          tpu.vector_store_idx %arg15[%add3A_469], %select_n3A_463 : memref<8192xf32, #tpu.memory_space<vmem>>[vector<16xi32>], vector<16xf32>,
          %broadcast_in_dim3A_470 = arith.constant 24 : i32
          %broadcast_in_dim3A_471 = vector.broadcast %broadcast_in_dim3A_470 : i32 to vector<16xi32>
          %gather3A_472 = tpu.vector_load_idx %arg8[%broadcast_in_dim3A_471, %min3A_195] : memref<32x1024xf32, #tpu.memory_space<vmem>>[vector<16xi32>, vector<16xi32>], vector<16xf32>,
          %gather3A_473 = tpu.vector_load_idx %arg9[%min3A_203, %broadcast_in_dim3A_471] : memref<64x32xf32, #tpu.memory_space<vmem>>[vector<16xi32>, vector<16xi32>], vector<16xf32>,
          %select_n3A_474 = arith.select %and3A_207, %gather3A_473, %gather3A_472 : vector<16xi1>, vector<16xf32>
          %mul3A_475 = arith.constant 32 : i32
          %mul3A_476 = vector.broadcast %mul3A_475 : i32 to vector<16xi32>
          %mul3A_477 = arith.muli %add3A_192, %mul3A_476 : vector<16xi32>
          %add3A_478 = arith.constant 24 : i32
          %add3A_479 = vector.broadcast %add3A_478 : i32 to vector<16xi32>
          %add3A_480 = arith.addi %mul3A_477, %add3A_479 : vector<16xi32>
          tpu.vector_store_idx %arg15[%add3A_480], %select_n3A_474 : memref<8192xf32, #tpu.memory_space<vmem>>[vector<16xi32>], vector<16xf32>,
          %broadcast_in_dim3A_481 = arith.constant 25 : i32
          %broadcast_in_dim3A_482 = vector.broadcast %broadcast_in_dim3A_481 : i32 to vector<16xi32>
          %gather3A_483 = tpu.vector_load_idx %arg8[%broadcast_in_dim3A_482, %min3A_195] : memref<32x1024xf32, #tpu.memory_space<vmem>>[vector<16xi32>, vector<16xi32>], vector<16xf32>,
          %gather3A_484 = tpu.vector_load_idx %arg9[%min3A_203, %broadcast_in_dim3A_482] : memref<64x32xf32, #tpu.memory_space<vmem>>[vector<16xi32>, vector<16xi32>], vector<16xf32>,
          %select_n3A_485 = arith.select %and3A_207, %gather3A_484, %gather3A_483 : vector<16xi1>, vector<16xf32>
          %mul3A_486 = arith.constant 32 : i32
          %mul3A_487 = vector.broadcast %mul3A_486 : i32 to vector<16xi32>
          %mul3A_488 = arith.muli %add3A_192, %mul3A_487 : vector<16xi32>
          %add3A_489 = arith.constant 25 : i32
          %add3A_490 = vector.broadcast %add3A_489 : i32 to vector<16xi32>
          %add3A_491 = arith.addi %mul3A_488, %add3A_490 : vector<16xi32>
          tpu.vector_store_idx %arg15[%add3A_491], %select_n3A_485 : memref<8192xf32, #tpu.memory_space<vmem>>[vector<16xi32>], vector<16xf32>,
          %broadcast_in_dim3A_492 = arith.constant 26 : i32
          %broadcast_in_dim3A_493 = vector.broadcast %broadcast_in_dim3A_492 : i32 to vector<16xi32>
          %gather3A_494 = tpu.vector_load_idx %arg8[%broadcast_in_dim3A_493, %min3A_195] : memref<32x1024xf32, #tpu.memory_space<vmem>>[vector<16xi32>, vector<16xi32>], vector<16xf32>,
          %gather3A_495 = tpu.vector_load_idx %arg9[%min3A_203, %broadcast_in_dim3A_493] : memref<64x32xf32, #tpu.memory_space<vmem>>[vector<16xi32>, vector<16xi32>], vector<16xf32>,
          %select_n3A_496 = arith.select %and3A_207, %gather3A_495, %gather3A_494 : vector<16xi1>, vector<16xf32>
          %mul3A_497 = arith.constant 32 : i32
          %mul3A_498 = vector.broadcast %mul3A_497 : i32 to vector<16xi32>
          %mul3A_499 = arith.muli %add3A_192, %mul3A_498 : vector<16xi32>
          %add3A_500 = arith.constant 26 : i32
          %add3A_501 = vector.broadcast %add3A_500 : i32 to vector<16xi32>
          %add3A_502 = arith.addi %mul3A_499, %add3A_501 : vector<16xi32>
          tpu.vector_store_idx %arg15[%add3A_502], %select_n3A_496 : memref<8192xf32, #tpu.memory_space<vmem>>[vector<16xi32>], vector<16xf32>,
          %broadcast_in_dim3A_503 = arith.constant 27 : i32
          %broadcast_in_dim3A_504 = vector.broadcast %broadcast_in_dim3A_503 : i32 to vector<16xi32>
          %gather3A_505 = tpu.vector_load_idx %arg8[%broadcast_in_dim3A_504, %min3A_195] : memref<32x1024xf32, #tpu.memory_space<vmem>>[vector<16xi32>, vector<16xi32>], vector<16xf32>,
          %gather3A_506 = tpu.vector_load_idx %arg9[%min3A_203, %broadcast_in_dim3A_504] : memref<64x32xf32, #tpu.memory_space<vmem>>[vector<16xi32>, vector<16xi32>], vector<16xf32>,
          %select_n3A_507 = arith.select %and3A_207, %gather3A_506, %gather3A_505 : vector<16xi1>, vector<16xf32>
          %mul3A_508 = arith.constant 32 : i32
          %mul3A_509 = vector.broadcast %mul3A_508 : i32 to vector<16xi32>
          %mul3A_510 = arith.muli %add3A_192, %mul3A_509 : vector<16xi32>
          %add3A_511 = arith.constant 27 : i32
          %add3A_512 = vector.broadcast %add3A_511 : i32 to vector<16xi32>
          %add3A_513 = arith.addi %mul3A_510, %add3A_512 : vector<16xi32>
          tpu.vector_store_idx %arg15[%add3A_513], %select_n3A_507 : memref<8192xf32, #tpu.memory_space<vmem>>[vector<16xi32>], vector<16xf32>,
          %broadcast_in_dim3A_514 = arith.constant 28 : i32
          %broadcast_in_dim3A_515 = vector.broadcast %broadcast_in_dim3A_514 : i32 to vector<16xi32>
          %gather3A_516 = tpu.vector_load_idx %arg8[%broadcast_in_dim3A_515, %min3A_195] : memref<32x1024xf32, #tpu.memory_space<vmem>>[vector<16xi32>, vector<16xi32>], vector<16xf32>,
          %gather3A_517 = tpu.vector_load_idx %arg9[%min3A_203, %broadcast_in_dim3A_515] : memref<64x32xf32, #tpu.memory_space<vmem>>[vector<16xi32>, vector<16xi32>], vector<16xf32>,
          %select_n3A_518 = arith.select %and3A_207, %gather3A_517, %gather3A_516 : vector<16xi1>, vector<16xf32>
          %mul3A_519 = arith.constant 32 : i32
          %mul3A_520 = vector.broadcast %mul3A_519 : i32 to vector<16xi32>
          %mul3A_521 = arith.muli %add3A_192, %mul3A_520 : vector<16xi32>
          %add3A_522 = arith.constant 28 : i32
          %add3A_523 = vector.broadcast %add3A_522 : i32 to vector<16xi32>
          %add3A_524 = arith.addi %mul3A_521, %add3A_523 : vector<16xi32>
          tpu.vector_store_idx %arg15[%add3A_524], %select_n3A_518 : memref<8192xf32, #tpu.memory_space<vmem>>[vector<16xi32>], vector<16xf32>,
          %broadcast_in_dim3A_525 = arith.constant 29 : i32
          %broadcast_in_dim3A_526 = vector.broadcast %broadcast_in_dim3A_525 : i32 to vector<16xi32>
          %gather3A_527 = tpu.vector_load_idx %arg8[%broadcast_in_dim3A_526, %min3A_195] : memref<32x1024xf32, #tpu.memory_space<vmem>>[vector<16xi32>, vector<16xi32>], vector<16xf32>,
          %gather3A_528 = tpu.vector_load_idx %arg9[%min3A_203, %broadcast_in_dim3A_526] : memref<64x32xf32, #tpu.memory_space<vmem>>[vector<16xi32>, vector<16xi32>], vector<16xf32>,
          %select_n3A_529 = arith.select %and3A_207, %gather3A_528, %gather3A_527 : vector<16xi1>, vector<16xf32>
          %mul3A_530 = arith.constant 32 : i32
          %mul3A_531 = vector.broadcast %mul3A_530 : i32 to vector<16xi32>
          %mul3A_532 = arith.muli %add3A_192, %mul3A_531 : vector<16xi32>
          %add3A_533 = arith.constant 29 : i32
          %add3A_534 = vector.broadcast %add3A_533 : i32 to vector<16xi32>
          %add3A_535 = arith.addi %mul3A_532, %add3A_534 : vector<16xi32>
          tpu.vector_store_idx %arg15[%add3A_535], %select_n3A_529 : memref<8192xf32, #tpu.memory_space<vmem>>[vector<16xi32>], vector<16xf32>,
          %broadcast_in_dim3A_536 = arith.constant 30 : i32
          %broadcast_in_dim3A_537 = vector.broadcast %broadcast_in_dim3A_536 : i32 to vector<16xi32>
          %gather3A_538 = tpu.vector_load_idx %arg8[%broadcast_in_dim3A_537, %min3A_195] : memref<32x1024xf32, #tpu.memory_space<vmem>>[vector<16xi32>, vector<16xi32>], vector<16xf32>,
          %gather3A_539 = tpu.vector_load_idx %arg9[%min3A_203, %broadcast_in_dim3A_537] : memref<64x32xf32, #tpu.memory_space<vmem>>[vector<16xi32>, vector<16xi32>], vector<16xf32>,
          %select_n3A_540 = arith.select %and3A_207, %gather3A_539, %gather3A_538 : vector<16xi1>, vector<16xf32>
          %mul3A_541 = arith.constant 32 : i32
          %mul3A_542 = vector.broadcast %mul3A_541 : i32 to vector<16xi32>
          %mul3A_543 = arith.muli %add3A_192, %mul3A_542 : vector<16xi32>
          %add3A_544 = arith.constant 30 : i32
          %add3A_545 = vector.broadcast %add3A_544 : i32 to vector<16xi32>
          %add3A_546 = arith.addi %mul3A_543, %add3A_545 : vector<16xi32>
          tpu.vector_store_idx %arg15[%add3A_546], %select_n3A_540 : memref<8192xf32, #tpu.memory_space<vmem>>[vector<16xi32>], vector<16xf32>,
          %broadcast_in_dim3A_547 = arith.constant 31 : i32
          %broadcast_in_dim3A_548 = vector.broadcast %broadcast_in_dim3A_547 : i32 to vector<16xi32>
          %gather3A_549 = tpu.vector_load_idx %arg8[%broadcast_in_dim3A_548, %min3A_195] : memref<32x1024xf32, #tpu.memory_space<vmem>>[vector<16xi32>, vector<16xi32>], vector<16xf32>,
          %gather3A_550 = tpu.vector_load_idx %arg9[%min3A_203, %broadcast_in_dim3A_548] : memref<64x32xf32, #tpu.memory_space<vmem>>[vector<16xi32>, vector<16xi32>], vector<16xf32>,
          %select_n3A_551 = arith.select %and3A_207, %gather3A_550, %gather3A_549 : vector<16xi1>, vector<16xf32>
          %mul3A_552 = arith.constant 32 : i32
          %mul3A_553 = vector.broadcast %mul3A_552 : i32 to vector<16xi32>
          %mul3A_554 = arith.muli %add3A_192, %mul3A_553 : vector<16xi32>
          %add3A_555 = arith.constant 31 : i32
          %add3A_556 = vector.broadcast %add3A_555 : i32 to vector<16xi32>
          %add3A_557 = arith.addi %mul3A_554, %add3A_556 : vector<16xi32>
          tpu.vector_store_idx %arg15[%add3A_557], %select_n3A_551 : memref<8192xf32, #tpu.memory_space<vmem>>[vector<16xi32>], vector<16xf32>,
        }
        %while3A_156 = arith.constant 1 : i32
        scf.for %while3A_185 = %while3A_154 to %while3A_150 step %while3A_156  : i32 {
          %mul3A_186 = arith.constant 16 : i32
          %mul3A_187 = arith.muli %while3A_185, %mul3A_186 : i32
          %get3A = arith.index_cast %mul3A_187 : i32 to index
          %get3A_188 = tpu.vector_load %arg14[%get3A] {strides = array<i32>} : memref<256xi32, #tpu.memory_space<vmem>>, vector<16xi32>,
          %mul3A_189 = arith.constant 16 : i32
          %mul3A_190 = arith.muli %while3A_185, %mul3A_189 : i32
          %add3A_191 = vector.broadcast %mul3A_190 : i32 to vector<16xi32>
          %add3A_192 = arith.addi %add3A_191, %iota3A : vector<16xi32>
          %min3A_193 = arith.constant 1023 : i32
          %min3A_194 = vector.broadcast %min3A_193 : i32 to vector<16xi32>
          %min3A_195 = arith.minsi %get3A_188, %min3A_194 : vector<16xi32>
          %sub3A_196 = arith.constant 512 : i32
          %sub3A_197 = vector.broadcast %sub3A_196 : i32 to vector<16xi32>
          %sub3A_198 = arith.subi %get3A_188, %sub3A_197 : vector<16xi32>
          %jit3A_199 = arith.constant 0 : i32
          %jit3A_200 = arith.constant 63 : i32
          %max3A = vector.broadcast %jit3A_199 : i32 to vector<16xi32>
          %max3A_201 = arith.maxsi %max3A, %sub3A_198 : vector<16xi32>
          %min3A_202 = vector.broadcast %jit3A_200 : i32 to vector<16xi32>
          %min3A_203 = arith.minsi %min3A_202, %max3A_201 : vector<16xi32>
          %ge3A = arith.constant 512 : i32
          %ge3A_204 = vector.broadcast %ge3A : i32 to vector<16xi32>
          %ge3A_205 = arith.cmpi sge, %get3A_188, %ge3A_204 : vector<16xi32>
          %and3A_206 = vector.broadcast %and3A_83 : i1 to vector<16xi1>
          %and3A_207 = arith.andi %and3A_206, %ge3A_205 : vector<16xi1>
          %broadcast_in_dim3A = arith.constant 0 : i32
          %broadcast_in_dim3A_208 = vector.broadcast %broadcast_in_dim3A : i32 to vector<16xi32>
          %gather3A = tpu.vector_load_idx %arg8[%broadcast_in_dim3A_208, %min3A_195] : memref<32x1024xf32, #tpu.memory_space<vmem>>[vector<16xi32>, vector<16xi32>], vector<16xf32>,
          %gather3A_209 = tpu.vector_load_idx %arg9[%min3A_203, %broadcast_in_dim3A_208] : memref<64x32xf32, #tpu.memory_space<vmem>>[vector<16xi32>, vector<16xi32>], vector<16xf32>,
          %select_n3A_210 = arith.select %and3A_207, %gather3A_209, %gather3A : vector<16xi1>, vector<16xf32>
          %mul3A_211 = arith.constant 32 : i32
          %mul3A_212 = vector.broadcast %mul3A_211 : i32 to vector<16xi32>
          %mul3A_213 = arith.muli %add3A_192, %mul3A_212 : vector<16xi32>
          %add3A_214 = arith.constant 0 : i32
          %add3A_215 = vector.broadcast %add3A_214 : i32 to vector<16xi32>
          %add3A_216 = arith.addi %mul3A_213, %add3A_215 : vector<16xi32>
          tpu.vector_store_idx %arg15[%add3A_216], %select_n3A_210 : memref<8192xf32, #tpu.memory_space<vmem>>[vector<16xi32>], vector<16xf32>,
          %broadcast_in_dim3A_217 = arith.constant 1 : i32
          %broadcast_in_dim3A_218 = vector.broadcast %broadcast_in_dim3A_217 : i32 to vector<16xi32>
          %gather3A_219 = tpu.vector_load_idx %arg8[%broadcast_in_dim3A_218, %min3A_195] : memref<32x1024xf32, #tpu.memory_space<vmem>>[vector<16xi32>, vector<16xi32>], vector<16xf32>,
          %gather3A_220 = tpu.vector_load_idx %arg9[%min3A_203, %broadcast_in_dim3A_218] : memref<64x32xf32, #tpu.memory_space<vmem>>[vector<16xi32>, vector<16xi32>], vector<16xf32>,
          %select_n3A_221 = arith.select %and3A_207, %gather3A_220, %gather3A_219 : vector<16xi1>, vector<16xf32>
          %mul3A_222 = arith.constant 32 : i32
          %mul3A_223 = vector.broadcast %mul3A_222 : i32 to vector<16xi32>
          %mul3A_224 = arith.muli %add3A_192, %mul3A_223 : vector<16xi32>
          %add3A_225 = arith.constant 1 : i32
          %add3A_226 = vector.broadcast %add3A_225 : i32 to vector<16xi32>
          %add3A_227 = arith.addi %mul3A_224, %add3A_226 : vector<16xi32>
          tpu.vector_store_idx %arg15[%add3A_227], %select_n3A_221 : memref<8192xf32, #tpu.memory_space<vmem>>[vector<16xi32>], vector<16xf32>,
          %broadcast_in_dim3A_228 = arith.constant 2 : i32
          %broadcast_in_dim3A_229 = vector.broadcast %broadcast_in_dim3A_228 : i32 to vector<16xi32>
          %gather3A_230 = tpu.vector_load_idx %arg8[%broadcast_in_dim3A_229, %min3A_195] : memref<32x1024xf32, #tpu.memory_space<vmem>>[vector<16xi32>, vector<16xi32>], vector<16xf32>,
          %gather3A_231 = tpu.vector_load_idx %arg9[%min3A_203, %broadcast_in_dim3A_229] : memref<64x32xf32, #tpu.memory_space<vmem>>[vector<16xi32>, vector<16xi32>], vector<16xf32>,
          %select_n3A_232 = arith.select %and3A_207, %gather3A_231, %gather3A_230 : vector<16xi1>, vector<16xf32>
          %mul3A_233 = arith.constant 32 : i32
          %mul3A_234 = vector.broadcast %mul3A_233 : i32 to vector<16xi32>
          %mul3A_235 = arith.muli %add3A_192, %mul3A_234 : vector<16xi32>
          %add3A_236 = arith.constant 2 : i32
          %add3A_237 = vector.broadcast %add3A_236 : i32 to vector<16xi32>
          %add3A_238 = arith.addi %mul3A_235, %add3A_237 : vector<16xi32>
          tpu.vector_store_idx %arg15[%add3A_238], %select_n3A_232 : memref<8192xf32, #tpu.memory_space<vmem>>[vector<16xi32>], vector<16xf32>,
          %broadcast_in_dim3A_239 = arith.constant 3 : i32
          %broadcast_in_dim3A_240 = vector.broadcast %broadcast_in_dim3A_239 : i32 to vector<16xi32>
          %gather3A_241 = tpu.vector_load_idx %arg8[%broadcast_in_dim3A_240, %min3A_195] : memref<32x1024xf32, #tpu.memory_space<vmem>>[vector<16xi32>, vector<16xi32>], vector<16xf32>,
          %gather3A_242 = tpu.vector_load_idx %arg9[%min3A_203, %broadcast_in_dim3A_240] : memref<64x32xf32, #tpu.memory_space<vmem>>[vector<16xi32>, vector<16xi32>], vector<16xf32>,
          %select_n3A_243 = arith.select %and3A_207, %gather3A_242, %gather3A_241 : vector<16xi1>, vector<16xf32>
          %mul3A_244 = arith.constant 32 : i32
          %mul3A_245 = vector.broadcast %mul3A_244 : i32 to vector<16xi32>
          %mul3A_246 = arith.muli %add3A_192, %mul3A_245 : vector<16xi32>
          %add3A_247 = arith.constant 3 : i32
          %add3A_248 = vector.broadcast %add3A_247 : i32 to vector<16xi32>
          %add3A_249 = arith.addi %mul3A_246, %add3A_248 : vector<16xi32>
          tpu.vector_store_idx %arg15[%add3A_249], %select_n3A_243 : memref<8192xf32, #tpu.memory_space<vmem>>[vector<16xi32>], vector<16xf32>,
          %broadcast_in_dim3A_250 = arith.constant 4 : i32
          %broadcast_in_dim3A_251 = vector.broadcast %broadcast_in_dim3A_250 : i32 to vector<16xi32>
          %gather3A_252 = tpu.vector_load_idx %arg8[%broadcast_in_dim3A_251, %min3A_195] : memref<32x1024xf32, #tpu.memory_space<vmem>>[vector<16xi32>, vector<16xi32>], vector<16xf32>,
          %gather3A_253 = tpu.vector_load_idx %arg9[%min3A_203, %broadcast_in_dim3A_251] : memref<64x32xf32, #tpu.memory_space<vmem>>[vector<16xi32>, vector<16xi32>], vector<16xf32>,
          %select_n3A_254 = arith.select %and3A_207, %gather3A_253, %gather3A_252 : vector<16xi1>, vector<16xf32>
          %mul3A_255 = arith.constant 32 : i32
          %mul3A_256 = vector.broadcast %mul3A_255 : i32 to vector<16xi32>
          %mul3A_257 = arith.muli %add3A_192, %mul3A_256 : vector<16xi32>
          %add3A_258 = arith.constant 4 : i32
          %add3A_259 = vector.broadcast %add3A_258 : i32 to vector<16xi32>
          %add3A_260 = arith.addi %mul3A_257, %add3A_259 : vector<16xi32>
          tpu.vector_store_idx %arg15[%add3A_260], %select_n3A_254 : memref<8192xf32, #tpu.memory_space<vmem>>[vector<16xi32>], vector<16xf32>,
          %broadcast_in_dim3A_261 = arith.constant 5 : i32
          %broadcast_in_dim3A_262 = vector.broadcast %broadcast_in_dim3A_261 : i32 to vector<16xi32>
          %gather3A_263 = tpu.vector_load_idx %arg8[%broadcast_in_dim3A_262, %min3A_195] : memref<32x1024xf32, #tpu.memory_space<vmem>>[vector<16xi32>, vector<16xi32>], vector<16xf32>,
          %gather3A_264 = tpu.vector_load_idx %arg9[%min3A_203, %broadcast_in_dim3A_262] : memref<64x32xf32, #tpu.memory_space<vmem>>[vector<16xi32>, vector<16xi32>], vector<16xf32>,
          %select_n3A_265 = arith.select %and3A_207, %gather3A_264, %gather3A_263 : vector<16xi1>, vector<16xf32>
          %mul3A_266 = arith.constant 32 : i32
          %mul3A_267 = vector.broadcast %mul3A_266 : i32 to vector<16xi32>
          %mul3A_268 = arith.muli %add3A_192, %mul3A_267 : vector<16xi32>
          %add3A_269 = arith.constant 5 : i32
          %add3A_270 = vector.broadcast %add3A_269 : i32 to vector<16xi32>
          %add3A_271 = arith.addi %mul3A_268, %add3A_270 : vector<16xi32>
          tpu.vector_store_idx %arg15[%add3A_271], %select_n3A_265 : memref<8192xf32, #tpu.memory_space<vmem>>[vector<16xi32>], vector<16xf32>,
          %broadcast_in_dim3A_272 = arith.constant 6 : i32
          %broadcast_in_dim3A_273 = vector.broadcast %broadcast_in_dim3A_272 : i32 to vector<16xi32>
          %gather3A_274 = tpu.vector_load_idx %arg8[%broadcast_in_dim3A_273, %min3A_195] : memref<32x1024xf32, #tpu.memory_space<vmem>>[vector<16xi32>, vector<16xi32>], vector<16xf32>,
          %gather3A_275 = tpu.vector_load_idx %arg9[%min3A_203, %broadcast_in_dim3A_273] : memref<64x32xf32, #tpu.memory_space<vmem>>[vector<16xi32>, vector<16xi32>], vector<16xf32>,
          %select_n3A_276 = arith.select %and3A_207, %gather3A_275, %gather3A_274 : vector<16xi1>, vector<16xf32>
          %mul3A_277 = arith.constant 32 : i32
          %mul3A_278 = vector.broadcast %mul3A_277 : i32 to vector<16xi32>
          %mul3A_279 = arith.muli %add3A_192, %mul3A_278 : vector<16xi32>
          %add3A_280 = arith.constant 6 : i32
          %add3A_281 = vector.broadcast %add3A_280 : i32 to vector<16xi32>
          %add3A_282 = arith.addi %mul3A_279, %add3A_281 : vector<16xi32>
          tpu.vector_store_idx %arg15[%add3A_282], %select_n3A_276 : memref<8192xf32, #tpu.memory_space<vmem>>[vector<16xi32>], vector<16xf32>,
          %broadcast_in_dim3A_283 = arith.constant 7 : i32
          %broadcast_in_dim3A_284 = vector.broadcast %broadcast_in_dim3A_283 : i32 to vector<16xi32>
          %gather3A_285 = tpu.vector_load_idx %arg8[%broadcast_in_dim3A_284, %min3A_195] : memref<32x1024xf32, #tpu.memory_space<vmem>>[vector<16xi32>, vector<16xi32>], vector<16xf32>,
          %gather3A_286 = tpu.vector_load_idx %arg9[%min3A_203, %broadcast_in_dim3A_284] : memref<64x32xf32, #tpu.memory_space<vmem>>[vector<16xi32>, vector<16xi32>], vector<16xf32>,
          %select_n3A_287 = arith.select %and3A_207, %gather3A_286, %gather3A_285 : vector<16xi1>, vector<16xf32>
          %mul3A_288 = arith.constant 32 : i32
          %mul3A_289 = vector.broadcast %mul3A_288 : i32 to vector<16xi32>
          %mul3A_290 = arith.muli %add3A_192, %mul3A_289 : vector<16xi32>
          %add3A_291 = arith.constant 7 : i32
          %add3A_292 = vector.broadcast %add3A_291 : i32 to vector<16xi32>
          %add3A_293 = arith.addi %mul3A_290, %add3A_292 : vector<16xi32>
          tpu.vector_store_idx %arg15[%add3A_293], %select_n3A_287 : memref<8192xf32, #tpu.memory_space<vmem>>[vector<16xi32>], vector<16xf32>,
          %broadcast_in_dim3A_294 = arith.constant 8 : i32
          %broadcast_in_dim3A_295 = vector.broadcast %broadcast_in_dim3A_294 : i32 to vector<16xi32>
          %gather3A_296 = tpu.vector_load_idx %arg8[%broadcast_in_dim3A_295, %min3A_195] : memref<32x1024xf32, #tpu.memory_space<vmem>>[vector<16xi32>, vector<16xi32>], vector<16xf32>,
          %gather3A_297 = tpu.vector_load_idx %arg9[%min3A_203, %broadcast_in_dim3A_295] : memref<64x32xf32, #tpu.memory_space<vmem>>[vector<16xi32>, vector<16xi32>], vector<16xf32>,
          %select_n3A_298 = arith.select %and3A_207, %gather3A_297, %gather3A_296 : vector<16xi1>, vector<16xf32>
          %mul3A_299 = arith.constant 32 : i32
          %mul3A_300 = vector.broadcast %mul3A_299 : i32 to vector<16xi32>
          %mul3A_301 = arith.muli %add3A_192, %mul3A_300 : vector<16xi32>
          %add3A_302 = arith.constant 8 : i32
          %add3A_303 = vector.broadcast %add3A_302 : i32 to vector<16xi32>
          %add3A_304 = arith.addi %mul3A_301, %add3A_303 : vector<16xi32>
          tpu.vector_store_idx %arg15[%add3A_304], %select_n3A_298 : memref<8192xf32, #tpu.memory_space<vmem>>[vector<16xi32>], vector<16xf32>,
          %broadcast_in_dim3A_305 = arith.constant 9 : i32
          %broadcast_in_dim3A_306 = vector.broadcast %broadcast_in_dim3A_305 : i32 to vector<16xi32>
          %gather3A_307 = tpu.vector_load_idx %arg8[%broadcast_in_dim3A_306, %min3A_195] : memref<32x1024xf32, #tpu.memory_space<vmem>>[vector<16xi32>, vector<16xi32>], vector<16xf32>,
          %gather3A_308 = tpu.vector_load_idx %arg9[%min3A_203, %broadcast_in_dim3A_306] : memref<64x32xf32, #tpu.memory_space<vmem>>[vector<16xi32>, vector<16xi32>], vector<16xf32>,
          %select_n3A_309 = arith.select %and3A_207, %gather3A_308, %gather3A_307 : vector<16xi1>, vector<16xf32>
          %mul3A_310 = arith.constant 32 : i32
          %mul3A_311 = vector.broadcast %mul3A_310 : i32 to vector<16xi32>
          %mul3A_312 = arith.muli %add3A_192, %mul3A_311 : vector<16xi32>
          %add3A_313 = arith.constant 9 : i32
          %add3A_314 = vector.broadcast %add3A_313 : i32 to vector<16xi32>
          %add3A_315 = arith.addi %mul3A_312, %add3A_314 : vector<16xi32>
          tpu.vector_store_idx %arg15[%add3A_315], %select_n3A_309 : memref<8192xf32, #tpu.memory_space<vmem>>[vector<16xi32>], vector<16xf32>,
          %broadcast_in_dim3A_316 = arith.constant 10 : i32
          %broadcast_in_dim3A_317 = vector.broadcast %broadcast_in_dim3A_316 : i32 to vector<16xi32>
          %gather3A_318 = tpu.vector_load_idx %arg8[%broadcast_in_dim3A_317, %min3A_195] : memref<32x1024xf32, #tpu.memory_space<vmem>>[vector<16xi32>, vector<16xi32>], vector<16xf32>,
          %gather3A_319 = tpu.vector_load_idx %arg9[%min3A_203, %broadcast_in_dim3A_317] : memref<64x32xf32, #tpu.memory_space<vmem>>[vector<16xi32>, vector<16xi32>], vector<16xf32>,
          %select_n3A_320 = arith.select %and3A_207, %gather3A_319, %gather3A_318 : vector<16xi1>, vector<16xf32>
          %mul3A_321 = arith.constant 32 : i32
          %mul3A_322 = vector.broadcast %mul3A_321 : i32 to vector<16xi32>
          %mul3A_323 = arith.muli %add3A_192, %mul3A_322 : vector<16xi32>
          %add3A_324 = arith.constant 10 : i32
          %add3A_325 = vector.broadcast %add3A_324 : i32 to vector<16xi32>
          %add3A_326 = arith.addi %mul3A_323, %add3A_325 : vector<16xi32>
          tpu.vector_store_idx %arg15[%add3A_326], %select_n3A_320 : memref<8192xf32, #tpu.memory_space<vmem>>[vector<16xi32>], vector<16xf32>,
          %broadcast_in_dim3A_327 = arith.constant 11 : i32
          %broadcast_in_dim3A_328 = vector.broadcast %broadcast_in_dim3A_327 : i32 to vector<16xi32>
          %gather3A_329 = tpu.vector_load_idx %arg8[%broadcast_in_dim3A_328, %min3A_195] : memref<32x1024xf32, #tpu.memory_space<vmem>>[vector<16xi32>, vector<16xi32>], vector<16xf32>,
          %gather3A_330 = tpu.vector_load_idx %arg9[%min3A_203, %broadcast_in_dim3A_328] : memref<64x32xf32, #tpu.memory_space<vmem>>[vector<16xi32>, vector<16xi32>], vector<16xf32>,
          %select_n3A_331 = arith.select %and3A_207, %gather3A_330, %gather3A_329 : vector<16xi1>, vector<16xf32>
          %mul3A_332 = arith.constant 32 : i32
          %mul3A_333 = vector.broadcast %mul3A_332 : i32 to vector<16xi32>
          %mul3A_334 = arith.muli %add3A_192, %mul3A_333 : vector<16xi32>
          %add3A_335 = arith.constant 11 : i32
          %add3A_336 = vector.broadcast %add3A_335 : i32 to vector<16xi32>
          %add3A_337 = arith.addi %mul3A_334, %add3A_336 : vector<16xi32>
          tpu.vector_store_idx %arg15[%add3A_337], %select_n3A_331 : memref<8192xf32, #tpu.memory_space<vmem>>[vector<16xi32>], vector<16xf32>,
          %broadcast_in_dim3A_338 = arith.constant 12 : i32
          %broadcast_in_dim3A_339 = vector.broadcast %broadcast_in_dim3A_338 : i32 to vector<16xi32>
          %gather3A_340 = tpu.vector_load_idx %arg8[%broadcast_in_dim3A_339, %min3A_195] : memref<32x1024xf32, #tpu.memory_space<vmem>>[vector<16xi32>, vector<16xi32>], vector<16xf32>,
          %gather3A_341 = tpu.vector_load_idx %arg9[%min3A_203, %broadcast_in_dim3A_339] : memref<64x32xf32, #tpu.memory_space<vmem>>[vector<16xi32>, vector<16xi32>], vector<16xf32>,
          %select_n3A_342 = arith.select %and3A_207, %gather3A_341, %gather3A_340 : vector<16xi1>, vector<16xf32>
          %mul3A_343 = arith.constant 32 : i32
          %mul3A_344 = vector.broadcast %mul3A_343 : i32 to vector<16xi32>
          %mul3A_345 = arith.muli %add3A_192, %mul3A_344 : vector<16xi32>
          %add3A_346 = arith.constant 12 : i32
          %add3A_347 = vector.broadcast %add3A_346 : i32 to vector<16xi32>
          %add3A_348 = arith.addi %mul3A_345, %add3A_347 : vector<16xi32>
          tpu.vector_store_idx %arg15[%add3A_348], %select_n3A_342 : memref<8192xf32, #tpu.memory_space<vmem>>[vector<16xi32>], vector<16xf32>,
          %broadcast_in_dim3A_349 = arith.constant 13 : i32
          %broadcast_in_dim3A_350 = vector.broadcast %broadcast_in_dim3A_349 : i32 to vector<16xi32>
          %gather3A_351 = tpu.vector_load_idx %arg8[%broadcast_in_dim3A_350, %min3A_195] : memref<32x1024xf32, #tpu.memory_space<vmem>>[vector<16xi32>, vector<16xi32>], vector<16xf32>,
          %gather3A_352 = tpu.vector_load_idx %arg9[%min3A_203, %broadcast_in_dim3A_350] : memref<64x32xf32, #tpu.memory_space<vmem>>[vector<16xi32>, vector<16xi32>], vector<16xf32>,
          %select_n3A_353 = arith.select %and3A_207, %gather3A_352, %gather3A_351 : vector<16xi1>, vector<16xf32>
          %mul3A_354 = arith.constant 32 : i32
          %mul3A_355 = vector.broadcast %mul3A_354 : i32 to vector<16xi32>
          %mul3A_356 = arith.muli %add3A_192, %mul3A_355 : vector<16xi32>
          %add3A_357 = arith.constant 13 : i32
          %add3A_358 = vector.broadcast %add3A_357 : i32 to vector<16xi32>
          %add3A_359 = arith.addi %mul3A_356, %add3A_358 : vector<16xi32>
          tpu.vector_store_idx %arg15[%add3A_359], %select_n3A_353 : memref<8192xf32, #tpu.memory_space<vmem>>[vector<16xi32>], vector<16xf32>,
          %broadcast_in_dim3A_360 = arith.constant 14 : i32
          %broadcast_in_dim3A_361 = vector.broadcast %broadcast_in_dim3A_360 : i32 to vector<16xi32>
          %gather3A_362 = tpu.vector_load_idx %arg8[%broadcast_in_dim3A_361, %min3A_195] : memref<32x1024xf32, #tpu.memory_space<vmem>>[vector<16xi32>, vector<16xi32>], vector<16xf32>,
          %gather3A_363 = tpu.vector_load_idx %arg9[%min3A_203, %broadcast_in_dim3A_361] : memref<64x32xf32, #tpu.memory_space<vmem>>[vector<16xi32>, vector<16xi32>], vector<16xf32>,
          %select_n3A_364 = arith.select %and3A_207, %gather3A_363, %gather3A_362 : vector<16xi1>, vector<16xf32>
          %mul3A_365 = arith.constant 32 : i32
          %mul3A_366 = vector.broadcast %mul3A_365 : i32 to vector<16xi32>
          %mul3A_367 = arith.muli %add3A_192, %mul3A_366 : vector<16xi32>
          %add3A_368 = arith.constant 14 : i32
          %add3A_369 = vector.broadcast %add3A_368 : i32 to vector<16xi32>
          %add3A_370 = arith.addi %mul3A_367, %add3A_369 : vector<16xi32>
          tpu.vector_store_idx %arg15[%add3A_370], %select_n3A_364 : memref<8192xf32, #tpu.memory_space<vmem>>[vector<16xi32>], vector<16xf32>,
          %broadcast_in_dim3A_371 = arith.constant 15 : i32
          %broadcast_in_dim3A_372 = vector.broadcast %broadcast_in_dim3A_371 : i32 to vector<16xi32>
          %gather3A_373 = tpu.vector_load_idx %arg8[%broadcast_in_dim3A_372, %min3A_195] : memref<32x1024xf32, #tpu.memory_space<vmem>>[vector<16xi32>, vector<16xi32>], vector<16xf32>,
          %gather3A_374 = tpu.vector_load_idx %arg9[%min3A_203, %broadcast_in_dim3A_372] : memref<64x32xf32, #tpu.memory_space<vmem>>[vector<16xi32>, vector<16xi32>], vector<16xf32>,
          %select_n3A_375 = arith.select %and3A_207, %gather3A_374, %gather3A_373 : vector<16xi1>, vector<16xf32>
          %mul3A_376 = arith.constant 32 : i32
          %mul3A_377 = vector.broadcast %mul3A_376 : i32 to vector<16xi32>
          %mul3A_378 = arith.muli %add3A_192, %mul3A_377 : vector<16xi32>
          %add3A_379 = arith.constant 15 : i32
          %add3A_380 = vector.broadcast %add3A_379 : i32 to vector<16xi32>
          %add3A_381 = arith.addi %mul3A_378, %add3A_380 : vector<16xi32>
          tpu.vector_store_idx %arg15[%add3A_381], %select_n3A_375 : memref<8192xf32, #tpu.memory_space<vmem>>[vector<16xi32>], vector<16xf32>,
          %broadcast_in_dim3A_382 = arith.constant 16 : i32
          %broadcast_in_dim3A_383 = vector.broadcast %broadcast_in_dim3A_382 : i32 to vector<16xi32>
          %gather3A_384 = tpu.vector_load_idx %arg8[%broadcast_in_dim3A_383, %min3A_195] : memref<32x1024xf32, #tpu.memory_space<vmem>>[vector<16xi32>, vector<16xi32>], vector<16xf32>,
          %gather3A_385 = tpu.vector_load_idx %arg9[%min3A_203, %broadcast_in_dim3A_383] : memref<64x32xf32, #tpu.memory_space<vmem>>[vector<16xi32>, vector<16xi32>], vector<16xf32>,
          %select_n3A_386 = arith.select %and3A_207, %gather3A_385, %gather3A_384 : vector<16xi1>, vector<16xf32>
          %mul3A_387 = arith.constant 32 : i32
          %mul3A_388 = vector.broadcast %mul3A_387 : i32 to vector<16xi32>
          %mul3A_389 = arith.muli %add3A_192, %mul3A_388 : vector<16xi32>
          %add3A_390 = arith.constant 16 : i32
          %add3A_391 = vector.broadcast %add3A_390 : i32 to vector<16xi32>
          %add3A_392 = arith.addi %mul3A_389, %add3A_391 : vector<16xi32>
          tpu.vector_store_idx %arg15[%add3A_392], %select_n3A_386 : memref<8192xf32, #tpu.memory_space<vmem>>[vector<16xi32>], vector<16xf32>,
          %broadcast_in_dim3A_393 = arith.constant 17 : i32
          %broadcast_in_dim3A_394 = vector.broadcast %broadcast_in_dim3A_393 : i32 to vector<16xi32>
          %gather3A_395 = tpu.vector_load_idx %arg8[%broadcast_in_dim3A_394, %min3A_195] : memref<32x1024xf32, #tpu.memory_space<vmem>>[vector<16xi32>, vector<16xi32>], vector<16xf32>,
          %gather3A_396 = tpu.vector_load_idx %arg9[%min3A_203, %broadcast_in_dim3A_394] : memref<64x32xf32, #tpu.memory_space<vmem>>[vector<16xi32>, vector<16xi32>], vector<16xf32>,
          %select_n3A_397 = arith.select %and3A_207, %gather3A_396, %gather3A_395 : vector<16xi1>, vector<16xf32>
          %mul3A_398 = arith.constant 32 : i32
          %mul3A_399 = vector.broadcast %mul3A_398 : i32 to vector<16xi32>
          %mul3A_400 = arith.muli %add3A_192, %mul3A_399 : vector<16xi32>
          %add3A_401 = arith.constant 17 : i32
          %add3A_402 = vector.broadcast %add3A_401 : i32 to vector<16xi32>
          %add3A_403 = arith.addi %mul3A_400, %add3A_402 : vector<16xi32>
          tpu.vector_store_idx %arg15[%add3A_403], %select_n3A_397 : memref<8192xf32, #tpu.memory_space<vmem>>[vector<16xi32>], vector<16xf32>,
          %broadcast_in_dim3A_404 = arith.constant 18 : i32
          %broadcast_in_dim3A_405 = vector.broadcast %broadcast_in_dim3A_404 : i32 to vector<16xi32>
          %gather3A_406 = tpu.vector_load_idx %arg8[%broadcast_in_dim3A_405, %min3A_195] : memref<32x1024xf32, #tpu.memory_space<vmem>>[vector<16xi32>, vector<16xi32>], vector<16xf32>,
          %gather3A_407 = tpu.vector_load_idx %arg9[%min3A_203, %broadcast_in_dim3A_405] : memref<64x32xf32, #tpu.memory_space<vmem>>[vector<16xi32>, vector<16xi32>], vector<16xf32>,
          %select_n3A_408 = arith.select %and3A_207, %gather3A_407, %gather3A_406 : vector<16xi1>, vector<16xf32>
          %mul3A_409 = arith.constant 32 : i32
          %mul3A_410 = vector.broadcast %mul3A_409 : i32 to vector<16xi32>
          %mul3A_411 = arith.muli %add3A_192, %mul3A_410 : vector<16xi32>
          %add3A_412 = arith.constant 18 : i32
          %add3A_413 = vector.broadcast %add3A_412 : i32 to vector<16xi32>
          %add3A_414 = arith.addi %mul3A_411, %add3A_413 : vector<16xi32>
          tpu.vector_store_idx %arg15[%add3A_414], %select_n3A_408 : memref<8192xf32, #tpu.memory_space<vmem>>[vector<16xi32>], vector<16xf32>,
          %broadcast_in_dim3A_415 = arith.constant 19 : i32
          %broadcast_in_dim3A_416 = vector.broadcast %broadcast_in_dim3A_415 : i32 to vector<16xi32>
          %gather3A_417 = tpu.vector_load_idx %arg8[%broadcast_in_dim3A_416, %min3A_195] : memref<32x1024xf32, #tpu.memory_space<vmem>>[vector<16xi32>, vector<16xi32>], vector<16xf32>,
          %gather3A_418 = tpu.vector_load_idx %arg9[%min3A_203, %broadcast_in_dim3A_416] : memref<64x32xf32, #tpu.memory_space<vmem>>[vector<16xi32>, vector<16xi32>], vector<16xf32>,
          %select_n3A_419 = arith.select %and3A_207, %gather3A_418, %gather3A_417 : vector<16xi1>, vector<16xf32>
          %mul3A_420 = arith.constant 32 : i32
          %mul3A_421 = vector.broadcast %mul3A_420 : i32 to vector<16xi32>
          %mul3A_422 = arith.muli %add3A_192, %mul3A_421 : vector<16xi32>
          %add3A_423 = arith.constant 19 : i32
          %add3A_424 = vector.broadcast %add3A_423 : i32 to vector<16xi32>
          %add3A_425 = arith.addi %mul3A_422, %add3A_424 : vector<16xi32>
          tpu.vector_store_idx %arg15[%add3A_425], %select_n3A_419 : memref<8192xf32, #tpu.memory_space<vmem>>[vector<16xi32>], vector<16xf32>,
          %broadcast_in_dim3A_426 = arith.constant 20 : i32
          %broadcast_in_dim3A_427 = vector.broadcast %broadcast_in_dim3A_426 : i32 to vector<16xi32>
          %gather3A_428 = tpu.vector_load_idx %arg8[%broadcast_in_dim3A_427, %min3A_195] : memref<32x1024xf32, #tpu.memory_space<vmem>>[vector<16xi32>, vector<16xi32>], vector<16xf32>,
          %gather3A_429 = tpu.vector_load_idx %arg9[%min3A_203, %broadcast_in_dim3A_427] : memref<64x32xf32, #tpu.memory_space<vmem>>[vector<16xi32>, vector<16xi32>], vector<16xf32>,
          %select_n3A_430 = arith.select %and3A_207, %gather3A_429, %gather3A_428 : vector<16xi1>, vector<16xf32>
          %mul3A_431 = arith.constant 32 : i32
          %mul3A_432 = vector.broadcast %mul3A_431 : i32 to vector<16xi32>
          %mul3A_433 = arith.muli %add3A_192, %mul3A_432 : vector<16xi32>
          %add3A_434 = arith.constant 20 : i32
          %add3A_435 = vector.broadcast %add3A_434 : i32 to vector<16xi32>
          %add3A_436 = arith.addi %mul3A_433, %add3A_435 : vector<16xi32>
          tpu.vector_store_idx %arg15[%add3A_436], %select_n3A_430 : memref<8192xf32, #tpu.memory_space<vmem>>[vector<16xi32>], vector<16xf32>,
          %broadcast_in_dim3A_437 = arith.constant 21 : i32
          %broadcast_in_dim3A_438 = vector.broadcast %broadcast_in_dim3A_437 : i32 to vector<16xi32>
          %gather3A_439 = tpu.vector_load_idx %arg8[%broadcast_in_dim3A_438, %min3A_195] : memref<32x1024xf32, #tpu.memory_space<vmem>>[vector<16xi32>, vector<16xi32>], vector<16xf32>,
          %gather3A_440 = tpu.vector_load_idx %arg9[%min3A_203, %broadcast_in_dim3A_438] : memref<64x32xf32, #tpu.memory_space<vmem>>[vector<16xi32>, vector<16xi32>], vector<16xf32>,
          %select_n3A_441 = arith.select %and3A_207, %gather3A_440, %gather3A_439 : vector<16xi1>, vector<16xf32>
          %mul3A_442 = arith.constant 32 : i32
          %mul3A_443 = vector.broadcast %mul3A_442 : i32 to vector<16xi32>
          %mul3A_444 = arith.muli %add3A_192, %mul3A_443 : vector<16xi32>
          %add3A_445 = arith.constant 21 : i32
          %add3A_446 = vector.broadcast %add3A_445 : i32 to vector<16xi32>
          %add3A_447 = arith.addi %mul3A_444, %add3A_446 : vector<16xi32>
          tpu.vector_store_idx %arg15[%add3A_447], %select_n3A_441 : memref<8192xf32, #tpu.memory_space<vmem>>[vector<16xi32>], vector<16xf32>,
          %broadcast_in_dim3A_448 = arith.constant 22 : i32
          %broadcast_in_dim3A_449 = vector.broadcast %broadcast_in_dim3A_448 : i32 to vector<16xi32>
          %gather3A_450 = tpu.vector_load_idx %arg8[%broadcast_in_dim3A_449, %min3A_195] : memref<32x1024xf32, #tpu.memory_space<vmem>>[vector<16xi32>, vector<16xi32>], vector<16xf32>,
          %gather3A_451 = tpu.vector_load_idx %arg9[%min3A_203, %broadcast_in_dim3A_449] : memref<64x32xf32, #tpu.memory_space<vmem>>[vector<16xi32>, vector<16xi32>], vector<16xf32>,
          %select_n3A_452 = arith.select %and3A_207, %gather3A_451, %gather3A_450 : vector<16xi1>, vector<16xf32>
          %mul3A_453 = arith.constant 32 : i32
          %mul3A_454 = vector.broadcast %mul3A_453 : i32 to vector<16xi32>
          %mul3A_455 = arith.muli %add3A_192, %mul3A_454 : vector<16xi32>
          %add3A_456 = arith.constant 22 : i32
          %add3A_457 = vector.broadcast %add3A_456 : i32 to vector<16xi32>
          %add3A_458 = arith.addi %mul3A_455, %add3A_457 : vector<16xi32>
          tpu.vector_store_idx %arg15[%add3A_458], %select_n3A_452 : memref<8192xf32, #tpu.memory_space<vmem>>[vector<16xi32>], vector<16xf32>,
          %broadcast_in_dim3A_459 = arith.constant 23 : i32
          %broadcast_in_dim3A_460 = vector.broadcast %broadcast_in_dim3A_459 : i32 to vector<16xi32>
          %gather3A_461 = tpu.vector_load_idx %arg8[%broadcast_in_dim3A_460, %min3A_195] : memref<32x1024xf32, #tpu.memory_space<vmem>>[vector<16xi32>, vector<16xi32>], vector<16xf32>,
          %gather3A_462 = tpu.vector_load_idx %arg9[%min3A_203, %broadcast_in_dim3A_460] : memref<64x32xf32, #tpu.memory_space<vmem>>[vector<16xi32>, vector<16xi32>], vector<16xf32>,
          %select_n3A_463 = arith.select %and3A_207, %gather3A_462, %gather3A_461 : vector<16xi1>, vector<16xf32>
          %mul3A_464 = arith.constant 32 : i32
          %mul3A_465 = vector.broadcast %mul3A_464 : i32 to vector<16xi32>
          %mul3A_466 = arith.muli %add3A_192, %mul3A_465 : vector<16xi32>
          %add3A_467 = arith.constant 23 : i32
          %add3A_468 = vector.broadcast %add3A_467 : i32 to vector<16xi32>
          %add3A_469 = arith.addi %mul3A_466, %add3A_468 : vector<16xi32>
          tpu.vector_store_idx %arg15[%add3A_469], %select_n3A_463 : memref<8192xf32, #tpu.memory_space<vmem>>[vector<16xi32>], vector<16xf32>,
          %broadcast_in_dim3A_470 = arith.constant 24 : i32
          %broadcast_in_dim3A_471 = vector.broadcast %broadcast_in_dim3A_470 : i32 to vector<16xi32>
          %gather3A_472 = tpu.vector_load_idx %arg8[%broadcast_in_dim3A_471, %min3A_195] : memref<32x1024xf32, #tpu.memory_space<vmem>>[vector<16xi32>, vector<16xi32>], vector<16xf32>,
          %gather3A_473 = tpu.vector_load_idx %arg9[%min3A_203, %broadcast_in_dim3A_471] : memref<64x32xf32, #tpu.memory_space<vmem>>[vector<16xi32>, vector<16xi32>], vector<16xf32>,
          %select_n3A_474 = arith.select %and3A_207, %gather3A_473, %gather3A_472 : vector<16xi1>, vector<16xf32>
          %mul3A_475 = arith.constant 32 : i32
          %mul3A_476 = vector.broadcast %mul3A_475 : i32 to vector<16xi32>
          %mul3A_477 = arith.muli %add3A_192, %mul3A_476 : vector<16xi32>
          %add3A_478 = arith.constant 24 : i32
          %add3A_479 = vector.broadcast %add3A_478 : i32 to vector<16xi32>
          %add3A_480 = arith.addi %mul3A_477, %add3A_479 : vector<16xi32>
          tpu.vector_store_idx %arg15[%add3A_480], %select_n3A_474 : memref<8192xf32, #tpu.memory_space<vmem>>[vector<16xi32>], vector<16xf32>,
          %broadcast_in_dim3A_481 = arith.constant 25 : i32
          %broadcast_in_dim3A_482 = vector.broadcast %broadcast_in_dim3A_481 : i32 to vector<16xi32>
          %gather3A_483 = tpu.vector_load_idx %arg8[%broadcast_in_dim3A_482, %min3A_195] : memref<32x1024xf32, #tpu.memory_space<vmem>>[vector<16xi32>, vector<16xi32>], vector<16xf32>,
          %gather3A_484 = tpu.vector_load_idx %arg9[%min3A_203, %broadcast_in_dim3A_482] : memref<64x32xf32, #tpu.memory_space<vmem>>[vector<16xi32>, vector<16xi32>], vector<16xf32>,
          %select_n3A_485 = arith.select %and3A_207, %gather3A_484, %gather3A_483 : vector<16xi1>, vector<16xf32>
          %mul3A_486 = arith.constant 32 : i32
          %mul3A_487 = vector.broadcast %mul3A_486 : i32 to vector<16xi32>
          %mul3A_488 = arith.muli %add3A_192, %mul3A_487 : vector<16xi32>
          %add3A_489 = arith.constant 25 : i32
          %add3A_490 = vector.broadcast %add3A_489 : i32 to vector<16xi32>
          %add3A_491 = arith.addi %mul3A_488, %add3A_490 : vector<16xi32>
          tpu.vector_store_idx %arg15[%add3A_491], %select_n3A_485 : memref<8192xf32, #tpu.memory_space<vmem>>[vector<16xi32>], vector<16xf32>,
          %broadcast_in_dim3A_492 = arith.constant 26 : i32
          %broadcast_in_dim3A_493 = vector.broadcast %broadcast_in_dim3A_492 : i32 to vector<16xi32>
          %gather3A_494 = tpu.vector_load_idx %arg8[%broadcast_in_dim3A_493, %min3A_195] : memref<32x1024xf32, #tpu.memory_space<vmem>>[vector<16xi32>, vector<16xi32>], vector<16xf32>,
          %gather3A_495 = tpu.vector_load_idx %arg9[%min3A_203, %broadcast_in_dim3A_493] : memref<64x32xf32, #tpu.memory_space<vmem>>[vector<16xi32>, vector<16xi32>], vector<16xf32>,
          %select_n3A_496 = arith.select %and3A_207, %gather3A_495, %gather3A_494 : vector<16xi1>, vector<16xf32>
          %mul3A_497 = arith.constant 32 : i32
          %mul3A_498 = vector.broadcast %mul3A_497 : i32 to vector<16xi32>
          %mul3A_499 = arith.muli %add3A_192, %mul3A_498 : vector<16xi32>
          %add3A_500 = arith.constant 26 : i32
          %add3A_501 = vector.broadcast %add3A_500 : i32 to vector<16xi32>
          %add3A_502 = arith.addi %mul3A_499, %add3A_501 : vector<16xi32>
          tpu.vector_store_idx %arg15[%add3A_502], %select_n3A_496 : memref<8192xf32, #tpu.memory_space<vmem>>[vector<16xi32>], vector<16xf32>,
          %broadcast_in_dim3A_503 = arith.constant 27 : i32
          %broadcast_in_dim3A_504 = vector.broadcast %broadcast_in_dim3A_503 : i32 to vector<16xi32>
          %gather3A_505 = tpu.vector_load_idx %arg8[%broadcast_in_dim3A_504, %min3A_195] : memref<32x1024xf32, #tpu.memory_space<vmem>>[vector<16xi32>, vector<16xi32>], vector<16xf32>,
          %gather3A_506 = tpu.vector_load_idx %arg9[%min3A_203, %broadcast_in_dim3A_504] : memref<64x32xf32, #tpu.memory_space<vmem>>[vector<16xi32>, vector<16xi32>], vector<16xf32>,
          %select_n3A_507 = arith.select %and3A_207, %gather3A_506, %gather3A_505 : vector<16xi1>, vector<16xf32>
          %mul3A_508 = arith.constant 32 : i32
          %mul3A_509 = vector.broadcast %mul3A_508 : i32 to vector<16xi32>
          %mul3A_510 = arith.muli %add3A_192, %mul3A_509 : vector<16xi32>
          %add3A_511 = arith.constant 27 : i32
          %add3A_512 = vector.broadcast %add3A_511 : i32 to vector<16xi32>
          %add3A_513 = arith.addi %mul3A_510, %add3A_512 : vector<16xi32>
          tpu.vector_store_idx %arg15[%add3A_513], %select_n3A_507 : memref<8192xf32, #tpu.memory_space<vmem>>[vector<16xi32>], vector<16xf32>,
          %broadcast_in_dim3A_514 = arith.constant 28 : i32
          %broadcast_in_dim3A_515 = vector.broadcast %broadcast_in_dim3A_514 : i32 to vector<16xi32>
          %gather3A_516 = tpu.vector_load_idx %arg8[%broadcast_in_dim3A_515, %min3A_195] : memref<32x1024xf32, #tpu.memory_space<vmem>>[vector<16xi32>, vector<16xi32>], vector<16xf32>,
          %gather3A_517 = tpu.vector_load_idx %arg9[%min3A_203, %broadcast_in_dim3A_515] : memref<64x32xf32, #tpu.memory_space<vmem>>[vector<16xi32>, vector<16xi32>], vector<16xf32>,
          %select_n3A_518 = arith.select %and3A_207, %gather3A_517, %gather3A_516 : vector<16xi1>, vector<16xf32>
          %mul3A_519 = arith.constant 32 : i32
          %mul3A_520 = vector.broadcast %mul3A_519 : i32 to vector<16xi32>
          %mul3A_521 = arith.muli %add3A_192, %mul3A_520 : vector<16xi32>
          %add3A_522 = arith.constant 28 : i32
          %add3A_523 = vector.broadcast %add3A_522 : i32 to vector<16xi32>
          %add3A_524 = arith.addi %mul3A_521, %add3A_523 : vector<16xi32>
          tpu.vector_store_idx %arg15[%add3A_524], %select_n3A_518 : memref<8192xf32, #tpu.memory_space<vmem>>[vector<16xi32>], vector<16xf32>,
          %broadcast_in_dim3A_525 = arith.constant 29 : i32
          %broadcast_in_dim3A_526 = vector.broadcast %broadcast_in_dim3A_525 : i32 to vector<16xi32>
          %gather3A_527 = tpu.vector_load_idx %arg8[%broadcast_in_dim3A_526, %min3A_195] : memref<32x1024xf32, #tpu.memory_space<vmem>>[vector<16xi32>, vector<16xi32>], vector<16xf32>,
          %gather3A_528 = tpu.vector_load_idx %arg9[%min3A_203, %broadcast_in_dim3A_526] : memref<64x32xf32, #tpu.memory_space<vmem>>[vector<16xi32>, vector<16xi32>], vector<16xf32>,
          %select_n3A_529 = arith.select %and3A_207, %gather3A_528, %gather3A_527 : vector<16xi1>, vector<16xf32>
          %mul3A_530 = arith.constant 32 : i32
          %mul3A_531 = vector.broadcast %mul3A_530 : i32 to vector<16xi32>
          %mul3A_532 = arith.muli %add3A_192, %mul3A_531 : vector<16xi32>
          %add3A_533 = arith.constant 29 : i32
          %add3A_534 = vector.broadcast %add3A_533 : i32 to vector<16xi32>
          %add3A_535 = arith.addi %mul3A_532, %add3A_534 : vector<16xi32>
          tpu.vector_store_idx %arg15[%add3A_535], %select_n3A_529 : memref<8192xf32, #tpu.memory_space<vmem>>[vector<16xi32>], vector<16xf32>,
          %broadcast_in_dim3A_536 = arith.constant 30 : i32
          %broadcast_in_dim3A_537 = vector.broadcast %broadcast_in_dim3A_536 : i32 to vector<16xi32>
          %gather3A_538 = tpu.vector_load_idx %arg8[%broadcast_in_dim3A_537, %min3A_195] : memref<32x1024xf32, #tpu.memory_space<vmem>>[vector<16xi32>, vector<16xi32>], vector<16xf32>,
          %gather3A_539 = tpu.vector_load_idx %arg9[%min3A_203, %broadcast_in_dim3A_537] : memref<64x32xf32, #tpu.memory_space<vmem>>[vector<16xi32>, vector<16xi32>], vector<16xf32>,
          %select_n3A_540 = arith.select %and3A_207, %gather3A_539, %gather3A_538 : vector<16xi1>, vector<16xf32>
          %mul3A_541 = arith.constant 32 : i32
          %mul3A_542 = vector.broadcast %mul3A_541 : i32 to vector<16xi32>
          %mul3A_543 = arith.muli %add3A_192, %mul3A_542 : vector<16xi32>
          %add3A_544 = arith.constant 30 : i32
          %add3A_545 = vector.broadcast %add3A_544 : i32 to vector<16xi32>
          %add3A_546 = arith.addi %mul3A_543, %add3A_545 : vector<16xi32>
          tpu.vector_store_idx %arg15[%add3A_546], %select_n3A_540 : memref<8192xf32, #tpu.memory_space<vmem>>[vector<16xi32>], vector<16xf32>,
          %broadcast_in_dim3A_547 = arith.constant 31 : i32
          %broadcast_in_dim3A_548 = vector.broadcast %broadcast_in_dim3A_547 : i32 to vector<16xi32>
          %gather3A_549 = tpu.vector_load_idx %arg8[%broadcast_in_dim3A_548, %min3A_195] : memref<32x1024xf32, #tpu.memory_space<vmem>>[vector<16xi32>, vector<16xi32>], vector<16xf32>,
          %gather3A_550 = tpu.vector_load_idx %arg9[%min3A_203, %broadcast_in_dim3A_548] : memref<64x32xf32, #tpu.memory_space<vmem>>[vector<16xi32>, vector<16xi32>], vector<16xf32>,
          %select_n3A_551 = arith.select %and3A_207, %gather3A_550, %gather3A_549 : vector<16xi1>, vector<16xf32>
          %mul3A_552 = arith.constant 32 : i32
          %mul3A_553 = vector.broadcast %mul3A_552 : i32 to vector<16xi32>
          %mul3A_554 = arith.muli %add3A_192, %mul3A_553 : vector<16xi32>
          %add3A_555 = arith.constant 31 : i32
          %add3A_556 = vector.broadcast %add3A_555 : i32 to vector<16xi32>
          %add3A_557 = arith.addi %mul3A_554, %add3A_556 : vector<16xi32>
          tpu.vector_store_idx %arg15[%add3A_557], %select_n3A_551 : memref<8192xf32, #tpu.memory_space<vmem>>[vector<16xi32>], vector<16xf32>,
        }
        %while3A_157 = arith.constant 0 : i32
        %while3A_158 = arith.constant 0 : i32
        %while3A_159 = arith.subi %while3A_118, %while3A_158 : i32
        %while3A_160 = arith.addi %while3A_158, %while3A_159 : i32
        %while3A_161 = arith.constant 1 : i32
        %while3A_162 = arith.divsi %while3A_159, %while3A_161 : i32
        %while3A_163 = arith.muli %while3A_162, %while3A_161 : i32
        %while3A_164 = arith.addi %while3A_158, %while3A_163 : i32
        %while3A_165 = arith.constant 1 : i32
        scf.for %while3A_185 = %while3A_158 to %while3A_164 step %while3A_165  : i32 {
          %jit3A_186 = arith.constant 16 : i32
          %div3A_187 = arith.divsi %while3A_185, %jit3A_186 : i32
          %sign3A_188 = arith.constant 0 : i32
          %sign3A_189 = arith.cmpi sgt, %while3A_185, %sign3A_188 : i32
          %sign3A_190 = arith.extui %sign3A_189 : i1 to i32
          %sign3A_191 = arith.constant 0 : i32
          %sign3A_192 = arith.cmpi slt, %while3A_185, %sign3A_191 : i32
          %sign3A_193 = arith.extui %sign3A_192 : i1 to i32
          %sign3A_194 = arith.subi %sign3A_190, %sign3A_193 : i32
          %sign3A_195 = arith.constant 0 : i32
          %sign3A_196 = arith.cmpi sgt, %jit3A_186, %sign3A_195 : i32
          %sign3A_197 = arith.extui %sign3A_196 : i1 to i32
          %sign3A_198 = arith.constant 0 : i32
          %sign3A_199 = arith.cmpi slt, %jit3A_186, %sign3A_198 : i32
          %sign3A_200 = arith.extui %sign3A_199 : i1 to i32
          %sign3A_201 = arith.subi %sign3A_197, %sign3A_200 : i32
          %ne3A_202 = arith.cmpi ne, %sign3A_194, %sign3A_201 : i32
          %rem3A_203 = arith.remsi %while3A_185, %jit3A_186 : i32
          %ne3A_204 = arith.constant 0 : i32
          %ne3A_205 = arith.cmpi ne, %rem3A_203, %ne3A_204 : i32
          %and3A_206 = arith.andi %ne3A_202, %ne3A_205 : i1
          %sub3A_207 = arith.constant 1 : i32
          %sub3A_208 = arith.subi %div3A_187, %sub3A_207 : i32
          %select_n3A_209 = arith.select %and3A_206, %sub3A_208, %div3A_187 : i32
          %mul3A_210 = arith.constant 16 : i32
          %mul3A_211 = arith.muli %select_n3A_209, %mul3A_210 : i32
          %get3A = arith.index_cast %mul3A_211 : i32 to index
          %get3A_212 = tpu.vector_load %arg13[%get3A] {strides = array<i32>} : memref<256xi32, #tpu.memory_space<vmem>>, vector<16xi32>,
          %jit3A_213 = arith.constant 16 : i32
          %div3A_214 = arith.divsi %while3A_185, %jit3A_213 : i32
          %sign3A_215 = arith.constant 0 : i32
          %sign3A_216 = arith.cmpi sgt, %while3A_185, %sign3A_215 : i32
          %sign3A_217 = arith.extui %sign3A_216 : i1 to i32
          %sign3A_218 = arith.constant 0 : i32
          %sign3A_219 = arith.cmpi slt, %while3A_185, %sign3A_218 : i32
          %sign3A_220 = arith.extui %sign3A_219 : i1 to i32
          %sign3A_221 = arith.subi %sign3A_217, %sign3A_220 : i32
          %sign3A_222 = arith.constant 0 : i32
          %sign3A_223 = arith.cmpi sgt, %jit3A_213, %sign3A_222 : i32
          %sign3A_224 = arith.extui %sign3A_223 : i1 to i32
          %sign3A_225 = arith.constant 0 : i32
          %sign3A_226 = arith.cmpi slt, %jit3A_213, %sign3A_225 : i32
          %sign3A_227 = arith.extui %sign3A_226 : i1 to i32
          %sign3A_228 = arith.subi %sign3A_224, %sign3A_227 : i32
          %ne3A_229 = arith.cmpi ne, %sign3A_221, %sign3A_228 : i32
          %rem3A_230 = arith.remsi %while3A_185, %jit3A_213 : i32
          %ne3A_231 = arith.constant 0 : i32
          %ne3A_232 = arith.cmpi ne, %rem3A_230, %ne3A_231 : i32
          %and3A_233 = arith.andi %ne3A_229, %ne3A_232 : i1
          %sub3A_234 = arith.constant 1 : i32
          %sub3A_235 = arith.subi %div3A_214, %sub3A_234 : i32
          %select_n3A_236 = arith.select %and3A_233, %sub3A_235, %div3A_214 : i32
          %mul3A_237 = arith.constant 16 : i32
          %mul3A_238 = arith.muli %select_n3A_236, %mul3A_237 : i32
          %sub3A_239 = arith.subi %while3A_185, %mul3A_238 : i32
          %eq3A_240 = vector.broadcast %sub3A_239 : i32 to vector<16xi32>
          %eq3A_241 = arith.cmpi eq, %iota3A, %eq3A_240 : vector<16xi32>
          %jit3A_242 = arith.constant 0 : i32
          %broadcast_in_dim3A = vector.broadcast %jit3A_242 : i32 to vector<16xi32>
          %select_n3A_243 = arith.select %eq3A_241, %get3A_212, %broadcast_in_dim3A : vector<16xi1>, vector<16xi32>
          %reduce_max3A = arith.constant true
          %reduce_max3A_244 = vector.broadcast %reduce_max3A : i1 to vector<16xi1>
          %reduce_max3A_245 = arith.constant -2147483648 : i32
          %reduce_max3A_246 = vector.broadcast %reduce_max3A_245 : i32 to vector<16xi32>
          %reduce_max3A_247 = arith.xori %select_n3A_243, %reduce_max3A_246 : vector<16xi32>
          %reduce_max3A_248 = tpu.scan <max>, %reduce_max3A_247 masked %reduce_max3A_244 : vector<16xi32>, vector<16xi1> -> vector<16xi32>
          %reduce_max3A_249 = arith.xori %reduce_max3A_248, %reduce_max3A_246 : vector<16xi32>
          %reduce_max3A_250 = vector.extract %reduce_max3A_249[15] : i32 from vector<16xi32>
          %mul3A_251 = arith.constant 32 : i32
          %mul3A_252 = arith.muli %while3A_185, %mul3A_251 : i32
          %mul3A_253 = arith.constant 32 : i32
          %mul3A_254 = arith.muli %reduce_max3A_250, %mul3A_253 : i32
          %dma_start3A_255 = tpu.memref_slice %arg15[%mul3A_252] : memref<8192xf32, #tpu.memory_space<vmem>> -> memref<32xf32, #tpu.memory_space<vmem>>
          %dma_start3A_256 = tpu.memref_slice %arg6[%mul3A_254] : memref<1048576xf32, #tpu.memory_space<hbm>> -> memref<32xf32, #tpu.memory_space<hbm>>
          %dma_start3A_257 = tpu.memref_slice %arg6[%mul3A_254] : memref<1048576xf32, #tpu.memory_space<hbm>> -> memref<32xf32, #tpu.memory_space<hbm>>
          %dma_start3A_258 = tpu.memref_slice %arg15[%mul3A_252] : memref<8192xf32, #tpu.memory_space<vmem>> -> memref<32xf32, #tpu.memory_space<vmem>>
          tpu.enqueue_dma source(%dma_start3A_258 : memref<32xf32, #tpu.memory_space<vmem>>) target(%dma_start3A_257 : memref<32xf32, #tpu.memory_space<hbm>>) target_semaphore(%arg19 : memref<!tpu.dma_semaphore, #tpu.memory_space<semaphore_mem>>)
          %ge3A = arith.constant 16 : i32
          %ge3A_259 = arith.cmpi sge, %while3A_185, %ge3A : i32
          %convert_element_type3A_260 = arith.extui %ge3A_259 : i1 to i32
          %cond3A_261 = arith.constant 0 : i32
          %cond3A_262 = arith.cmpi ne, %convert_element_type3A_260, %cond3A_261 : i32
          scf.if %cond3A_262 {
            %dma_wait3A_263 = arith.constant 0 : i32
            %dma_wait3A_264 = tpu.memref_slice %arg15[%dma_wait3A_263] : memref<8192xf32, #tpu.memory_space<vmem>> -> memref<32xf32, #tpu.memory_space<vmem>>
            %dma_wait3A_265 = arith.constant 0 : i32
            %dma_wait3A_266 = tpu.memref_slice %arg6[%dma_wait3A_265] : memref<1048576xf32, #tpu.memory_space<hbm>> -> memref<32xf32, #tpu.memory_space<hbm>>
            %dma_wait3A_267 = arith.constant 0 : i32
            %dma_wait3A_268 = tpu.memref_slice %arg15[%dma_wait3A_267] : memref<8192xf32, #tpu.memory_space<vmem>> -> memref<32xf32, #tpu.memory_space<vmem>>
            %dma_wait3A_269 = arith.constant 0 : i32
            %dma_wait3A_270 = tpu.memref_slice %arg6[%dma_wait3A_269] : memref<1048576xf32, #tpu.memory_space<hbm>> -> memref<32xf32, #tpu.memory_space<hbm>>
            tpu.wait_dma2 semaphore(%arg19 : memref<!tpu.dma_semaphore, #tpu.memory_space<semaphore_mem>>) src(%dma_wait3A_270 : memref<32xf32, #tpu.memory_space<hbm>>) dst(%dma_wait3A_268 : memref<32xf32, #tpu.memory_space<vmem>>)
          } else {
          }
        }
        %while3A_166 = arith.constant 1 : i32
        scf.for %while3A_185 = %while3A_164 to %while3A_160 step %while3A_166  : i32 {
          %jit3A_186 = arith.constant 16 : i32
          %div3A_187 = arith.divsi %while3A_185, %jit3A_186 : i32
          %sign3A_188 = arith.constant 0 : i32
          %sign3A_189 = arith.cmpi sgt, %while3A_185, %sign3A_188 : i32
          %sign3A_190 = arith.extui %sign3A_189 : i1 to i32
          %sign3A_191 = arith.constant 0 : i32
          %sign3A_192 = arith.cmpi slt, %while3A_185, %sign3A_191 : i32
          %sign3A_193 = arith.extui %sign3A_192 : i1 to i32
          %sign3A_194 = arith.subi %sign3A_190, %sign3A_193 : i32
          %sign3A_195 = arith.constant 0 : i32
          %sign3A_196 = arith.cmpi sgt, %jit3A_186, %sign3A_195 : i32
          %sign3A_197 = arith.extui %sign3A_196 : i1 to i32
          %sign3A_198 = arith.constant 0 : i32
          %sign3A_199 = arith.cmpi slt, %jit3A_186, %sign3A_198 : i32
          %sign3A_200 = arith.extui %sign3A_199 : i1 to i32
          %sign3A_201 = arith.subi %sign3A_197, %sign3A_200 : i32
          %ne3A_202 = arith.cmpi ne, %sign3A_194, %sign3A_201 : i32
          %rem3A_203 = arith.remsi %while3A_185, %jit3A_186 : i32
          %ne3A_204 = arith.constant 0 : i32
          %ne3A_205 = arith.cmpi ne, %rem3A_203, %ne3A_204 : i32
          %and3A_206 = arith.andi %ne3A_202, %ne3A_205 : i1
          %sub3A_207 = arith.constant 1 : i32
          %sub3A_208 = arith.subi %div3A_187, %sub3A_207 : i32
          %select_n3A_209 = arith.select %and3A_206, %sub3A_208, %div3A_187 : i32
          %mul3A_210 = arith.constant 16 : i32
          %mul3A_211 = arith.muli %select_n3A_209, %mul3A_210 : i32
          %get3A = arith.index_cast %mul3A_211 : i32 to index
          %get3A_212 = tpu.vector_load %arg13[%get3A] {strides = array<i32>} : memref<256xi32, #tpu.memory_space<vmem>>, vector<16xi32>,
          %jit3A_213 = arith.constant 16 : i32
          %div3A_214 = arith.divsi %while3A_185, %jit3A_213 : i32
          %sign3A_215 = arith.constant 0 : i32
          %sign3A_216 = arith.cmpi sgt, %while3A_185, %sign3A_215 : i32
          %sign3A_217 = arith.extui %sign3A_216 : i1 to i32
          %sign3A_218 = arith.constant 0 : i32
          %sign3A_219 = arith.cmpi slt, %while3A_185, %sign3A_218 : i32
          %sign3A_220 = arith.extui %sign3A_219 : i1 to i32
          %sign3A_221 = arith.subi %sign3A_217, %sign3A_220 : i32
          %sign3A_222 = arith.constant 0 : i32
          %sign3A_223 = arith.cmpi sgt, %jit3A_213, %sign3A_222 : i32
          %sign3A_224 = arith.extui %sign3A_223 : i1 to i32
          %sign3A_225 = arith.constant 0 : i32
          %sign3A_226 = arith.cmpi slt, %jit3A_213, %sign3A_225 : i32
          %sign3A_227 = arith.extui %sign3A_226 : i1 to i32
          %sign3A_228 = arith.subi %sign3A_224, %sign3A_227 : i32
          %ne3A_229 = arith.cmpi ne, %sign3A_221, %sign3A_228 : i32
          %rem3A_230 = arith.remsi %while3A_185, %jit3A_213 : i32
          %ne3A_231 = arith.constant 0 : i32
          %ne3A_232 = arith.cmpi ne, %rem3A_230, %ne3A_231 : i32
          %and3A_233 = arith.andi %ne3A_229, %ne3A_232 : i1
          %sub3A_234 = arith.constant 1 : i32
          %sub3A_235 = arith.subi %div3A_214, %sub3A_234 : i32
          %select_n3A_236 = arith.select %and3A_233, %sub3A_235, %div3A_214 : i32
          %mul3A_237 = arith.constant 16 : i32
          %mul3A_238 = arith.muli %select_n3A_236, %mul3A_237 : i32
          %sub3A_239 = arith.subi %while3A_185, %mul3A_238 : i32
          %eq3A_240 = vector.broadcast %sub3A_239 : i32 to vector<16xi32>
          %eq3A_241 = arith.cmpi eq, %iota3A, %eq3A_240 : vector<16xi32>
          %jit3A_242 = arith.constant 0 : i32
          %broadcast_in_dim3A = vector.broadcast %jit3A_242 : i32 to vector<16xi32>
          %select_n3A_243 = arith.select %eq3A_241, %get3A_212, %broadcast_in_dim3A : vector<16xi1>, vector<16xi32>
          %reduce_max3A = arith.constant true
          %reduce_max3A_244 = vector.broadcast %reduce_max3A : i1 to vector<16xi1>
          %reduce_max3A_245 = arith.constant -2147483648 : i32
          %reduce_max3A_246 = vector.broadcast %reduce_max3A_245 : i32 to vector<16xi32>
          %reduce_max3A_247 = arith.xori %select_n3A_243, %reduce_max3A_246 : vector<16xi32>
          %reduce_max3A_248 = tpu.scan <max>, %reduce_max3A_247 masked %reduce_max3A_244 : vector<16xi32>, vector<16xi1> -> vector<16xi32>
          %reduce_max3A_249 = arith.xori %reduce_max3A_248, %reduce_max3A_246 : vector<16xi32>
          %reduce_max3A_250 = vector.extract %reduce_max3A_249[15] : i32 from vector<16xi32>
          %mul3A_251 = arith.constant 32 : i32
          %mul3A_252 = arith.muli %while3A_185, %mul3A_251 : i32
          %mul3A_253 = arith.constant 32 : i32
          %mul3A_254 = arith.muli %reduce_max3A_250, %mul3A_253 : i32
          %dma_start3A_255 = tpu.memref_slice %arg15[%mul3A_252] : memref<8192xf32, #tpu.memory_space<vmem>> -> memref<32xf32, #tpu.memory_space<vmem>>
          %dma_start3A_256 = tpu.memref_slice %arg6[%mul3A_254] : memref<1048576xf32, #tpu.memory_space<hbm>> -> memref<32xf32, #tpu.memory_space<hbm>>
          %dma_start3A_257 = tpu.memref_slice %arg6[%mul3A_254] : memref<1048576xf32, #tpu.memory_space<hbm>> -> memref<32xf32, #tpu.memory_space<hbm>>
          %dma_start3A_258 = tpu.memref_slice %arg15[%mul3A_252] : memref<8192xf32, #tpu.memory_space<vmem>> -> memref<32xf32, #tpu.memory_space<vmem>>
          tpu.enqueue_dma source(%dma_start3A_258 : memref<32xf32, #tpu.memory_space<vmem>>) target(%dma_start3A_257 : memref<32xf32, #tpu.memory_space<hbm>>) target_semaphore(%arg19 : memref<!tpu.dma_semaphore, #tpu.memory_space<semaphore_mem>>)
          %ge3A = arith.constant 16 : i32
          %ge3A_259 = arith.cmpi sge, %while3A_185, %ge3A : i32
          %convert_element_type3A_260 = arith.extui %ge3A_259 : i1 to i32
          %cond3A_261 = arith.constant 0 : i32
          %cond3A_262 = arith.cmpi ne, %convert_element_type3A_260, %cond3A_261 : i32
          scf.if %cond3A_262 {
            %dma_wait3A_263 = arith.constant 0 : i32
            %dma_wait3A_264 = tpu.memref_slice %arg15[%dma_wait3A_263] : memref<8192xf32, #tpu.memory_space<vmem>> -> memref<32xf32, #tpu.memory_space<vmem>>
            %dma_wait3A_265 = arith.constant 0 : i32
            %dma_wait3A_266 = tpu.memref_slice %arg6[%dma_wait3A_265] : memref<1048576xf32, #tpu.memory_space<hbm>> -> memref<32xf32, #tpu.memory_space<hbm>>
            %dma_wait3A_267 = arith.constant 0 : i32
            %dma_wait3A_268 = tpu.memref_slice %arg15[%dma_wait3A_267] : memref<8192xf32, #tpu.memory_space<vmem>> -> memref<32xf32, #tpu.memory_space<vmem>>
            %dma_wait3A_269 = arith.constant 0 : i32
            %dma_wait3A_270 = tpu.memref_slice %arg6[%dma_wait3A_269] : memref<1048576xf32, #tpu.memory_space<hbm>> -> memref<32xf32, #tpu.memory_space<hbm>>
            tpu.wait_dma2 semaphore(%arg19 : memref<!tpu.dma_semaphore, #tpu.memory_space<semaphore_mem>>) src(%dma_wait3A_270 : memref<32xf32, #tpu.memory_space<hbm>>) dst(%dma_wait3A_268 : memref<32xf32, #tpu.memory_space<vmem>>)
          } else {
          }
        }
        %min3A = arith.constant 16 : i32
        %min3A_167 = arith.minsi %while3A_118, %min3A : i32
        %while3A_168 = arith.constant 0 : i32
        %while3A_169 = arith.constant 0 : i32
        %while3A_170 = arith.subi %min3A_167, %while3A_169 : i32
        %while3A_171 = arith.addi %while3A_169, %while3A_170 : i32
        %while3A_172 = arith.constant 1 : i32
        %while3A_173 = arith.divsi %while3A_170, %while3A_172 : i32
        %while3A_174 = arith.muli %while3A_173, %while3A_172 : i32
        %while3A_175 = arith.addi %while3A_169, %while3A_174 : i32
        %while3A_176 = arith.constant 1 : i32
        scf.for %while3A_185 = %while3A_169 to %while3A_175 step %while3A_176  : i32 {
          %dma_wait3A_186 = arith.constant 0 : i32
          %dma_wait3A_187 = tpu.memref_slice %arg15[%dma_wait3A_186] : memref<8192xf32, #tpu.memory_space<vmem>> -> memref<32xf32, #tpu.memory_space<vmem>>
          %dma_wait3A_188 = arith.constant 0 : i32
          %dma_wait3A_189 = tpu.memref_slice %arg6[%dma_wait3A_188] : memref<1048576xf32, #tpu.memory_space<hbm>> -> memref<32xf32, #tpu.memory_space<hbm>>
          %dma_wait3A_190 = arith.constant 0 : i32
          %dma_wait3A_191 = tpu.memref_slice %arg15[%dma_wait3A_190] : memref<8192xf32, #tpu.memory_space<vmem>> -> memref<32xf32, #tpu.memory_space<vmem>>
          %dma_wait3A_192 = arith.constant 0 : i32
          %dma_wait3A_193 = tpu.memref_slice %arg6[%dma_wait3A_192] : memref<1048576xf32, #tpu.memory_space<hbm>> -> memref<32xf32, #tpu.memory_space<hbm>>
          tpu.wait_dma2 semaphore(%arg19 : memref<!tpu.dma_semaphore, #tpu.memory_space<semaphore_mem>>) src(%dma_wait3A_193 : memref<32xf32, #tpu.memory_space<hbm>>) dst(%dma_wait3A_191 : memref<32xf32, #tpu.memory_space<vmem>>)
        }
        %while3A_177 = arith.constant 1 : i32
        scf.for %while3A_185 = %while3A_175 to %while3A_171 step %while3A_177  : i32 {
          %dma_wait3A_186 = arith.constant 0 : i32
          %dma_wait3A_187 = tpu.memref_slice %arg15[%dma_wait3A_186] : memref<8192xf32, #tpu.memory_space<vmem>> -> memref<32xf32, #tpu.memory_space<vmem>>
          %dma_wait3A_188 = arith.constant 0 : i32
          %dma_wait3A_189 = tpu.memref_slice %arg6[%dma_wait3A_188] : memref<1048576xf32, #tpu.memory_space<hbm>> -> memref<32xf32, #tpu.memory_space<hbm>>
          %dma_wait3A_190 = arith.constant 0 : i32
          %dma_wait3A_191 = tpu.memref_slice %arg15[%dma_wait3A_190] : memref<8192xf32, #tpu.memory_space<vmem>> -> memref<32xf32, #tpu.memory_space<vmem>>
          %dma_wait3A_192 = arith.constant 0 : i32
          %dma_wait3A_193 = tpu.memref_slice %arg6[%dma_wait3A_192] : memref<1048576xf32, #tpu.memory_space<hbm>> -> memref<32xf32, #tpu.memory_space<hbm>>
          tpu.wait_dma2 semaphore(%arg19 : memref<!tpu.dma_semaphore, #tpu.memory_space<semaphore_mem>>) src(%dma_wait3A_193 : memref<32xf32, #tpu.memory_space<hbm>>) dst(%dma_wait3A_191 : memref<32xf32, #tpu.memory_space<vmem>>)
        }
        %add3A_178 = arith.constant 2 : i32
        %add3A_179 = arith.addi %scan3A_54, %add3A_178 : i32
        %lt3A_180 = arith.constant 31 : i32
        %lt3A_181 = arith.cmpi slt, %add3A_179, %lt3A_180 : i32
        %convert_element_type3A_182 = arith.extui %lt3A_181 : i1 to i32
        %cond3A_183 = arith.constant 0 : i32
        %cond3A_184 = arith.cmpi ne, %convert_element_type3A_182, %cond3A_183 : i32
        scf.if %cond3A_184 {
          %add3A_185 = arith.constant 2 : i32
          %add3A_186 = arith.addi %scan3A_54, %add3A_185 : i32
          %mul3A_187 = arith.constant 1024 : i32
          %mul3A_188 = arith.muli %add3A_186, %mul3A_187 : i32
          %add3A_189 = arith.addi %mul3A_3, %mul3A_188 : i32
          %eq3A_190 = arith.constant 15 : i32
          %eq3A_191 = arith.cmpi eq, %add3A_186, %eq3A_190 : i32
          %and3A_192 = arith.andi %eq3A_1, %eq3A_191 : i1
          %not3A_193 = arith.constant true
          %not3A_194 = arith.xori %eq3A_1, %not3A_193 : i1
          %lt3A_195 = arith.constant 15 : i32
          %lt3A_196 = arith.cmpi slt, %add3A_186, %lt3A_195 : i32
          %or3A_197 = arith.ori %not3A_194, %lt3A_196 : i1
          %convert_element_type3A_198 = arith.extui %or3A_197 : i1 to i32
          %cond3A_199 = arith.constant 0 : i32
          %cond3A_200 = arith.cmpi ne, %convert_element_type3A_198, %cond3A_199 : i32
          scf.if %cond3A_200 {
            %dma_start3A_204 = arith.constant 0 : i32
            %dma_start3A_205 = tpu.memref_slice %arg4[%dma_start3A_204, %add3A_189] : memref<32x1000000xf32, #tpu.memory_space<hbm>> -> memref<32x1024xf32, #tpu.memory_space<hbm>>
            %dma_start3A_206 = arith.constant 0 : i32
            %dma_start3A_207 = tpu.memref_slice %arg4[%dma_start3A_206, %add3A_189] : memref<32x1000000xf32, #tpu.memory_space<hbm>> -> memref<32x1024xf32, #tpu.memory_space<hbm>>
            tpu.enqueue_dma source(%dma_start3A_207 : memref<32x1024xf32, #tpu.memory_space<hbm>>) target(%arg8 : memref<32x1024xf32, #tpu.memory_space<vmem>>) target_semaphore(%arg17 : memref<!tpu.dma_semaphore, #tpu.memory_space<semaphore_mem>>)
          } else {
          }
          %convert_element_type3A_201 = arith.extui %and3A_192 : i1 to i32
          %cond3A_202 = arith.constant 0 : i32
          %cond3A_203 = arith.cmpi ne, %convert_element_type3A_201, %cond3A_202 : i32
          scf.if %cond3A_203 {
            %dma_start3A_204 = arith.constant 0 : i32
            %dma_start3A_205 = arith.constant 0 : i32
            %dma_start3A_206 = tpu.memref_slice %arg8[%dma_start3A_204, %dma_start3A_205] : memref<32x1024xf32, #tpu.memory_space<vmem>> -> memref<32x512xf32, #tpu.memory_space<vmem>>
            %dma_start3A_207 = arith.constant 0 : i32
            %dma_start3A_208 = arith.constant 999424 : i32
            %dma_start3A_209 = tpu.memref_slice %arg4[%dma_start3A_207, %dma_start3A_208] : memref<32x1000000xf32, #tpu.memory_space<hbm>> -> memref<32x512xf32, #tpu.memory_space<hbm>>
            %dma_start3A_210 = arith.constant 0 : i32
            %dma_start3A_211 = arith.constant 0 : i32
            %dma_start3A_212 = tpu.memref_slice %arg8[%dma_start3A_210, %dma_start3A_211] : memref<32x1024xf32, #tpu.memory_space<vmem>> -> memref<32x512xf32, #tpu.memory_space<vmem>>
            %dma_start3A_213 = arith.constant 0 : i32
            %dma_start3A_214 = arith.constant 999424 : i32
            %dma_start3A_215 = tpu.memref_slice %arg4[%dma_start3A_213, %dma_start3A_214] : memref<32x1000000xf32, #tpu.memory_space<hbm>> -> memref<32x512xf32, #tpu.memory_space<hbm>>
            tpu.enqueue_dma source(%dma_start3A_215 : memref<32x512xf32, #tpu.memory_space<hbm>>) target(%dma_start3A_212 : memref<32x512xf32, #tpu.memory_space<vmem>>) target_semaphore(%arg17 : memref<!tpu.dma_semaphore, #tpu.memory_space<semaphore_mem>>)
          } else {
          }
        } else {
        }
      } else {
      }
    }
    %scan3A_53 = arith.constant 31 : i32
    return
  }
}

#map = affine_map<(d0, d1) -> (0)>
module attributes {stable_mosaic.version = 14 : i64} {
  func.func @_phase2(%arg0: i32, %arg1: i32, %arg2: memref<1048576xf32, #tpu.memory_space<hbm>>, %arg3: memref<16384xf32, #tpu.memory_space<hbm>>, %arg4: memref<16384xf32, #tpu.memory_space<vmem>>, %arg5: memref<16384xf32, #tpu.memory_space<vmem>>, %arg6: memref<512xf32, #tpu.memory_space<vmem>>, %arg7: memref<!tpu.dma_semaphore, #tpu.memory_space<semaphore_mem>>) attributes {dimension_semantics = [#tpu.dimension_semantics<core_parallel>, #tpu.dimension_semantics<subcore_parallel>], iteration_bounds = array<i64: 2, 16>, scalar_prefetch = 0 : i64, scratch_operands = 4 : i64, tpu.core_type = #tpu.core_type<sc_vector_subcore>, window_params = [{transform_indices = #map}, {transform_indices = #map}]} {
    %mul3A = arith.constant 2 : i32
    %mul3A_0 = arith.muli %arg1, %mul3A : i32
    %add3A = arith.addi %mul3A_0, %arg0 : i32
    %mul3A_1 = arith.constant 512 : i32
    %mul3A_2 = arith.muli %add3A, %mul3A_1 : i32
    %mul3A_3 = arith.constant 32 : i32
    %mul3A_4 = arith.muli %mul3A_2, %mul3A_3 : i32
    %dma_start3A = tpu.memref_slice %arg2[%mul3A_4] : memref<1048576xf32, #tpu.memory_space<hbm>> -> memref<16384xf32, #tpu.memory_space<hbm>>
    %dma_start3A_5 = tpu.memref_slice %arg2[%mul3A_4] : memref<1048576xf32, #tpu.memory_space<hbm>> -> memref<16384xf32, #tpu.memory_space<hbm>>
    tpu.enqueue_dma source(%dma_start3A_5 : memref<16384xf32, #tpu.memory_space<hbm>>) target(%arg4 : memref<16384xf32, #tpu.memory_space<vmem>>) target_semaphore(%arg7 : memref<!tpu.dma_semaphore, #tpu.memory_space<semaphore_mem>>)
    %add3A_6 = arith.constant 524288 : i32
    %add3A_7 = arith.addi %add3A_6, %mul3A_4 : i32
    %dma_start3A_8 = tpu.memref_slice %arg2[%add3A_7] : memref<1048576xf32, #tpu.memory_space<hbm>> -> memref<16384xf32, #tpu.memory_space<hbm>>
    %dma_start3A_9 = tpu.memref_slice %arg2[%add3A_7] : memref<1048576xf32, #tpu.memory_space<hbm>> -> memref<16384xf32, #tpu.memory_space<hbm>>
    tpu.enqueue_dma source(%dma_start3A_9 : memref<16384xf32, #tpu.memory_space<hbm>>) target(%arg5 : memref<16384xf32, #tpu.memory_space<vmem>>) target_semaphore(%arg7 : memref<!tpu.dma_semaphore, #tpu.memory_space<semaphore_mem>>)
    %dma_wait3A = arith.constant 0 : i32
    %dma_wait3A_10 = tpu.memref_slice %arg2[%dma_wait3A] : memref<1048576xf32, #tpu.memory_space<hbm>> -> memref<16384xf32, #tpu.memory_space<hbm>>
    %dma_wait3A_11 = arith.constant 0 : i32
    %dma_wait3A_12 = tpu.memref_slice %arg2[%dma_wait3A_11] : memref<1048576xf32, #tpu.memory_space<hbm>> -> memref<16384xf32, #tpu.memory_space<hbm>>
    tpu.wait_dma2 semaphore(%arg7 : memref<!tpu.dma_semaphore, #tpu.memory_space<semaphore_mem>>) src(%dma_wait3A_12 : memref<16384xf32, #tpu.memory_space<hbm>>) dst(%arg4 : memref<16384xf32, #tpu.memory_space<vmem>>)
    %dma_wait3A_13 = arith.constant 0 : i32
    %dma_wait3A_14 = tpu.memref_slice %arg2[%dma_wait3A_13] : memref<1048576xf32, #tpu.memory_space<hbm>> -> memref<16384xf32, #tpu.memory_space<hbm>>
    %dma_wait3A_15 = arith.constant 0 : i32
    %dma_wait3A_16 = tpu.memref_slice %arg2[%dma_wait3A_15] : memref<1048576xf32, #tpu.memory_space<hbm>> -> memref<16384xf32, #tpu.memory_space<hbm>>
    tpu.wait_dma2 semaphore(%arg7 : memref<!tpu.dma_semaphore, #tpu.memory_space<semaphore_mem>>) src(%dma_wait3A_16 : memref<16384xf32, #tpu.memory_space<hbm>>) dst(%arg5 : memref<16384xf32, #tpu.memory_space<vmem>>)
    %iota3A = tpu.iota {dimensions = array<i32: 0>} : vector<16xi32>
    %scan3A = arith.constant 0 : i32
    %scan3A_17 = arith.constant 0 : i32
    %scan3A_18 = arith.constant 32 : i32
    %scan3A_19 = arith.addi %scan3A_17, %scan3A_18 : i32
    %scan3A_20 = arith.constant 1 : i32
    scf.for %scan3A_24 = %scan3A_17 to %scan3A_19 step %scan3A_20  : i32 {
      %mul3A_25 = arith.constant 16 : i32
      %mul3A_26 = arith.muli %scan3A_24, %mul3A_25 : i32
      %add3A_27 = vector.broadcast %mul3A_26 : i32 to vector<16xi32>
      %add3A_28 = arith.addi %add3A_27, %iota3A : vector<16xi32>
      %mul3A_29 = arith.constant 32 : i32
      %mul3A_30 = vector.broadcast %mul3A_29 : i32 to vector<16xi32>
      %mul3A_31 = arith.muli %add3A_28, %mul3A_30 : vector<16xi32>
      %broadcast_in_dim3A = arith.constant 0.000000e+00 : f32
      %broadcast_in_dim3A_32 = vector.broadcast %broadcast_in_dim3A : f32 to vector<16xf32>
      %add3A_33 = arith.constant 0 : i32
      %add3A_34 = vector.broadcast %add3A_33 : i32 to vector<16xi32>
      %add3A_35 = arith.addi %mul3A_31, %add3A_34 : vector<16xi32>
      %gather3A = tpu.vector_load_idx %arg4[%add3A_35] : memref<16384xf32, #tpu.memory_space<vmem>>[vector<16xi32>], vector<16xf32>,
      %add3A_36 = arith.constant 0 : i32
      %add3A_37 = vector.broadcast %add3A_36 : i32 to vector<16xi32>
      %add3A_38 = arith.addi %mul3A_31, %add3A_37 : vector<16xi32>
      %gather3A_39 = tpu.vector_load_idx %arg5[%add3A_38] : memref<16384xf32, #tpu.memory_space<vmem>>[vector<16xi32>], vector<16xf32>,
      %mul3A_40 = arith.mulf %gather3A, %gather3A_39 : vector<16xf32>
      %add3A_41 = arith.addf %broadcast_in_dim3A_32, %mul3A_40 : vector<16xf32>
      %add3A_42 = arith.constant 1 : i32
      %add3A_43 = vector.broadcast %add3A_42 : i32 to vector<16xi32>
      %add3A_44 = arith.addi %mul3A_31, %add3A_43 : vector<16xi32>
      %gather3A_45 = tpu.vector_load_idx %arg4[%add3A_44] : memref<16384xf32, #tpu.memory_space<vmem>>[vector<16xi32>], vector<16xf32>,
      %add3A_46 = arith.constant 1 : i32
      %add3A_47 = vector.broadcast %add3A_46 : i32 to vector<16xi32>
      %add3A_48 = arith.addi %mul3A_31, %add3A_47 : vector<16xi32>
      %gather3A_49 = tpu.vector_load_idx %arg5[%add3A_48] : memref<16384xf32, #tpu.memory_space<vmem>>[vector<16xi32>], vector<16xf32>,
      %mul3A_50 = arith.mulf %gather3A_45, %gather3A_49 : vector<16xf32>
      %add3A_51 = arith.addf %add3A_41, %mul3A_50 : vector<16xf32>
      %add3A_52 = arith.constant 2 : i32
      %add3A_53 = vector.broadcast %add3A_52 : i32 to vector<16xi32>
      %add3A_54 = arith.addi %mul3A_31, %add3A_53 : vector<16xi32>
      %gather3A_55 = tpu.vector_load_idx %arg4[%add3A_54] : memref<16384xf32, #tpu.memory_space<vmem>>[vector<16xi32>], vector<16xf32>,
      %add3A_56 = arith.constant 2 : i32
      %add3A_57 = vector.broadcast %add3A_56 : i32 to vector<16xi32>
      %add3A_58 = arith.addi %mul3A_31, %add3A_57 : vector<16xi32>
      %gather3A_59 = tpu.vector_load_idx %arg5[%add3A_58] : memref<16384xf32, #tpu.memory_space<vmem>>[vector<16xi32>], vector<16xf32>,
      %mul3A_60 = arith.mulf %gather3A_55, %gather3A_59 : vector<16xf32>
      %add3A_61 = arith.addf %add3A_51, %mul3A_60 : vector<16xf32>
      %add3A_62 = arith.constant 3 : i32
      %add3A_63 = vector.broadcast %add3A_62 : i32 to vector<16xi32>
      %add3A_64 = arith.addi %mul3A_31, %add3A_63 : vector<16xi32>
      %gather3A_65 = tpu.vector_load_idx %arg4[%add3A_64] : memref<16384xf32, #tpu.memory_space<vmem>>[vector<16xi32>], vector<16xf32>,
      %add3A_66 = arith.constant 3 : i32
      %add3A_67 = vector.broadcast %add3A_66 : i32 to vector<16xi32>
      %add3A_68 = arith.addi %mul3A_31, %add3A_67 : vector<16xi32>
      %gather3A_69 = tpu.vector_load_idx %arg5[%add3A_68] : memref<16384xf32, #tpu.memory_space<vmem>>[vector<16xi32>], vector<16xf32>,
      %mul3A_70 = arith.mulf %gather3A_65, %gather3A_69 : vector<16xf32>
      %add3A_71 = arith.addf %add3A_61, %mul3A_70 : vector<16xf32>
      %add3A_72 = arith.constant 4 : i32
      %add3A_73 = vector.broadcast %add3A_72 : i32 to vector<16xi32>
      %add3A_74 = arith.addi %mul3A_31, %add3A_73 : vector<16xi32>
      %gather3A_75 = tpu.vector_load_idx %arg4[%add3A_74] : memref<16384xf32, #tpu.memory_space<vmem>>[vector<16xi32>], vector<16xf32>,
      %add3A_76 = arith.constant 4 : i32
      %add3A_77 = vector.broadcast %add3A_76 : i32 to vector<16xi32>
      %add3A_78 = arith.addi %mul3A_31, %add3A_77 : vector<16xi32>
      %gather3A_79 = tpu.vector_load_idx %arg5[%add3A_78] : memref<16384xf32, #tpu.memory_space<vmem>>[vector<16xi32>], vector<16xf32>,
      %mul3A_80 = arith.mulf %gather3A_75, %gather3A_79 : vector<16xf32>
      %add3A_81 = arith.addf %add3A_71, %mul3A_80 : vector<16xf32>
      %add3A_82 = arith.constant 5 : i32
      %add3A_83 = vector.broadcast %add3A_82 : i32 to vector<16xi32>
      %add3A_84 = arith.addi %mul3A_31, %add3A_83 : vector<16xi32>
      %gather3A_85 = tpu.vector_load_idx %arg4[%add3A_84] : memref<16384xf32, #tpu.memory_space<vmem>>[vector<16xi32>], vector<16xf32>,
      %add3A_86 = arith.constant 5 : i32
      %add3A_87 = vector.broadcast %add3A_86 : i32 to vector<16xi32>
      %add3A_88 = arith.addi %mul3A_31, %add3A_87 : vector<16xi32>
      %gather3A_89 = tpu.vector_load_idx %arg5[%add3A_88] : memref<16384xf32, #tpu.memory_space<vmem>>[vector<16xi32>], vector<16xf32>,
      %mul3A_90 = arith.mulf %gather3A_85, %gather3A_89 : vector<16xf32>
      %add3A_91 = arith.addf %add3A_81, %mul3A_90 : vector<16xf32>
      %add3A_92 = arith.constant 6 : i32
      %add3A_93 = vector.broadcast %add3A_92 : i32 to vector<16xi32>
      %add3A_94 = arith.addi %mul3A_31, %add3A_93 : vector<16xi32>
      %gather3A_95 = tpu.vector_load_idx %arg4[%add3A_94] : memref<16384xf32, #tpu.memory_space<vmem>>[vector<16xi32>], vector<16xf32>,
      %add3A_96 = arith.constant 6 : i32
      %add3A_97 = vector.broadcast %add3A_96 : i32 to vector<16xi32>
      %add3A_98 = arith.addi %mul3A_31, %add3A_97 : vector<16xi32>
      %gather3A_99 = tpu.vector_load_idx %arg5[%add3A_98] : memref<16384xf32, #tpu.memory_space<vmem>>[vector<16xi32>], vector<16xf32>,
      %mul3A_100 = arith.mulf %gather3A_95, %gather3A_99 : vector<16xf32>
      %add3A_101 = arith.addf %add3A_91, %mul3A_100 : vector<16xf32>
      %add3A_102 = arith.constant 7 : i32
      %add3A_103 = vector.broadcast %add3A_102 : i32 to vector<16xi32>
      %add3A_104 = arith.addi %mul3A_31, %add3A_103 : vector<16xi32>
      %gather3A_105 = tpu.vector_load_idx %arg4[%add3A_104] : memref<16384xf32, #tpu.memory_space<vmem>>[vector<16xi32>], vector<16xf32>,
      %add3A_106 = arith.constant 7 : i32
      %add3A_107 = vector.broadcast %add3A_106 : i32 to vector<16xi32>
      %add3A_108 = arith.addi %mul3A_31, %add3A_107 : vector<16xi32>
      %gather3A_109 = tpu.vector_load_idx %arg5[%add3A_108] : memref<16384xf32, #tpu.memory_space<vmem>>[vector<16xi32>], vector<16xf32>,
      %mul3A_110 = arith.mulf %gather3A_105, %gather3A_109 : vector<16xf32>
      %add3A_111 = arith.addf %add3A_101, %mul3A_110 : vector<16xf32>
      %add3A_112 = arith.constant 8 : i32
      %add3A_113 = vector.broadcast %add3A_112 : i32 to vector<16xi32>
      %add3A_114 = arith.addi %mul3A_31, %add3A_113 : vector<16xi32>
      %gather3A_115 = tpu.vector_load_idx %arg4[%add3A_114] : memref<16384xf32, #tpu.memory_space<vmem>>[vector<16xi32>], vector<16xf32>,
      %add3A_116 = arith.constant 8 : i32
      %add3A_117 = vector.broadcast %add3A_116 : i32 to vector<16xi32>
      %add3A_118 = arith.addi %mul3A_31, %add3A_117 : vector<16xi32>
      %gather3A_119 = tpu.vector_load_idx %arg5[%add3A_118] : memref<16384xf32, #tpu.memory_space<vmem>>[vector<16xi32>], vector<16xf32>,
      %mul3A_120 = arith.mulf %gather3A_115, %gather3A_119 : vector<16xf32>
      %add3A_121 = arith.addf %add3A_111, %mul3A_120 : vector<16xf32>
      %add3A_122 = arith.constant 9 : i32
      %add3A_123 = vector.broadcast %add3A_122 : i32 to vector<16xi32>
      %add3A_124 = arith.addi %mul3A_31, %add3A_123 : vector<16xi32>
      %gather3A_125 = tpu.vector_load_idx %arg4[%add3A_124] : memref<16384xf32, #tpu.memory_space<vmem>>[vector<16xi32>], vector<16xf32>,
      %add3A_126 = arith.constant 9 : i32
      %add3A_127 = vector.broadcast %add3A_126 : i32 to vector<16xi32>
      %add3A_128 = arith.addi %mul3A_31, %add3A_127 : vector<16xi32>
      %gather3A_129 = tpu.vector_load_idx %arg5[%add3A_128] : memref<16384xf32, #tpu.memory_space<vmem>>[vector<16xi32>], vector<16xf32>,
      %mul3A_130 = arith.mulf %gather3A_125, %gather3A_129 : vector<16xf32>
      %add3A_131 = arith.addf %add3A_121, %mul3A_130 : vector<16xf32>
      %add3A_132 = arith.constant 10 : i32
      %add3A_133 = vector.broadcast %add3A_132 : i32 to vector<16xi32>
      %add3A_134 = arith.addi %mul3A_31, %add3A_133 : vector<16xi32>
      %gather3A_135 = tpu.vector_load_idx %arg4[%add3A_134] : memref<16384xf32, #tpu.memory_space<vmem>>[vector<16xi32>], vector<16xf32>,
      %add3A_136 = arith.constant 10 : i32
      %add3A_137 = vector.broadcast %add3A_136 : i32 to vector<16xi32>
      %add3A_138 = arith.addi %mul3A_31, %add3A_137 : vector<16xi32>
      %gather3A_139 = tpu.vector_load_idx %arg5[%add3A_138] : memref<16384xf32, #tpu.memory_space<vmem>>[vector<16xi32>], vector<16xf32>,
      %mul3A_140 = arith.mulf %gather3A_135, %gather3A_139 : vector<16xf32>
      %add3A_141 = arith.addf %add3A_131, %mul3A_140 : vector<16xf32>
      %add3A_142 = arith.constant 11 : i32
      %add3A_143 = vector.broadcast %add3A_142 : i32 to vector<16xi32>
      %add3A_144 = arith.addi %mul3A_31, %add3A_143 : vector<16xi32>
      %gather3A_145 = tpu.vector_load_idx %arg4[%add3A_144] : memref<16384xf32, #tpu.memory_space<vmem>>[vector<16xi32>], vector<16xf32>,
      %add3A_146 = arith.constant 11 : i32
      %add3A_147 = vector.broadcast %add3A_146 : i32 to vector<16xi32>
      %add3A_148 = arith.addi %mul3A_31, %add3A_147 : vector<16xi32>
      %gather3A_149 = tpu.vector_load_idx %arg5[%add3A_148] : memref<16384xf32, #tpu.memory_space<vmem>>[vector<16xi32>], vector<16xf32>,
      %mul3A_150 = arith.mulf %gather3A_145, %gather3A_149 : vector<16xf32>
      %add3A_151 = arith.addf %add3A_141, %mul3A_150 : vector<16xf32>
      %add3A_152 = arith.constant 12 : i32
      %add3A_153 = vector.broadcast %add3A_152 : i32 to vector<16xi32>
      %add3A_154 = arith.addi %mul3A_31, %add3A_153 : vector<16xi32>
      %gather3A_155 = tpu.vector_load_idx %arg4[%add3A_154] : memref<16384xf32, #tpu.memory_space<vmem>>[vector<16xi32>], vector<16xf32>,
      %add3A_156 = arith.constant 12 : i32
      %add3A_157 = vector.broadcast %add3A_156 : i32 to vector<16xi32>
      %add3A_158 = arith.addi %mul3A_31, %add3A_157 : vector<16xi32>
      %gather3A_159 = tpu.vector_load_idx %arg5[%add3A_158] : memref<16384xf32, #tpu.memory_space<vmem>>[vector<16xi32>], vector<16xf32>,
      %mul3A_160 = arith.mulf %gather3A_155, %gather3A_159 : vector<16xf32>
      %add3A_161 = arith.addf %add3A_151, %mul3A_160 : vector<16xf32>
      %add3A_162 = arith.constant 13 : i32
      %add3A_163 = vector.broadcast %add3A_162 : i32 to vector<16xi32>
      %add3A_164 = arith.addi %mul3A_31, %add3A_163 : vector<16xi32>
      %gather3A_165 = tpu.vector_load_idx %arg4[%add3A_164] : memref<16384xf32, #tpu.memory_space<vmem>>[vector<16xi32>], vector<16xf32>,
      %add3A_166 = arith.constant 13 : i32
      %add3A_167 = vector.broadcast %add3A_166 : i32 to vector<16xi32>
      %add3A_168 = arith.addi %mul3A_31, %add3A_167 : vector<16xi32>
      %gather3A_169 = tpu.vector_load_idx %arg5[%add3A_168] : memref<16384xf32, #tpu.memory_space<vmem>>[vector<16xi32>], vector<16xf32>,
      %mul3A_170 = arith.mulf %gather3A_165, %gather3A_169 : vector<16xf32>
      %add3A_171 = arith.addf %add3A_161, %mul3A_170 : vector<16xf32>
      %add3A_172 = arith.constant 14 : i32
      %add3A_173 = vector.broadcast %add3A_172 : i32 to vector<16xi32>
      %add3A_174 = arith.addi %mul3A_31, %add3A_173 : vector<16xi32>
      %gather3A_175 = tpu.vector_load_idx %arg4[%add3A_174] : memref<16384xf32, #tpu.memory_space<vmem>>[vector<16xi32>], vector<16xf32>,
      %add3A_176 = arith.constant 14 : i32
      %add3A_177 = vector.broadcast %add3A_176 : i32 to vector<16xi32>
      %add3A_178 = arith.addi %mul3A_31, %add3A_177 : vector<16xi32>
      %gather3A_179 = tpu.vector_load_idx %arg5[%add3A_178] : memref<16384xf32, #tpu.memory_space<vmem>>[vector<16xi32>], vector<16xf32>,
      %mul3A_180 = arith.mulf %gather3A_175, %gather3A_179 : vector<16xf32>
      %add3A_181 = arith.addf %add3A_171, %mul3A_180 : vector<16xf32>
      %add3A_182 = arith.constant 15 : i32
      %add3A_183 = vector.broadcast %add3A_182 : i32 to vector<16xi32>
      %add3A_184 = arith.addi %mul3A_31, %add3A_183 : vector<16xi32>
      %gather3A_185 = tpu.vector_load_idx %arg4[%add3A_184] : memref<16384xf32, #tpu.memory_space<vmem>>[vector<16xi32>], vector<16xf32>,
      %add3A_186 = arith.constant 15 : i32
      %add3A_187 = vector.broadcast %add3A_186 : i32 to vector<16xi32>
      %add3A_188 = arith.addi %mul3A_31, %add3A_187 : vector<16xi32>
      %gather3A_189 = tpu.vector_load_idx %arg5[%add3A_188] : memref<16384xf32, #tpu.memory_space<vmem>>[vector<16xi32>], vector<16xf32>,
      %mul3A_190 = arith.mulf %gather3A_185, %gather3A_189 : vector<16xf32>
      %add3A_191 = arith.addf %add3A_181, %mul3A_190 : vector<16xf32>
      %add3A_192 = arith.constant 16 : i32
      %add3A_193 = vector.broadcast %add3A_192 : i32 to vector<16xi32>
      %add3A_194 = arith.addi %mul3A_31, %add3A_193 : vector<16xi32>
      %gather3A_195 = tpu.vector_load_idx %arg4[%add3A_194] : memref<16384xf32, #tpu.memory_space<vmem>>[vector<16xi32>], vector<16xf32>,
      %add3A_196 = arith.constant 16 : i32
      %add3A_197 = vector.broadcast %add3A_196 : i32 to vector<16xi32>
      %add3A_198 = arith.addi %mul3A_31, %add3A_197 : vector<16xi32>
      %gather3A_199 = tpu.vector_load_idx %arg5[%add3A_198] : memref<16384xf32, #tpu.memory_space<vmem>>[vector<16xi32>], vector<16xf32>,
      %mul3A_200 = arith.mulf %gather3A_195, %gather3A_199 : vector<16xf32>
      %add3A_201 = arith.addf %add3A_191, %mul3A_200 : vector<16xf32>
      %add3A_202 = arith.constant 17 : i32
      %add3A_203 = vector.broadcast %add3A_202 : i32 to vector<16xi32>
      %add3A_204 = arith.addi %mul3A_31, %add3A_203 : vector<16xi32>
      %gather3A_205 = tpu.vector_load_idx %arg4[%add3A_204] : memref<16384xf32, #tpu.memory_space<vmem>>[vector<16xi32>], vector<16xf32>,
      %add3A_206 = arith.constant 17 : i32
      %add3A_207 = vector.broadcast %add3A_206 : i32 to vector<16xi32>
      %add3A_208 = arith.addi %mul3A_31, %add3A_207 : vector<16xi32>
      %gather3A_209 = tpu.vector_load_idx %arg5[%add3A_208] : memref<16384xf32, #tpu.memory_space<vmem>>[vector<16xi32>], vector<16xf32>,
      %mul3A_210 = arith.mulf %gather3A_205, %gather3A_209 : vector<16xf32>
      %add3A_211 = arith.addf %add3A_201, %mul3A_210 : vector<16xf32>
      %add3A_212 = arith.constant 18 : i32
      %add3A_213 = vector.broadcast %add3A_212 : i32 to vector<16xi32>
      %add3A_214 = arith.addi %mul3A_31, %add3A_213 : vector<16xi32>
      %gather3A_215 = tpu.vector_load_idx %arg4[%add3A_214] : memref<16384xf32, #tpu.memory_space<vmem>>[vector<16xi32>], vector<16xf32>,
      %add3A_216 = arith.constant 18 : i32
      %add3A_217 = vector.broadcast %add3A_216 : i32 to vector<16xi32>
      %add3A_218 = arith.addi %mul3A_31, %add3A_217 : vector<16xi32>
      %gather3A_219 = tpu.vector_load_idx %arg5[%add3A_218] : memref<16384xf32, #tpu.memory_space<vmem>>[vector<16xi32>], vector<16xf32>,
      %mul3A_220 = arith.mulf %gather3A_215, %gather3A_219 : vector<16xf32>
      %add3A_221 = arith.addf %add3A_211, %mul3A_220 : vector<16xf32>
      %add3A_222 = arith.constant 19 : i32
      %add3A_223 = vector.broadcast %add3A_222 : i32 to vector<16xi32>
      %add3A_224 = arith.addi %mul3A_31, %add3A_223 : vector<16xi32>
      %gather3A_225 = tpu.vector_load_idx %arg4[%add3A_224] : memref<16384xf32, #tpu.memory_space<vmem>>[vector<16xi32>], vector<16xf32>,
      %add3A_226 = arith.constant 19 : i32
      %add3A_227 = vector.broadcast %add3A_226 : i32 to vector<16xi32>
      %add3A_228 = arith.addi %mul3A_31, %add3A_227 : vector<16xi32>
      %gather3A_229 = tpu.vector_load_idx %arg5[%add3A_228] : memref<16384xf32, #tpu.memory_space<vmem>>[vector<16xi32>], vector<16xf32>,
      %mul3A_230 = arith.mulf %gather3A_225, %gather3A_229 : vector<16xf32>
      %add3A_231 = arith.addf %add3A_221, %mul3A_230 : vector<16xf32>
      %add3A_232 = arith.constant 20 : i32
      %add3A_233 = vector.broadcast %add3A_232 : i32 to vector<16xi32>
      %add3A_234 = arith.addi %mul3A_31, %add3A_233 : vector<16xi32>
      %gather3A_235 = tpu.vector_load_idx %arg4[%add3A_234] : memref<16384xf32, #tpu.memory_space<vmem>>[vector<16xi32>], vector<16xf32>,
      %add3A_236 = arith.constant 20 : i32
      %add3A_237 = vector.broadcast %add3A_236 : i32 to vector<16xi32>
      %add3A_238 = arith.addi %mul3A_31, %add3A_237 : vector<16xi32>
      %gather3A_239 = tpu.vector_load_idx %arg5[%add3A_238] : memref<16384xf32, #tpu.memory_space<vmem>>[vector<16xi32>], vector<16xf32>,
      %mul3A_240 = arith.mulf %gather3A_235, %gather3A_239 : vector<16xf32>
      %add3A_241 = arith.addf %add3A_231, %mul3A_240 : vector<16xf32>
      %add3A_242 = arith.constant 21 : i32
      %add3A_243 = vector.broadcast %add3A_242 : i32 to vector<16xi32>
      %add3A_244 = arith.addi %mul3A_31, %add3A_243 : vector<16xi32>
      %gather3A_245 = tpu.vector_load_idx %arg4[%add3A_244] : memref<16384xf32, #tpu.memory_space<vmem>>[vector<16xi32>], vector<16xf32>,
      %add3A_246 = arith.constant 21 : i32
      %add3A_247 = vector.broadcast %add3A_246 : i32 to vector<16xi32>
      %add3A_248 = arith.addi %mul3A_31, %add3A_247 : vector<16xi32>
      %gather3A_249 = tpu.vector_load_idx %arg5[%add3A_248] : memref<16384xf32, #tpu.memory_space<vmem>>[vector<16xi32>], vector<16xf32>,
      %mul3A_250 = arith.mulf %gather3A_245, %gather3A_249 : vector<16xf32>
      %add3A_251 = arith.addf %add3A_241, %mul3A_250 : vector<16xf32>
      %add3A_252 = arith.constant 22 : i32
      %add3A_253 = vector.broadcast %add3A_252 : i32 to vector<16xi32>
      %add3A_254 = arith.addi %mul3A_31, %add3A_253 : vector<16xi32>
      %gather3A_255 = tpu.vector_load_idx %arg4[%add3A_254] : memref<16384xf32, #tpu.memory_space<vmem>>[vector<16xi32>], vector<16xf32>,
      %add3A_256 = arith.constant 22 : i32
      %add3A_257 = vector.broadcast %add3A_256 : i32 to vector<16xi32>
      %add3A_258 = arith.addi %mul3A_31, %add3A_257 : vector<16xi32>
      %gather3A_259 = tpu.vector_load_idx %arg5[%add3A_258] : memref<16384xf32, #tpu.memory_space<vmem>>[vector<16xi32>], vector<16xf32>,
      %mul3A_260 = arith.mulf %gather3A_255, %gather3A_259 : vector<16xf32>
      %add3A_261 = arith.addf %add3A_251, %mul3A_260 : vector<16xf32>
      %add3A_262 = arith.constant 23 : i32
      %add3A_263 = vector.broadcast %add3A_262 : i32 to vector<16xi32>
      %add3A_264 = arith.addi %mul3A_31, %add3A_263 : vector<16xi32>
      %gather3A_265 = tpu.vector_load_idx %arg4[%add3A_264] : memref<16384xf32, #tpu.memory_space<vmem>>[vector<16xi32>], vector<16xf32>,
      %add3A_266 = arith.constant 23 : i32
      %add3A_267 = vector.broadcast %add3A_266 : i32 to vector<16xi32>
      %add3A_268 = arith.addi %mul3A_31, %add3A_267 : vector<16xi32>
      %gather3A_269 = tpu.vector_load_idx %arg5[%add3A_268] : memref<16384xf32, #tpu.memory_space<vmem>>[vector<16xi32>], vector<16xf32>,
      %mul3A_270 = arith.mulf %gather3A_265, %gather3A_269 : vector<16xf32>
      %add3A_271 = arith.addf %add3A_261, %mul3A_270 : vector<16xf32>
      %add3A_272 = arith.constant 24 : i32
      %add3A_273 = vector.broadcast %add3A_272 : i32 to vector<16xi32>
      %add3A_274 = arith.addi %mul3A_31, %add3A_273 : vector<16xi32>
      %gather3A_275 = tpu.vector_load_idx %arg4[%add3A_274] : memref<16384xf32, #tpu.memory_space<vmem>>[vector<16xi32>], vector<16xf32>,
      %add3A_276 = arith.constant 24 : i32
      %add3A_277 = vector.broadcast %add3A_276 : i32 to vector<16xi32>
      %add3A_278 = arith.addi %mul3A_31, %add3A_277 : vector<16xi32>
      %gather3A_279 = tpu.vector_load_idx %arg5[%add3A_278] : memref<16384xf32, #tpu.memory_space<vmem>>[vector<16xi32>], vector<16xf32>,
      %mul3A_280 = arith.mulf %gather3A_275, %gather3A_279 : vector<16xf32>
      %add3A_281 = arith.addf %add3A_271, %mul3A_280 : vector<16xf32>
      %add3A_282 = arith.constant 25 : i32
      %add3A_283 = vector.broadcast %add3A_282 : i32 to vector<16xi32>
      %add3A_284 = arith.addi %mul3A_31, %add3A_283 : vector<16xi32>
      %gather3A_285 = tpu.vector_load_idx %arg4[%add3A_284] : memref<16384xf32, #tpu.memory_space<vmem>>[vector<16xi32>], vector<16xf32>,
      %add3A_286 = arith.constant 25 : i32
      %add3A_287 = vector.broadcast %add3A_286 : i32 to vector<16xi32>
      %add3A_288 = arith.addi %mul3A_31, %add3A_287 : vector<16xi32>
      %gather3A_289 = tpu.vector_load_idx %arg5[%add3A_288] : memref<16384xf32, #tpu.memory_space<vmem>>[vector<16xi32>], vector<16xf32>,
      %mul3A_290 = arith.mulf %gather3A_285, %gather3A_289 : vector<16xf32>
      %add3A_291 = arith.addf %add3A_281, %mul3A_290 : vector<16xf32>
      %add3A_292 = arith.constant 26 : i32
      %add3A_293 = vector.broadcast %add3A_292 : i32 to vector<16xi32>
      %add3A_294 = arith.addi %mul3A_31, %add3A_293 : vector<16xi32>
      %gather3A_295 = tpu.vector_load_idx %arg4[%add3A_294] : memref<16384xf32, #tpu.memory_space<vmem>>[vector<16xi32>], vector<16xf32>,
      %add3A_296 = arith.constant 26 : i32
      %add3A_297 = vector.broadcast %add3A_296 : i32 to vector<16xi32>
      %add3A_298 = arith.addi %mul3A_31, %add3A_297 : vector<16xi32>
      %gather3A_299 = tpu.vector_load_idx %arg5[%add3A_298] : memref<16384xf32, #tpu.memory_space<vmem>>[vector<16xi32>], vector<16xf32>,
      %mul3A_300 = arith.mulf %gather3A_295, %gather3A_299 : vector<16xf32>
      %add3A_301 = arith.addf %add3A_291, %mul3A_300 : vector<16xf32>
      %add3A_302 = arith.constant 27 : i32
      %add3A_303 = vector.broadcast %add3A_302 : i32 to vector<16xi32>
      %add3A_304 = arith.addi %mul3A_31, %add3A_303 : vector<16xi32>
      %gather3A_305 = tpu.vector_load_idx %arg4[%add3A_304] : memref<16384xf32, #tpu.memory_space<vmem>>[vector<16xi32>], vector<16xf32>,
      %add3A_306 = arith.constant 27 : i32
      %add3A_307 = vector.broadcast %add3A_306 : i32 to vector<16xi32>
      %add3A_308 = arith.addi %mul3A_31, %add3A_307 : vector<16xi32>
      %gather3A_309 = tpu.vector_load_idx %arg5[%add3A_308] : memref<16384xf32, #tpu.memory_space<vmem>>[vector<16xi32>], vector<16xf32>,
      %mul3A_310 = arith.mulf %gather3A_305, %gather3A_309 : vector<16xf32>
      %add3A_311 = arith.addf %add3A_301, %mul3A_310 : vector<16xf32>
      %add3A_312 = arith.constant 28 : i32
      %add3A_313 = vector.broadcast %add3A_312 : i32 to vector<16xi32>
      %add3A_314 = arith.addi %mul3A_31, %add3A_313 : vector<16xi32>
      %gather3A_315 = tpu.vector_load_idx %arg4[%add3A_314] : memref<16384xf32, #tpu.memory_space<vmem>>[vector<16xi32>], vector<16xf32>,
      %add3A_316 = arith.constant 28 : i32
      %add3A_317 = vector.broadcast %add3A_316 : i32 to vector<16xi32>
      %add3A_318 = arith.addi %mul3A_31, %add3A_317 : vector<16xi32>
      %gather3A_319 = tpu.vector_load_idx %arg5[%add3A_318] : memref<16384xf32, #tpu.memory_space<vmem>>[vector<16xi32>], vector<16xf32>,
      %mul3A_320 = arith.mulf %gather3A_315, %gather3A_319 : vector<16xf32>
      %add3A_321 = arith.addf %add3A_311, %mul3A_320 : vector<16xf32>
      %add3A_322 = arith.constant 29 : i32
      %add3A_323 = vector.broadcast %add3A_322 : i32 to vector<16xi32>
      %add3A_324 = arith.addi %mul3A_31, %add3A_323 : vector<16xi32>
      %gather3A_325 = tpu.vector_load_idx %arg4[%add3A_324] : memref<16384xf32, #tpu.memory_space<vmem>>[vector<16xi32>], vector<16xf32>,
      %add3A_326 = arith.constant 29 : i32
      %add3A_327 = vector.broadcast %add3A_326 : i32 to vector<16xi32>
      %add3A_328 = arith.addi %mul3A_31, %add3A_327 : vector<16xi32>
      %gather3A_329 = tpu.vector_load_idx %arg5[%add3A_328] : memref<16384xf32, #tpu.memory_space<vmem>>[vector<16xi32>], vector<16xf32>,
      %mul3A_330 = arith.mulf %gather3A_325, %gather3A_329 : vector<16xf32>
      %add3A_331 = arith.addf %add3A_321, %mul3A_330 : vector<16xf32>
      %add3A_332 = arith.constant 30 : i32
      %add3A_333 = vector.broadcast %add3A_332 : i32 to vector<16xi32>
      %add3A_334 = arith.addi %mul3A_31, %add3A_333 : vector<16xi32>
      %gather3A_335 = tpu.vector_load_idx %arg4[%add3A_334] : memref<16384xf32, #tpu.memory_space<vmem>>[vector<16xi32>], vector<16xf32>,
      %add3A_336 = arith.constant 30 : i32
      %add3A_337 = vector.broadcast %add3A_336 : i32 to vector<16xi32>
      %add3A_338 = arith.addi %mul3A_31, %add3A_337 : vector<16xi32>
      %gather3A_339 = tpu.vector_load_idx %arg5[%add3A_338] : memref<16384xf32, #tpu.memory_space<vmem>>[vector<16xi32>], vector<16xf32>,
      %mul3A_340 = arith.mulf %gather3A_335, %gather3A_339 : vector<16xf32>
      %add3A_341 = arith.addf %add3A_331, %mul3A_340 : vector<16xf32>
      %add3A_342 = arith.constant 31 : i32
      %add3A_343 = vector.broadcast %add3A_342 : i32 to vector<16xi32>
      %add3A_344 = arith.addi %mul3A_31, %add3A_343 : vector<16xi32>
      %gather3A_345 = tpu.vector_load_idx %arg4[%add3A_344] : memref<16384xf32, #tpu.memory_space<vmem>>[vector<16xi32>], vector<16xf32>,
      %add3A_346 = arith.constant 31 : i32
      %add3A_347 = vector.broadcast %add3A_346 : i32 to vector<16xi32>
      %add3A_348 = arith.addi %mul3A_31, %add3A_347 : vector<16xi32>
      %gather3A_349 = tpu.vector_load_idx %arg5[%add3A_348] : memref<16384xf32, #tpu.memory_space<vmem>>[vector<16xi32>], vector<16xf32>,
      %mul3A_350 = arith.mulf %gather3A_345, %gather3A_349 : vector<16xf32>
      %add3A_351 = arith.addf %add3A_341, %mul3A_350 : vector<16xf32>
      %neg3A = arith.constant 0.000000e+00 : f32
      %neg3A_352 = vector.broadcast %neg3A : f32 to vector<16xf32>
      %neg3A_353 = arith.subf %neg3A_352, %add3A_351 : vector<16xf32>
      %exp3A = math.exp %neg3A_353 : vector<16xf32>
      %add3A_354 = arith.constant 1.000000e+00 : f32
      %add3A_355 = vector.broadcast %add3A_354 : f32 to vector<16xf32>
      %add3A_356 = arith.addf %add3A_355, %exp3A : vector<16xf32>
      %div3A = arith.constant 1.000000e+00 : f32
      %div3A_357 = vector.broadcast %div3A : f32 to vector<16xf32>
      %div3A_358 = arith.divf %div3A_357, %add3A_356 : vector<16xf32>
      %mul3A_359 = arith.constant 16 : i32
      %mul3A_360 = arith.muli %scan3A_24, %mul3A_359 : i32
      %swap3A = arith.index_cast %mul3A_360 : i32 to index
      %swap3A_361 = tpu.vector_load %arg6[%swap3A] {strides = array<i32>} : memref<512xf32, #tpu.memory_space<vmem>>, vector<16xf32>,
      tpu.vector_store %arg6[%swap3A], %div3A_358 {strides = array<i32>} : memref<512xf32, #tpu.memory_space<vmem>>, vector<16xf32>,
    }
    %scan3A_21 = arith.constant 32 : i32
    %mul3A_22 = arith.constant 512 : i32
    %mul3A_23 = arith.muli %add3A, %mul3A_22 : i32
    "tpu.region"() ({
      %run_scoped3A = tpu.sem_alloc : memref<!tpu.dma_semaphore, #tpu.memory_space<semaphore_mem>>
      %dma_start3A_24 = tpu.memref_slice %arg3[%mul3A_23] : memref<16384xf32, #tpu.memory_space<hbm>> -> memref<512xf32, #tpu.memory_space<hbm>>
      %dma_start3A_25 = tpu.memref_slice %arg3[%mul3A_23] : memref<16384xf32, #tpu.memory_space<hbm>> -> memref<512xf32, #tpu.memory_space<hbm>>
      tpu.enqueue_dma source(%arg6 : memref<512xf32, #tpu.memory_space<vmem>>) target(%dma_start3A_25 : memref<512xf32, #tpu.memory_space<hbm>>) target_semaphore(%run_scoped3A : memref<!tpu.dma_semaphore, #tpu.memory_space<semaphore_mem>>)
      %dma_wait3A_26 = tpu.memref_slice %arg3[%mul3A_23] : memref<16384xf32, #tpu.memory_space<hbm>> -> memref<512xf32, #tpu.memory_space<hbm>>
      %dma_wait3A_27 = tpu.memref_slice %arg3[%mul3A_23] : memref<16384xf32, #tpu.memory_space<hbm>> -> memref<512xf32, #tpu.memory_space<hbm>>
      tpu.wait_dma2 semaphore(%run_scoped3A : memref<!tpu.dma_semaphore, #tpu.memory_space<semaphore_mem>>) src(%arg6 : memref<512xf32, #tpu.memory_space<vmem>>) dst(%dma_wait3A_27 : memref<512xf32, #tpu.memory_space<hbm>>)
      tpu.yield
    }) : () -> ()
    return
  }
}

</mosaic_0001>

<sc_bundles>
// kernel: kernel.4.cloned.1.call-start
scs
__scs_entry_jumppad:
0x0: {  	(pc) =	sbr.rel $0x88, $3  }
0x1: {  	(tag) =	ssettag $0x0;
	lr =	simm.s32 $0x1  }
0x2: {  	[smem:$0x3F9E] =	sst lr;
	_ =	strace $0xD0000000  }
0x3: {  	_ = 	snop  }
0x4: {  	_ = 	snop  }
0x5: {  	_ = 	snop  }
0x6: {  	_ = 	snop  }
0x7: {  	_ = 	snop  }
__scs_overlays_trampoline_lowered:
0x8: {  	[smem:$0x3FAD] =	sst s0  }
0x9: {  	[smem:$0x3FAE] =	sst s1  }
0xa: {  	[smem:$0x3FAF] =	sst s2  }
0xb: {  	[smem:$0x3FB0] =	sst s3  }
0xc: {  	[smem:$0x3FB1] =	sst s4  }
0xd: {  	[smem:$0x3FB2] =	sst s5  }
0xe: {  	[smem:$0x3FB3] =	sst s6  }
0xf: {  	[smem:$0x3FB4] =	sst s7  }
0x10: {  	[smem:$0x3FB5] =	sst s8  }
0x11: {  	[smem:$0x3FB6] =	sst s9;
	s0 =	simm.s32 @!p0 $0x0  }
0x12: {  	s1 =	sld [smem:$0x3F9C];
	s0 =	simm.s32 @p0 $0x1  }
0x13: {  	[smem:$0x3FB7] =	sst s0;
	s0 =	simm.s32 @!p1 $0x0  }
0x14: {  	s2 =	sld [smem:$0x3F9B];
	s0 =	simm.s32 @p1 $0x1  }
0x15: {  	[smem:$0x3FB8] =	sst s0;
	s0 =	simm.s32 @!p2 $0x0  }
0x16: {  	s3 =	sld [smem:$0x3FDB];
	s0 =	simm.s32 @p2 $0x1  }
0x17: {  	s4 =	simm.s32 $0x1BF5;
	[smem:$0x3FBA] =	sst s0  }
0x18: {  	s0 =	sld [smem:$0x3F9D];
	_ =	swait.ge [sflag:s4], $0x0  }
0x19: {  	s7 =	sld [smem:$0x3F9E]  }
0x1a: {  	s8 =	sadd.s32 $0xFFFFE003, lr  }
0x1b: {  	s9 =	sadd.s32 $0xFFFFFEF7, lr;
	s5 =	simm.s32 $0xFFFFFFFF;
	p2 =	slt.u32 s8, $0xFFFFF086  }
0x1c: {  	p1 =	slt.u32 s9, $0xF7A;
	s5 =	simm.s32 @!p2 $0x0  }
0x1d: {  	s5 =	simm.s32 @p1 $0x1;
	p0 =	seq.s32 s7, s2  }
0x1e: {  	s7 =	smul.u32 @!p0 $0xF7A, s2;
	p2 =	seq.s32 @!p0 s5, $0x0  }
0x1f: {  	s9 =	smul.u32 $0xF7A, s1;
	s8 =	simm.s32 @!p0 $0x1BF5;
	p2 =	por !p2, p0  }
0x20: {  	[sflag:s8] =	ssyncset.s32 @!p0 $0xFFFFF086;
	s6 =	sadd.s32 @!p0 s3, s7;
	s7 =	simm.s32 @!p0 $0x108  }
0x21: {  	s3 =	sadd.s32 s3, s9;
	s6 =	sadd.s32 @!p0 $0x88, s6;
	s7 =	simm.s32 @p2 $0x1082  }
0x22: {  	[simem:s7], [sflag:s8] =	dma.local @!p0 [hbm:s6], $0xF7A  }
0x23: {  	s9 =	sor.u32 $0xD0000000, s2;
	s6 =	simm.s32 $0x108;
	_ =	swait.ge @!p0 [sflag:s8], $0x0  }
0x24: {  	s3 =	sadd.s32 $0x88, s3;
	s6 =	simm.s32 @!p1 $0x1082;
	[sflag:s4] =	ssyncset.s32 $0xFFFFF086  }
0x25: {  	[simem:s6], [sflag:s4] =	dma.local [hbm:s3], $0xF7A  }
0x26: {  	[smem:$0x3F9E] =	sst s1;
	(tag) =	ssettag s2;
	_ =	strace s9  }
0x27: {  	s1 =	sld [smem:$0x3FAE]  }
0x28: {  	s2 =	sld [smem:$0x3FAF]  }
0x29: {  	s4 =	sld [smem:$0x3FB1]  }
0x2a: {  	p0 =	seq.s32 s5, $0x0;
	s5 =	sld [smem:$0x3FB2]  }
0x2b: {  	s6 =	sld [smem:$0x3FB3]  }
0x2c: {  	s7 =	sld [smem:$0x3FB4]  }
0x2d: {  	s3 =	simm.s32 $0x108;
	s8 =	sld [smem:$0x3FB5]  }
0x2e: {  	s3 =	simm.s32 @!p0 $0x1082;
	s9 =	sld [smem:$0x3FB6]  }
0x2f: {  	lr =	sadd.s32 s0, s3;
	s0 =	sld [smem:$0x3FAD]  }
0x30: {  	s3 =	sld [smem:$0x3FB0]  }
0x31: {  	[smem:$0x3FB9] =	sst s10  }
0x32: {  	s10 =	sld [smem:$0x3FB7];
	_ =	sdelay $0x3  }
0x33: {  	p0 =	seq.s32 s10, $0x1;
	s10 =	sld [smem:$0x3FB9];
	_ =	sdelay $0x3  }
0x34: {  	[smem:$0x3FB9] =	sst s10  }
0x35: {  	s10 =	sld [smem:$0x3FB8];
	_ =	sdelay $0x3  }
0x36: {  	p1 =	seq.s32 s10, $0x1;
	s10 =	sld [smem:$0x3FB9];
	_ =	sdelay $0x3  }
0x37: {  	[smem:$0x3FB9] =	sst s10  }
0x38: {  	s10 =	sld [smem:$0x3FBA]  }
0x39: {  	_ = 	snop;
	(pc) =	sbr.ind lr, $3  }
0x3a: {  	_ = 	snop  }
0x3b: {  	_ = 	snop  }
0x3c: {  	p2 =	seq.s32 s10, $0x1;
	s10 =	sld [smem:$0x3FB9]  }
0x3d: {  	_ =	shalt  }
0x3e: {  	_ =	shalt  }
0x3f: {  	_ =	shalt  }
0x40: {  	_ =	shalt  }
0x41: {  	_ =	shalt  }
0x42: {  	_ =	shalt  }
0x43: {  	_ =	shalt  }
0x44: {  	_ =	shalt  }
0x45: {  	_ =	shalt  }
0x46: {  	_ =	shalt  }
0x47: {  	_ =	shalt  }
0x48: {  	_ =	shalt  }
0x49: {  	_ =	shalt  }
0x4a: {  	_ =	shalt  }
0x4b: {  	_ =	shalt  }
0x4c: {  	_ =	shalt  }
0x4d: {  	_ =	shalt  }
0x4e: {  	_ =	shalt  }
0x4f: {  	_ =	shalt  }
0x50: {  	_ =	shalt  }
0x51: {  	_ =	shalt  }
0x52: {  	_ =	shalt  }
0x53: {  	_ =	shalt  }
0x54: {  	_ =	shalt  }
0x55: {  	_ =	shalt  }
0x56: {  	_ =	shalt  }
0x57: {  	_ =	shalt  }
0x58: {  	_ =	shalt  }
0x59: {  	_ =	shalt  }
0x5a: {  	_ =	shalt  }
0x5b: {  	_ =	shalt  }
0x5c: {  	_ =	shalt  }
0x5d: {  	_ =	shalt  }
0x5e: {  	_ =	shalt  }
0x5f: {  	_ =	shalt  }
0x60: {  	_ =	shalt  }
0x61: {  	_ =	shalt  }
0x62: {  	_ =	shalt  }
0x63: {  	_ =	shalt  }
0x64: {  	_ =	shalt  }
0x65: {  	_ =	shalt  }
0x66: {  	_ =	shalt  }
0x67: {  	_ =	shalt  }
0x68: {  	_ =	shalt  }
0x69: {  	_ =	shalt  }
0x6a: {  	_ =	shalt  }
0x6b: {  	_ =	shalt  }
0x6c: {  	_ =	shalt  }
0x6d: {  	_ =	shalt  }
0x6e: {  	_ =	shalt  }
0x6f: {  	_ =	shalt  }
0x70: {  	_ =	shalt  }
0x71: {  	_ =	shalt  }
0x72: {  	_ =	shalt  }
0x73: {  	_ =	shalt  }
0x74: {  	_ =	shalt  }
0x75: {  	_ =	shalt  }
0x76: {  	_ =	shalt  }
0x77: {  	_ =	shalt  }
0x78: {  	_ =	shalt  }
0x79: {  	_ =	shalt  }
0x7a: {  	_ =	shalt  }
0x7b: {  	_ =	shalt  }
0x7c: {  	_ =	shalt  }
0x7d: {  	_ =	shalt  }
0x7e: {  	_ =	shalt  }
0x7f: {  	_ =	shalt  }
0x80: {  	_ =	shalt  }
0x81: {  	_ =	shalt  }
0x82: {  	_ =	shalt  }
0x83: {  	_ =	shalt  }
0x84: {  	_ =	shalt  }
0x85: {  	_ =	shalt  }
0x86: {  	_ =	shalt  }
0x87: {  	_ =	shalt  }
.Lfunc_end0:
.L_simem_size_0:
called_computation_lowered:
.L_overlay_start_0:
0x88: {  	s2 =	sld [smem:$0x3FD9]  }
0x89: {  	s3 =	sld [smem:$0x3FFE];
	_ =	sdelay $0x1  }
0x8a: {  	s1 =	srdreg.scid  }
0x8b: {  	s0 =	sand.u32 $0x1, s1  }
0x8c: {  	s17 =	sshll.u32 s0, $0xA;
	s2 =	sadd.s32 s3, s2  }
0x8d: {  	s2 =	sadd.s32 s2, s17  }
0x8e: {  	[smem:$0x3FC5] =	sst s2  }
0x8f: {  	_ = 	snop  }
0x90: {  	s2 =	sld [smem:$0x3FC9]  }
0x91: {  	s18 =	sld [smem:$0x3FC8]  }
0x92: {  	s4 =	sld [smem:$0x3FC7]  }
0x93: {  	s5 =	sld [smem:$0x3FD0];
	(tm) =	ssettm $0x1  }
0x94: {  	s6 =	sld [smem:$0x3FFB];
	_ =	sdelay $0x3  }
0x95: {  	_ =	strace s6  }
0x96: {  	s6 =	sld [smem:$0x3FFC];
	_ =	sdelay $0x3  }
0x97: {  	_ =	strace s6  }
0x98: {  	s6 =	sld [smem:$0x3FFD];
	_ =	sdelay $0x3  }
0x99: {  	_ =	strace s6  }
0x9a: {  	_ =	strace $0x8FFFFFFF  }
0x9b: {  	s19 =	sld [smem:$0x3FDB];
	_ =	sdelay $0x1  }
0x9c: {  	s7 =	simm.s32 $_scs_section_size  }
0x9d: {  	s8 =	simm.s32 $_size__tile_overlayer_lowered;
	s9 =	simm.s32 $_tile_overlayer_lowered  }
0x9e: {  	s22 =	simm.s32 $0x1BFF;
	s21 =	sshll.u32 s9, $0x1;
	s6 =	sadd.s32 s7, s19  }
0x9f: {  	s10 =	simm.s32 $0x0;
	s20 =	sshll.u32 s8, $0x1;
	s8 =	sadd.s32 s21, s6  }
0xa0: {  	[timem:s10], [sflag:s22] =	dma.local [hbm:s8], s20  }
0xa1: {  	_ =	swait.ge [sflag:s22], s20  }
0xa2: {  	s7 =	ssub.s32 $0x0, s20;
	[sflag:s22] =	ssyncset.done $0x0  }
0xa3: {  	[sflag:s22] =	ssyncadd.s32 s7;
	_ =	sdelay $0x1  }
0xa4: {  	s23 =	simm.s32 $0x1B8B  }
0xa5: {  	_ =	swait.ge [sflag:s23], $0x1  }
0xa6: {  	[sflag:s23] =	ssyncset.done $0x0  }
0xa7: {  	s25 =	simm.s32 $0x1B8E;
	s24 =	sld [smem:$0x3FFE];
	[sflag:s23] =	ssyncadd.s32 $0xFFFFFFFF  }
0xa8: {  	s26 =	simm.s32 $execute0_lowered;
	[smem:$0x3FD2] =	sst s25  }
0xa9: {  	s8 =	sshll.u32 s26, $0x1;
	_ =	strace $0x80000046;
	[dreg:$0x1] =	wrdreg $0xFFFFFFFF  }
0xaa: {  	s28 =	simm.s32 $_size_execute0_lowered;
	s6 =	sadd.s32 s6, s8;
	[dreg:$0x0] =	wrdreg $0x0  }
0xab: {  	s8 =	sshll.u32 s28, $0x1;
	[dreg:$0x2] =	wrdreg s6  }
0xac: {  	[dreg:$0x3] =	wrdreg s8  }
0xad: {  	[dreg:$0x4] =	wrdreg $0xC0  }
0xae: {  	_ =	task [dreg:s10], $0x5FFFF  }
0xaf: {  	[dreg:$0x1] =	wrdreg $0xFFFFFFFF  }
0xb0: {  	[dreg:$0x0] =	wrdreg $0x60  }
0xb1: {  	[dreg:$0x2] =	wrdreg s2  }
0xb2: {  	[dreg:$0x3] =	wrdreg s18  }
0xb3: {  	[dreg:$0x4] =	wrdreg s4  }
0xb4: {  	[dreg:$0x5] =	wrdreg s5  }
0xb5: {  	[dreg:$0x6] =	wrdreg s24  }
0xb6: {  	[dreg:$0x7] =	wrdreg $0x9  }
0xb7: {  	_ =	task.clear_ibuf [dreg:s10], $0x8FFFF;
	_ =	strace $0x90000046  }
0xb8: {  	s29 =	simm.s32 $0x9;
	_ =	strace $0x80000048  }
0xb9: {  	_ =	swait.ge [sflag:s29], $0x1  }
0xba: {  	[sflag:s29] =	ssyncadd.s32 $0xFFFFFFFF  }
0xbb: {  	_ =	strace $0x90000048  }
0xbc: {  	_ =	sfence  }
0xbd: {  	s30 =	sld [smem:$0x0];
	_ =	sdelay $0x2  }
0xbe: {  	s31 =	sshll.u32 s1, $0xD;
	s1 =	sshrl.u32 s1, $0x2  }
0xbf: {  	s3 =	sand.u32 $0x4000, s31;
	s1 =	sadd.s32 s1, s30  }
0xc0: {  	s0 =	sor.u32 s3, s0;
	s1 =	sshll.u32 s1, $0x11  }
0xc1: {  	s0 =	sor.u32 s1, s0  }
0xc2: {  	s0 =	sadd.s32 $0x8F2B, s0  }
0xc3: {  	[sflag:s0] =	ssyncadd.remote.s32 $0x1  }
0xc4: {  	_ =	sfence.sel $0xFFFF  }
0xc5: {  	[dreg:$0x0] =	wrdreg $0xFFFFFFFF;
	(pc) =	sbr.abs _section_cstart, $3  }
0xc6: {  	[dreg:$0x1] =	wrdreg $0xFFFFFFFF  }
0xc7: {  	_ =	task.clear_ibuf [dreg:s10], $0x2FFFF;
	_ =	strace $0x9FFFFFFF  }
0xc8: {  	(tm) =	ssettm $0x7FFFFFFF  }
0xc9: {  	_ =	shalt  }
tec
execute0_lowered:
.L_overlay_start_1:
0x0: {  	(tag) =	ssettag $0x1  }
0x1: {  	s3 =	rddreg [dreg:$0x2]  }
0x2: {  	s0 =	srdreg.scid;
	s2 =	stileid.u32  }
0x3: {  	s1 =	rddreg [dreg:$0x4];
	s6 =	simm.s32 $0x0;
	s22 =	simm.s32 $0x3E40  }
0x4: {  	s14 =	simm.s32 $0x2000;
	s15 =	simm.s32 $0x7A1400;
	s16 =	simm.s32 $0x8000  }
0x5: {  	s17 =	simm.s32 $0x16000;
	s18 =	simm.s32 $0x10000;
	s19 =	simm.s32 $0x3  }
0x6: {  	s20 =	simm.s32 $0x1;
	s21 =	simm.s32 $0x2;
	s23 =	simm.s32 $0x4  }
0x7: {  	s24 =	simm.s32 $0x0;
	s0 =	sand.u32 $0x1, s0;
	s2 =	sshll.u32 s2, $0x1  }
0x8: {  	[smem:$0x7FF] =	sst s6;
	s8 =	sadd.s32 $0x800, s1;
	s2 =	sor.u32 s0, s2  }
0x9: {  	s12 =	sadd.s32 $0xF4000, s3;
	s0 =	ssub.s32 $0x2, s0;
	s7 =	smul.u32 $0x3E000, s2  }
.Ltmp0:
0xa: {  	_ =	strace $0x80000047;
	s30 =	sshrl.u32 s0, $0x1;
	(pc) =	sbr.rel .LBB2_1-.Ltmp0, $4  }
0xb: {  	s31 =	smul.u32 $0x7C00, s2;
	p0 =	seq.s32 s2, $0x1F;
	p1 =	sne.s32 s2, $0x1F  }
0xc: {  	s0 =	ssub.s32 s0, s30;
	s22 =	simm.s32 @!p0 $0x7C00;
	s4 =	sshrl.u32 s7, $0x3  }
0xd: {  	v1 =	vlaneseq.u32;
	vm0 =	vmxor vm0, vm0;
	s9 =	sadd.s32 s3, s31;
	s11 =	sadd.s32 $0x4000, s7;
	s4 =	sadd.s32 s3, s4  }
0xe: {  	v3 =	vmul.u32 $0x20, v1;
	s13 =	smax.u32 s0, $0x1;
	v0 =	vmov s31;
	v2 =	vmov s22;
	s22 =	simm.s32 $0x1B600;
	s10 =	sadd.s32 $0x400, s4  }
.LBB2_52:
0xf: {  	s24 =	sadd.s32 $0x1, s24  }
0x10: {  	p2 =	sne.s32 s24, s13  }
.Ltmp1:
0x11: {  	_ = 	snop;
	(pc) =	sbr.rel @!p2 .LBB2_53-.Ltmp1, $1  }
0x12: {  	_ =	sdelay $0x3  }
.LBB2_1:
0x13: {  	[tilespmem:s6], [sflag:$0x1] =	stream.strided.gather [hbm4b:s9+s14], $0x8000, s15, s14, $0x38;
	[tilespmem:$0x1D600] =	vst v63  }
0x14: {  	_ = 	snop  }
0x15: {  	[tilespmem:s16], [sflag:$0x2] =	stream.strided.gather [hbm4b:s10+s14], $0x8000, s15, s14, $0x38;
	[tilespmem:$0x1D600] =	vst v63  }
0x16: {  	s0 =	simm.s32 $0x12000;
	s1 =	rddreg [dreg:$0x0]  }
0x17: {  	[tilespmem:s0], [sflag:$0x3] =	stream.linear.gather [hbm4b:s1+s6], $0x4000, $0x38;
	[tilespmem:$0x1D600] =	vst v63  }
0x18: {  	s30 =	rddreg [dreg:$0x1]  }
0x19: {  	[tilespmem:s17], [sflag:$0x3] =	stream.linear.gather [hbm4b:s30+s6], $0x4000, $0x38;
	[tilespmem:$0x1D600] =	vst v63  }
0x1a: {  	s31 =	rddreg [dreg:$0x3]  }
0x1b: {  	[tilespmem:s18], [sflag:$0x3] =	stream.linear.gather [hbm4b:s31+s6], $0x2000, $0x38;
	[tilespmem:$0x1D600] =	vst v63  }
0x1c: {  	_ =	swait.ge [sflag:s19], $0x4000  }
0x1d: {  	[sflag:s19] =	ssyncset.done $0x0  }
0x1e: {  	[sflag:s19] =	ssyncadd.s32 $0xFFFFC000  }
0x1f: {  	_ =	swait.ge [sflag:s19], $0x4000  }
0x20: {  	[sflag:s19] =	ssyncset.done $0x0  }
0x21: {  	[sflag:s19] =	ssyncadd.s32 $0xFFFFC000  }
0x22: {  	_ =	swait.ge [sflag:s19], $0x2000  }
0x23: {  	[sflag:s19] =	ssyncset.done $0x0  }
0x24: {  	[sflag:s19] =	ssyncadd.s32 $0xFFFFE000  }
0x25: {  	v4 =	vld [tilespmem:s0+$0x0];
	_ =	sdelay $0x4  }
0x26: {  	v5 =	vsub.s32 v4, v0  }
0x27: {  	vm1 =	vge.s32 v4, v0;
	vm2 =	vlt.s32 v5, v2  }
0x28: {  	vm1 =	vmand vm1, vm2  }
0x29: {  	v4 =	vmpcnt.ones.xlane vm1;
	_ =	sdelay $0x1  }
0x2a: {  	v4 =	vxor.u32 $0x80000000, v4  }
0x2b: {  	(xrf0) =	vmax.scan.msk.u32 $0xffff, v4;
	_ =	sdelay $0x2  }
0x2c: {  	v4 =	vor.u32 s6, v1;
	_ =	sdelay $0x2  }
0x2d: {  	[tilespmem:s6+$0x1A000] =	vst.msk vm1, v4;
	v4, _, _ =	vpop (xrf0)  }
0x2e: {  	(v2sf) =	vpush v4, $0xF  }
0x2f: {  	s0 =	simm.s32 $0x12010;
	[tilespmem:s6+$0x1AA00] =	vst.msk vm1, v5  }
0x30: {  	s4 =	simm.s32 $0x10;
	s2 =	simm.s32 $0x20;
	s1 =	simm.s32 $0x0;
	v4 =	vld [tilespmem:s0+$0x0]  }
.LBB2_2:
0x31: {  	p2 =	seq.s32 s2, $0x7FF0;
	_ =	sdelay $0x3  }
0x32: {  	v5 =	vsub.s32 v4, v0  }
0x33: {  	vm1 =	vge.s32 v4, v0;
	vm2 =	vlt.s32 v5, v2  }
0x34: {  	vm1 =	vmand vm1, vm2  }
0x35: {  	v4 =	vmpcnt.ones.xlane vm1;
	_ =	sdelay $0x1  }
0x36: {  	v4 =	vxor.u32 $0x80000000, v4  }
0x37: {  	(xrf0) =	vmax.scan.msk.u32 $0xffff, v4;
	_ =	sdelay $0x1  }
0x38: {  	s25 =	spop (v2sf)  }
0x39: {  	s1 =	sadd.s32 s25, s1  }
0x3a: {  	s1 =	sadd.s32 $0x80000000, s1  }
.Ltmp2:
0x3b: {  	p3 =	slt.s32 s1, $0x9F0;
	(pc) =	sbr.rel @!p2 .LBB2_2-.Ltmp2, $4  }
0x3c: {  	v4 =	vor.u32 s4, v1;
	s4 =	smov.u32 s2;
	v6, _, _ =	vpop (xrf0);
	s1 =	simm.s32 @!p3 $0x9F0  }
0x3d: {  	[tilespmem:s1+$0x1A000] =	vst.msk vm1, v4;
	(v2sf) =	vpush v6, $0xF  }
0x3e: {  	s0 =	sadd.s32 $0x10, s0;
	[tilespmem:s1+$0x1AA00] =	vst.msk vm1, v5  }
0x3f: {  	s2 =	sadd.s32 $0x10, s2;
	v4 =	vld [tilespmem:s0+$0x0]  }
0x40: {  	_ =	sdelay $0x3  }
0x41: {  	v5 =	vsub.s32 v4, v0  }
0x42: {  	vm1 =	vge.s32 v4, v0;
	vm2 =	vlt.s32 v5, v2  }
0x43: {  	vm1 =	vmand vm1, vm2  }
0x44: {  	v4 =	vmpcnt.ones.xlane vm1;
	_ =	sdelay $0x1  }
0x45: {  	v4 =	vxor.u32 $0x80000000, v4  }
0x46: {  	(xrf0) =	vmax.scan.msk.u32 $0xffff, v4;
	_ =	sdelay $0x5  }
0x47: {  	v4, _, _ =	vpop (xrf0)  }
0x48: {  	(v2sf) =	vpush v4, $0xF;
	_ =	sdelay $0xa  }
0x49: {  	s0 =	spop (v2sf)  }
0x4a: {  	s0 =	sadd.s32 s0, s1  }
0x4b: {  	s2 =	sadd.s32 $0x80000000, s0  }
0x4c: {  	p2 =	slt.s32 s2, $0x9F0  }
0x4d: {  	s2 =	simm.s32 @!p2 $0x9F0;
	s26 =	spop (v2sf)  }
0x4e: {  	s0 =	sadd.s32 s26, s2  }
0x4f: {  	s28 =	sadd.s32 $0x80000000, s0  }
0x50: {  	p2 =	slt.s32 s28, $0x9F0;
	s0 =	smov.u32 s28  }
0x51: {  	s0 =	simm.s32 @!p2 $0x9F0  }
0x52: {  	s29 =	sadd.s32 $0xF, s0  }
0x53: {  	s30 =	sand.u32 $0xF, s29  }
0x54: {  	v4 =	vor.u32 s4, v1;
	p6 =	slt.s32 s28, $0xFFFFFFF2;
	s31 =	sshra.s32 s29, $0x1F;
	p3 =	sne.s32 s30, $0x0  }
.Ltmp3:
0x55: {  	[tilespmem:s2+$0x1A000] =	vst.msk vm1, v4;
	s1 =	sshrl.u32 s31, $0x1C;
	p2 =	por !p6, !p3;
	(pc) =	sbr.rel .LBB2_4-.Ltmp3, $4  }
0x56: {  	[tilespmem:s2+$0x1AA00] =	vst.msk vm1, v5;
	s2 =	simm.s32 $0x1;
	s1 =	sadd.s32 s1, s29;
	p2 =	por !p2, !p2  }
0x57: {  	s1 =	sshra.s32 s1, $0x4;
	s2 =	simm.s32 @!p2 $0x0  }
0x58: {  	s25 =	ssub.s32 s1, s2  }
0x59: {  	s26 =	simm.s32 $0x0;
	v4 =	vmov s0;
	p2 =	slt.s32 s25, $0x1  }
.LBB2_25:
0x5a: {  	[sflag:s23] =	ssyncadd.s32 $0xFFFFFFE0  }
.LBB2_26:
0x5b: {  	p3 =	slt.u32 s26, $0xD  }
0x5c: {  	p4 =	sgt.u32 s26, $0x1C;
	p3 =	por p1, p3  }
0x5d: {  	p3 =	por !p3, p4  }
0x5e: {  	s0 =	sshll.u32 @!p3 s26, $0xD  }
0x5f: {  	s0 =	sadd.s32 @!p3 s0, s11  }
0x60: {  	s1 =	simm.s32 @!p3 $0x2000;
	s0 =	sshrl.u32 @!p3 s0, $0x3  }
0x61: {  	s2 =	simm.s32 @!p3 $0x7A1400;
	s4 =	simm.s32 @!p3 $0x0;
	s0 =	sadd.s32 @!p3 s3, s0  }
0x62: {  	[tilespmem:s4], [sflag:$0x1] =	stream.strided.gather @!p3 [hbm4b:s0+s1], $0x8000, s2, s1, $0x38;
	[tilespmem:$0x1D600] =	vst v63  }
.LBB2_51:
0x63: {  	s26 =	sadd.s32 $0x1, s26  }
0x64: {  	p3 =	sne.s32 s26, $0x1F  }
.Ltmp4:
0x65: {  	_ = 	snop;
	(pc) =	sbr.rel @!p3 .LBB2_52-.Ltmp4, $1  }
0x66: {  	_ =	sdelay $0x3  }
.LBB2_4:
0x67: {  	s0 =	sand.u32 $0x1, s26  }
0x68: {  	p4 =	seq.s32 s0, $0x1  }
.Ltmp5:
0x69: {  	_ = 	snop;
	(pc) =	sbr.rel @!p4 .LBB2_5-.Ltmp5, $3  }
0x6a: {  	_ =	sdelay $0x1  }
0x6b: {  	p3 =	sgt.u32 @!p1 s26, $0xE  }
0x6c: {  	p3 =	por p1, !p3  }
0x6d: {  	_ =	swait.ge @p3 [sflag:s21], $0x8000  }
0x6e: {  	p6 =	seq.s32 s26, $0xF;
	[sflag:s21] =	ssyncset.done @p3 $0x0  }
0x6f: {  	[sflag:s21] =	ssyncadd.s32 @p3 $0xFFFF8000;
	p3 =	por !p0, !p6  }
.Ltmp6:
0x70: {  	p3 =	por !p3, !p3;
	(pc) =	sbr.rel @p2 .LBB2_28-.Ltmp6, $4  }
0x71: {  	s0 =	simm.s32 @p3 $0x2  }
0x72: {  	_ =	swait.ge @p3 [sflag:s0], $0x4000  }
0x73: {  	[sflag:s0] =	ssyncset.done @p3 $0x0  }
0x74: {  	[sflag:s0] =	ssyncadd.s32 @p3 $0xFFFFC000  }
0x75: {  	p5 =	sne.s32 s25, $0x1  }
.Ltmp7:
0x76: {  	_ = 	snop;
	(pc) =	sbr.rel @!p5 .LBB2_30-.Ltmp7, $3  }
0x77: {  	_ =	sdelay $0x1  }
0x78: {  	s0 =	sshll.u32 s26, $0xA;
	s1 =	simm.s32 $0x1AA00;
	s28 =	simm.s32 $0x1A000  }
0x79: {  	s29 =	simm.s32 $0x0;
	p4 =	por $0x0, $0x0;
	v5 =	vmov s0;
	v6 =	vld [tilespmem:s1+$0x0];
	s1 =	sadd.s32 $0xFFFFFFFF, s25  }
0x7a: {  	_ =	sdelay $0x3  }
0x7b: {  	v7 =	vor.u32 s29, v1;
	v6 =	vsub.s32 v6, v5  }
0x7c: {  	vm1 =	vlt.s32 v7, v4;
	vm2 =	vlt.u32 v6, $0x400  }
0x7d: {  	vm1 =	vmand vm1, vm2  }
0x7e: {  	v7 =	vmpcnt.ones.xlane vm1;
	_ =	sdelay $0x1  }
0x7f: {  	v7 =	vxor.u32 $0x80000000, v7  }
0x80: {  	(xrf0) =	vmax.scan.msk.u32 $0xffff, v7  }
0x81: {  	v7 =	vld [tilespmem:s28+$0x0];
	_ =	sdelay $0x2  }
0x82: {  	p5 =	sne.s32 s1, $0x1  }
.Ltmp8:
0x83: {  	_ = 	snop;
	(pc) =	sbr.rel @!p5 .LBB2_32-.Ltmp8, $4  }
0x84: {  	[tilespmem:s29+$0x1B400] =	vst.msk vm1, v7;
	v7, _, _ =	vpop (xrf0)  }
0x85: {  	(v2sf) =	vpush v7, $0xF  }
0x86: {  	s0 =	simm.s32 $0x1AA10;
	s2 =	sadd.s32 $0xFFFFFFFF, s1;
	p4 =	por $0x1, $0x1;
	[tilespmem:s29+$0x1B500] =	vst.msk vm1, v6  }
0x87: {  	s1 =	simm.s32 $0x0;
	s30 =	simm.s32 $0x1A000;
	s4 =	simm.s32 $0x0;
	v6 =	vld [tilespmem:s0+$0x0]  }
.LBB2_33:
0x88: {  	p5 =	sne.s32 s2, $0x1;
	_ =	sdelay $0x2  }
0x89: {  	s1 =	sadd.s32 $0x10, s1  }
0x8a: {  	v7 =	vor.u32 s1, v1;
	v6 =	vsub.s32 v6, v5  }
0x8b: {  	vm1 =	vlt.s32 v7, v4;
	vm2 =	vlt.u32 v6, $0x400  }
0x8c: {  	vm1 =	vmand vm1, vm2  }
0x8d: {  	v7 =	vmpcnt.ones.xlane vm1;
	_ =	sdelay $0x1  }
0x8e: {  	v7 =	vxor.u32 $0x80000000, v7  }
0x8f: {  	(xrf0) =	vmax.scan.msk.u32 $0xffff, v7  }
0x90: {  	s30 =	sadd.s32 $0x10, s30  }
0x91: {  	v7 =	vld [tilespmem:s30+$0x0];
	s5 =	spop (v2sf)  }
0x92: {  	s4 =	sadd.s32 s5, s4  }
0x93: {  	s4 =	sadd.s32 $0x80000000, s4  }
.Ltmp9:
0x94: {  	p6 =	slt.s32 s4, $0xF0;
	(pc) =	sbr.rel @p5 .LBB2_33-.Ltmp9, $4  }
0x95: {  	v8, _, _ =	vpop (xrf0);
	s4 =	simm.s32 @!p6 $0xF0  }
0x96: {  	[tilespmem:s4+$0x1B400] =	vst.msk vm1, v7;
	(v2sf) =	vpush v8, $0xF  }
0x97: {  	s0 =	sadd.s32 $0x10, s0;
	[tilespmem:s4+$0x1B500] =	vst.msk vm1, v6  }
0x98: {  	s2 =	sadd.s32 $0xFFFFFFFF, s2;
	v6 =	vld [tilespmem:s0+$0x0]  }
.LBB2_34:
0x99: {  	_ =	sdelay $0x1  }
0x9a: {  	s0 =	sadd.s32 @p4 $0x10, s1;
	s1 =	simm.s32 $0x0  }
0x9b: {  	s1 =	smov.u32 @p4 s0  }
0x9c: {  	v5 =	vsub.s32 v6, v5;
	v6 =	vor.u32 s1, v1  }
0x9d: {  	vm1 =	vlt.s32 v6, v4;
	vm2 =	vlt.u32 v5, $0x400  }
0x9e: {  	vm1 =	vmand vm1, vm2  }
0x9f: {  	v6 =	vmpcnt.ones.xlane vm1;
	_ =	sdelay $0x1  }
0xa0: {  	v6 =	vxor.u32 $0x80000000, v6  }
0xa1: {  	(xrf0) =	vmax.scan.msk.u32 $0xffff, v6;
	_ =	sdelay $0x5  }
0xa2: {  	v6, _, _ =	vpop (xrf0)  }
0xa3: {  	(v2sf) =	vpush v6, $0xF;
	_ =	sdelay $0x8  }
0xa4: {  	s0 =	spop @p4 (v2sf)  }
0xa5: {  	s0 =	sadd.s32 @p4 s0, s4  }
0xa6: {  	s1 =	sadd.s32 @p4 $0x10, s30;
	s0 =	sadd.s32 @p4 $0x80000000, s0  }
0xa7: {  	s28 =	smov.u32 @p4 s1;
	p5 =	slt.s32 @p4 s0, $0xF0  }
0xa8: {  	p5 =	por !p5, !p4;
	v6 =	vld [tilespmem:s28+$0x0]  }
0xa9: {  	s0 =	simm.s32 @p5 $0xF0  }
.Ltmp10:
0xaa: {  	s29 =	smov.u32 @p4 s0;
	s31 =	spop (v2sf);
	(pc) =	sbr.rel .LBB2_35-.Ltmp10, $4  }
0xab: {  	s0 =	sadd.s32 s31, s29  }
0xac: {  	s28 =	sadd.s32 $0x80000000, s0  }
0xad: {  	[tilespmem:s29+$0x1B400] =	vst.msk vm1, v6;
	p4 =	slt.s32 s28, $0xF0  }
0xae: {  	[tilespmem:s29+$0x1B500] =	vst.msk vm1, v5;
	s28 =	simm.s32 @!p4 $0xF0  }
.LBB2_5:
.Ltmp11:
0xaf: {  	(pc) =	sbr.rel @p2 .LBB2_12-.Ltmp11, $4  }
0xb0: {  	_ = 	snop  }
0xb1: {  	_ =	swait.ge @p3 [sflag:s20], $0x8000  }
0xb2: {  	[sflag:s20] =	ssyncset.done @p3 $0x0  }
0xb3: {  	s29 =	simm.s32 $0x0;
	s28 =	simm.s32 $0x0;
	[sflag:s20] =	ssyncadd.s32 @p3 $0xFFFF8000  }
0xb4: {  	p4 =	sne.s32 s25, $0x1  }
.Ltmp12:
0xb5: {  	_ = 	snop;
	(pc) =	sbr.rel @!p4 .LBB2_7-.Ltmp12, $3  }
0xb6: {  	_ =	sdelay $0x1  }
0xb7: {  	s0 =	sshll.u32 s26, $0xA;
	s1 =	simm.s32 $0x1AA00;
	s28 =	simm.s32 $0x1A000  }
0xb8: {  	s30 =	simm.s32 $0x0;
	p3 =	por $0x0, $0x0;
	v5 =	vmov s0;
	v6 =	vld [tilespmem:s1+$0x0];
	s1 =	sadd.s32 $0xFFFFFFFF, s25  }
0xb9: {  	_ =	sdelay $0x3  }
0xba: {  	v7 =	vor.u32 s30, v1;
	v6 =	vsub.s32 v6, v5  }
0xbb: {  	vm1 =	vlt.s32 v7, v4;
	vm2 =	vlt.u32 v6, $0x400  }
0xbc: {  	vm1 =	vmand vm1, vm2  }
0xbd: {  	v7 =	vmpcnt.ones.xlane vm1;
	_ =	sdelay $0x1  }
0xbe: {  	v7 =	vxor.u32 $0x80000000, v7  }
0xbf: {  	(xrf0) =	vmax.scan.msk.u32 $0xffff, v7  }
0xc0: {  	v7 =	vld [tilespmem:s28+$0x0];
	_ =	sdelay $0x2  }
0xc1: {  	p4 =	sne.s32 s1, $0x1  }
.Ltmp13:
0xc2: {  	_ = 	snop;
	(pc) =	sbr.rel @!p4 .LBB2_9-.Ltmp13, $4  }
0xc3: {  	[tilespmem:s30+$0x1B400] =	vst.msk vm1, v7;
	v7, _, _ =	vpop (xrf0)  }
0xc4: {  	(v2sf) =	vpush v7, $0xF  }
0xc5: {  	s0 =	simm.s32 $0x1AA10;
	s2 =	sadd.s32 $0xFFFFFFFF, s1;
	p3 =	por $0x1, $0x1;
	[tilespmem:s30+$0x1B500] =	vst.msk vm1, v6  }
0xc6: {  	s1 =	simm.s32 $0x0;
	s31 =	simm.s32 $0x1A000;
	s4 =	simm.s32 $0x0;
	v6 =	vld [tilespmem:s0+$0x0]  }
.LBB2_10:
0xc7: {  	p4 =	sne.s32 s2, $0x1;
	_ =	sdelay $0x2  }
0xc8: {  	s1 =	sadd.s32 $0x10, s1  }
0xc9: {  	v7 =	vor.u32 s1, v1;
	v6 =	vsub.s32 v6, v5  }
0xca: {  	vm1 =	vlt.s32 v7, v4;
	vm2 =	vlt.u32 v6, $0x400  }
0xcb: {  	vm1 =	vmand vm1, vm2  }
0xcc: {  	v7 =	vmpcnt.ones.xlane vm1;
	_ =	sdelay $0x1  }
0xcd: {  	v7 =	vxor.u32 $0x80000000, v7  }
0xce: {  	(xrf0) =	vmax.scan.msk.u32 $0xffff, v7  }
0xcf: {  	s31 =	sadd.s32 $0x10, s31  }
0xd0: {  	v7 =	vld [tilespmem:s31+$0x0];
	s5 =	spop (v2sf)  }
0xd1: {  	s4 =	sadd.s32 s5, s4  }
0xd2: {  	s4 =	sadd.s32 $0x80000000, s4  }
.Ltmp14:
0xd3: {  	p5 =	slt.s32 s4, $0xF0;
	(pc) =	sbr.rel @p4 .LBB2_10-.Ltmp14, $4  }
0xd4: {  	v8, _, _ =	vpop (xrf0);
	s4 =	simm.s32 @!p5 $0xF0  }
0xd5: {  	[tilespmem:s4+$0x1B400] =	vst.msk vm1, v7;
	(v2sf) =	vpush v8, $0xF  }
0xd6: {  	s0 =	sadd.s32 $0x10, s0;
	[tilespmem:s4+$0x1B500] =	vst.msk vm1, v6  }
0xd7: {  	s2 =	sadd.s32 $0xFFFFFFFF, s2;
	v6 =	vld [tilespmem:s0+$0x0]  }
.LBB2_11:
0xd8: {  	_ =	sdelay $0x1  }
0xd9: {  	s0 =	sadd.s32 @p3 $0x10, s1;
	s1 =	simm.s32 $0x0  }
0xda: {  	s1 =	smov.u32 @p3 s0  }
0xdb: {  	v5 =	vsub.s32 v6, v5;
	v6 =	vor.u32 s1, v1  }
0xdc: {  	vm1 =	vlt.s32 v6, v4;
	vm2 =	vlt.u32 v5, $0x400  }
0xdd: {  	vm1 =	vmand vm1, vm2  }
0xde: {  	v6 =	vmpcnt.ones.xlane vm1;
	_ =	sdelay $0x1  }
0xdf: {  	v6 =	vxor.u32 $0x80000000, v6  }
0xe0: {  	(xrf0) =	vmax.scan.msk.u32 $0xffff, v6;
	_ =	sdelay $0x5  }
0xe1: {  	v6, _, _ =	vpop (xrf0)  }
0xe2: {  	(v2sf) =	vpush v6, $0xF;
	_ =	sdelay $0x8  }
0xe3: {  	s0 =	spop @p3 (v2sf)  }
0xe4: {  	s0 =	sadd.s32 @p3 s0, s4  }
0xe5: {  	s1 =	sadd.s32 @p3 $0x10, s31;
	s0 =	sadd.s32 @p3 $0x80000000, s0  }
0xe6: {  	s28 =	smov.u32 @p3 s1;
	p4 =	slt.s32 @p3 s0, $0xF0  }
0xe7: {  	p4 =	por !p4, !p3;
	v6 =	vld [tilespmem:s28+$0x0]  }
0xe8: {  	s0 =	simm.s32 @p4 $0xF0  }
0xe9: {  	s30 =	smov.u32 @p3 s0;
	s31 =	spop (v2sf)  }
0xea: {  	s0 =	sadd.s32 s31, s30  }
0xeb: {  	s28 =	sadd.s32 $0x80000000, s0  }
0xec: {  	[tilespmem:s30+$0x1B400] =	vst.msk vm1, v6;
	p3 =	slt.s32 s28, $0xF0  }
0xed: {  	[tilespmem:s30+$0x1B500] =	vst.msk vm1, v5;
	s28 =	simm.s32 @!p3 $0xF0  }
.LBB2_12:
0xee: {  	s0 =	sadd.s32 $0xF, s28  }
0xef: {  	s1 =	sand.u32 $0xF, s0  }
0xf0: {  	p3 =	slt.s32 s28, $0xFFFFFFF2;
	s2 =	sshra.s32 s0, $0x1F;
	p4 =	sne.s32 s1, $0x0  }
0xf1: {  	s5 =	sshrl.u32 s2, $0x1C;
	p3 =	por !p3, !p4  }
0xf2: {  	s1 =	simm.s32 $0x1;
	s0 =	sadd.s32 s5, s0;
	p3 =	por !p3, !p3  }
0xf3: {  	s0 =	sshra.s32 s0, $0x4;
	s1 =	simm.s32 @!p3 $0x0  }
0xf4: {  	s31 =	ssub.s32 s0, s1  }
0xf5: {  	p3 =	sgt.s32 s31, $0x0  }
.Ltmp15:
0xf6: {  	_ = 	snop;
	(pc) =	sbr.rel @!p3 .LBB2_13-.Ltmp15, $2  }
0xf7: {  	_ =	sdelay $0x2  }
0xf8: {  	s30 =	simm.s32 $0x1B500  }
0xf9: {  	v5 =	vld [tilespmem:s30+$0x0];
	_ =	sdelay $0x4  }
0xfa: {  	vm1 =	vlt.s32 v5, $0x3FF  }
0xfb: {  	v5 =	vnsel vm1, $0x3FF, v5  }
0xfc: {  	v6 =	vshll.u32 v5, $0x3  }
0xfd: {  	v5 =	vand.u32 $0x7F, v5;
	v6 =	vand.u32 $0xFFFFFC00, v6  }
0xfe: {  	v5 =	vor.u32 v5, v6;
	_ =	sdelay $0x2  }
0xff: {  	v6 =	vmov s29  }
0x100: {  	v6 =	vshll.u32 v6, $0x5  }
0x101: {  	v6 =	vor.u32 v3, v6;
	v7 =	vld.idx.msk [tilespmem:v5+s6+$0x0], $0xffff  }
0x102: {  	v8 =	vor.u32 $0x80, v5;
	_ =	sdelay $0x3  }
0x103: {  	[tilespmem:v6+s22+$0x0] =	vst.idx.msk $0xffff, v7  }
0x104: {  	v7 =	vld.idx.msk [tilespmem:v8+s6+$0x0], $0xffff;
	v8 =	vor.u32 $0x1, v6  }
0x105: {  	v9 =	vor.u32 $0x100, v5;
	_ =	sdelay $0x3  }
0x106: {  	[tilespmem:v8+s22+$0x0] =	vst.idx.msk $0xffff, v7  }
0x107: {  	v8 =	vor.u32 $0x2, v6;
	v7 =	vld.idx.msk [tilespmem:v9+s6+$0x0], $0xffff  }
0x108: {  	v36 =	vor.u32 $0x180, v5;
	_ =	sdelay $0x3  }
0x109: {  	[tilespmem:v8+s22+$0x0] =	vst.idx.msk $0xffff, v7  }
0x10a: {  	v8 =	vor.u32 $0x3, v6;
	v7 =	vld.idx.msk [tilespmem:v36+s6+$0x0], $0xffff  }
0x10b: {  	v37 =	vor.u32 $0x200, v5;
	_ =	sdelay $0x3  }
0x10c: {  	[tilespmem:v8+s22+$0x0] =	vst.idx.msk $0xffff, v7  }
0x10d: {  	v8 =	vor.u32 $0x4, v6;
	v7 =	vld.idx.msk [tilespmem:v37+s6+$0x0], $0xffff  }
0x10e: {  	v38 =	vor.u32 $0x280, v5;
	_ =	sdelay $0x3  }
0x10f: {  	[tilespmem:v8+s22+$0x0] =	vst.idx.msk $0xffff, v7  }
0x110: {  	v8 =	vor.u32 $0x5, v6;
	v7 =	vld.idx.msk [tilespmem:v38+s6+$0x0], $0xffff  }
0x111: {  	v39 =	vor.u32 $0x300, v5;
	_ =	sdelay $0x3  }
0x112: {  	[tilespmem:v8+s22+$0x0] =	vst.idx.msk $0xffff, v7  }
0x113: {  	v8 =	vor.u32 $0x6, v6;
	v7 =	vld.idx.msk [tilespmem:v39+s6+$0x0], $0xffff  }
0x114: {  	v40 =	vor.u32 $0x380, v5;
	_ =	sdelay $0x3  }
0x115: {  	[tilespmem:v8+s22+$0x0] =	vst.idx.msk $0xffff, v7  }
0x116: {  	v8 =	vor.u32 $0x7, v6;
	v7 =	vld.idx.msk [tilespmem:v40+s6+$0x0], $0xffff  }
0x117: {  	v41 =	vadd.s32 $0x2000, v5;
	_ =	sdelay $0x3  }
0x118: {  	[tilespmem:v8+s22+$0x0] =	vst.idx.msk $0xffff, v7  }
0x119: {  	v8 =	vor.u32 $0x8, v6;
	v7 =	vld.idx.msk [tilespmem:v41+s6+$0x0], $0xffff  }
0x11a: {  	v42 =	vadd.s32 $0x2080, v5;
	_ =	sdelay $0x3  }
0x11b: {  	[tilespmem:v8+s22+$0x0] =	vst.idx.msk $0xffff, v7  }
0x11c: {  	v8 =	vor.u32 $0x9, v6;
	v7 =	vld.idx.msk [tilespmem:v42+s6+$0x0], $0xffff  }
0x11d: {  	v43 =	vadd.s32 $0x2100, v5;
	_ =	sdelay $0x3  }
0x11e: {  	[tilespmem:v8+s22+$0x0] =	vst.idx.msk $0xffff, v7  }
0x11f: {  	v8 =	vor.u32 $0xA, v6;
	v7 =	vld.idx.msk [tilespmem:v43+s6+$0x0], $0xffff  }
0x120: {  	v44 =	vadd.s32 $0x2180, v5;
	_ =	sdelay $0x3  }
0x121: {  	[tilespmem:v8+s22+$0x0] =	vst.idx.msk $0xffff, v7  }
0x122: {  	v8 =	vor.u32 $0xB, v6;
	v7 =	vld.idx.msk [tilespmem:v44+s6+$0x0], $0xffff  }
0x123: {  	v45 =	vadd.s32 $0x2200, v5;
	_ =	sdelay $0x3  }
0x124: {  	[tilespmem:v8+s22+$0x0] =	vst.idx.msk $0xffff, v7  }
0x125: {  	v8 =	vor.u32 $0xC, v6;
	v7 =	vld.idx.msk [tilespmem:v45+s6+$0x0], $0xffff  }
0x126: {  	v46 =	vadd.s32 $0x2280, v5;
	_ =	sdelay $0x3  }
0x127: {  	[tilespmem:v8+s22+$0x0] =	vst.idx.msk $0xffff, v7  }
0x128: {  	v8 =	vor.u32 $0xD, v6;
	v7 =	vld.idx.msk [tilespmem:v46+s6+$0x0], $0xffff  }
0x129: {  	v47 =	vadd.s32 $0x2300, v5;
	_ =	sdelay $0x3  }
0x12a: {  	[tilespmem:v8+s22+$0x0] =	vst.idx.msk $0xffff, v7  }
0x12b: {  	v8 =	vor.u32 $0xE, v6;
	v7 =	vld.idx.msk [tilespmem:v47+s6+$0x0], $0xffff  }
0x12c: {  	v48 =	vadd.s32 $0x2380, v5;
	_ =	sdelay $0x3  }
0x12d: {  	[tilespmem:v8+s22+$0x0] =	vst.idx.msk $0xffff, v7  }
0x12e: {  	v8 =	vor.u32 $0xF, v6;
	v7 =	vld.idx.msk [tilespmem:v48+s6+$0x0], $0xffff  }
0x12f: {  	v49 =	vadd.s32 $0x4000, v5;
	_ =	sdelay $0x3  }
0x130: {  	[tilespmem:v8+s22+$0x0] =	vst.idx.msk $0xffff, v7  }
0x131: {  	v8 =	vor.u32 $0x10, v6;
	v7 =	vld.idx.msk [tilespmem:v49+s6+$0x0], $0xffff  }
0x132: {  	v50 =	vadd.s32 $0x4080, v5;
	_ =	sdelay $0x3  }
0x133: {  	[tilespmem:v8+s22+$0x0] =	vst.idx.msk $0xffff, v7  }
0x134: {  	v8 =	vor.u32 $0x11, v6;
	v7 =	vld.idx.msk [tilespmem:v50+s6+$0x0], $0xffff  }
0x135: {  	v51 =	vadd.s32 $0x4100, v5;
	_ =	sdelay $0x3  }
0x136: {  	[tilespmem:v8+s22+$0x0] =	vst.idx.msk $0xffff, v7  }
0x137: {  	v8 =	vor.u32 $0x12, v6;
	v7 =	vld.idx.msk [tilespmem:v51+s6+$0x0], $0xffff  }
0x138: {  	v52 =	vadd.s32 $0x4180, v5;
	_ =	sdelay $0x3  }
0x139: {  	[tilespmem:v8+s22+$0x0] =	vst.idx.msk $0xffff, v7  }
0x13a: {  	v8 =	vor.u32 $0x13, v6;
	v7 =	vld.idx.msk [tilespmem:v52+s6+$0x0], $0xffff  }
0x13b: {  	v53 =	vadd.s32 $0x4200, v5;
	_ =	sdelay $0x3  }
0x13c: {  	[tilespmem:v8+s22+$0x0] =	vst.idx.msk $0xffff, v7  }
0x13d: {  	v8 =	vor.u32 $0x14, v6;
	v7 =	vld.idx.msk [tilespmem:v53+s6+$0x0], $0xffff  }
0x13e: {  	v54 =	vadd.s32 $0x4280, v5;
	_ =	sdelay $0x3  }
0x13f: {  	[tilespmem:v8+s22+$0x0] =	vst.idx.msk $0xffff, v7  }
0x140: {  	v8 =	vor.u32 $0x15, v6;
	v7 =	vld.idx.msk [tilespmem:v54+s6+$0x0], $0xffff  }
0x141: {  	v55 =	vadd.s32 $0x4300, v5;
	_ =	sdelay $0x3  }
0x142: {  	[tilespmem:v8+s22+$0x0] =	vst.idx.msk $0xffff, v7  }
0x143: {  	v8 =	vor.u32 $0x16, v6;
	v7 =	vld.idx.msk [tilespmem:v55+s6+$0x0], $0xffff  }
0x144: {  	v56 =	vadd.s32 $0x4380, v5;
	_ =	sdelay $0x3  }
0x145: {  	[tilespmem:v8+s22+$0x0] =	vst.idx.msk $0xffff, v7  }
0x146: {  	v8 =	vor.u32 $0x17, v6;
	v7 =	vld.idx.msk [tilespmem:v56+s6+$0x0], $0xffff  }
0x147: {  	v57 =	vadd.s32 $0x6000, v5;
	_ =	sdelay $0x3  }
0x148: {  	[tilespmem:v8+s22+$0x0] =	vst.idx.msk $0xffff, v7  }
0x149: {  	v8 =	vor.u32 $0x18, v6;
	v7 =	vld.idx.msk [tilespmem:v57+s6+$0x0], $0xffff  }
0x14a: {  	v58 =	vadd.s32 $0x6080, v5;
	_ =	sdelay $0x3  }
0x14b: {  	[tilespmem:v8+s22+$0x0] =	vst.idx.msk $0xffff, v7  }
0x14c: {  	v8 =	vor.u32 $0x19, v6;
	v7 =	vld.idx.msk [tilespmem:v58+s6+$0x0], $0xffff  }
0x14d: {  	v59 =	vadd.s32 $0x6100, v5;
	_ =	sdelay $0x3  }
0x14e: {  	[tilespmem:v8+s22+$0x0] =	vst.idx.msk $0xffff, v7  }
0x14f: {  	v8 =	vor.u32 $0x1A, v6;
	v7 =	vld.idx.msk [tilespmem:v59+s6+$0x0], $0xffff  }
0x150: {  	v60 =	vadd.s32 $0x6180, v5;
	_ =	sdelay $0x3  }
0x151: {  	[tilespmem:v8+s22+$0x0] =	vst.idx.msk $0xffff, v7  }
0x152: {  	v8 =	vor.u32 $0x1B, v6;
	v7 =	vld.idx.msk [tilespmem:v60+s6+$0x0], $0xffff  }
0x153: {  	v61 =	vadd.s32 $0x6200, v5;
	_ =	sdelay $0x3  }
0x154: {  	[tilespmem:v8+s22+$0x0] =	vst.idx.msk $0xffff, v7  }
0x155: {  	v8 =	vor.u32 $0x1C, v6;
	v7 =	vld.idx.msk [tilespmem:v61+s6+$0x0], $0xffff  }
0x156: {  	v62 =	vadd.s32 $0x6280, v5;
	_ =	sdelay $0x3  }
0x157: {  	[tilespmem:v8+s22+$0x0] =	vst.idx.msk $0xffff, v7  }
0x158: {  	v8 =	vor.u32 $0x1D, v6;
	v7 =	vld.idx.msk [tilespmem:v62+s6+$0x0], $0xffff  }
0x159: {  	v63 =	vadd.s32 $0x6300, v5;
	_ =	sdelay $0x3  }
0x15a: {  	[tilespmem:v8+s22+$0x0] =	vst.idx.msk $0xffff, v7  }
0x15b: {  	v8 =	vor.u32 $0x1E, v6;
	v7 =	vld.idx.msk [tilespmem:v63+s6+$0x0], $0xffff  }
0x15c: {  	p3 =	seq.s32 s31, $0x1;
	v5 =	vadd.s32 $0x6380, v5  }
.Ltmp16:
0x15d: {  	_ = 	snop;
	(pc) =	sbr.rel @p3 .LBB2_18-.Ltmp16, $3  }
0x15e: {  	_ =	sdelay $0x1  }
0x15f: {  	[tilespmem:v8+s22+$0x0] =	vst.idx.msk $0xffff, v7  }
0x160: {  	s31 =	sadd.s32 $0xFFFFFFFF, s31;
	v6 =	vor.u32 $0x1F, v6;
	v5 =	vld.idx.msk [tilespmem:v5+s6+$0x0], $0xffff  }
.LBB2_17:
0x161: {  	_ =	sdelay $0x3  }
0x162: {  	p3 =	seq.s32 s31, $0x1;
	s30 =	sadd.s32 $0x10, s30;
	s29 =	sadd.s32 $0x10, s29;
	[tilespmem:v6+s22+$0x0] =	vst.idx.msk $0xffff, v5  }
0x163: {  	s31 =	sadd.s32 $0xFFFFFFFF, s31;
	v5 =	vld [tilespmem:s30+$0x0];
	_ =	sdelay $0x4  }
0x164: {  	vm1 =	vlt.s32 v5, $0x3FF  }
0x165: {  	v5 =	vnsel vm1, $0x3FF, v5  }
0x166: {  	v6 =	vshll.u32 v5, $0x3  }
0x167: {  	v5 =	vand.u32 $0x7F, v5;
	v6 =	vand.u32 $0xFFFFFC00, v6  }
0x168: {  	v5 =	vor.u32 v5, v6;
	_ =	sdelay $0x3  }
0x169: {  	v6 =	vmov s29  }
0x16a: {  	v6 =	vshll.u32 v6, $0x5;
	v7 =	vld.idx.msk [tilespmem:v5+s6+$0x0], $0xffff  }
0x16b: {  	v6 =	vor.u32 v3, v6  }
0x16c: {  	v8 =	vor.u32 $0x80, v5;
	_ =	sdelay $0x3  }
0x16d: {  	[tilespmem:v6+s22+$0x0] =	vst.idx.msk $0xffff, v7  }
0x16e: {  	v7 =	vld.idx.msk [tilespmem:v8+s6+$0x0], $0xffff  }
0x16f: {  	v8 =	vor.u32 $0x1, v6  }
0x170: {  	v9 =	vor.u32 $0x100, v5;
	_ =	sdelay $0x3  }
0x171: {  	[tilespmem:v8+s22+$0x0] =	vst.idx.msk $0xffff, v7  }
0x172: {  	v7 =	vld.idx.msk [tilespmem:v9+s6+$0x0], $0xffff  }
0x173: {  	v8 =	vor.u32 $0x2, v6  }
0x174: {  	v9 =	vor.u32 $0x180, v5;
	_ =	sdelay $0x3  }
0x175: {  	[tilespmem:v8+s22+$0x0] =	vst.idx.msk $0xffff, v7  }
0x176: {  	v7 =	vld.idx.msk [tilespmem:v9+s6+$0x0], $0xffff  }
0x177: {  	v8 =	vor.u32 $0x3, v6  }
0x178: {  	v9 =	vor.u32 $0x200, v5;
	_ =	sdelay $0x3  }
0x179: {  	[tilespmem:v8+s22+$0x0] =	vst.idx.msk $0xffff, v7  }
0x17a: {  	v7 =	vld.idx.msk [tilespmem:v9+s6+$0x0], $0xffff  }
0x17b: {  	v8 =	vor.u32 $0x4, v6  }
0x17c: {  	v9 =	vor.u32 $0x280, v5;
	_ =	sdelay $0x3  }
0x17d: {  	[tilespmem:v8+s22+$0x0] =	vst.idx.msk $0xffff, v7  }
0x17e: {  	v7 =	vld.idx.msk [tilespmem:v9+s6+$0x0], $0xffff  }
0x17f: {  	v8 =	vor.u32 $0x5, v6  }
0x180: {  	v9 =	vor.u32 $0x300, v5;
	_ =	sdelay $0x3  }
0x181: {  	[tilespmem:v8+s22+$0x0] =	vst.idx.msk $0xffff, v7  }
0x182: {  	v7 =	vld.idx.msk [tilespmem:v9+s6+$0x0], $0xffff  }
0x183: {  	v8 =	vor.u32 $0x6, v6  }
0x184: {  	v9 =	vor.u32 $0x380, v5;
	_ =	sdelay $0x3  }
0x185: {  	[tilespmem:v8+s22+$0x0] =	vst.idx.msk $0xffff, v7  }
0x186: {  	v7 =	vld.idx.msk [tilespmem:v9+s6+$0x0], $0xffff  }
0x187: {  	v8 =	vor.u32 $0x7, v6  }
0x188: {  	v9 =	vadd.s32 $0x2000, v5;
	_ =	sdelay $0x3  }
0x189: {  	[tilespmem:v8+s22+$0x0] =	vst.idx.msk $0xffff, v7  }
0x18a: {  	v7 =	vld.idx.msk [tilespmem:v9+s6+$0x0], $0xffff  }
0x18b: {  	v8 =	vor.u32 $0x8, v6  }
0x18c: {  	v9 =	vadd.s32 $0x2080, v5;
	_ =	sdelay $0x3  }
0x18d: {  	[tilespmem:v8+s22+$0x0] =	vst.idx.msk $0xffff, v7  }
0x18e: {  	v7 =	vld.idx.msk [tilespmem:v9+s6+$0x0], $0xffff  }
0x18f: {  	v8 =	vor.u32 $0x9, v6  }
0x190: {  	v9 =	vadd.s32 $0x2100, v5;
	_ =	sdelay $0x3  }
0x191: {  	[tilespmem:v8+s22+$0x0] =	vst.idx.msk $0xffff, v7  }
0x192: {  	v7 =	vld.idx.msk [tilespmem:v9+s6+$0x0], $0xffff  }
0x193: {  	v8 =	vor.u32 $0xA, v6  }
0x194: {  	v9 =	vadd.s32 $0x2180, v5;
	_ =	sdelay $0x3  }
0x195: {  	[tilespmem:v8+s22+$0x0] =	vst.idx.msk $0xffff, v7  }
0x196: {  	v7 =	vld.idx.msk [tilespmem:v9+s6+$0x0], $0xffff  }
0x197: {  	v8 =	vor.u32 $0xB, v6  }
0x198: {  	v9 =	vadd.s32 $0x2200, v5;
	_ =	sdelay $0x3  }
0x199: {  	[tilespmem:v8+s22+$0x0] =	vst.idx.msk $0xffff, v7  }
0x19a: {  	v7 =	vld.idx.msk [tilespmem:v9+s6+$0x0], $0xffff  }
0x19b: {  	v8 =	vor.u32 $0xC, v6  }
0x19c: {  	v9 =	vadd.s32 $0x2280, v5;
	_ =	sdelay $0x3  }
0x19d: {  	[tilespmem:v8+s22+$0x0] =	vst.idx.msk $0xffff, v7  }
0x19e: {  	v7 =	vld.idx.msk [tilespmem:v9+s6+$0x0], $0xffff  }
0x19f: {  	v8 =	vor.u32 $0xD, v6  }
0x1a0: {  	v9 =	vadd.s32 $0x2300, v5;
	_ =	sdelay $0x3  }
0x1a1: {  	[tilespmem:v8+s22+$0x0] =	vst.idx.msk $0xffff, v7  }
0x1a2: {  	v7 =	vld.idx.msk [tilespmem:v9+s6+$0x0], $0xffff  }
0x1a3: {  	v8 =	vor.u32 $0xE, v6  }
0x1a4: {  	v9 =	vadd.s32 $0x2380, v5;
	_ =	sdelay $0x3  }
0x1a5: {  	[tilespmem:v8+s22+$0x0] =	vst.idx.msk $0xffff, v7  }
0x1a6: {  	v7 =	vld.idx.msk [tilespmem:v9+s6+$0x0], $0xffff  }
0x1a7: {  	v8 =	vor.u32 $0xF, v6  }
0x1a8: {  	v9 =	vadd.s32 $0x4000, v5;
	_ =	sdelay $0x3  }
0x1a9: {  	[tilespmem:v8+s22+$0x0] =	vst.idx.msk $0xffff, v7  }
0x1aa: {  	v7 =	vld.idx.msk [tilespmem:v9+s6+$0x0], $0xffff  }
0x1ab: {  	v8 =	vor.u32 $0x10, v6  }
0x1ac: {  	v9 =	vadd.s32 $0x4080, v5;
	_ =	sdelay $0x3  }
0x1ad: {  	[tilespmem:v8+s22+$0x0] =	vst.idx.msk $0xffff, v7  }
0x1ae: {  	v7 =	vld.idx.msk [tilespmem:v9+s6+$0x0], $0xffff  }
0x1af: {  	v8 =	vor.u32 $0x11, v6  }
0x1b0: {  	v9 =	vadd.s32 $0x4100, v5;
	_ =	sdelay $0x3  }
0x1b1: {  	[tilespmem:v8+s22+$0x0] =	vst.idx.msk $0xffff, v7  }
0x1b2: {  	v7 =	vld.idx.msk [tilespmem:v9+s6+$0x0], $0xffff  }
0x1b3: {  	v8 =	vor.u32 $0x12, v6  }
0x1b4: {  	v9 =	vadd.s32 $0x4180, v5;
	_ =	sdelay $0x3  }
0x1b5: {  	[tilespmem:v8+s22+$0x0] =	vst.idx.msk $0xffff, v7  }
0x1b6: {  	v7 =	vld.idx.msk [tilespmem:v9+s6+$0x0], $0xffff  }
0x1b7: {  	v8 =	vor.u32 $0x13, v6  }
0x1b8: {  	v9 =	vadd.s32 $0x4200, v5;
	_ =	sdelay $0x3  }
0x1b9: {  	[tilespmem:v8+s22+$0x0] =	vst.idx.msk $0xffff, v7  }
0x1ba: {  	v7 =	vld.idx.msk [tilespmem:v9+s6+$0x0], $0xffff  }
0x1bb: {  	v8 =	vor.u32 $0x14, v6  }
0x1bc: {  	v9 =	vadd.s32 $0x4280, v5;
	_ =	sdelay $0x3  }
0x1bd: {  	[tilespmem:v8+s22+$0x0] =	vst.idx.msk $0xffff, v7  }
0x1be: {  	v7 =	vld.idx.msk [tilespmem:v9+s6+$0x0], $0xffff  }
0x1bf: {  	v8 =	vor.u32 $0x15, v6  }
0x1c0: {  	v9 =	vadd.s32 $0x4300, v5;
	_ =	sdelay $0x3  }
0x1c1: {  	[tilespmem:v8+s22+$0x0] =	vst.idx.msk $0xffff, v7  }
0x1c2: {  	v7 =	vld.idx.msk [tilespmem:v9+s6+$0x0], $0xffff  }
0x1c3: {  	v8 =	vor.u32 $0x16, v6  }
0x1c4: {  	v9 =	vadd.s32 $0x4380, v5;
	_ =	sdelay $0x3  }
0x1c5: {  	[tilespmem:v8+s22+$0x0] =	vst.idx.msk $0xffff, v7  }
0x1c6: {  	v7 =	vld.idx.msk [tilespmem:v9+s6+$0x0], $0xffff  }
0x1c7: {  	v8 =	vor.u32 $0x17, v6  }
0x1c8: {  	v9 =	vadd.s32 $0x6000, v5;
	_ =	sdelay $0x3  }
0x1c9: {  	[tilespmem:v8+s22+$0x0] =	vst.idx.msk $0xffff, v7  }
0x1ca: {  	v7 =	vld.idx.msk [tilespmem:v9+s6+$0x0], $0xffff  }
0x1cb: {  	v8 =	vor.u32 $0x18, v6  }
0x1cc: {  	v9 =	vadd.s32 $0x6080, v5;
	_ =	sdelay $0x3  }
0x1cd: {  	[tilespmem:v8+s22+$0x0] =	vst.idx.msk $0xffff, v7  }
0x1ce: {  	v7 =	vld.idx.msk [tilespmem:v9+s6+$0x0], $0xffff  }
0x1cf: {  	v8 =	vor.u32 $0x19, v6  }
0x1d0: {  	v9 =	vadd.s32 $0x6100, v5;
	_ =	sdelay $0x3  }
0x1d1: {  	[tilespmem:v8+s22+$0x0] =	vst.idx.msk $0xffff, v7  }
0x1d2: {  	v7 =	vld.idx.msk [tilespmem:v9+s6+$0x0], $0xffff  }
0x1d3: {  	v8 =	vor.u32 $0x1A, v6  }
0x1d4: {  	v9 =	vadd.s32 $0x6180, v5;
	_ =	sdelay $0x3  }
0x1d5: {  	[tilespmem:v8+s22+$0x0] =	vst.idx.msk $0xffff, v7  }
0x1d6: {  	v7 =	vld.idx.msk [tilespmem:v9+s6+$0x0], $0xffff  }
0x1d7: {  	v8 =	vor.u32 $0x1B, v6  }
0x1d8: {  	v9 =	vadd.s32 $0x6200, v5;
	_ =	sdelay $0x3  }
0x1d9: {  	[tilespmem:v8+s22+$0x0] =	vst.idx.msk $0xffff, v7  }
0x1da: {  	v7 =	vld.idx.msk [tilespmem:v9+s6+$0x0], $0xffff  }
0x1db: {  	v8 =	vor.u32 $0x1C, v6  }
0x1dc: {  	v9 =	vadd.s32 $0x6280, v5;
	_ =	sdelay $0x3  }
0x1dd: {  	[tilespmem:v8+s22+$0x0] =	vst.idx.msk $0xffff, v7  }
0x1de: {  	v7 =	vld.idx.msk [tilespmem:v9+s6+$0x0], $0xffff  }
0x1df: {  	v8 =	vor.u32 $0x1D, v6  }
0x1e0: {  	v9 =	vadd.s32 $0x6300, v5;
	_ =	sdelay $0x3  }
0x1e1: {  	[tilespmem:v8+s22+$0x0] =	vst.idx.msk $0xffff, v7  }
0x1e2: {  	v7 =	vld.idx.msk [tilespmem:v9+s6+$0x0], $0xffff  }
0x1e3: {  	v8 =	vor.u32 $0x1E, v6  }
0x1e4: {  	v5 =	vadd.s32 $0x6380, v5;
	_ =	sdelay $0x1  }
.Ltmp17:
0x1e5: {  	(pc) =	sbr.rel @!p3 .LBB2_17-.Ltmp17, $4  }
0x1e6: {  	_ = 	snop  }
0x1e7: {  	[tilespmem:v8+s22+$0x0] =	vst.idx.msk $0xffff, v7  }
0x1e8: {  	v5 =	vld.idx.msk [tilespmem:v5+s6+$0x0], $0xffff  }
0x1e9: {  	v6 =	vor.u32 $0x1F, v6  }
.LBB2_18:
0x1ea: {  	_ =	sdelay $0x3  }
0x1eb: {  	[tilespmem:v6+s22+$0x0] =	vst.idx.msk $0xffff, v5  }
.LBB2_13:
0x1ec: {  	p3 =	sgt.s32 s28, $0x0  }
.Ltmp18:
0x1ed: {  	_ = 	snop;
	(pc) =	sbr.rel @!p3 .LBB2_26-.Ltmp18, $1  }
0x1ee: {  	_ =	sdelay $0x3  }
0x1ef: {  	p4 =	sne.s32 s28, $0x1  }
.Ltmp19:
0x1f0: {  	_ = 	snop;
	(pc) =	sbr.rel @!p4 .LBB2_15-.Ltmp19, $3  }
0x1f1: {  	_ =	sdelay $0x1  }
0x1f2: {  	s0 =	simm.s32 $0x0  }
0x1f3: {  	s29 =	simm.s32 $0x1B600;
	s30 =	simm.s32 $0x1;
	p3 =	por $0x0, $0x0  }
0x1f4: {  	s1 =	sand.u32 $0x7FFFFFF0, s0  }
0x1f5: {  	v5 =	vld [tilespmem:s1+$0x1B400];
	_ =	sdelay $0x2  }
0x1f6: {  	s4 =	sand.u32 $0xF, s0  }
0x1f7: {  	v6 =	vmov s4  }
0x1f8: {  	vm1 =	veq.s32 v6, v1;
	v5 =	vxor.u32 $0x80000000, v5  }
0x1f9: {  	v5 =	vnsel vm1, $0x80000000, v5  }
0x1fa: {  	(xrf0) =	vmax.scan.msk.u32 $0xffff, v5;
	_ =	sdelay $0x5  }
0x1fb: {  	v5, _, _ =	vpop (xrf0)  }
0x1fc: {  	(v2sf) =	vpush v5, $0xF;
	_ =	sdelay $0xe  }
0x1fd: {  	p4 =	sne.s32 s28, $0x2;
	s5 =	spop (v2sf)  }
.Ltmp20:
0x1fe: {  	s0 =	sshll.u32 s5, $0x2;
	(pc) =	sbr.rel @!p4 .LBB2_20-.Ltmp20, $4  }
0x1ff: {  	p5 =	por $0x1, $0x1;
	s0 =	sand.u32 $0x1FFFFFFC, s0  }
0x200: {  	s31 =	simm.s32 $0x2;
	s1 =	simm.s32 @!p5 $0x4;
	s0 =	sadd.s32 s8, s0  }
0x201: {  	[hbm4b:s0+s6] =	stream.linear.scatter [tilespmem:s29], [sflag:$0x4], $0x20, $0x38;
	[tilespmem:$0x1D600] =	vst v63  }
0x202: {  	p3 =	por $0x1, $0x1;
	s29 =	simm.s32 $0x1B620;
	_ =	swait.ge @!p5 [sflag:s1], $0x20  }
.LBB2_21:
0x203: {  	s0 =	sand.u32 $0x7FFFFFF0, s30  }
0x204: {  	[sflag:s1] =	ssyncset.done @!p5 $0x0;
	s2 =	smov.u32 s31;
	s31 =	sadd.s32 $0x1, s31  }
0x205: {  	p4 =	sne.s32 s28, s31;
	[sflag:s1] =	ssyncadd.s32 @!p5 $0xFFFFFFE0  }
0x206: {  	v5 =	vld [tilespmem:s0+$0x1B400];
	_ =	sdelay $0x1  }
0x207: {  	s0 =	sand.u32 $0xF, s30  }
0x208: {  	v6 =	vmov s0  }
0x209: {  	vm1 =	veq.s32 v6, v1  }
0x20a: {  	v5 =	vxor.u32 $0x80000000, v5  }
0x20b: {  	v5 =	vnsel vm1, $0x80000000, v5  }
0x20c: {  	(xrf0) =	vmax.scan.msk.u32 $0xffff, v5;
	_ =	sdelay $0x5  }
0x20d: {  	v5, _, _ =	vpop (xrf0)  }
0x20e: {  	(v2sf) =	vpush v5, $0xF;
	_ =	sdelay $0xe  }
0x20f: {  	s0 =	spop (v2sf)  }
.Ltmp21:
0x210: {  	s0 =	sshll.u32 s0, $0x2;
	(pc) =	sbr.rel @p4 .LBB2_21-.Ltmp21, $4  }
0x211: {  	p5 =	slt.u32 s30, $0x10;
	s30 =	smov.u32 s2;
	s0 =	sand.u32 $0x1FFFFFFC, s0  }
0x212: {  	s1 =	simm.s32 @!p5 $0x4;
	s0 =	sadd.s32 s8, s0  }
0x213: {  	[hbm4b:s0+s6] =	stream.linear.scatter [tilespmem:s29], [sflag:$0x4], $0x20, $0x38;
	[tilespmem:$0x1D600] =	vst v63  }
0x214: {  	s29 =	sadd.s32 $0x20, s29;
	_ =	swait.ge @!p5 [sflag:s1], $0x20  }
0x215: {  	s0 =	smov.u32 s30  }
.LBB2_23:
0x216: {  	p3 =	por p5, !p3  }
0x217: {  	[sflag:s1] =	ssyncset.done @!p3 $0x0  }
0x218: {  	s2 =	sand.u32 $0x7FFFFFF0, s0;
	[sflag:s1] =	ssyncadd.s32 @!p3 $0xFFFFFFE0  }
0x219: {  	v5 =	vld [tilespmem:s2+$0x1B400];
	_ =	sdelay $0x2  }
0x21a: {  	s5 =	sand.u32 $0xF, s0  }
0x21b: {  	v6 =	vmov s5  }
0x21c: {  	vm1 =	veq.s32 v6, v1;
	v5 =	vxor.u32 $0x80000000, v5  }
0x21d: {  	v5 =	vnsel vm1, $0x80000000, v5  }
0x21e: {  	(xrf0) =	vmax.scan.msk.u32 $0xffff, v5;
	_ =	sdelay $0x5  }
0x21f: {  	v5, _, _ =	vpop (xrf0)  }
0x220: {  	(v2sf) =	vpush v5, $0xF;
	_ =	sdelay $0xe  }
0x221: {  	s30 =	spop (v2sf)  }
0x222: {  	s1 =	sshll.u32 s30, $0x2  }
0x223: {  	p3 =	slt.u32 s0, $0x10;
	s1 =	sand.u32 $0x1FFFFFFC, s1  }
0x224: {  	s31 =	sadd.s32 s8, s1;
	s1 =	simm.s32 @!p3 $0x4  }
0x225: {  	[hbm4b:s31+s6] =	stream.linear.scatter [tilespmem:s29], [sflag:$0x4], $0x20, $0x38;
	[tilespmem:$0x1D600] =	vst v63  }
0x226: {  	p4 =	slt.s32 s28, $0x10;
	_ =	swait.ge @!p3 [sflag:s1], $0x20  }
0x227: {  	s28 =	simm.s32 @!p4 $0x10;
	[sflag:s1] =	ssyncset.done @!p3 $0x0  }
0x228: {  	[sflag:s1] =	ssyncadd.s32 @!p3 $0xFFFFFFE0;
	p3 =	sne.s32 s28, $0x1  }
.Ltmp22:
0x229: {  	_ = 	snop;
	(pc) =	sbr.rel @!p3 .LBB2_25-.Ltmp22, $3  }
0x22a: {  	_ =	sdelay $0x1  }
0x22b: {  	_ =	swait.ge [sflag:s23], $0x20  }
0x22c: {  	s0 =	sadd.s32 $0xFFFFFFFF, s28;
	[sflag:s23] =	ssyncset.done $0x0  }
.LBB2_24:
0x22d: {  	p3 =	sne.s32 s0, $0x1;
	s0 =	sadd.s32 $0xFFFFFFFF, s0;
	[sflag:s23] =	ssyncadd.s32 $0xFFFFFFE0  }
.Ltmp23:
0x22e: {  	(pc) =	sbr.rel @p3 .LBB2_24-.Ltmp23, $3  }
0x22f: {  	_ =	sdelay $0x1  }
0x230: {  	_ =	swait.ge [sflag:s23], $0x20  }
0x231: {  	[sflag:s23] =	ssyncset.done $0x0  }
.Ltmp24:
0x232: {  	_ = 	snop;
	(pc) =	sbr.rel .LBB2_25-.Ltmp24, $1  }
0x233: {  	_ =	sdelay $0x3  }
.LBB2_28:
0x234: {  	s28 =	simm.s32 $0x0  }
.LBB2_35:
0x235: {  	s0 =	sadd.s32 $0xF, s28  }
0x236: {  	s1 =	sand.u32 $0xF, s0  }
0x237: {  	p4 =	slt.s32 s28, $0xFFFFFFF2;
	s2 =	sshra.s32 s0, $0x1F;
	p5 =	sne.s32 s1, $0x0  }
0x238: {  	s30 =	sshrl.u32 s2, $0x1C;
	p4 =	por !p4, !p5  }
0x239: {  	s1 =	simm.s32 $0x1;
	s0 =	sadd.s32 s30, s0;
	p4 =	por !p4, !p4  }
0x23a: {  	s0 =	sshra.s32 s0, $0x4;
	s1 =	simm.s32 @!p4 $0x0  }
0x23b: {  	s31 =	ssub.s32 s0, s1  }
0x23c: {  	p4 =	slt.s32 s31, $0x1  }
.Ltmp25:
0x23d: {  	_ = 	snop;
	(pc) =	sbr.rel @p4 .LBB2_39-.Ltmp25, $1  }
0x23e: {  	_ =	sdelay $0x3  }
0x23f: {  	s29 =	simm.s32 $0x1B500  }
0x240: {  	v8 =	vld [tilespmem:s29+$0x0];
	_ =	sdelay $0x4  }
0x241: {  	vm2 =	vlt.s32 v8, $0x3FF  }
0x242: {  	v5 =	vadd.s32 $0xFFFFFE00, v8;
	v6 =	vnsel vm2, $0x3FF, v8  }
0x243: {  	vm2 =	vgt.s32 v5, $0x0;
	v7 =	vshll.u32 v6, $0x3  }
0x244: {  	v5 =	vnsel vm2, $0x0, v5;
	v6 =	vand.u32 $0x7F, v6;
	v7 =	vand.u32 $0xFFFFFC00, v7  }
0x245: {  	v9 =	vmin.u32 v5, $0x3F;
	v5 =	vor.u32 v6, v7  }
0x246: {  	v6 =	vshll.u32 v9, $0x7;
	_ =	sdelay $0x2  }
0x247: {  	s30 =	simm.s32 $0x0  }
0x248: {  	v7 =	vmov s30;
	v9 =	vld.idx.msk [tilespmem:v5+s16+$0x0], $0xffff  }
0x249: {  	v7 =	vshll.u32 v7, $0x5;
	v10 =	vld.idx.msk [tilespmem:v6+s18+$0x0], $0xffff  }
0x24a: {  	v7 =	vor.u32 v3, v7  }
0x24b: {  	vm1 =	vmmov vm0;
	v11 =	vor.u32 $0x80, v5  }
0x24c: {  	vm1 =	vmneg @p3 vm1;
	vm2 =	vgt.s32 v8, $0x1FF;
	v8 =	vor.u32 $0x1, v6  }
0x24d: {  	vm2 =	vmand vm1, vm2  }
0x24e: {  	v9 =	vsel vm2, v10, v9  }
0x24f: {  	[tilespmem:v7+s22+$0x0] =	vst.idx.msk $0xffff, v9  }
0x250: {  	v9 =	vld.idx.msk [tilespmem:v11+s16+$0x0], $0xffff  }
0x251: {  	v8 =	vld.idx.msk [tilespmem:v8+s18+$0x0], $0xffff  }
0x252: {  	v10 =	vor.u32 $0x1, v7  }
0x253: {  	v11 =	vor.u32 $0x100, v5  }
0x254: {  	v12 =	vor.u32 $0x2, v6;
	_ =	sdelay $0x1  }
0x255: {  	v8 =	vsel vm2, v8, v9  }
0x256: {  	[tilespmem:v10+s22+$0x0] =	vst.idx.msk $0xffff, v8  }
0x257: {  	v8 =	vld.idx.msk [tilespmem:v11+s16+$0x0], $0xffff  }
0x258: {  	v9 =	vld.idx.msk [tilespmem:v12+s18+$0x0], $0xffff  }
0x259: {  	v10 =	vor.u32 $0x2, v7  }
0x25a: {  	v11 =	vor.u32 $0x180, v5  }
0x25b: {  	v12 =	vor.u32 $0x3, v6;
	_ =	sdelay $0x1  }
0x25c: {  	v8 =	vsel vm2, v9, v8  }
0x25d: {  	[tilespmem:v10+s22+$0x0] =	vst.idx.msk $0xffff, v8  }
0x25e: {  	v8 =	vld.idx.msk [tilespmem:v11+s16+$0x0], $0xffff  }
0x25f: {  	v9 =	vld.idx.msk [tilespmem:v12+s18+$0x0], $0xffff  }
0x260: {  	v10 =	vor.u32 $0x3, v7  }
0x261: {  	v11 =	vor.u32 $0x200, v5  }
0x262: {  	v12 =	vor.u32 $0x4, v6;
	_ =	sdelay $0x1  }
0x263: {  	v8 =	vsel vm2, v9, v8  }
0x264: {  	[tilespmem:v10+s22+$0x0] =	vst.idx.msk $0xffff, v8  }
0x265: {  	v8 =	vld.idx.msk [tilespmem:v11+s16+$0x0], $0xffff  }
0x266: {  	v9 =	vld.idx.msk [tilespmem:v12+s18+$0x0], $0xffff  }
0x267: {  	v10 =	vor.u32 $0x4, v7  }
0x268: {  	v11 =	vor.u32 $0x280, v5  }
0x269: {  	v12 =	vor.u32 $0x5, v6;
	_ =	sdelay $0x1  }
0x26a: {  	v8 =	vsel vm2, v9, v8  }
0x26b: {  	[tilespmem:v10+s22+$0x0] =	vst.idx.msk $0xffff, v8  }
0x26c: {  	v8 =	vld.idx.msk [tilespmem:v11+s16+$0x0], $0xffff  }
0x26d: {  	v9 =	vld.idx.msk [tilespmem:v12+s18+$0x0], $0xffff  }
0x26e: {  	v10 =	vor.u32 $0x5, v7  }
0x26f: {  	v11 =	vor.u32 $0x300, v5  }
0x270: {  	v12 =	vor.u32 $0x6, v6;
	_ =	sdelay $0x1  }
0x271: {  	v8 =	vsel vm2, v9, v8  }
0x272: {  	[tilespmem:v10+s22+$0x0] =	vst.idx.msk $0xffff, v8  }
0x273: {  	v8 =	vld.idx.msk [tilespmem:v11+s16+$0x0], $0xffff  }
0x274: {  	v9 =	vld.idx.msk [tilespmem:v12+s18+$0x0], $0xffff  }
0x275: {  	v10 =	vor.u32 $0x6, v7  }
0x276: {  	v11 =	vor.u32 $0x380, v5  }
0x277: {  	v12 =	vor.u32 $0x7, v6;
	_ =	sdelay $0x1  }
0x278: {  	v8 =	vsel vm2, v9, v8  }
0x279: {  	[tilespmem:v10+s22+$0x0] =	vst.idx.msk $0xffff, v8  }
0x27a: {  	v8 =	vld.idx.msk [tilespmem:v11+s16+$0x0], $0xffff  }
0x27b: {  	v9 =	vld.idx.msk [tilespmem:v12+s18+$0x0], $0xffff  }
0x27c: {  	v10 =	vor.u32 $0x7, v7  }
0x27d: {  	v11 =	vadd.s32 $0x2000, v5  }
0x27e: {  	v12 =	vor.u32 $0x8, v6;
	_ =	sdelay $0x1  }
0x27f: {  	v8 =	vsel vm2, v9, v8  }
0x280: {  	[tilespmem:v10+s22+$0x0] =	vst.idx.msk $0xffff, v8  }
0x281: {  	v8 =	vld.idx.msk [tilespmem:v11+s16+$0x0], $0xffff  }
0x282: {  	v9 =	vld.idx.msk [tilespmem:v12+s18+$0x0], $0xffff  }
0x283: {  	v10 =	vor.u32 $0x8, v7  }
0x284: {  	v11 =	vadd.s32 $0x2080, v5  }
0x285: {  	v12 =	vor.u32 $0x9, v6;
	_ =	sdelay $0x1  }
0x286: {  	v8 =	vsel vm2, v9, v8  }
0x287: {  	[tilespmem:v10+s22+$0x0] =	vst.idx.msk $0xffff, v8  }
0x288: {  	v8 =	vld.idx.msk [tilespmem:v11+s16+$0x0], $0xffff  }
0x289: {  	v9 =	vld.idx.msk [tilespmem:v12+s18+$0x0], $0xffff  }
0x28a: {  	v10 =	vor.u32 $0x9, v7  }
0x28b: {  	v11 =	vadd.s32 $0x2100, v5  }
0x28c: {  	v12 =	vor.u32 $0xA, v6;
	_ =	sdelay $0x1  }
0x28d: {  	v8 =	vsel vm2, v9, v8  }
0x28e: {  	[tilespmem:v10+s22+$0x0] =	vst.idx.msk $0xffff, v8  }
0x28f: {  	v8 =	vld.idx.msk [tilespmem:v11+s16+$0x0], $0xffff  }
0x290: {  	v9 =	vld.idx.msk [tilespmem:v12+s18+$0x0], $0xffff  }
0x291: {  	v10 =	vor.u32 $0xA, v7  }
0x292: {  	v11 =	vadd.s32 $0x2180, v5  }
0x293: {  	v12 =	vor.u32 $0xB, v6;
	_ =	sdelay $0x1  }
0x294: {  	v8 =	vsel vm2, v9, v8  }
0x295: {  	[tilespmem:v10+s22+$0x0] =	vst.idx.msk $0xffff, v8  }
0x296: {  	v8 =	vld.idx.msk [tilespmem:v11+s16+$0x0], $0xffff  }
0x297: {  	v9 =	vld.idx.msk [tilespmem:v12+s18+$0x0], $0xffff  }
0x298: {  	v10 =	vor.u32 $0xB, v7  }
0x299: {  	v11 =	vadd.s32 $0x2200, v5  }
0x29a: {  	v12 =	vor.u32 $0xC, v6;
	_ =	sdelay $0x1  }
0x29b: {  	v8 =	vsel vm2, v9, v8  }
0x29c: {  	[tilespmem:v10+s22+$0x0] =	vst.idx.msk $0xffff, v8  }
0x29d: {  	v8 =	vld.idx.msk [tilespmem:v11+s16+$0x0], $0xffff  }
0x29e: {  	v9 =	vld.idx.msk [tilespmem:v12+s18+$0x0], $0xffff  }
0x29f: {  	v10 =	vor.u32 $0xC, v7  }
0x2a0: {  	v11 =	vadd.s32 $0x2280, v5  }
0x2a1: {  	v12 =	vor.u32 $0xD, v6;
	_ =	sdelay $0x1  }
0x2a2: {  	v8 =	vsel vm2, v9, v8  }
0x2a3: {  	[tilespmem:v10+s22+$0x0] =	vst.idx.msk $0xffff, v8  }
0x2a4: {  	v8 =	vld.idx.msk [tilespmem:v11+s16+$0x0], $0xffff  }
0x2a5: {  	v9 =	vld.idx.msk [tilespmem:v12+s18+$0x0], $0xffff  }
0x2a6: {  	v10 =	vor.u32 $0xD, v7  }
0x2a7: {  	v11 =	vadd.s32 $0x2300, v5  }
0x2a8: {  	v12 =	vor.u32 $0xE, v6;
	_ =	sdelay $0x1  }
0x2a9: {  	v8 =	vsel vm2, v9, v8  }
0x2aa: {  	[tilespmem:v10+s22+$0x0] =	vst.idx.msk $0xffff, v8  }
0x2ab: {  	v8 =	vld.idx.msk [tilespmem:v11+s16+$0x0], $0xffff  }
0x2ac: {  	v9 =	vld.idx.msk [tilespmem:v12+s18+$0x0], $0xffff  }
0x2ad: {  	v10 =	vor.u32 $0xE, v7  }
0x2ae: {  	v11 =	vadd.s32 $0x2380, v5  }
0x2af: {  	v12 =	vor.u32 $0xF, v6;
	_ =	sdelay $0x1  }
0x2b0: {  	v8 =	vsel vm2, v9, v8  }
0x2b1: {  	[tilespmem:v10+s22+$0x0] =	vst.idx.msk $0xffff, v8  }
0x2b2: {  	v8 =	vld.idx.msk [tilespmem:v11+s16+$0x0], $0xffff  }
0x2b3: {  	v9 =	vld.idx.msk [tilespmem:v12+s18+$0x0], $0xffff  }
0x2b4: {  	v10 =	vor.u32 $0xF, v7  }
0x2b5: {  	v11 =	vadd.s32 $0x4000, v5  }
0x2b6: {  	v12 =	vor.u32 $0x10, v6;
	_ =	sdelay $0x1  }
0x2b7: {  	v8 =	vsel vm2, v9, v8  }
0x2b8: {  	[tilespmem:v10+s22+$0x0] =	vst.idx.msk $0xffff, v8  }
0x2b9: {  	v8 =	vld.idx.msk [tilespmem:v11+s16+$0x0], $0xffff  }
0x2ba: {  	v9 =	vld.idx.msk [tilespmem:v12+s18+$0x0], $0xffff  }
0x2bb: {  	v10 =	vor.u32 $0x10, v7  }
0x2bc: {  	v11 =	vadd.s32 $0x4080, v5  }
0x2bd: {  	v12 =	vor.u32 $0x11, v6;
	_ =	sdelay $0x1  }
0x2be: {  	v8 =	vsel vm2, v9, v8  }
0x2bf: {  	[tilespmem:v10+s22+$0x0] =	vst.idx.msk $0xffff, v8  }
0x2c0: {  	v8 =	vld.idx.msk [tilespmem:v11+s16+$0x0], $0xffff  }
0x2c1: {  	v9 =	vld.idx.msk [tilespmem:v12+s18+$0x0], $0xffff  }
0x2c2: {  	v10 =	vor.u32 $0x11, v7  }
0x2c3: {  	v11 =	vadd.s32 $0x4100, v5  }
0x2c4: {  	v12 =	vor.u32 $0x12, v6;
	_ =	sdelay $0x1  }
0x2c5: {  	v8 =	vsel vm2, v9, v8  }
0x2c6: {  	[tilespmem:v10+s22+$0x0] =	vst.idx.msk $0xffff, v8  }
0x2c7: {  	v8 =	vld.idx.msk [tilespmem:v11+s16+$0x0], $0xffff  }
0x2c8: {  	v9 =	vld.idx.msk [tilespmem:v12+s18+$0x0], $0xffff  }
0x2c9: {  	v10 =	vor.u32 $0x12, v7  }
0x2ca: {  	v11 =	vadd.s32 $0x4180, v5  }
0x2cb: {  	v12 =	vor.u32 $0x13, v6;
	_ =	sdelay $0x1  }
0x2cc: {  	v8 =	vsel vm2, v9, v8  }
0x2cd: {  	[tilespmem:v10+s22+$0x0] =	vst.idx.msk $0xffff, v8  }
0x2ce: {  	v8 =	vld.idx.msk [tilespmem:v11+s16+$0x0], $0xffff  }
0x2cf: {  	v9 =	vld.idx.msk [tilespmem:v12+s18+$0x0], $0xffff  }
0x2d0: {  	v10 =	vor.u32 $0x13, v7  }
0x2d1: {  	v11 =	vadd.s32 $0x4200, v5  }
0x2d2: {  	v12 =	vor.u32 $0x14, v6;
	_ =	sdelay $0x1  }
0x2d3: {  	v8 =	vsel vm2, v9, v8  }
0x2d4: {  	[tilespmem:v10+s22+$0x0] =	vst.idx.msk $0xffff, v8  }
0x2d5: {  	v8 =	vld.idx.msk [tilespmem:v11+s16+$0x0], $0xffff  }
0x2d6: {  	v9 =	vld.idx.msk [tilespmem:v12+s18+$0x0], $0xffff  }
0x2d7: {  	v10 =	vor.u32 $0x14, v7  }
0x2d8: {  	v11 =	vadd.s32 $0x4280, v5  }
0x2d9: {  	v12 =	vor.u32 $0x15, v6;
	_ =	sdelay $0x1  }
0x2da: {  	v8 =	vsel vm2, v9, v8  }
0x2db: {  	[tilespmem:v10+s22+$0x0] =	vst.idx.msk $0xffff, v8  }
0x2dc: {  	v8 =	vld.idx.msk [tilespmem:v11+s16+$0x0], $0xffff  }
0x2dd: {  	v9 =	vld.idx.msk [tilespmem:v12+s18+$0x0], $0xffff  }
0x2de: {  	v10 =	vor.u32 $0x15, v7  }
0x2df: {  	v11 =	vadd.s32 $0x4300, v5  }
0x2e0: {  	v12 =	vor.u32 $0x16, v6;
	_ =	sdelay $0x1  }
0x2e1: {  	v8 =	vsel vm2, v9, v8  }
0x2e2: {  	[tilespmem:v10+s22+$0x0] =	vst.idx.msk $0xffff, v8  }
0x2e3: {  	v8 =	vld.idx.msk [tilespmem:v11+s16+$0x0], $0xffff  }
0x2e4: {  	v9 =	vld.idx.msk [tilespmem:v12+s18+$0x0], $0xffff  }
0x2e5: {  	v10 =	vor.u32 $0x16, v7  }
0x2e6: {  	v11 =	vadd.s32 $0x4380, v5  }
0x2e7: {  	v12 =	vor.u32 $0x17, v6;
	_ =	sdelay $0x1  }
0x2e8: {  	v8 =	vsel vm2, v9, v8  }
0x2e9: {  	[tilespmem:v10+s22+$0x0] =	vst.idx.msk $0xffff, v8  }
0x2ea: {  	v8 =	vld.idx.msk [tilespmem:v11+s16+$0x0], $0xffff  }
0x2eb: {  	v9 =	vld.idx.msk [tilespmem:v12+s18+$0x0], $0xffff  }
0x2ec: {  	v10 =	vor.u32 $0x17, v7  }
0x2ed: {  	v11 =	vadd.s32 $0x6000, v5  }
0x2ee: {  	v12 =	vor.u32 $0x18, v6;
	_ =	sdelay $0x1  }
0x2ef: {  	v8 =	vsel vm2, v9, v8  }
0x2f0: {  	[tilespmem:v10+s22+$0x0] =	vst.idx.msk $0xffff, v8  }
0x2f1: {  	v8 =	vld.idx.msk [tilespmem:v11+s16+$0x0], $0xffff  }
0x2f2: {  	v9 =	vld.idx.msk [tilespmem:v12+s18+$0x0], $0xffff  }
0x2f3: {  	v10 =	vor.u32 $0x18, v7  }
0x2f4: {  	v11 =	vadd.s32 $0x6080, v5  }
0x2f5: {  	v12 =	vor.u32 $0x19, v6;
	_ =	sdelay $0x1  }
0x2f6: {  	v8 =	vsel vm2, v9, v8  }
0x2f7: {  	[tilespmem:v10+s22+$0x0] =	vst.idx.msk $0xffff, v8  }
0x2f8: {  	v8 =	vld.idx.msk [tilespmem:v11+s16+$0x0], $0xffff  }
0x2f9: {  	v9 =	vld.idx.msk [tilespmem:v12+s18+$0x0], $0xffff  }
0x2fa: {  	v10 =	vor.u32 $0x19, v7  }
0x2fb: {  	v11 =	vadd.s32 $0x6100, v5  }
0x2fc: {  	v12 =	vor.u32 $0x1A, v6;
	_ =	sdelay $0x1  }
0x2fd: {  	v8 =	vsel vm2, v9, v8  }
0x2fe: {  	[tilespmem:v10+s22+$0x0] =	vst.idx.msk $0xffff, v8  }
0x2ff: {  	v8 =	vld.idx.msk [tilespmem:v11+s16+$0x0], $0xffff  }
0x300: {  	v9 =	vld.idx.msk [tilespmem:v12+s18+$0x0], $0xffff  }
0x301: {  	v10 =	vor.u32 $0x1A, v7  }
0x302: {  	v11 =	vadd.s32 $0x6180, v5  }
0x303: {  	v12 =	vor.u32 $0x1B, v6;
	_ =	sdelay $0x1  }
0x304: {  	v8 =	vsel vm2, v9, v8  }
0x305: {  	[tilespmem:v10+s22+$0x0] =	vst.idx.msk $0xffff, v8  }
0x306: {  	v8 =	vld.idx.msk [tilespmem:v11+s16+$0x0], $0xffff  }
0x307: {  	v9 =	vld.idx.msk [tilespmem:v12+s18+$0x0], $0xffff  }
0x308: {  	v10 =	vor.u32 $0x1B, v7  }
0x309: {  	v11 =	vadd.s32 $0x6200, v5  }
0x30a: {  	p3 =	seq.s32 s31, $0x1;
	v12 =	vor.u32 $0x1C, v6  }
.Ltmp26:
0x30b: {  	_ = 	snop;
	(pc) =	sbr.rel @p3 .LBB2_38-.Ltmp26, $4  }
0x30c: {  	v8 =	vsel vm2, v9, v8  }
0x30d: {  	[tilespmem:v10+s22+$0x0] =	vst.idx.msk $0xffff, v8  }
0x30e: {  	v9 =	vor.u32 $0x1D, v7;
	v11 =	vld.idx.msk [tilespmem:v11+s16+$0x0], $0xffff  }
0x30f: {  	s31 =	sadd.s32 $0xFFFFFFFF, s31;
	v10 =	vor.u32 $0x1C, v7;
	v8 =	vor.u32 $0x1E, v7;
	v7 =	vor.u32 $0x1F, v7;
	v12 =	vld.idx.msk [tilespmem:v12+s18+$0x0], $0xffff  }
.LBB2_37:
0x310: {  	p3 =	seq.s32 s31, $0x1;
	s29 =	sadd.s32 $0x10, s29;
	s30 =	sadd.s32 $0x10, s30  }
0x311: {  	s31 =	sadd.s32 $0xFFFFFFFF, s31;
	v13 =	vadd.s32 $0x6280, v5;
	v14 =	vor.u32 $0x1D, v6;
	_ =	sdelay $0x2  }
0x312: {  	v11 =	vsel vm2, v12, v11  }
0x313: {  	[tilespmem:v10+s22+$0x0] =	vst.idx.msk $0xffff, v11  }
0x314: {  	v10 =	vld.idx.msk [tilespmem:v13+s16+$0x0], $0xffff  }
0x315: {  	v11 =	vld.idx.msk [tilespmem:v14+s18+$0x0], $0xffff;
	_ =	sdelay $0x2  }
0x316: {  	v12 =	vadd.s32 $0x6300, v5;
	v13 =	vor.u32 $0x1E, v6;
	_ =	sdelay $0x2  }
0x317: {  	v10 =	vsel vm2, v11, v10  }
0x318: {  	[tilespmem:v9+s22+$0x0] =	vst.idx.msk $0xffff, v10  }
0x319: {  	v9 =	vld.idx.msk [tilespmem:v12+s16+$0x0], $0xffff  }
0x31a: {  	v10 =	vld.idx.msk [tilespmem:v13+s18+$0x0], $0xffff;
	_ =	sdelay $0x2  }
0x31b: {  	v5 =	vadd.s32 $0x6380, v5;
	v6 =	vor.u32 $0x1F, v6;
	_ =	sdelay $0x2  }
0x31c: {  	v9 =	vsel vm2, v10, v9  }
0x31d: {  	[tilespmem:v8+s22+$0x0] =	vst.idx.msk $0xffff, v9  }
0x31e: {  	v5 =	vld.idx.msk [tilespmem:v5+s16+$0x0], $0xffff  }
0x31f: {  	v6 =	vld.idx.msk [tilespmem:v6+s18+$0x0], $0xffff;
	_ =	sdelay $0x5  }
0x320: {  	v5 =	vsel vm2, v6, v5  }
0x321: {  	[tilespmem:v7+s22+$0x0] =	vst.idx.msk $0xffff, v5  }
0x322: {  	v5 =	vld [tilespmem:s29+$0x0];
	_ =	sdelay $0x4  }
0x323: {  	vm2 =	vlt.s32 v5, $0x3FF;
	v6 =	vadd.s32 $0xFFFFFE00, v5;
	vm3 =	vgt.s32 v5, $0x1FF  }
0x324: {  	v5 =	vnsel vm2, $0x3FF, v5;
	vm2 =	vgt.s32 v6, $0x0  }
0x325: {  	v6 =	vnsel vm2, $0x0, v6;
	v7 =	vshll.u32 v5, $0x3  }
0x326: {  	v5 =	vand.u32 $0x7F, v5;
	v6 =	vmin.u32 v6, $0x3F;
	v7 =	vand.u32 $0xFFFFFC00, v7  }
0x327: {  	v5 =	vor.u32 v5, v7;
	v6 =	vshll.u32 v6, $0x7;
	_ =	sdelay $0x4  }
0x328: {  	v7 =	vmov s30;
	v8 =	vld.idx.msk [tilespmem:v5+s16+$0x0], $0xffff  }
0x329: {  	v7 =	vshll.u32 v7, $0x5;
	v9 =	vld.idx.msk [tilespmem:v6+s18+$0x0], $0xffff  }
0x32a: {  	v7 =	vor.u32 v3, v7;
	_ =	sdelay $0x1  }
0x32b: {  	v10 =	vor.u32 $0x80, v5;
	v11 =	vor.u32 $0x1, v6  }
0x32c: {  	vm2 =	vmand vm1, vm3;
	_ =	sdelay $0x1  }
0x32d: {  	v8 =	vsel vm2, v9, v8  }
0x32e: {  	[tilespmem:v7+s22+$0x0] =	vst.idx.msk $0xffff, v8  }
0x32f: {  	v8 =	vld.idx.msk [tilespmem:v10+s16+$0x0], $0xffff  }
0x330: {  	v10 =	vor.u32 $0x1, v7;
	v9 =	vld.idx.msk [tilespmem:v11+s18+$0x0], $0xffff;
	_ =	sdelay $0x2  }
0x331: {  	v12 =	vor.u32 $0x2, v6;
	v11 =	vor.u32 $0x100, v5;
	_ =	sdelay $0x2  }
0x332: {  	v8 =	vsel vm2, v9, v8  }
0x333: {  	[tilespmem:v10+s22+$0x0] =	vst.idx.msk $0xffff, v8  }
0x334: {  	v9 =	vor.u32 $0x2, v7;
	v8 =	vld.idx.msk [tilespmem:v11+s16+$0x0], $0xffff  }
0x335: {  	v10 =	vld.idx.msk [tilespmem:v12+s18+$0x0], $0xffff;
	_ =	sdelay $0x2  }
0x336: {  	v11 =	vor.u32 $0x180, v5;
	v12 =	vor.u32 $0x3, v6;
	_ =	sdelay $0x2  }
0x337: {  	v8 =	vsel vm2, v10, v8  }
0x338: {  	[tilespmem:v9+s22+$0x0] =	vst.idx.msk $0xffff, v8;
	v8 =	vor.u32 $0x3, v7  }
0x339: {  	v9 =	vld.idx.msk [tilespmem:v11+s16+$0x0], $0xffff  }
0x33a: {  	v10 =	vld.idx.msk [tilespmem:v12+s18+$0x0], $0xffff;
	_ =	sdelay $0x2  }
0x33b: {  	v11 =	vor.u32 $0x200, v5;
	v12 =	vor.u32 $0x4, v6;
	_ =	sdelay $0x2  }
0x33c: {  	v9 =	vsel vm2, v10, v9;
	v10 =	vor.u32 $0x4, v7  }
0x33d: {  	[tilespmem:v8+s22+$0x0] =	vst.idx.msk $0xffff, v9  }
0x33e: {  	v8 =	vld.idx.msk [tilespmem:v11+s16+$0x0], $0xffff  }
0x33f: {  	v9 =	vld.idx.msk [tilespmem:v12+s18+$0x0], $0xffff;
	_ =	sdelay $0x2  }
0x340: {  	v11 =	vor.u32 $0x280, v5;
	v12 =	vor.u32 $0x5, v6;
	_ =	sdelay $0x1  }
0x341: {  	v13 =	vor.u32 $0x5, v7  }
0x342: {  	v8 =	vsel vm2, v9, v8  }
0x343: {  	[tilespmem:v10+s22+$0x0] =	vst.idx.msk $0xffff, v8  }
0x344: {  	v8 =	vld.idx.msk [tilespmem:v11+s16+$0x0], $0xffff  }
0x345: {  	v9 =	vld.idx.msk [tilespmem:v12+s18+$0x0], $0xffff;
	_ =	sdelay $0x2  }
0x346: {  	v10 =	vor.u32 $0x300, v5;
	v11 =	vor.u32 $0x6, v6  }
0x347: {  	v12 =	vor.u32 $0x6, v7;
	_ =	sdelay $0x1  }
0x348: {  	v8 =	vsel vm2, v9, v8  }
0x349: {  	[tilespmem:v13+s22+$0x0] =	vst.idx.msk $0xffff, v8  }
0x34a: {  	v8 =	vld.idx.msk [tilespmem:v10+s16+$0x0], $0xffff  }
0x34b: {  	v9 =	vld.idx.msk [tilespmem:v11+s18+$0x0], $0xffff;
	_ =	sdelay $0x2  }
0x34c: {  	v13 =	vor.u32 $0x7, v7;
	v10 =	vor.u32 $0x380, v5;
	v11 =	vor.u32 $0x7, v6;
	_ =	sdelay $0x2  }
0x34d: {  	v8 =	vsel vm2, v9, v8  }
0x34e: {  	[tilespmem:v12+s22+$0x0] =	vst.idx.msk $0xffff, v8  }
0x34f: {  	v8 =	vld.idx.msk [tilespmem:v10+s16+$0x0], $0xffff  }
0x350: {  	v9 =	vld.idx.msk [tilespmem:v11+s18+$0x0], $0xffff;
	_ =	sdelay $0x1  }
0x351: {  	v10 =	vor.u32 $0x8, v7  }
0x352: {  	v12 =	vor.u32 $0x8, v6;
	v11 =	vadd.s32 $0x2000, v5;
	_ =	sdelay $0x2  }
0x353: {  	v8 =	vsel vm2, v9, v8  }
0x354: {  	[tilespmem:v13+s22+$0x0] =	vst.idx.msk $0xffff, v8  }
0x355: {  	v8 =	vld.idx.msk [tilespmem:v11+s16+$0x0], $0xffff  }
0x356: {  	v9 =	vld.idx.msk [tilespmem:v12+s18+$0x0], $0xffff  }
0x357: {  	v11 =	vor.u32 $0x9, v7;
	_ =	sdelay $0x1  }
0x358: {  	v13 =	vor.u32 $0x9, v6;
	v12 =	vadd.s32 $0x2080, v5;
	_ =	sdelay $0x2  }
0x359: {  	v8 =	vsel vm2, v9, v8  }
0x35a: {  	[tilespmem:v10+s22+$0x0] =	vst.idx.msk $0xffff, v8  }
0x35b: {  	v8 =	vld.idx.msk [tilespmem:v12+s16+$0x0], $0xffff  }
0x35c: {  	v10 =	vor.u32 $0xA, v7;
	v9 =	vld.idx.msk [tilespmem:v13+s18+$0x0], $0xffff;
	_ =	sdelay $0x2  }
0x35d: {  	v12 =	vadd.s32 $0x2100, v5;
	v13 =	vor.u32 $0xA, v6;
	_ =	sdelay $0x2  }
0x35e: {  	v8 =	vsel vm2, v9, v8  }
0x35f: {  	[tilespmem:v11+s22+$0x0] =	vst.idx.msk $0xffff, v8  }
0x360: {  	v9 =	vor.u32 $0xB, v7;
	v8 =	vld.idx.msk [tilespmem:v12+s16+$0x0], $0xffff  }
0x361: {  	v11 =	vld.idx.msk [tilespmem:v13+s18+$0x0], $0xffff;
	_ =	sdelay $0x2  }
0x362: {  	v12 =	vadd.s32 $0x2180, v5;
	v13 =	vor.u32 $0xB, v6;
	_ =	sdelay $0x2  }
0x363: {  	v8 =	vsel vm2, v11, v8  }
0x364: {  	[tilespmem:v10+s22+$0x0] =	vst.idx.msk $0xffff, v8;
	v8 =	vor.u32 $0xC, v7  }
0x365: {  	v10 =	vld.idx.msk [tilespmem:v12+s16+$0x0], $0xffff  }
0x366: {  	v11 =	vld.idx.msk [tilespmem:v13+s18+$0x0], $0xffff;
	_ =	sdelay $0x2  }
0x367: {  	v12 =	vadd.s32 $0x2200, v5;
	v13 =	vor.u32 $0xC, v6;
	_ =	sdelay $0x2  }
0x368: {  	v10 =	vsel vm2, v11, v10;
	v11 =	vor.u32 $0xD, v7  }
0x369: {  	[tilespmem:v9+s22+$0x0] =	vst.idx.msk $0xffff, v10  }
0x36a: {  	v9 =	vld.idx.msk [tilespmem:v12+s16+$0x0], $0xffff  }
0x36b: {  	v10 =	vld.idx.msk [tilespmem:v13+s18+$0x0], $0xffff;
	_ =	sdelay $0x2  }
0x36c: {  	v12 =	vadd.s32 $0x2280, v5;
	v13 =	vor.u32 $0xD, v6;
	_ =	sdelay $0x1  }
0x36d: {  	v14 =	vor.u32 $0xE, v7  }
0x36e: {  	v9 =	vsel vm2, v10, v9  }
0x36f: {  	[tilespmem:v8+s22+$0x0] =	vst.idx.msk $0xffff, v9  }
0x370: {  	v8 =	vld.idx.msk [tilespmem:v12+s16+$0x0], $0xffff  }
0x371: {  	v9 =	vld.idx.msk [tilespmem:v13+s18+$0x0], $0xffff;
	_ =	sdelay $0x2  }
0x372: {  	v10 =	vadd.s32 $0x2300, v5;
	v12 =	vor.u32 $0xE, v6  }
0x373: {  	v13 =	vor.u32 $0xF, v7;
	_ =	sdelay $0x1  }
0x374: {  	v8 =	vsel vm2, v9, v8  }
0x375: {  	[tilespmem:v11+s22+$0x0] =	vst.idx.msk $0xffff, v8  }
0x376: {  	v8 =	vld.idx.msk [tilespmem:v10+s16+$0x0], $0xffff  }
0x377: {  	v9 =	vld.idx.msk [tilespmem:v12+s18+$0x0], $0xffff;
	_ =	sdelay $0x2  }
0x378: {  	v11 =	vor.u32 $0xF, v6;
	v10 =	vadd.s32 $0x2380, v5;
	v12 =	vor.u32 $0x10, v7;
	_ =	sdelay $0x2  }
0x379: {  	v8 =	vsel vm2, v9, v8  }
0x37a: {  	[tilespmem:v14+s22+$0x0] =	vst.idx.msk $0xffff, v8  }
0x37b: {  	v8 =	vld.idx.msk [tilespmem:v10+s16+$0x0], $0xffff  }
0x37c: {  	v9 =	vld.idx.msk [tilespmem:v11+s18+$0x0], $0xffff;
	_ =	sdelay $0x1  }
0x37d: {  	v10 =	vor.u32 $0x11, v7  }
0x37e: {  	v14 =	vor.u32 $0x10, v6;
	v11 =	vadd.s32 $0x4000, v5;
	_ =	sdelay $0x2  }
0x37f: {  	v8 =	vsel vm2, v9, v8  }
0x380: {  	[tilespmem:v13+s22+$0x0] =	vst.idx.msk $0xffff, v8  }
0x381: {  	v8 =	vld.idx.msk [tilespmem:v11+s16+$0x0], $0xffff  }
0x382: {  	v9 =	vld.idx.msk [tilespmem:v14+s18+$0x0], $0xffff  }
0x383: {  	v11 =	vor.u32 $0x12, v7;
	_ =	sdelay $0x1  }
0x384: {  	v13 =	vadd.s32 $0x4080, v5;
	v14 =	vor.u32 $0x11, v6;
	_ =	sdelay $0x2  }
0x385: {  	v8 =	vsel vm2, v9, v8  }
0x386: {  	[tilespmem:v12+s22+$0x0] =	vst.idx.msk $0xffff, v8  }
0x387: {  	v8 =	vld.idx.msk [tilespmem:v13+s16+$0x0], $0xffff  }
0x388: {  	v12 =	vor.u32 $0x13, v7;
	v9 =	vld.idx.msk [tilespmem:v14+s18+$0x0], $0xffff;
	_ =	sdelay $0x2  }
0x389: {  	v13 =	vadd.s32 $0x4100, v5;
	v14 =	vor.u32 $0x12, v6;
	_ =	sdelay $0x2  }
0x38a: {  	v8 =	vsel vm2, v9, v8  }
0x38b: {  	[tilespmem:v10+s22+$0x0] =	vst.idx.msk $0xffff, v8  }
0x38c: {  	v9 =	vor.u32 $0x14, v7;
	v8 =	vld.idx.msk [tilespmem:v13+s16+$0x0], $0xffff  }
0x38d: {  	v10 =	vld.idx.msk [tilespmem:v14+s18+$0x0], $0xffff;
	_ =	sdelay $0x2  }
0x38e: {  	v13 =	vadd.s32 $0x4180, v5;
	v14 =	vor.u32 $0x13, v6;
	_ =	sdelay $0x2  }
0x38f: {  	v8 =	vsel vm2, v10, v8  }
0x390: {  	[tilespmem:v11+s22+$0x0] =	vst.idx.msk $0xffff, v8;
	v8 =	vor.u32 $0x15, v7  }
0x391: {  	v10 =	vld.idx.msk [tilespmem:v13+s16+$0x0], $0xffff  }
0x392: {  	v11 =	vld.idx.msk [tilespmem:v14+s18+$0x0], $0xffff;
	_ =	sdelay $0x2  }
0x393: {  	v13 =	vadd.s32 $0x4200, v5;
	v14 =	vor.u32 $0x14, v6;
	_ =	sdelay $0x2  }
0x394: {  	v10 =	vsel vm2, v11, v10;
	v11 =	vor.u32 $0x16, v7  }
0x395: {  	[tilespmem:v12+s22+$0x0] =	vst.idx.msk $0xffff, v10  }
0x396: {  	v10 =	vld.idx.msk [tilespmem:v13+s16+$0x0], $0xffff  }
0x397: {  	v12 =	vld.idx.msk [tilespmem:v14+s18+$0x0], $0xffff;
	_ =	sdelay $0x2  }
0x398: {  	v13 =	vadd.s32 $0x4280, v5;
	v14 =	vor.u32 $0x15, v6;
	_ =	sdelay $0x1  }
0x399: {  	v15 =	vor.u32 $0x17, v7  }
0x39a: {  	v10 =	vsel vm2, v12, v10  }
0x39b: {  	[tilespmem:v9+s22+$0x0] =	vst.idx.msk $0xffff, v10  }
0x39c: {  	v9 =	vld.idx.msk [tilespmem:v13+s16+$0x0], $0xffff  }
0x39d: {  	v10 =	vld.idx.msk [tilespmem:v14+s18+$0x0], $0xffff;
	_ =	sdelay $0x2  }
0x39e: {  	v12 =	vadd.s32 $0x4300, v5;
	v13 =	vor.u32 $0x16, v6  }
0x39f: {  	v14 =	vor.u32 $0x18, v7;
	_ =	sdelay $0x1  }
0x3a0: {  	v9 =	vsel vm2, v10, v9  }
0x3a1: {  	[tilespmem:v8+s22+$0x0] =	vst.idx.msk $0xffff, v9  }
0x3a2: {  	v8 =	vld.idx.msk [tilespmem:v12+s16+$0x0], $0xffff  }
0x3a3: {  	v9 =	vld.idx.msk [tilespmem:v13+s18+$0x0], $0xffff;
	_ =	sdelay $0x2  }
0x3a4: {  	v10 =	vadd.s32 $0x4380, v5;
	v12 =	vor.u32 $0x17, v6;
	v13 =	vor.u32 $0x19, v7;
	_ =	sdelay $0x2  }
0x3a5: {  	v8 =	vsel vm2, v9, v8  }
0x3a6: {  	[tilespmem:v11+s22+$0x0] =	vst.idx.msk $0xffff, v8  }
0x3a7: {  	v8 =	vld.idx.msk [tilespmem:v10+s16+$0x0], $0xffff  }
0x3a8: {  	v9 =	vld.idx.msk [tilespmem:v12+s18+$0x0], $0xffff;
	_ =	sdelay $0x1  }
0x3a9: {  	v11 =	vor.u32 $0x1A, v7  }
0x3aa: {  	v10 =	vadd.s32 $0x6000, v5;
	v12 =	vor.u32 $0x18, v6;
	_ =	sdelay $0x2  }
0x3ab: {  	v8 =	vsel vm2, v9, v8  }
0x3ac: {  	[tilespmem:v15+s22+$0x0] =	vst.idx.msk $0xffff, v8  }
0x3ad: {  	v8 =	vld.idx.msk [tilespmem:v10+s16+$0x0], $0xffff  }
0x3ae: {  	v9 =	vld.idx.msk [tilespmem:v12+s18+$0x0], $0xffff  }
0x3af: {  	v12 =	vor.u32 $0x1B, v7;
	_ =	sdelay $0x1  }
0x3b0: {  	v15 =	vor.u32 $0x19, v6;
	v10 =	vadd.s32 $0x6080, v5;
	_ =	sdelay $0x2  }
0x3b1: {  	v8 =	vsel vm2, v9, v8  }
0x3b2: {  	[tilespmem:v14+s22+$0x0] =	vst.idx.msk $0xffff, v8  }
0x3b3: {  	v8 =	vld.idx.msk [tilespmem:v10+s16+$0x0], $0xffff  }
0x3b4: {  	v10 =	vor.u32 $0x1C, v7;
	v9 =	vld.idx.msk [tilespmem:v15+s18+$0x0], $0xffff;
	_ =	sdelay $0x2  }
0x3b5: {  	v14 =	vadd.s32 $0x6100, v5;
	v15 =	vor.u32 $0x1A, v6;
	_ =	sdelay $0x2  }
0x3b6: {  	v8 =	vsel vm2, v9, v8  }
0x3b7: {  	[tilespmem:v13+s22+$0x0] =	vst.idx.msk $0xffff, v8  }
0x3b8: {  	v9 =	vor.u32 $0x1D, v7;
	v8 =	vld.idx.msk [tilespmem:v14+s16+$0x0], $0xffff  }
0x3b9: {  	v13 =	vld.idx.msk [tilespmem:v15+s18+$0x0], $0xffff;
	_ =	sdelay $0x2  }
0x3ba: {  	v14 =	vadd.s32 $0x6180, v5;
	v15 =	vor.u32 $0x1B, v6;
	_ =	sdelay $0x2  }
0x3bb: {  	v8 =	vsel vm2, v13, v8  }
0x3bc: {  	[tilespmem:v11+s22+$0x0] =	vst.idx.msk $0xffff, v8;
	v8 =	vor.u32 $0x1E, v7  }
0x3bd: {  	v11 =	vld.idx.msk [tilespmem:v14+s16+$0x0], $0xffff  }
0x3be: {  	v13 =	vld.idx.msk [tilespmem:v15+s18+$0x0], $0xffff;
	_ =	sdelay $0x2  }
0x3bf: {  	v14 =	vadd.s32 $0x6200, v5;
	v15 =	vor.u32 $0x1C, v6;
	_ =	sdelay $0x1  }
.Ltmp27:
0x3c0: {  	(pc) =	sbr.rel @!p3 .LBB2_37-.Ltmp27, $4  }
0x3c1: {  	v7 =	vor.u32 $0x1F, v7;
	v11 =	vsel vm2, v13, v11  }
0x3c2: {  	[tilespmem:v12+s22+$0x0] =	vst.idx.msk $0xffff, v11  }
0x3c3: {  	v11 =	vld.idx.msk [tilespmem:v14+s16+$0x0], $0xffff  }
0x3c4: {  	v12 =	vld.idx.msk [tilespmem:v15+s18+$0x0], $0xffff  }
.LBB2_38:
0x3c5: {  	_ = 	snop  }
0x3c6: {  	v13 =	vadd.s32 $0x6280, v5  }
0x3c7: {  	v14 =	vor.u32 $0x1D, v6;
	_ =	sdelay $0x1  }
0x3c8: {  	v11 =	vsel vm2, v12, v11  }
0x3c9: {  	[tilespmem:v10+s22+$0x0] =	vst.idx.msk $0xffff, v11  }
0x3ca: {  	v10 =	vld.idx.msk [tilespmem:v13+s16+$0x0], $0xffff  }
0x3cb: {  	v11 =	vld.idx.msk [tilespmem:v14+s18+$0x0], $0xffff;
	_ =	sdelay $0x1  }
0x3cc: {  	v62 =	vadd.s32 $0x6300, v5  }
0x3cd: {  	v63 =	vor.u32 $0x1E, v6;
	_ =	sdelay $0x1  }
0x3ce: {  	v10 =	vsel vm2, v11, v10  }
0x3cf: {  	[tilespmem:v9+s22+$0x0] =	vst.idx.msk $0xffff, v10  }
0x3d0: {  	v9 =	vld.idx.msk [tilespmem:v62+s16+$0x0], $0xffff  }
0x3d1: {  	v10 =	vld.idx.msk [tilespmem:v63+s18+$0x0], $0xffff;
	_ =	sdelay $0x1  }
0x3d2: {  	v5 =	vadd.s32 $0x6380, v5  }
0x3d3: {  	v6 =	vor.u32 $0x1F, v6;
	_ =	sdelay $0x1  }
0x3d4: {  	v9 =	vsel vm2, v10, v9  }
0x3d5: {  	[tilespmem:v8+s22+$0x0] =	vst.idx.msk $0xffff, v9  }
0x3d6: {  	v5 =	vld.idx.msk [tilespmem:v5+s16+$0x0], $0xffff  }
0x3d7: {  	v6 =	vld.idx.msk [tilespmem:v6+s18+$0x0], $0xffff;
	_ =	sdelay $0x4  }
0x3d8: {  	v5 =	vsel vm2, v6, v5  }
0x3d9: {  	[tilespmem:v7+s22+$0x0] =	vst.idx.msk $0xffff, v5  }
.LBB2_39:
0x3da: {  	p3 =	sgt.s32 s28, $0x0  }
.Ltmp28:
0x3db: {  	_ = 	snop;
	(pc) =	sbr.rel @!p3 .LBB2_49-.Ltmp28, $1  }
0x3dc: {  	_ =	sdelay $0x3  }
0x3dd: {  	p4 =	sne.s32 s28, $0x1  }
.Ltmp29:
0x3de: {  	_ = 	snop;
	(pc) =	sbr.rel @!p4 .LBB2_41-.Ltmp29, $3  }
0x3df: {  	_ =	sdelay $0x1  }
0x3e0: {  	s0 =	simm.s32 $0x0  }
0x3e1: {  	s29 =	simm.s32 $0x1B600;
	s30 =	simm.s32 $0x1;
	p3 =	por $0x0, $0x0  }
0x3e2: {  	s1 =	sand.u32 $0x7FFFFFF0, s0  }
0x3e3: {  	v5 =	vld [tilespmem:s1+$0x1B400];
	_ =	sdelay $0x2  }
0x3e4: {  	s4 =	sand.u32 $0xF, s0  }
0x3e5: {  	v6 =	vmov s4  }
0x3e6: {  	vm1 =	veq.s32 v6, v1;
	v5 =	vxor.u32 $0x80000000, v5  }
0x3e7: {  	v5 =	vnsel vm1, $0x80000000, v5  }
0x3e8: {  	(xrf0) =	vmax.scan.msk.u32 $0xffff, v5;
	_ =	sdelay $0x5  }
0x3e9: {  	v5, _, _ =	vpop (xrf0)  }
0x3ea: {  	(v2sf) =	vpush v5, $0xF;
	_ =	sdelay $0xe  }
0x3eb: {  	p4 =	sne.s32 s28, $0x2;
	s5 =	spop (v2sf)  }
.Ltmp30:
0x3ec: {  	s0 =	sshll.u32 s5, $0x2;
	(pc) =	sbr.rel @!p4 .LBB2_43-.Ltmp30, $4  }
0x3ed: {  	p5 =	por $0x1, $0x1;
	s0 =	sand.u32 $0x1FFFFFFC, s0  }
0x3ee: {  	s31 =	simm.s32 $0x2;
	s1 =	simm.s32 @!p5 $0x4;
	s0 =	sadd.s32 s8, s0  }
0x3ef: {  	[hbm4b:s0+s6] =	stream.linear.scatter [tilespmem:s29], [sflag:$0x4], $0x20, $0x38;
	[tilespmem:$0x1D600] =	vst v63  }
0x3f0: {  	p3 =	por $0x1, $0x1;
	s29 =	simm.s32 $0x1B620;
	_ =	swait.ge @!p5 [sflag:s1], $0x20  }
.LBB2_44:
0x3f1: {  	s0 =	sand.u32 $0x7FFFFFF0, s30  }
0x3f2: {  	[sflag:s1] =	ssyncset.done @!p5 $0x0;
	s2 =	smov.u32 s31;
	s31 =	sadd.s32 $0x1, s31  }
0x3f3: {  	p4 =	sne.s32 s28, s31;
	[sflag:s1] =	ssyncadd.s32 @!p5 $0xFFFFFFE0  }
0x3f4: {  	v5 =	vld [tilespmem:s0+$0x1B400];
	_ =	sdelay $0x1  }
0x3f5: {  	s0 =	sand.u32 $0xF, s30  }
0x3f6: {  	v6 =	vmov s0  }
0x3f7: {  	vm1 =	veq.s32 v6, v1  }
0x3f8: {  	v5 =	vxor.u32 $0x80000000, v5  }
0x3f9: {  	v5 =	vnsel vm1, $0x80000000, v5  }
0x3fa: {  	(xrf0) =	vmax.scan.msk.u32 $0xffff, v5;
	_ =	sdelay $0x5  }
0x3fb: {  	v5, _, _ =	vpop (xrf0)  }
0x3fc: {  	(v2sf) =	vpush v5, $0xF;
	_ =	sdelay $0xe  }
0x3fd: {  	s0 =	spop (v2sf)  }
.Ltmp31:
0x3fe: {  	s0 =	sshll.u32 s0, $0x2;
	(pc) =	sbr.rel @p4 .LBB2_44-.Ltmp31, $4  }
0x3ff: {  	p5 =	slt.u32 s30, $0x10;
	s30 =	smov.u32 s2;
	s0 =	sand.u32 $0x1FFFFFFC, s0  }
0x400: {  	s1 =	simm.s32 @!p5 $0x4;
	s0 =	sadd.s32 s8, s0  }
0x401: {  	[hbm4b:s0+s6] =	stream.linear.scatter [tilespmem:s29], [sflag:$0x4], $0x20, $0x38;
	[tilespmem:$0x1D600] =	vst v63  }
0x402: {  	s29 =	sadd.s32 $0x20, s29;
	_ =	swait.ge @!p5 [sflag:s1], $0x20  }
0x403: {  	s0 =	smov.u32 s30  }
.LBB2_46:
0x404: {  	p3 =	por p5, !p3  }
0x405: {  	[sflag:s1] =	ssyncset.done @!p3 $0x0  }
0x406: {  	s2 =	sand.u32 $0x7FFFFFF0, s0;
	[sflag:s1] =	ssyncadd.s32 @!p3 $0xFFFFFFE0  }
0x407: {  	v5 =	vld [tilespmem:s2+$0x1B400];
	_ =	sdelay $0x2  }
0x408: {  	s5 =	sand.u32 $0xF, s0  }
0x409: {  	v6 =	vmov s5  }
0x40a: {  	vm1 =	veq.s32 v6, v1;
	v5 =	vxor.u32 $0x80000000, v5  }
0x40b: {  	v5 =	vnsel vm1, $0x80000000, v5  }
0x40c: {  	(xrf0) =	vmax.scan.msk.u32 $0xffff, v5;
	_ =	sdelay $0x5  }
0x40d: {  	v5, _, _ =	vpop (xrf0)  }
0x40e: {  	(v2sf) =	vpush v5, $0xF;
	_ =	sdelay $0xe  }
0x40f: {  	s30 =	spop (v2sf)  }
0x410: {  	s1 =	sshll.u32 s30, $0x2  }
0x411: {  	p3 =	slt.u32 s0, $0x10;
	s1 =	sand.u32 $0x1FFFFFFC, s1  }
0x412: {  	s31 =	sadd.s32 s8, s1;
	s1 =	simm.s32 @!p3 $0x4  }
0x413: {  	[hbm4b:s31+s6] =	stream.linear.scatter [tilespmem:s29], [sflag:$0x4], $0x20, $0x38;
	[tilespmem:$0x1D600] =	vst v63  }
0x414: {  	p4 =	slt.s32 s28, $0x10;
	_ =	swait.ge @!p3 [sflag:s1], $0x20  }
0x415: {  	s28 =	simm.s32 @!p4 $0x10;
	[sflag:s1] =	ssyncset.done @!p3 $0x0  }
0x416: {  	[sflag:s1] =	ssyncadd.s32 @!p3 $0xFFFFFFE0;
	p3 =	sne.s32 s28, $0x1  }
.Ltmp32:
0x417: {  	_ = 	snop;
	(pc) =	sbr.rel @!p3 .LBB2_48-.Ltmp32, $3  }
0x418: {  	_ =	sdelay $0x1  }
0x419: {  	_ =	swait.ge [sflag:s23], $0x20  }
0x41a: {  	s0 =	sadd.s32 $0xFFFFFFFF, s28;
	[sflag:s23] =	ssyncset.done $0x0  }
.LBB2_47:
0x41b: {  	p3 =	sne.s32 s0, $0x1;
	s0 =	sadd.s32 $0xFFFFFFFF, s0;
	[sflag:s23] =	ssyncadd.s32 $0xFFFFFFE0  }
.Ltmp33:
0x41c: {  	(pc) =	sbr.rel @p3 .LBB2_47-.Ltmp33, $3  }
0x41d: {  	_ =	sdelay $0x1  }
0x41e: {  	_ =	swait.ge [sflag:s23], $0x20  }
0x41f: {  	[sflag:s23] =	ssyncset.done $0x0  }
.LBB2_48:
0x420: {  	[sflag:s23] =	ssyncadd.s32 $0xFFFFFFE0  }
.LBB2_49:
0x421: {  	p3 =	sgt.u32 s26, $0x1C  }
.Ltmp34:
0x422: {  	_ = 	snop;
	(pc) =	sbr.rel @p3 .LBB2_51-.Ltmp34, $1  }
0x423: {  	_ =	sdelay $0x3  }
0x424: {  	p3 =	sgt.u32 @!p1 s26, $0xC  }
0x425: {  	s0 =	sadd.s32 $0x2, s26;
	p3 =	por p1, !p3  }
0x426: {  	s1 =	sshll.u32 @p3 s0, $0xD  }
0x427: {  	s1 =	sadd.s32 @p3 s7, s1  }
0x428: {  	s1 =	sshrl.u32 @p3 s1, $0x3  }
0x429: {  	p6 =	seq.s32 s0, $0xF;
	s1 =	sadd.s32 @p3 s3, s1  }
0x42a: {  	[tilespmem:s16], [sflag:$0x2] =	stream.strided.gather @p3 [hbm4b:s1+s14], $0x8000, s15, s14, $0x38;
	[tilespmem:$0x1D600] =	vst v63  }
0x42b: {  	p3 =	por !p0, !p6  }
0x42c: {  	p3 =	por !p3, !p3  }
0x42d: {  	s0 =	simm.s32 @p3 $0x0;
	s1 =	simm.s32 @p3 $0x8000  }
0x42e: {  	[tilespmem:s1], [sflag:$0x2] =	stream.linear.gather @p3 [hbm4b:s12+s0], $0x1000, $0x38;
	[tilespmem:$0x1D600] =	vst v63  }
0x42f: {  	s2 =	simm.s32 @p3 $0xA000;
	s1 =	sadd.s32 @p3 $0xF4280, s12  }
0x430: {  	[tilespmem:s2], [sflag:$0x2] =	stream.linear.gather @p3 [hbm4b:s1+s0], $0x1000, $0x38;
	[tilespmem:$0x1D600] =	vst v63  }
.Ltmp35:
0x431: {  	_ = 	snop;
	(pc) =	sbr.rel .LBB2_51-.Ltmp35, $4  }
0x432: {  	s1 =	sadd.s32 @p3 $0x1E8500, s12;
	s2 =	simm.s32 @p3 $0xC000  }
0x433: {  	[tilespmem:s2], [sflag:$0x2] =	stream.linear.gather @p3 [hbm4b:s1+s0], $0x1000, $0x38;
	[tilespmem:$0x1D600] =	vst v63  }
0x434: {  	s1 =	sadd.s32 @p3 $0x2DC780, s12;
	s2 =	simm.s32 @p3 $0xE000  }
0x435: {  	[tilespmem:s2], [sflag:$0x2] =	stream.linear.gather @p3 [hbm4b:s1+s0], $0x1000, $0x38;
	[tilespmem:$0x1D600] =	vst v63  }
.LBB2_30:
.Ltmp36:
0x436: {  	(pc) =	sbr.rel .LBB2_34-.Ltmp36, $2  }
0x437: {  	_ =	sdelay $0x2  }
0x438: {  	s1 =	simm.s32 $0x0;
	s30 =	simm.s32 $0x1A000;
	s4 =	simm.s32 $0x0  }
.LBB2_7:
.Ltmp37:
0x439: {  	(pc) =	sbr.rel .LBB2_11-.Ltmp37, $2  }
0x43a: {  	_ =	sdelay $0x2  }
0x43b: {  	s1 =	simm.s32 $0x0;
	s31 =	simm.s32 $0x1A000;
	s4 =	simm.s32 $0x0  }
.LBB2_15:
.Ltmp38:
0x43c: {  	(pc) =	sbr.rel .LBB2_23-.Ltmp38, $2  }
0x43d: {  	_ =	sdelay $0x2  }
0x43e: {  	_ = 	snop  }
.LBB2_41:
.Ltmp39:
0x43f: {  	(pc) =	sbr.rel .LBB2_46-.Ltmp39, $2  }
0x440: {  	_ =	sdelay $0x2  }
0x441: {  	_ = 	snop  }
.LBB2_32:
.Ltmp40:
0x442: {  	(pc) =	sbr.rel .LBB2_34-.Ltmp40, $2  }
0x443: {  	_ =	sdelay $0x2  }
0x444: {  	s1 =	simm.s32 $0x0;
	s30 =	simm.s32 $0x1A000;
	s4 =	simm.s32 $0x0  }
.LBB2_9:
.Ltmp41:
0x445: {  	(pc) =	sbr.rel .LBB2_11-.Ltmp41, $2  }
0x446: {  	_ =	sdelay $0x2  }
0x447: {  	s1 =	simm.s32 $0x0;
	s31 =	simm.s32 $0x1A000;
	s4 =	simm.s32 $0x0  }
.LBB2_20:
.Ltmp42:
0x448: {  	(pc) =	sbr.rel .LBB2_23-.Ltmp42, $2  }
0x449: {  	_ =	sdelay $0x2  }
0x44a: {  	s0 =	simm.s32 $0x1  }
.LBB2_43:
.Ltmp43:
0x44b: {  	(pc) =	sbr.rel .LBB2_46-.Ltmp43, $2  }
0x44c: {  	_ =	sdelay $0x2  }
0x44d: {  	s0 =	simm.s32 $0x1  }
.LBB2_53:
0x44e: {  	_ =	sfence.sel $0x180000  }
0x44f: {  	[bflag:$0x0] =	sbarrier.arrive $0xFFFF  }
0x450: {  	_ =	strace $0x90000047  }
0x451: {  	s0 =	stileid.u32;
	[bflag:$0x2] =	sbarrier.arrive $0xFFFF  }
0x452: {  	p0 =	sne.s32 s0, $0x0;
	s0 =	rddreg [dreg:$0x5]  }
0x453: {  	s0 =	sadd.s32 @!p0 $0x100000, s0  }
0x454: {  	[sflag:s0] =	ssyncadd.tile.s32 @!p0 $0x1;
	_ =	shalt  }
.Lfunc_end2:
_tile_overlayer_lowered:
.L_overlay_start_2:
0x455: {  	(tag) =	ssettag $0x2  }
0x456: {  	s0 =	rddreg [dreg:$0x0];
	s2 =	stileid.u32  }
0x457: {  	s1 =	rddreg [dreg:$0x1];
	p0 =	sne.s32 s2, $0x0  }
0x458: {  	s3 =	rddreg [dreg:$0x2];
	[bflag:$0x3] =	sbarrier.arrive $0xFFFF;
	s2 =	simm.s32 @!p0 $0x1C05  }
0x459: {  	[timem:s3], [sflag:s2] =	dma.local @!p0 [hbm:s0], s1  }
0x45a: {  	s0 =	simm.s32 @!p0 $0x5  }
0x45b: {  	_ =	swait.ge @!p0 [sflag:s0], s1  }
0x45c: {  	s1 =	ssub.s32 @!p0 $0x0, s1;
	[sflag:s0] =	ssyncset.done @!p0 $0x0  }
0x45d: {  	[sflag:s0] =	ssyncadd.s32 @!p0 s1  }
0x45e: {  	[bflag:$0x3] =	sbarrier.arrive $0xFFFF  }
0x45f: {  	_ =	shalt  }

// kernel: kernel.7.cloned.1.call-start
scs
__scs_entry_jumppad:
0x0: {  	(pc) =	sbr.rel $0x88, $3  }
0x1: {  	(tag) =	ssettag $0x0;
	lr =	simm.s32 $0x1  }
0x2: {  	[smem:$0x3F9E] =	sst lr;
	_ =	strace $0xD0000000  }
0x3: {  	_ = 	snop  }
0x4: {  	_ = 	snop  }
0x5: {  	_ = 	snop  }
0x6: {  	_ = 	snop  }
0x7: {  	_ = 	snop  }
__scs_overlays_trampoline_lowered:
0x8: {  	[smem:$0x3FAD] =	sst s0  }
0x9: {  	[smem:$0x3FAE] =	sst s1  }
0xa: {  	[smem:$0x3FAF] =	sst s2  }
0xb: {  	[smem:$0x3FB0] =	sst s3  }
0xc: {  	[smem:$0x3FB1] =	sst s4  }
0xd: {  	[smem:$0x3FB2] =	sst s5  }
0xe: {  	[smem:$0x3FB3] =	sst s6  }
0xf: {  	[smem:$0x3FB4] =	sst s7  }
0x10: {  	[smem:$0x3FB5] =	sst s8  }
0x11: {  	[smem:$0x3FB6] =	sst s9;
	s0 =	simm.s32 @!p0 $0x0  }
0x12: {  	s1 =	sld [smem:$0x3F9C];
	s0 =	simm.s32 @p0 $0x1  }
0x13: {  	[smem:$0x3FB7] =	sst s0;
	s0 =	simm.s32 @!p1 $0x0  }
0x14: {  	s2 =	sld [smem:$0x3F9B];
	s0 =	simm.s32 @p1 $0x1  }
0x15: {  	[smem:$0x3FB8] =	sst s0;
	s0 =	simm.s32 @!p2 $0x0  }
0x16: {  	s3 =	sld [smem:$0x3FDB];
	s0 =	simm.s32 @p2 $0x1  }
0x17: {  	s4 =	simm.s32 $0x1BF5;
	[smem:$0x3FBA] =	sst s0  }
0x18: {  	s0 =	sld [smem:$0x3F9D];
	_ =	swait.ge [sflag:s4], $0x0  }
0x19: {  	s7 =	sld [smem:$0x3F9E]  }
0x1a: {  	s8 =	sadd.s32 $0xFFFFE003, lr  }
0x1b: {  	s9 =	sadd.s32 $0xFFFFFEF7, lr;
	s5 =	simm.s32 $0xFFFFFFFF;
	p2 =	slt.u32 s8, $0xFFFFF086  }
0x1c: {  	p1 =	slt.u32 s9, $0xF7A;
	s5 =	simm.s32 @!p2 $0x0  }
0x1d: {  	s5 =	simm.s32 @p1 $0x1;
	p0 =	seq.s32 s7, s2  }
0x1e: {  	s7 =	smul.u32 @!p0 $0xF7A, s2;
	p2 =	seq.s32 @!p0 s5, $0x0  }
0x1f: {  	s9 =	smul.u32 $0xF7A, s1;
	s8 =	simm.s32 @!p0 $0x1BF5;
	p2 =	por !p2, p0  }
0x20: {  	[sflag:s8] =	ssyncset.s32 @!p0 $0xFFFFF086;
	s6 =	sadd.s32 @!p0 s3, s7;
	s7 =	simm.s32 @!p0 $0x108  }
0x21: {  	s3 =	sadd.s32 s3, s9;
	s6 =	sadd.s32 @!p0 $0x88, s6;
	s7 =	simm.s32 @p2 $0x1082  }
0x22: {  	[simem:s7], [sflag:s8] =	dma.local @!p0 [hbm:s6], $0xF7A  }
0x23: {  	s9 =	sor.u32 $0xD0000000, s2;
	s6 =	simm.s32 $0x108;
	_ =	swait.ge @!p0 [sflag:s8], $0x0  }
0x24: {  	s3 =	sadd.s32 $0x88, s3;
	s6 =	simm.s32 @!p1 $0x1082;
	[sflag:s4] =	ssyncset.s32 $0xFFFFF086  }
0x25: {  	[simem:s6], [sflag:s4] =	dma.local [hbm:s3], $0xF7A  }
0x26: {  	[smem:$0x3F9E] =	sst s1;
	(tag) =	ssettag s2;
	_ =	strace s9  }
0x27: {  	s1 =	sld [smem:$0x3FAE]  }
0x28: {  	s2 =	sld [smem:$0x3FAF]  }
0x29: {  	s4 =	sld [smem:$0x3FB1]  }
0x2a: {  	p0 =	seq.s32 s5, $0x0;
	s5 =	sld [smem:$0x3FB2]  }
0x2b: {  	s6 =	sld [smem:$0x3FB3]  }
0x2c: {  	s7 =	sld [smem:$0x3FB4]  }
0x2d: {  	s3 =	simm.s32 $0x108;
	s8 =	sld [smem:$0x3FB5]  }
0x2e: {  	s3 =	simm.s32 @!p0 $0x1082;
	s9 =	sld [smem:$0x3FB6]  }
0x2f: {  	lr =	sadd.s32 s0, s3;
	s0 =	sld [smem:$0x3FAD]  }
0x30: {  	s3 =	sld [smem:$0x3FB0]  }
0x31: {  	[smem:$0x3FB9] =	sst s10  }
0x32: {  	s10 =	sld [smem:$0x3FB7];
	_ =	sdelay $0x3  }
0x33: {  	p0 =	seq.s32 s10, $0x1;
	s10 =	sld [smem:$0x3FB9];
	_ =	sdelay $0x3  }
0x34: {  	[smem:$0x3FB9] =	sst s10  }
0x35: {  	s10 =	sld [smem:$0x3FB8];
	_ =	sdelay $0x3  }
0x36: {  	p1 =	seq.s32 s10, $0x1;
	s10 =	sld [smem:$0x3FB9];
	_ =	sdelay $0x3  }
0x37: {  	[smem:$0x3FB9] =	sst s10  }
0x38: {  	s10 =	sld [smem:$0x3FBA]  }
0x39: {  	_ = 	snop;
	(pc) =	sbr.ind lr, $3  }
0x3a: {  	_ = 	snop  }
0x3b: {  	_ = 	snop  }
0x3c: {  	p2 =	seq.s32 s10, $0x1;
	s10 =	sld [smem:$0x3FB9]  }
0x3d: {  	_ =	shalt  }
0x3e: {  	_ =	shalt  }
0x3f: {  	_ =	shalt  }
0x40: {  	_ =	shalt  }
0x41: {  	_ =	shalt  }
0x42: {  	_ =	shalt  }
0x43: {  	_ =	shalt  }
0x44: {  	_ =	shalt  }
0x45: {  	_ =	shalt  }
0x46: {  	_ =	shalt  }
0x47: {  	_ =	shalt  }
0x48: {  	_ =	shalt  }
0x49: {  	_ =	shalt  }
0x4a: {  	_ =	shalt  }
0x4b: {  	_ =	shalt  }
0x4c: {  	_ =	shalt  }
0x4d: {  	_ =	shalt  }
0x4e: {  	_ =	shalt  }
0x4f: {  	_ =	shalt  }
0x50: {  	_ =	shalt  }
0x51: {  	_ =	shalt  }
0x52: {  	_ =	shalt  }
0x53: {  	_ =	shalt  }
0x54: {  	_ =	shalt  }
0x55: {  	_ =	shalt  }
0x56: {  	_ =	shalt  }
0x57: {  	_ =	shalt  }
0x58: {  	_ =	shalt  }
0x59: {  	_ =	shalt  }
0x5a: {  	_ =	shalt  }
0x5b: {  	_ =	shalt  }
0x5c: {  	_ =	shalt  }
0x5d: {  	_ =	shalt  }
0x5e: {  	_ =	shalt  }
0x5f: {  	_ =	shalt  }
0x60: {  	_ =	shalt  }
0x61: {  	_ =	shalt  }
0x62: {  	_ =	shalt  }
0x63: {  	_ =	shalt  }
0x64: {  	_ =	shalt  }
0x65: {  	_ =	shalt  }
0x66: {  	_ =	shalt  }
0x67: {  	_ =	shalt  }
0x68: {  	_ =	shalt  }
0x69: {  	_ =	shalt  }
0x6a: {  	_ =	shalt  }
0x6b: {  	_ =	shalt  }
0x6c: {  	_ =	shalt  }
0x6d: {  	_ =	shalt  }
0x6e: {  	_ =	shalt  }
0x6f: {  	_ =	shalt  }
0x70: {  	_ =	shalt  }
0x71: {  	_ =	shalt  }
0x72: {  	_ =	shalt  }
0x73: {  	_ =	shalt  }
0x74: {  	_ =	shalt  }
0x75: {  	_ =	shalt  }
0x76: {  	_ =	shalt  }
0x77: {  	_ =	shalt  }
0x78: {  	_ =	shalt  }
0x79: {  	_ =	shalt  }
0x7a: {  	_ =	shalt  }
0x7b: {  	_ =	shalt  }
0x7c: {  	_ =	shalt  }
0x7d: {  	_ =	shalt  }
0x7e: {  	_ =	shalt  }
0x7f: {  	_ =	shalt  }
0x80: {  	_ =	shalt  }
0x81: {  	_ =	shalt  }
0x82: {  	_ =	shalt  }
0x83: {  	_ =	shalt  }
0x84: {  	_ =	shalt  }
0x85: {  	_ =	shalt  }
0x86: {  	_ =	shalt  }
0x87: {  	_ =	shalt  }
.Lfunc_end0:
.L_simem_size_0:
called_computation.1_lowered:
.L_overlay_start_0:
0x88: {  	s2 =	sld [smem:$0x3FD9]  }
0x89: {  	s3 =	sld [smem:$0x3FFE];
	_ =	sdelay $0x1  }
0x8a: {  	s1 =	srdreg.scid  }
0x8b: {  	s0 =	sand.u32 $0x1, s1  }
0x8c: {  	s17 =	sshll.u32 s0, $0xA;
	s2 =	sadd.s32 s3, s2  }
0x8d: {  	s2 =	sadd.s32 s2, s17  }
0x8e: {  	[smem:$0x3FC5] =	sst s2  }
0x8f: {  	_ = 	snop  }
0x90: {  	s2 =	sld [smem:$0x3FD0];
	(tm) =	ssettm $0x1  }
0x91: {  	s18 =	sld [smem:$0x3FFB];
	_ =	sdelay $0x3  }
0x92: {  	_ =	strace s18  }
0x93: {  	s3 =	sld [smem:$0x3FFC];
	_ =	sdelay $0x3  }
0x94: {  	_ =	strace s3  }
0x95: {  	s3 =	sld [smem:$0x3FFD];
	_ =	sdelay $0x3  }
0x96: {  	_ =	strace s3  }
0x97: {  	_ =	strace $0x8FFFFFFF  }
0x98: {  	s19 =	sld [smem:$0x3FDB];
	_ =	sdelay $0x1  }
0x99: {  	s4 =	simm.s32 $_scs_section_size  }
0x9a: {  	s5 =	simm.s32 $_size__tile_overlayer_lowered;
	s6 =	simm.s32 $_tile_overlayer_lowered  }
0x9b: {  	s22 =	simm.s32 $0x1BFF;
	s21 =	sshll.u32 s6, $0x1;
	s3 =	sadd.s32 s4, s19  }
0x9c: {  	s7 =	simm.s32 $0x0;
	s20 =	sshll.u32 s5, $0x1;
	s5 =	sadd.s32 s21, s3  }
0x9d: {  	[timem:s7], [sflag:s22] =	dma.local [hbm:s5], s20  }
0x9e: {  	_ =	swait.ge [sflag:s22], s20  }
0x9f: {  	s4 =	ssub.s32 $0x0, s20;
	[sflag:s22] =	ssyncset.done $0x0  }
0xa0: {  	[sflag:s22] =	ssyncadd.s32 s4;
	_ =	sdelay $0x1  }
0xa1: {  	s23 =	simm.s32 $0x1B8B  }
0xa2: {  	_ =	swait.ge [sflag:s23], $0x1  }
0xa3: {  	[sflag:s23] =	ssyncset.done $0x0  }
0xa4: {  	s25 =	simm.s32 $0x1B8E;
	s24 =	sld [smem:$0x3FFE];
	[sflag:s23] =	ssyncadd.s32 $0xFFFFFFFF  }
0xa5: {  	s26 =	simm.s32 $execute0_lowered;
	[smem:$0x3FD2] =	sst s25  }
0xa6: {  	s5 =	sshll.u32 s26, $0x1;
	_ =	strace $0x80000049;
	[dreg:$0x1] =	wrdreg $0xFFFFFFFF  }
0xa7: {  	s28 =	simm.s32 $_size_execute0_lowered;
	s3 =	sadd.s32 s3, s5;
	[dreg:$0x0] =	wrdreg $0x0  }
0xa8: {  	s5 =	sshll.u32 s28, $0x1;
	[dreg:$0x2] =	wrdreg s3  }
0xa9: {  	[dreg:$0x3] =	wrdreg s5  }
0xaa: {  	[dreg:$0x4] =	wrdreg $0xC0  }
0xab: {  	_ =	task [dreg:s7], $0x5FFFF  }
0xac: {  	[dreg:$0x1] =	wrdreg $0xFFFFFFFF  }
0xad: {  	[dreg:$0x0] =	wrdreg $0x60  }
0xae: {  	[dreg:$0x2] =	wrdreg s24  }
0xaf: {  	[dreg:$0x3] =	wrdreg s2  }
0xb0: {  	[dreg:$0x4] =	wrdreg $0x9  }
0xb1: {  	_ =	task.clear_ibuf [dreg:s7], $0x5FFFF;
	_ =	strace $0x90000049  }
0xb2: {  	s29 =	simm.s32 $0x9;
	_ =	strace $0x8000004B  }
0xb3: {  	_ =	swait.ge [sflag:s29], $0x1  }
0xb4: {  	[sflag:s29] =	ssyncadd.s32 $0xFFFFFFFF  }
0xb5: {  	_ =	strace $0x9000004B  }
0xb6: {  	_ =	sfence  }
0xb7: {  	s30 =	sld [smem:$0x0];
	_ =	sdelay $0x2  }
0xb8: {  	s31 =	sshll.u32 s1, $0xD;
	s1 =	sshrl.u32 s1, $0x2  }
0xb9: {  	s3 =	sand.u32 $0x4000, s31;
	s1 =	sadd.s32 s1, s30  }
0xba: {  	s0 =	sor.u32 s3, s0;
	s1 =	sshll.u32 s1, $0x11  }
0xbb: {  	s0 =	sor.u32 s1, s0  }
0xbc: {  	s0 =	sadd.s32 $0x8F2B, s0  }
0xbd: {  	[sflag:s0] =	ssyncadd.remote.s32 $0x1  }
0xbe: {  	_ =	sfence.sel $0xFFFF  }
0xbf: {  	[dreg:$0x0] =	wrdreg $0xFFFFFFFF;
	(pc) =	sbr.abs _section_cstart, $3  }
0xc0: {  	[dreg:$0x1] =	wrdreg $0xFFFFFFFF  }
0xc1: {  	_ =	task.clear_ibuf [dreg:s7], $0x2FFFF;
	_ =	strace $0x9FFFFFFF  }
0xc2: {  	(tm) =	ssettm $0x7FFFFFFF  }
0xc3: {  	_ =	shalt  }
tec
execute0_lowered:
.L_overlay_start_1:
0x0: {  	(tag) =	ssettag $0x1  }
0x1: {  	s3 =	rddreg [dreg:$0x0]  }
0x2: {  	s5 =	rddreg [dreg:$0x1]  }
0x3: {  	s0 =	rddreg [dreg:$0x2]  }
0x4: {  	s4 =	srdreg.scid;
	s1 =	stileid.u32  }
0x5: {  	s2 =	simm.s32 $0x0;
	s9 =	simm.s32 $0x8000;
	s10 =	simm.s32 $0x2  }
0x6: {  	s11 =	simm.s32 $0x0;
	s4 =	sand.u32 $0x1, s4;
	s6 =	sshll.u32 s1, $0x1  }
0x7: {  	[smem:$0x7FF] =	sst s2;
	s6 =	sor.u32 s4, s6;
	s4 =	ssub.s32 $0x2, s4  }
0x8: {  	_ =	strace $0x8000004A;
	s7 =	sshll.u32 s6, $0xB;
	s8 =	sshrl.u32 s4, $0x1  }
0x9: {  	v0 =	vlaneseq.u32;
	s6 =	sshll.u32 s6, $0x6;
	s7 =	sadd.s32 s7, s3;
	s8 =	ssub.s32 s4, s8  }
0xa: {  	v0 =	vmul.u32 $0x20, v0;
	s5 =	sadd.s32 s5, s6;
	s3 =	sadd.s32 $0x800, s7;
	s4 =	sadd.s32 $0x10800, s7  }
0xb: {  	s6 =	smax.u32 s8, $0x1;
	s7 =	simm.s32 $0x4000;
	s8 =	simm.s32 $0x1  }
.LBB2_1:
0xc: {  	[tilespmem:s2], [sflag:$0x1] =	stream.linear.gather [hbm4b:s3+s2], $0x4000, $0x38;
	[tilespmem:$0x8200] =	vst v63  }
0xd: {  	_ = 	snop  }
0xe: {  	v1 =	vmov s2;
	[tilespmem:s7], [sflag:$0x1] =	stream.linear.gather [hbm4b:s4+s2], $0x4000, $0x38;
	[tilespmem:$0x8200] =	vst v63  }
0xf: {  	v1 =	vshll.u32 v1, $0x5;
	_ =	swait.ge [sflag:s8], $0x4000  }
0x10: {  	v1 =	vor.u32 v0, v1;
	[sflag:s8] =	ssyncset.done $0x0  }
0x11: {  	[sflag:s8] =	ssyncadd.s32 $0xFFFFC000  }
0x12: {  	v2 =	vor.u32 $0x1, v1;
	_ =	swait.ge [sflag:s8], $0x4000  }
0x13: {  	[sflag:s8] =	ssyncset.done $0x0  }
0x14: {  	v3 =	vor.u32 $0x2, v1;
	[sflag:s8] =	ssyncadd.s32 $0xFFFFC000  }
0x15: {  	v4 =	vld.idx.msk [tilespmem:v1+s7+$0x0], $0xffff  }
0x16: {  	v6 =	vor.u32 $0x3, v1;
	v5 =	vld.idx.msk [tilespmem:v1+s2+$0x0], $0xffff  }
0x17: {  	v7 =	vld.idx.msk [tilespmem:v2+s2+$0x0], $0xffff  }
0x18: {  	v8 =	vor.u32 $0x4, v1;
	v2 =	vld.idx.msk [tilespmem:v2+s7+$0x0], $0xffff  }
0x19: {  	v9 =	vld.idx.msk [tilespmem:v3+s2+$0x0], $0xffff  }
0x1a: {  	v10 =	vor.u32 $0x5, v1;
	v3 =	vld.idx.msk [tilespmem:v3+s7+$0x0], $0xffff  }
0x1b: {  	v11 =	vld.idx.msk [tilespmem:v6+s2+$0x0], $0xffff;
	v4 =	vmul.f32 v4, v5  }
0x1c: {  	v41 =	vor.u32 $0x6, v1;
	v40 =	vld.idx.msk [tilespmem:v6+s7+$0x0], $0xffff  }
0x1d: {  	v12 =	vld.idx.msk [tilespmem:v8+s2+$0x0], $0xffff;
	v2 =	vmul.f32 v2, v7;
	v4 =	vadd.f32 $0.0e+00, v4  }
0x1e: {  	v43 =	vor.u32 $0x7, v1;
	v42 =	vld.idx.msk [tilespmem:v8+s7+$0x0], $0xffff  }
0x1f: {  	v13 =	vld.idx.msk [tilespmem:v10+s2+$0x0], $0xffff;
	v3 =	vmul.f32 v3, v9;
	v2 =	vadd.f32 v2, v4  }
0x20: {  	v45 =	vor.u32 $0x8, v1;
	v44 =	vld.idx.msk [tilespmem:v10+s7+$0x0], $0xffff  }
0x21: {  	v46 =	vld.idx.msk [tilespmem:v41+s2+$0x0], $0xffff;
	v2 =	vadd.f32 v3, v2;
	v3 =	vmul.f32 v40, v11  }
0x22: {  	v48 =	vor.u32 $0x9, v1;
	v47 =	vld.idx.msk [tilespmem:v41+s7+$0x0], $0xffff  }
0x23: {  	v49 =	vld.idx.msk [tilespmem:v43+s2+$0x0], $0xffff;
	v2 =	vadd.f32 v3, v2;
	v3 =	vmul.f32 v42, v12  }
0x24: {  	v51 =	vor.u32 $0xA, v1;
	v50 =	vld.idx.msk [tilespmem:v43+s7+$0x0], $0xffff  }
0x25: {  	v52 =	vld.idx.msk [tilespmem:v45+s2+$0x0], $0xffff;
	v2 =	vadd.f32 v3, v2;
	v3 =	vmul.f32 v44, v13  }
0x26: {  	v54 =	vor.u32 $0xB, v1;
	v53 =	vld.idx.msk [tilespmem:v45+s7+$0x0], $0xffff  }
0x27: {  	v55 =	vld.idx.msk [tilespmem:v48+s2+$0x0], $0xffff;
	v2 =	vadd.f32 v3, v2;
	v3 =	vmul.f32 v47, v46  }
0x28: {  	v57 =	vor.u32 $0xC, v1;
	v56 =	vld.idx.msk [tilespmem:v48+s7+$0x0], $0xffff  }
0x29: {  	v58 =	vld.idx.msk [tilespmem:v51+s2+$0x0], $0xffff;
	v2 =	vadd.f32 v3, v2;
	v3 =	vmul.f32 v50, v49  }
0x2a: {  	v60 =	vor.u32 $0xD, v1;
	v59 =	vld.idx.msk [tilespmem:v51+s7+$0x0], $0xffff  }
0x2b: {  	v61 =	vld.idx.msk [tilespmem:v54+s2+$0x0], $0xffff;
	v2 =	vadd.f32 v3, v2;
	v3 =	vmul.f32 v53, v52  }
0x2c: {  	v63 =	vor.u32 $0xE, v1;
	v62 =	vld.idx.msk [tilespmem:v54+s7+$0x0], $0xffff  }
0x2d: {  	v16 =	vld.idx.msk [tilespmem:v57+s2+$0x0], $0xffff;
	v2 =	vadd.f32 v3, v2;
	v3 =	vmul.f32 v56, v55  }
0x2e: {  	v18 =	vor.u32 $0xF, v1;
	v17 =	vld.idx.msk [tilespmem:v57+s7+$0x0], $0xffff  }
0x2f: {  	v19 =	vld.idx.msk [tilespmem:v60+s2+$0x0], $0xffff;
	v2 =	vadd.f32 v3, v2;
	v3 =	vmul.f32 v59, v58  }
0x30: {  	v21 =	vor.u32 $0x10, v1;
	v20 =	vld.idx.msk [tilespmem:v60+s7+$0x0], $0xffff  }
0x31: {  	v22 =	vld.idx.msk [tilespmem:v63+s2+$0x0], $0xffff;
	v2 =	vadd.f32 v3, v2;
	v3 =	vmul.f32 v62, v61  }
0x32: {  	v24 =	vor.u32 $0x11, v1;
	v23 =	vld.idx.msk [tilespmem:v63+s7+$0x0], $0xffff  }
0x33: {  	v25 =	vld.idx.msk [tilespmem:v18+s2+$0x0], $0xffff;
	v2 =	vadd.f32 v3, v2;
	v3 =	vmul.f32 v17, v16  }
0x34: {  	v27 =	vor.u32 $0x12, v1;
	v26 =	vld.idx.msk [tilespmem:v18+s7+$0x0], $0xffff  }
0x35: {  	v28 =	vld.idx.msk [tilespmem:v21+s2+$0x0], $0xffff;
	v2 =	vadd.f32 v3, v2;
	v3 =	vmul.f32 v20, v19  }
0x36: {  	v30 =	vor.u32 $0x13, v1;
	v29 =	vld.idx.msk [tilespmem:v21+s7+$0x0], $0xffff  }
0x37: {  	v31 =	vld.idx.msk [tilespmem:v24+s2+$0x0], $0xffff;
	v2 =	vadd.f32 v3, v2;
	v3 =	vmul.f32 v23, v22  }
0x38: {  	v33 =	vor.u32 $0x14, v1;
	v32 =	vld.idx.msk [tilespmem:v24+s7+$0x0], $0xffff  }
0x39: {  	v34 =	vld.idx.msk [tilespmem:v27+s2+$0x0], $0xffff;
	v2 =	vadd.f32 v3, v2;
	v3 =	vmul.f32 v26, v25  }
0x3a: {  	v36 =	vor.u32 $0x15, v1;
	v35 =	vld.idx.msk [tilespmem:v27+s7+$0x0], $0xffff  }
0x3b: {  	v37 =	vld.idx.msk [tilespmem:v30+s2+$0x0], $0xffff;
	v2 =	vadd.f32 v3, v2;
	v3 =	vmul.f32 v29, v28  }
0x3c: {  	v39 =	vor.u32 $0x16, v1;
	v38 =	vld.idx.msk [tilespmem:v30+s7+$0x0], $0xffff  }
0x3d: {  	v41 =	vld.idx.msk [tilespmem:v33+s7+$0x0], $0xffff;
	v2 =	vadd.f32 v3, v2;
	v3 =	vmul.f32 v32, v31  }
0x3e: {  	v40 =	vld.idx.msk [tilespmem:v33+s2+$0x0], $0xffff;
	v42 =	vor.u32 $0x17, v1  }
0x3f: {  	v43 =	vld.idx.msk [tilespmem:v36+s2+$0x0], $0xffff;
	v2 =	vadd.f32 v3, v2;
	v3 =	vmul.f32 v35, v34  }
0x40: {  	v45 =	vor.u32 $0x18, v1;
	v44 =	vld.idx.msk [tilespmem:v36+s7+$0x0], $0xffff  }
0x41: {  	v46 =	vld.idx.msk [tilespmem:v39+s2+$0x0], $0xffff;
	v2 =	vadd.f32 v3, v2;
	v3 =	vmul.f32 v38, v37  }
0x42: {  	v48 =	vor.u32 $0x19, v1;
	v47 =	vld.idx.msk [tilespmem:v39+s7+$0x0], $0xffff  }
0x43: {  	v49 =	vld.idx.msk [tilespmem:v42+s2+$0x0], $0xffff;
	v2 =	vadd.f32 v3, v2;
	v3 =	vmul.f32 v41, v40  }
0x44: {  	v51 =	vor.u32 $0x1A, v1;
	v50 =	vld.idx.msk [tilespmem:v42+s7+$0x0], $0xffff  }
0x45: {  	v52 =	vld.idx.msk [tilespmem:v45+s2+$0x0], $0xffff;
	v2 =	vadd.f32 v3, v2;
	v3 =	vmul.f32 v44, v43  }
0x46: {  	v54 =	vor.u32 $0x1B, v1;
	v53 =	vld.idx.msk [tilespmem:v45+s7+$0x0], $0xffff  }
0x47: {  	v55 =	vld.idx.msk [tilespmem:v48+s2+$0x0], $0xffff;
	v2 =	vadd.f32 v3, v2;
	v3 =	vmul.f32 v47, v46  }
0x48: {  	v57 =	vor.u32 $0x1C, v1;
	v56 =	vld.idx.msk [tilespmem:v48+s7+$0x0], $0xffff  }
0x49: {  	v58 =	vld.idx.msk [tilespmem:v51+s2+$0x0], $0xffff;
	v2 =	vadd.f32 v3, v2;
	v3 =	vmul.f32 v50, v49  }
0x4a: {  	v60 =	vor.u32 $0x1D, v1;
	v59 =	vld.idx.msk [tilespmem:v51+s7+$0x0], $0xffff  }
0x4b: {  	v61 =	vld.idx.msk [tilespmem:v54+s2+$0x0], $0xffff;
	v2 =	vadd.f32 v3, v2;
	v3 =	vmul.f32 v53, v52  }
0x4c: {  	v63 =	vor.u32 $0x1E, v1;
	v62 =	vld.idx.msk [tilespmem:v54+s7+$0x0], $0xffff  }
0x4d: {  	v16 =	vld.idx.msk [tilespmem:v57+s2+$0x0], $0xffff;
	v2 =	vadd.f32 v3, v2;
	v3 =	vmul.f32 v56, v55  }
0x4e: {  	v1 =	vor.u32 $0x1F, v1;
	v17 =	vld.idx.msk [tilespmem:v57+s7+$0x0], $0xffff  }
0x4f: {  	v18 =	vld.idx.msk [tilespmem:v60+s2+$0x0], $0xffff;
	v2 =	vadd.f32 v3, v2;
	v3 =	vmul.f32 v59, v58  }
0x50: {  	v19 =	vld.idx.msk [tilespmem:v60+s7+$0x0], $0xffff  }
0x51: {  	v21 =	vld.idx.msk [tilespmem:v63+s7+$0x0], $0xffff;
	v2 =	vadd.f32 v3, v2;
	v3 =	vmul.f32 v62, v61  }
0x52: {  	v20 =	vld.idx.msk [tilespmem:v63+s2+$0x0], $0xffff  }
0x53: {  	v22 =	vld.idx.msk [tilespmem:v1+s2+$0x0], $0xffff;
	v2 =	vadd.f32 v3, v2;
	v3 =	vmul.f32 v17, v16  }
0x54: {  	v1 =	vld.idx.msk [tilespmem:v1+s7+$0x0], $0xffff  }
0x55: {  	v2 =	vadd.f32 v3, v2;
	v3 =	vmul.f32 v19, v18;
	_ =	sdelay $0x1  }
0x56: {  	v2 =	vadd.f32 v3, v2;
	v3 =	vmul.f32 v21, v20;
	_ =	sdelay $0x1  }
0x57: {  	v1 =	vmul.f32 v1, v22;
	v2 =	vadd.f32 v3, v2;
	_ =	sdelay $0x1  }
0x58: {  	v1 =	vadd.f32 v1, v2;
	_ =	sdelay $0x1  }
0x59: {  	v1 =	vsub.f32 $0.0e+00, v1;
	_ =	sdelay $0x1  }
0x5a: {  	v1 =	vmul.f32 $1.442695020e+00, v1;
	_ =	sdelay $0x1  }
0x5b: {  	(erf) = vpow2.f32 v1;
	_ =	sdelay $0x8  }
0x5c: {  	v1 =	vpop (erf)  }
0x5d: {  	v1 =	vadd.f32 $1.000000000e+00, v1;
	_ =	sdelay $0x1  }
0x5e: {  	(erf) = vrcp.f32 v1;
	_ =	sdelay $0x2  }
0x5f: {  	s12 =	simm.s32 $0x10  }
0x60: {  	v1 =	vmov s12  }
0x61: {  	v1 =	vshll.u32 v1, $0x5  }
0x62: {  	v1 =	vor.u32 v0, v1;
	_ =	sdelay $0x1  }
0x63: {  	v2 =	vor.u32 $0x1, v1  }
0x64: {  	v3 =	vpop (erf)  }
0x65: {  	v23 =	vor.u32 $0x2, v1;
	[tilespmem:s9+$0x0] =	vst v3  }
0x66: {  	v3 =	vld.idx.msk [tilespmem:v1+s7+$0x0], $0xffff  }
0x67: {  	v25 =	vor.u32 $0x3, v1;
	v24 =	vld.idx.msk [tilespmem:v1+s2+$0x0], $0xffff  }
0x68: {  	v26 =	vld.idx.msk [tilespmem:v2+s2+$0x0], $0xffff  }
0x69: {  	v27 =	vor.u32 $0x4, v1;
	v2 =	vld.idx.msk [tilespmem:v2+s7+$0x0], $0xffff  }
0x6a: {  	v28 =	vld.idx.msk [tilespmem:v23+s2+$0x0], $0xffff  }
0x6b: {  	v29 =	vor.u32 $0x5, v1;
	v4 =	vld.idx.msk [tilespmem:v23+s7+$0x0], $0xffff  }
0x6c: {  	v30 =	vld.idx.msk [tilespmem:v25+s2+$0x0], $0xffff;
	v3 =	vmul.f32 v3, v24  }
0x6d: {  	v32 =	vor.u32 $0x6, v1;
	v31 =	vld.idx.msk [tilespmem:v25+s7+$0x0], $0xffff  }
0x6e: {  	v33 =	vld.idx.msk [tilespmem:v27+s2+$0x0], $0xffff;
	v2 =	vmul.f32 v2, v26;
	v3 =	vadd.f32 $0.0e+00, v3  }
0x6f: {  	v35 =	vor.u32 $0x7, v1;
	v34 =	vld.idx.msk [tilespmem:v27+s7+$0x0], $0xffff  }
0x70: {  	v36 =	vld.idx.msk [tilespmem:v29+s2+$0x0], $0xffff;
	v2 =	vadd.f32 v2, v3;
	v3 =	vmul.f32 v4, v28  }
0x71: {  	v38 =	vor.u32 $0x8, v1;
	v37 =	vld.idx.msk [tilespmem:v29+s7+$0x0], $0xffff  }
0x72: {  	v39 =	vld.idx.msk [tilespmem:v32+s2+$0x0], $0xffff;
	v2 =	vadd.f32 v3, v2;
	v3 =	vmul.f32 v31, v30  }
0x73: {  	v41 =	vor.u32 $0x9, v1;
	v40 =	vld.idx.msk [tilespmem:v32+s7+$0x0], $0xffff  }
0x74: {  	v42 =	vld.idx.msk [tilespmem:v35+s2+$0x0], $0xffff;
	v2 =	vadd.f32 v3, v2;
	v3 =	vmul.f32 v34, v33  }
0x75: {  	v44 =	vor.u32 $0xA, v1;
	v43 =	vld.idx.msk [tilespmem:v35+s7+$0x0], $0xffff  }
0x76: {  	v45 =	vld.idx.msk [tilespmem:v38+s2+$0x0], $0xffff;
	v2 =	vadd.f32 v3, v2;
	v3 =	vmul.f32 v37, v36  }
0x77: {  	v47 =	vor.u32 $0xB, v1;
	v46 =	vld.idx.msk [tilespmem:v38+s7+$0x0], $0xffff  }
0x78: {  	v48 =	vld.idx.msk [tilespmem:v41+s2+$0x0], $0xffff;
	v2 =	vadd.f32 v3, v2;
	v3 =	vmul.f32 v40, v39  }
0x79: {  	v50 =	vor.u32 $0xC, v1;
	v49 =	vld.idx.msk [tilespmem:v41+s7+$0x0], $0xffff  }
0x7a: {  	v51 =	vld.idx.msk [tilespmem:v44+s2+$0x0], $0xffff;
	v2 =	vadd.f32 v3, v2;
	v3 =	vmul.f32 v43, v42  }
0x7b: {  	v53 =	vor.u32 $0xD, v1;
	v52 =	vld.idx.msk [tilespmem:v44+s7+$0x0], $0xffff  }
0x7c: {  	v54 =	vld.idx.msk [tilespmem:v47+s2+$0x0], $0xffff;
	v2 =	vadd.f32 v3, v2;
	v3 =	vmul.f32 v46, v45  }
0x7d: {  	v56 =	vor.u32 $0xE, v1;
	v55 =	vld.idx.msk [tilespmem:v47+s7+$0x0], $0xffff  }
0x7e: {  	v57 =	vld.idx.msk [tilespmem:v50+s2+$0x0], $0xffff;
	v2 =	vadd.f32 v3, v2;
	v3 =	vmul.f32 v49, v48  }
0x7f: {  	v59 =	vor.u32 $0xF, v1;
	v58 =	vld.idx.msk [tilespmem:v50+s7+$0x0], $0xffff  }
0x80: {  	v60 =	vld.idx.msk [tilespmem:v53+s2+$0x0], $0xffff;
	v2 =	vadd.f32 v3, v2;
	v3 =	vmul.f32 v52, v51  }
0x81: {  	v62 =	vor.u32 $0x10, v1;
	v61 =	vld.idx.msk [tilespmem:v53+s7+$0x0], $0xffff  }
0x82: {  	v63 =	vld.idx.msk [tilespmem:v56+s2+$0x0], $0xffff;
	v2 =	vadd.f32 v3, v2;
	v3 =	vmul.f32 v55, v54  }
0x83: {  	v17 =	vor.u32 $0x11, v1;
	v16 =	vld.idx.msk [tilespmem:v56+s7+$0x0], $0xffff  }
0x84: {  	v18 =	vld.idx.msk [tilespmem:v59+s2+$0x0], $0xffff;
	v2 =	vadd.f32 v3, v2;
	v3 =	vmul.f32 v58, v57  }
0x85: {  	v20 =	vor.u32 $0x12, v1;
	v19 =	vld.idx.msk [tilespmem:v59+s7+$0x0], $0xffff  }
0x86: {  	v21 =	vld.idx.msk [tilespmem:v62+s2+$0x0], $0xffff;
	v2 =	vadd.f32 v3, v2;
	v3 =	vmul.f32 v61, v60  }
0x87: {  	v22 =	vld.idx.msk [tilespmem:v62+s7+$0x0], $0xffff;
	v23 =	vor.u32 $0x13, v1  }
0x88: {  	v25 =	vld.idx.msk [tilespmem:v17+s7+$0x0], $0xffff;
	v2 =	vadd.f32 v3, v2;
	v3 =	vmul.f32 v16, v63  }
0x89: {  	v24 =	vld.idx.msk [tilespmem:v17+s2+$0x0], $0xffff;
	v26 =	vor.u32 $0x14, v1  }
0x8a: {  	v27 =	vld.idx.msk [tilespmem:v20+s2+$0x0], $0xffff;
	v2 =	vadd.f32 v3, v2;
	v3 =	vmul.f32 v19, v18  }
0x8b: {  	v29 =	vor.u32 $0x15, v1;
	v28 =	vld.idx.msk [tilespmem:v20+s7+$0x0], $0xffff  }
0x8c: {  	v30 =	vld.idx.msk [tilespmem:v23+s2+$0x0], $0xffff;
	v2 =	vadd.f32 v3, v2;
	v3 =	vmul.f32 v22, v21  }
0x8d: {  	v32 =	vor.u32 $0x16, v1;
	v31 =	vld.idx.msk [tilespmem:v23+s7+$0x0], $0xffff  }
0x8e: {  	v33 =	vld.idx.msk [tilespmem:v26+s2+$0x0], $0xffff;
	v2 =	vadd.f32 v3, v2;
	v3 =	vmul.f32 v25, v24  }
0x8f: {  	v35 =	vor.u32 $0x17, v1;
	v34 =	vld.idx.msk [tilespmem:v26+s7+$0x0], $0xffff  }
0x90: {  	v36 =	vld.idx.msk [tilespmem:v29+s2+$0x0], $0xffff;
	v2 =	vadd.f32 v3, v2;
	v3 =	vmul.f32 v28, v27  }
0x91: {  	v38 =	vor.u32 $0x18, v1;
	v37 =	vld.idx.msk [tilespmem:v29+s7+$0x0], $0xffff  }
0x92: {  	v39 =	vld.idx.msk [tilespmem:v32+s2+$0x0], $0xffff;
	v2 =	vadd.f32 v3, v2;
	v3 =	vmul.f32 v31, v30  }
0x93: {  	v41 =	vor.u32 $0x19, v1;
	v40 =	vld.idx.msk [tilespmem:v32+s7+$0x0], $0xffff  }
0x94: {  	v42 =	vld.idx.msk [tilespmem:v35+s2+$0x0], $0xffff;
	v2 =	vadd.f32 v3, v2;
	v3 =	vmul.f32 v34, v33  }
0x95: {  	v44 =	vor.u32 $0x1A, v1;
	v43 =	vld.idx.msk [tilespmem:v35+s7+$0x0], $0xffff  }
0x96: {  	v45 =	vld.idx.msk [tilespmem:v38+s2+$0x0], $0xffff;
	v2 =	vadd.f32 v3, v2;
	v3 =	vmul.f32 v37, v36  }
0x97: {  	v47 =	vor.u32 $0x1B, v1;
	v46 =	vld.idx.msk [tilespmem:v38+s7+$0x0], $0xffff  }
0x98: {  	v48 =	vld.idx.msk [tilespmem:v41+s2+$0x0], $0xffff;
	v2 =	vadd.f32 v3, v2;
	v3 =	vmul.f32 v40, v39  }
0x99: {  	v50 =	vor.u32 $0x1C, v1;
	v49 =	vld.idx.msk [tilespmem:v41+s7+$0x0], $0xffff  }
0x9a: {  	v51 =	vld.idx.msk [tilespmem:v44+s2+$0x0], $0xffff;
	v2 =	vadd.f32 v3, v2;
	v3 =	vmul.f32 v43, v42  }
0x9b: {  	v53 =	vor.u32 $0x1D, v1;
	v52 =	vld.idx.msk [tilespmem:v44+s7+$0x0], $0xffff  }
0x9c: {  	v54 =	vld.idx.msk [tilespmem:v47+s2+$0x0], $0xffff;
	v2 =	vadd.f32 v3, v2;
	v3 =	vmul.f32 v46, v45  }
0x9d: {  	v56 =	vor.u32 $0x1E, v1;
	v55 =	vld.idx.msk [tilespmem:v47+s7+$0x0], $0xffff  }
0x9e: {  	v57 =	vld.idx.msk [tilespmem:v50+s2+$0x0], $0xffff;
	v2 =	vadd.f32 v3, v2;
	v3 =	vmul.f32 v49, v48  }
0x9f: {  	v1 =	vor.u32 $0x1F, v1;
	v58 =	vld.idx.msk [tilespmem:v50+s7+$0x0], $0xffff  }
0xa0: {  	v59 =	vld.idx.msk [tilespmem:v53+s2+$0x0], $0xffff;
	v2 =	vadd.f32 v3, v2;
	v3 =	vmul.f32 v52, v51  }
0xa1: {  	v60 =	vld.idx.msk [tilespmem:v53+s7+$0x0], $0xffff  }
0xa2: {  	v62 =	vld.idx.msk [tilespmem:v56+s7+$0x0], $0xffff;
	v2 =	vadd.f32 v3, v2;
	v3 =	vmul.f32 v55, v54  }
0xa3: {  	v61 =	vld.idx.msk [tilespmem:v56+s2+$0x0], $0xffff  }
0xa4: {  	v63 =	vld.idx.msk [tilespmem:v1+s2+$0x0], $0xffff;
	v2 =	vadd.f32 v3, v2;
	v3 =	vmul.f32 v58, v57  }
0xa5: {  	v1 =	vld.idx.msk [tilespmem:v1+s7+$0x0], $0xffff  }
0xa6: {  	v2 =	vadd.f32 v3, v2;
	v3 =	vmul.f32 v60, v59;
	_ =	sdelay $0x1  }
0xa7: {  	v2 =	vadd.f32 v3, v2;
	v3 =	vmul.f32 v62, v61;
	_ =	sdelay $0x1  }
0xa8: {  	v1 =	vmul.f32 v1, v63;
	v2 =	vadd.f32 v3, v2;
	_ =	sdelay $0x1  }
0xa9: {  	v1 =	vadd.f32 v1, v2;
	_ =	sdelay $0x1  }
0xaa: {  	v1 =	vsub.f32 $0.0e+00, v1;
	_ =	sdelay $0x1  }
0xab: {  	v1 =	vmul.f32 $1.442695020e+00, v1;
	_ =	sdelay $0x1  }
0xac: {  	(erf) = vpow2.f32 v1;
	_ =	sdelay $0x8  }
0xad: {  	v1 =	vpop (erf)  }
0xae: {  	v1 =	vadd.f32 $1.000000000e+00, v1;
	_ =	sdelay $0x1  }
0xaf: {  	(erf) = vrcp.f32 v1;
	_ =	sdelay $0x2  }
0xb0: {  	s31 =	simm.s32 $0x20  }
0xb1: {  	v2 =	vmov s31  }
0xb2: {  	s13 =	simm.s32 $0x30;
	s12 =	simm.s32 $0x8000;
	v1 =	vshll.u32 v2, $0x5  }
.LBB2_2:
0xb3: {  	p0 =	sne.s32 s13, $0x1F0;
	v1 =	vor.u32 v0, v1;
	_ =	sdelay $0x1  }
0xb4: {  	v2 =	vor.u32 $0x1, v1  }
0xb5: {  	s12 =	sadd.s32 $0x10, s12;
	v3 =	vpop (erf)  }
0xb6: {  	v4 =	vor.u32 $0x2, v1;
	[tilespmem:s12+$0x0] =	vst v3  }
0xb7: {  	v3 =	vld.idx.msk [tilespmem:v1+s7+$0x0], $0xffff  }
0xb8: {  	v6 =	vor.u32 $0x3, v1;
	v5 =	vld.idx.msk [tilespmem:v1+s2+$0x0], $0xffff  }
0xb9: {  	v7 =	vld.idx.msk [tilespmem:v2+s2+$0x0], $0xffff  }
0xba: {  	v8 =	vor.u32 $0x4, v1;
	v2 =	vld.idx.msk [tilespmem:v2+s7+$0x0], $0xffff  }
0xbb: {  	v9 =	vld.idx.msk [tilespmem:v4+s2+$0x0], $0xffff  }
0xbc: {  	v10 =	vor.u32 $0x5, v1;
	v4 =	vld.idx.msk [tilespmem:v4+s7+$0x0], $0xffff  }
0xbd: {  	v11 =	vld.idx.msk [tilespmem:v6+s2+$0x0], $0xffff  }
0xbe: {  	v3 =	vmul.f32 v3, v5;
	v5 =	vld.idx.msk [tilespmem:v6+s7+$0x0], $0xffff;
	v6 =	vor.u32 $0x6, v1  }
0xbf: {  	v12 =	vld.idx.msk [tilespmem:v8+s2+$0x0], $0xffff  }
0xc0: {  	v3 =	vadd.f32 $0.0e+00, v3;
	v2 =	vmul.f32 v2, v7;
	v7 =	vld.idx.msk [tilespmem:v8+s7+$0x0], $0xffff;
	v8 =	vor.u32 $0x7, v1  }
0xc1: {  	v13 =	vld.idx.msk [tilespmem:v10+s2+$0x0], $0xffff  }
0xc2: {  	v2 =	vadd.f32 v2, v3;
	v3 =	vmul.f32 v4, v9;
	v9 =	vor.u32 $0x8, v1;
	v4 =	vld.idx.msk [tilespmem:v10+s7+$0x0], $0xffff  }
0xc3: {  	v10 =	vld.idx.msk [tilespmem:v6+s2+$0x0], $0xffff  }
0xc4: {  	v2 =	vadd.f32 v3, v2;
	v3 =	vmul.f32 v5, v11;
	v5 =	vld.idx.msk [tilespmem:v6+s7+$0x0], $0xffff;
	v6 =	vor.u32 $0x9, v1  }
0xc5: {  	v11 =	vld.idx.msk [tilespmem:v8+s2+$0x0], $0xffff  }
0xc6: {  	v2 =	vadd.f32 v3, v2;
	v3 =	vmul.f32 v7, v12;
	v7 =	vld.idx.msk [tilespmem:v8+s7+$0x0], $0xffff;
	v8 =	vor.u32 $0xA, v1  }
0xc7: {  	v12 =	vld.idx.msk [tilespmem:v9+s2+$0x0], $0xffff  }
0xc8: {  	v2 =	vadd.f32 v3, v2;
	v3 =	vmul.f32 v4, v13;
	v4 =	vld.idx.msk [tilespmem:v9+s7+$0x0], $0xffff;
	v9 =	vor.u32 $0xB, v1  }
0xc9: {  	v13 =	vld.idx.msk [tilespmem:v6+s2+$0x0], $0xffff  }
0xca: {  	v2 =	vadd.f32 v3, v2;
	v3 =	vmul.f32 v5, v10;
	v5 =	vld.idx.msk [tilespmem:v6+s7+$0x0], $0xffff;
	v6 =	vor.u32 $0xC, v1  }
0xcb: {  	v10 =	vld.idx.msk [tilespmem:v8+s2+$0x0], $0xffff  }
0xcc: {  	v2 =	vadd.f32 v3, v2;
	v3 =	vmul.f32 v7, v11;
	v7 =	vld.idx.msk [tilespmem:v8+s7+$0x0], $0xffff;
	v8 =	vor.u32 $0xD, v1  }
0xcd: {  	v11 =	vld.idx.msk [tilespmem:v9+s2+$0x0], $0xffff  }
0xce: {  	v2 =	vadd.f32 v3, v2;
	v3 =	vmul.f32 v4, v12;
	v4 =	vld.idx.msk [tilespmem:v9+s7+$0x0], $0xffff;
	v9 =	vor.u32 $0xE, v1  }
0xcf: {  	v12 =	vld.idx.msk [tilespmem:v6+s2+$0x0], $0xffff  }
0xd0: {  	v2 =	vadd.f32 v3, v2;
	v3 =	vmul.f32 v5, v13;
	v5 =	vld.idx.msk [tilespmem:v6+s7+$0x0], $0xffff;
	v6 =	vor.u32 $0xF, v1  }
0xd1: {  	v13 =	vld.idx.msk [tilespmem:v8+s2+$0x0], $0xffff  }
0xd2: {  	v2 =	vadd.f32 v3, v2;
	v3 =	vmul.f32 v7, v10;
	v7 =	vld.idx.msk [tilespmem:v8+s7+$0x0], $0xffff;
	v8 =	vor.u32 $0x10, v1  }
0xd3: {  	v10 =	vld.idx.msk [tilespmem:v9+s2+$0x0], $0xffff  }
0xd4: {  	v2 =	vadd.f32 v3, v2;
	v3 =	vmul.f32 v4, v11;
	v4 =	vld.idx.msk [tilespmem:v9+s7+$0x0], $0xffff;
	v9 =	vor.u32 $0x11, v1  }
0xd5: {  	v11 =	vld.idx.msk [tilespmem:v6+s2+$0x0], $0xffff  }
0xd6: {  	v2 =	vadd.f32 v3, v2;
	v3 =	vmul.f32 v5, v12;
	v5 =	vld.idx.msk [tilespmem:v6+s7+$0x0], $0xffff;
	v6 =	vor.u32 $0x12, v1  }
0xd7: {  	v12 =	vld.idx.msk [tilespmem:v8+s2+$0x0], $0xffff  }
0xd8: {  	v2 =	vadd.f32 v3, v2;
	v3 =	vmul.f32 v7, v13;
	v7 =	vld.idx.msk [tilespmem:v8+s7+$0x0], $0xffff;
	v8 =	vor.u32 $0x13, v1  }
0xd9: {  	v13 =	vld.idx.msk [tilespmem:v9+s2+$0x0], $0xffff  }
0xda: {  	v2 =	vadd.f32 v3, v2;
	v3 =	vmul.f32 v4, v10;
	v4 =	vld.idx.msk [tilespmem:v9+s7+$0x0], $0xffff;
	v9 =	vor.u32 $0x14, v1  }
0xdb: {  	v10 =	vld.idx.msk [tilespmem:v6+s2+$0x0], $0xffff  }
0xdc: {  	v2 =	vadd.f32 v3, v2;
	v3 =	vmul.f32 v5, v11;
	v5 =	vld.idx.msk [tilespmem:v6+s7+$0x0], $0xffff;
	v6 =	vor.u32 $0x15, v1  }
0xdd: {  	v11 =	vld.idx.msk [tilespmem:v8+s2+$0x0], $0xffff  }
0xde: {  	v2 =	vadd.f32 v3, v2;
	v3 =	vmul.f32 v7, v12;
	v7 =	vld.idx.msk [tilespmem:v8+s7+$0x0], $0xffff;
	v8 =	vor.u32 $0x16, v1  }
0xdf: {  	v12 =	vld.idx.msk [tilespmem:v9+s2+$0x0], $0xffff  }
0xe0: {  	v2 =	vadd.f32 v3, v2;
	v3 =	vmul.f32 v4, v13;
	v4 =	vld.idx.msk [tilespmem:v9+s7+$0x0], $0xffff;
	v9 =	vor.u32 $0x17, v1  }
0xe1: {  	v13 =	vld.idx.msk [tilespmem:v6+s2+$0x0], $0xffff  }
0xe2: {  	v2 =	vadd.f32 v3, v2;
	v3 =	vmul.f32 v5, v10;
	v5 =	vld.idx.msk [tilespmem:v6+s7+$0x0], $0xffff;
	v6 =	vor.u32 $0x18, v1  }
0xe3: {  	v10 =	vld.idx.msk [tilespmem:v8+s2+$0x0], $0xffff  }
0xe4: {  	v2 =	vadd.f32 v3, v2;
	v3 =	vmul.f32 v7, v11;
	v7 =	vld.idx.msk [tilespmem:v8+s7+$0x0], $0xffff;
	v8 =	vor.u32 $0x19, v1  }
0xe5: {  	v11 =	vld.idx.msk [tilespmem:v9+s2+$0x0], $0xffff  }
0xe6: {  	v2 =	vadd.f32 v3, v2;
	v3 =	vmul.f32 v4, v12;
	v4 =	vld.idx.msk [tilespmem:v9+s7+$0x0], $0xffff;
	v9 =	vor.u32 $0x1A, v1  }
0xe7: {  	v12 =	vld.idx.msk [tilespmem:v6+s2+$0x0], $0xffff  }
0xe8: {  	v2 =	vadd.f32 v3, v2;
	v3 =	vmul.f32 v5, v13;
	v5 =	vld.idx.msk [tilespmem:v6+s7+$0x0], $0xffff;
	v6 =	vor.u32 $0x1B, v1  }
0xe9: {  	v13 =	vld.idx.msk [tilespmem:v8+s2+$0x0], $0xffff  }
0xea: {  	v2 =	vadd.f32 v3, v2;
	v3 =	vmul.f32 v7, v10;
	v7 =	vld.idx.msk [tilespmem:v8+s7+$0x0], $0xffff;
	v8 =	vor.u32 $0x1C, v1  }
0xeb: {  	v10 =	vld.idx.msk [tilespmem:v9+s2+$0x0], $0xffff  }
0xec: {  	v2 =	vadd.f32 v3, v2;
	v3 =	vmul.f32 v4, v11;
	v4 =	vld.idx.msk [tilespmem:v9+s7+$0x0], $0xffff;
	v9 =	vor.u32 $0x1D, v1  }
0xed: {  	v11 =	vld.idx.msk [tilespmem:v6+s2+$0x0], $0xffff  }
0xee: {  	v2 =	vadd.f32 v3, v2;
	v3 =	vmul.f32 v5, v12;
	v5 =	vld.idx.msk [tilespmem:v6+s7+$0x0], $0xffff;
	v6 =	vor.u32 $0x1E, v1  }
0xef: {  	v12 =	vld.idx.msk [tilespmem:v8+s2+$0x0], $0xffff  }
0xf0: {  	v1 =	vor.u32 $0x1F, v1;
	v2 =	vadd.f32 v3, v2;
	v3 =	vmul.f32 v7, v13;
	v7 =	vld.idx.msk [tilespmem:v8+s7+$0x0], $0xffff  }
0xf1: {  	v8 =	vld.idx.msk [tilespmem:v9+s2+$0x0], $0xffff  }
0xf2: {  	v2 =	vadd.f32 v3, v2;
	v3 =	vmul.f32 v4, v10;
	v4 =	vld.idx.msk [tilespmem:v9+s7+$0x0], $0xffff  }
0xf3: {  	v9 =	vld.idx.msk [tilespmem:v6+s2+$0x0], $0xffff  }
0xf4: {  	v2 =	vadd.f32 v3, v2;
	v3 =	vmul.f32 v5, v11;
	v5 =	vld.idx.msk [tilespmem:v6+s7+$0x0], $0xffff  }
0xf5: {  	v6 =	vld.idx.msk [tilespmem:v1+s2+$0x0], $0xffff  }
0xf6: {  	v2 =	vadd.f32 v3, v2;
	v3 =	vmul.f32 v7, v12;
	v1 =	vld.idx.msk [tilespmem:v1+s7+$0x0], $0xffff;
	_ =	sdelay $0x1  }
0xf7: {  	v2 =	vadd.f32 v3, v2;
	v3 =	vmul.f32 v4, v8;
	_ =	sdelay $0x1  }
0xf8: {  	v2 =	vadd.f32 v3, v2;
	v3 =	vmul.f32 v5, v9;
	_ =	sdelay $0x1  }
0xf9: {  	v2 =	vadd.f32 v3, v2;
	v1 =	vmul.f32 v1, v6;
	_ =	sdelay $0x1  }
0xfa: {  	v1 =	vadd.f32 v1, v2;
	_ =	sdelay $0x1  }
0xfb: {  	v1 =	vsub.f32 $0.0e+00, v1;
	_ =	sdelay $0x1  }
0xfc: {  	v1 =	vmul.f32 $1.442695020e+00, v1;
	_ =	sdelay $0x1  }
0xfd: {  	(erf) = vpow2.f32 v1;
	_ =	sdelay $0x8  }
0xfe: {  	v1 =	vpop (erf)  }
0xff: {  	v1 =	vadd.f32 $1.000000000e+00, v1;
	_ =	sdelay $0x1  }
0x100: {  	(erf) = vrcp.f32 v1  }
.Ltmp0:
0x101: {  	(pc) =	sbr.rel @p0 .LBB2_2-.Ltmp0, $3  }
0x102: {  	_ =	sdelay $0x1  }
0x103: {  	v1 =	vmov s13  }
0x104: {  	s13 =	sadd.s32 $0x10, s13;
	v1 =	vshll.u32 v1, $0x5  }
0x105: {  	v1 =	vor.u32 v0, v1;
	_ =	sdelay $0x1  }
0x106: {  	v2 =	vor.u32 $0x1, v1  }
0x107: {  	s12 =	sadd.s32 $0x10, s12;
	v3 =	vpop (erf)  }
0x108: {  	v4 =	vor.u32 $0x2, v1;
	[tilespmem:s12+$0x0] =	vst v3  }
0x109: {  	v3 =	vld.idx.msk [tilespmem:v1+s7+$0x0], $0xffff  }
0x10a: {  	v6 =	vor.u32 $0x3, v1;
	v5 =	vld.idx.msk [tilespmem:v1+s2+$0x0], $0xffff  }
0x10b: {  	v7 =	vld.idx.msk [tilespmem:v2+s2+$0x0], $0xffff  }
0x10c: {  	v8 =	vor.u32 $0x4, v1;
	v2 =	vld.idx.msk [tilespmem:v2+s7+$0x0], $0xffff  }
0x10d: {  	v9 =	vld.idx.msk [tilespmem:v4+s2+$0x0], $0xffff  }
0x10e: {  	v10 =	vor.u32 $0x5, v1;
	v4 =	vld.idx.msk [tilespmem:v4+s7+$0x0], $0xffff  }
0x10f: {  	v11 =	vld.idx.msk [tilespmem:v6+s2+$0x0], $0xffff;
	v3 =	vmul.f32 v3, v5  }
0x110: {  	v34 =	vor.u32 $0x6, v1;
	v33 =	vld.idx.msk [tilespmem:v6+s7+$0x0], $0xffff  }
0x111: {  	v12 =	vld.idx.msk [tilespmem:v8+s2+$0x0], $0xffff;
	v2 =	vmul.f32 v2, v7;
	v3 =	vadd.f32 $0.0e+00, v3  }
0x112: {  	v36 =	vor.u32 $0x7, v1;
	v35 =	vld.idx.msk [tilespmem:v8+s7+$0x0], $0xffff  }
0x113: {  	v13 =	vld.idx.msk [tilespmem:v10+s2+$0x0], $0xffff;
	v2 =	vadd.f32 v2, v3;
	v3 =	vmul.f32 v4, v9  }
0x114: {  	v38 =	vor.u32 $0x8, v1;
	v37 =	vld.idx.msk [tilespmem:v10+s7+$0x0], $0xffff  }
0x115: {  	v39 =	vld.idx.msk [tilespmem:v34+s2+$0x0], $0xffff;
	v2 =	vadd.f32 v3, v2;
	v3 =	vmul.f32 v33, v11  }
0x116: {  	v41 =	vor.u32 $0x9, v1;
	v40 =	vld.idx.msk [tilespmem:v34+s7+$0x0], $0xffff  }
0x117: {  	v42 =	vld.idx.msk [tilespmem:v36+s2+$0x0], $0xffff;
	v2 =	vadd.f32 v3, v2;
	v3 =	vmul.f32 v35, v12  }
0x118: {  	v44 =	vor.u32 $0xA, v1;
	v43 =	vld.idx.msk [tilespmem:v36+s7+$0x0], $0xffff  }
0x119: {  	v45 =	vld.idx.msk [tilespmem:v38+s2+$0x0], $0xffff;
	v2 =	vadd.f32 v3, v2;
	v3 =	vmul.f32 v37, v13  }
0x11a: {  	v47 =	vor.u32 $0xB, v1;
	v46 =	vld.idx.msk [tilespmem:v38+s7+$0x0], $0xffff  }
0x11b: {  	v48 =	vld.idx.msk [tilespmem:v41+s2+$0x0], $0xffff;
	v2 =	vadd.f32 v3, v2;
	v3 =	vmul.f32 v40, v39  }
0x11c: {  	v50 =	vor.u32 $0xC, v1;
	v49 =	vld.idx.msk [tilespmem:v41+s7+$0x0], $0xffff  }
0x11d: {  	v51 =	vld.idx.msk [tilespmem:v44+s2+$0x0], $0xffff;
	v2 =	vadd.f32 v3, v2;
	v3 =	vmul.f32 v43, v42  }
0x11e: {  	v53 =	vor.u32 $0xD, v1;
	v52 =	vld.idx.msk [tilespmem:v44+s7+$0x0], $0xffff  }
0x11f: {  	v54 =	vld.idx.msk [tilespmem:v47+s2+$0x0], $0xffff;
	v2 =	vadd.f32 v3, v2;
	v3 =	vmul.f32 v46, v45  }
0x120: {  	v56 =	vor.u32 $0xE, v1;
	v55 =	vld.idx.msk [tilespmem:v47+s7+$0x0], $0xffff  }
0x121: {  	v57 =	vld.idx.msk [tilespmem:v50+s2+$0x0], $0xffff;
	v2 =	vadd.f32 v3, v2;
	v3 =	vmul.f32 v49, v48  }
0x122: {  	v59 =	vor.u32 $0xF, v1;
	v58 =	vld.idx.msk [tilespmem:v50+s7+$0x0], $0xffff  }
0x123: {  	v60 =	vld.idx.msk [tilespmem:v53+s2+$0x0], $0xffff;
	v2 =	vadd.f32 v3, v2;
	v3 =	vmul.f32 v52, v51  }
0x124: {  	v62 =	vor.u32 $0x10, v1;
	v61 =	vld.idx.msk [tilespmem:v53+s7+$0x0], $0xffff  }
0x125: {  	v63 =	vld.idx.msk [tilespmem:v56+s2+$0x0], $0xffff;
	v2 =	vadd.f32 v3, v2;
	v3 =	vmul.f32 v55, v54  }
0x126: {  	v17 =	vor.u32 $0x11, v1;
	v16 =	vld.idx.msk [tilespmem:v56+s7+$0x0], $0xffff  }
0x127: {  	v18 =	vld.idx.msk [tilespmem:v59+s2+$0x0], $0xffff;
	v2 =	vadd.f32 v3, v2;
	v3 =	vmul.f32 v58, v57  }
0x128: {  	v20 =	vor.u32 $0x12, v1;
	v19 =	vld.idx.msk [tilespmem:v59+s7+$0x0], $0xffff  }
0x129: {  	v21 =	vld.idx.msk [tilespmem:v62+s2+$0x0], $0xffff;
	v2 =	vadd.f32 v3, v2;
	v3 =	vmul.f32 v61, v60  }
0x12a: {  	v23 =	vor.u32 $0x13, v1;
	v22 =	vld.idx.msk [tilespmem:v62+s7+$0x0], $0xffff  }
0x12b: {  	v24 =	vld.idx.msk [tilespmem:v17+s2+$0x0], $0xffff;
	v2 =	vadd.f32 v3, v2;
	v3 =	vmul.f32 v16, v63  }
0x12c: {  	v26 =	vor.u32 $0x14, v1;
	v25 =	vld.idx.msk [tilespmem:v17+s7+$0x0], $0xffff  }
0x12d: {  	v27 =	vld.idx.msk [tilespmem:v20+s2+$0x0], $0xffff;
	v2 =	vadd.f32 v3, v2;
	v3 =	vmul.f32 v19, v18  }
0x12e: {  	v29 =	vor.u32 $0x15, v1;
	v28 =	vld.idx.msk [tilespmem:v20+s7+$0x0], $0xffff  }
0x12f: {  	v30 =	vld.idx.msk [tilespmem:v23+s2+$0x0], $0xffff;
	v2 =	vadd.f32 v3, v2;
	v3 =	vmul.f32 v22, v21  }
0x130: {  	v32 =	vor.u32 $0x16, v1;
	v31 =	vld.idx.msk [tilespmem:v23+s7+$0x0], $0xffff  }
0x131: {  	v34 =	vld.idx.msk [tilespmem:v26+s7+$0x0], $0xffff;
	v2 =	vadd.f32 v3, v2;
	v3 =	vmul.f32 v25, v24  }
0x132: {  	v33 =	vld.idx.msk [tilespmem:v26+s2+$0x0], $0xffff;
	v35 =	vor.u32 $0x17, v1  }
0x133: {  	v36 =	vld.idx.msk [tilespmem:v29+s2+$0x0], $0xffff;
	v2 =	vadd.f32 v3, v2;
	v3 =	vmul.f32 v28, v27  }
0x134: {  	v38 =	vor.u32 $0x18, v1;
	v37 =	vld.idx.msk [tilespmem:v29+s7+$0x0], $0xffff  }
0x135: {  	v39 =	vld.idx.msk [tilespmem:v32+s2+$0x0], $0xffff;
	v2 =	vadd.f32 v3, v2;
	v3 =	vmul.f32 v31, v30  }
0x136: {  	v41 =	vor.u32 $0x19, v1;
	v40 =	vld.idx.msk [tilespmem:v32+s7+$0x0], $0xffff  }
0x137: {  	v42 =	vld.idx.msk [tilespmem:v35+s2+$0x0], $0xffff;
	v2 =	vadd.f32 v3, v2;
	v3 =	vmul.f32 v34, v33  }
0x138: {  	v44 =	vor.u32 $0x1A, v1;
	v43 =	vld.idx.msk [tilespmem:v35+s7+$0x0], $0xffff  }
0x139: {  	v45 =	vld.idx.msk [tilespmem:v38+s2+$0x0], $0xffff;
	v2 =	vadd.f32 v3, v2;
	v3 =	vmul.f32 v37, v36  }
0x13a: {  	v47 =	vor.u32 $0x1B, v1;
	v46 =	vld.idx.msk [tilespmem:v38+s7+$0x0], $0xffff  }
0x13b: {  	v48 =	vld.idx.msk [tilespmem:v41+s2+$0x0], $0xffff;
	v2 =	vadd.f32 v3, v2;
	v3 =	vmul.f32 v40, v39  }
0x13c: {  	v50 =	vor.u32 $0x1C, v1;
	v49 =	vld.idx.msk [tilespmem:v41+s7+$0x0], $0xffff  }
0x13d: {  	v51 =	vld.idx.msk [tilespmem:v44+s2+$0x0], $0xffff;
	v2 =	vadd.f32 v3, v2;
	v3 =	vmul.f32 v43, v42  }
0x13e: {  	v53 =	vor.u32 $0x1D, v1;
	v52 =	vld.idx.msk [tilespmem:v44+s7+$0x0], $0xffff  }
0x13f: {  	v54 =	vld.idx.msk [tilespmem:v47+s2+$0x0], $0xffff;
	v2 =	vadd.f32 v3, v2;
	v3 =	vmul.f32 v46, v45  }
0x140: {  	v56 =	vor.u32 $0x1E, v1;
	v55 =	vld.idx.msk [tilespmem:v47+s7+$0x0], $0xffff  }
0x141: {  	v57 =	vld.idx.msk [tilespmem:v50+s2+$0x0], $0xffff;
	v2 =	vadd.f32 v3, v2;
	v3 =	vmul.f32 v49, v48  }
0x142: {  	v1 =	vor.u32 $0x1F, v1;
	v58 =	vld.idx.msk [tilespmem:v50+s7+$0x0], $0xffff  }
0x143: {  	v59 =	vld.idx.msk [tilespmem:v53+s2+$0x0], $0xffff;
	v2 =	vadd.f32 v3, v2;
	v3 =	vmul.f32 v52, v51  }
0x144: {  	v60 =	vld.idx.msk [tilespmem:v53+s7+$0x0], $0xffff  }
0x145: {  	v62 =	vld.idx.msk [tilespmem:v56+s7+$0x0], $0xffff;
	v2 =	vadd.f32 v3, v2;
	v3 =	vmul.f32 v55, v54  }
0x146: {  	v61 =	vld.idx.msk [tilespmem:v56+s2+$0x0], $0xffff  }
0x147: {  	v63 =	vld.idx.msk [tilespmem:v1+s2+$0x0], $0xffff;
	v2 =	vadd.f32 v3, v2;
	v3 =	vmul.f32 v58, v57  }
0x148: {  	v1 =	vld.idx.msk [tilespmem:v1+s7+$0x0], $0xffff  }
0x149: {  	v2 =	vadd.f32 v3, v2;
	v3 =	vmul.f32 v60, v59;
	_ =	sdelay $0x1  }
0x14a: {  	v2 =	vadd.f32 v3, v2;
	v3 =	vmul.f32 v62, v61;
	_ =	sdelay $0x1  }
0x14b: {  	v1 =	vmul.f32 v1, v63;
	v2 =	vadd.f32 v3, v2;
	_ =	sdelay $0x1  }
0x14c: {  	v1 =	vadd.f32 v1, v2;
	_ =	sdelay $0x1  }
0x14d: {  	v1 =	vsub.f32 $0.0e+00, v1;
	_ =	sdelay $0x1  }
0x14e: {  	v1 =	vmul.f32 $1.442695020e+00, v1;
	_ =	sdelay $0x1  }
0x14f: {  	(erf) = vpow2.f32 v1;
	_ =	sdelay $0x8  }
0x150: {  	v1 =	vpop (erf)  }
0x151: {  	v1 =	vadd.f32 $1.000000000e+00, v1;
	_ =	sdelay $0x1  }
0x152: {  	(erf) = vrcp.f32 v1;
	_ =	sdelay $0x7  }
0x153: {  	s11 =	sadd.s32 $0x1, s11  }
0x154: {  	p0 =	sne.s32 s11, s6;
	s12 =	sadd.s32 $0x10, s12;
	v1 =	vpop (erf)  }
.Ltmp1:
0x155: {  	[tilespmem:s12+$0x0] =	vst v1;
	(pc) =	sbr.rel @p0 .LBB2_1-.Ltmp1, $4  }
0x156: {  	[hbm4b:s5+s2] =	stream.linear.scatter [tilespmem:s9], [sflag:$0x2], $0x200, $0x38;
	[tilespmem:$0x8200] =	vst v63  }
0x157: {  	_ =	swait.ge [sflag:s10], $0x200  }
0x158: {  	[sflag:s10] =	ssyncset.done $0x0  }
0x159: {  	[sflag:s10] =	ssyncadd.s32 $0xFFFFFE00  }
0x15a: {  	_ =	sfence.sel $0x180000  }
0x15b: {  	[bflag:$0x0] =	sbarrier.arrive $0xFFFF  }
0x15c: {  	p0 =	sne.s32 s1, $0x0;
	_ =	strace $0x9000004A  }
0x15d: {  	s0 =	sadd.s32 @!p0 $0x100000, s0;
	[bflag:$0x2] =	sbarrier.arrive $0xFFFF  }
0x15e: {  	[sflag:s0] =	ssyncadd.tile.s32 @!p0 $0x1;
	_ =	shalt  }
.Lfunc_end2:
_tile_overlayer_lowered:
.L_overlay_start_2:
0x15f: {  	(tag) =	ssettag $0x2  }
0x160: {  	s0 =	rddreg [dreg:$0x0];
	s2 =	stileid.u32  }
0x161: {  	s1 =	rddreg [dreg:$0x1];
	p0 =	sne.s32 s2, $0x0  }
0x162: {  	s3 =	rddreg [dreg:$0x2];
	[bflag:$0x3] =	sbarrier.arrive $0xFFFF;
	s2 =	simm.s32 @!p0 $0x1C02  }
0x163: {  	[timem:s3], [sflag:s2] =	dma.local @!p0 [hbm:s0], s1  }
0x164: {  	s0 =	simm.s32 @!p0 $0x2  }
0x165: {  	_ =	swait.ge @!p0 [sflag:s0], s1  }
0x166: {  	s1 =	ssub.s32 @!p0 $0x0, s1;
	[sflag:s0] =	ssyncset.done @!p0 $0x0  }
0x167: {  	[sflag:s0] =	ssyncadd.s32 @!p0 s1  }
0x168: {  	[bflag:$0x3] =	sbarrier.arrive $0xFFFF  }
0x169: {  	_ =	shalt  }

</sc_bundles>
